<compile_context>
chip_gen: v7x
topology: tpu7x:2x2x1
jax: 0.10.2.dev20260603
libtpu: 0.0.44.dev20260713+nightly
codegen_flags: <defaults>
</compile_context>

<pallas_src>
import functools

import jax
import jax.numpy as jnp
from jax import lax
from jax.experimental import pallas as pl
from jax.experimental.pallas import tpu as pltpu
from jax.experimental.pallas import tpu_sc as plsc

F = 128
NREL = 32
NBASE = 4
G = 32
NC, NS = 2, 16
NW = NC * NS
GC = 128
EBLK = 1024
NBLK = 400


def _sc_gather(table, idx3d):
    nw, cpw, c = idx3d.shape
    slots = 4
    niter = cpw // slots
    mesh = plsc.VectorSubcoreMesh(core_axis_name="c", subcore_axis_name="s")

    @functools.partial(
        pl.kernel,
        mesh=mesh,
        out_type=jax.ShapeDtypeStruct((nw * cpw, c, F), jnp.float32),
        scratch_types=[
            pltpu.VMEM((cpw, c), jnp.int32),
            pltpu.VMEM((slots, c, F), jnp.float32),
        ] + [pltpu.SemaphoreType.DMA] * (2 * slots),
    )
    def gather_k(table_hbm, idx_hbm, out_hbm, idx_all, rows_v, *sems):
        gsems, wsems = sems[:slots], sems[slots:]
        wid = lax.axis_index("s") * NC + lax.axis_index("c")
        ch0 = wid * cpw
        pltpu.sync_copy(idx_hbm.at[wid], idx_all)

        def it(k, carry):
            base = k * slots
            cps = [pltpu.async_copy(
                table_hbm.at[idx_all.at[base + s]], rows_v.at[s],
                gsems[s]) for s in range(slots)]
            for s in range(slots):
                cps[s].wait()
                pltpu.async_copy(rows_v.at[s], out_hbm.at[ch0 + base + s],
                                 wsems[s])
                pltpu.make_async_copy(rows_v.at[s], out_hbm.at[ch0],
                                      wsems[s]).wait()
            return carry

        lax.fori_loop(0, niter, it, 0)

    return gather_k(table, idx3d)


def _sc_scatter(msg3d, idx3d, zeros_nf):
    nw, cpw, c = idx3d.shape
    npad = zeros_nf.shape[0]
    rows_per_tile = npad // NS
    npair = cpw // 2
    mesh = plsc.VectorSubcoreMesh(core_axis_name="c", subcore_axis_name="s")

    @functools.partial(
        pl.kernel,
        mesh=mesh,
        out_type=jax.ShapeDtypeStruct((NC, npad, F), jnp.float32),
        scratch_types=[
            pltpu.VMEM((cpw, c), jnp.int32),
            pltpu.VMEM((2, c, F), jnp.float32),
            pltpu.VMEM_SHARED((npad, F), jnp.float32),
        ] + [pltpu.SemaphoreType.DMA] * 4,
    )
    def scatter_k(msg_hbm, dst_hbm, zero_hbm, out_hbm, idx_all, rows_v,
                  acc_sh, l0, l1, s0, s1):
        lsems = (l0, l1)
        ssems = (s0, s1)
        cid = lax.axis_index("c")
        sid = lax.axis_index("s")
        wid = sid * NC + cid
        ch0 = wid * cpw
        tr0 = sid * rows_per_tile

        pltpu.sync_copy(zero_hbm.at[pl.ds(tr0, rows_per_tile)],
                        acc_sh.at[pl.ds(tr0, rows_per_tile)])
        pltpu.sync_copy(dst_hbm.at[wid], idx_all)
        plsc.subcore_barrier()

        def wait_load(s):
            pltpu.make_async_copy(msg_hbm.at[ch0], rows_v.at[s],
                                  lsems[s]).wait()

        def wait_add(s):
            pltpu.make_async_copy(rows_v.at[s], acc_sh.at[idx_all.at[0]],
                                  ssems[s]).wait()

        def fire_load(k, s):
            pltpu.async_copy(msg_hbm.at[ch0 + k], rows_v.at[s], lsems[s])

        def fire_add(k, s):
            pltpu.async_copy(rows_v.at[s], acc_sh.at[idx_all.at[k]],
                             ssems[s], add=True)

        fire_load(0, 0)
        fire_load(1, 1)

        def pair(h, carry):
            ke = 2 * h
            wait_load(0)
            fire_add(ke, 0)

            @pl.when(h > 0)
            def _():
                wait_add(1)

            @pl.when(h > 0)
            def _():
                fire_load(ke + 1, 1)
            wait_load(1)
            fire_add(ke + 1, 1)
            wait_add(0)

            @pl.when(h < npair - 1)
            def _():
                fire_load(ke + 2, 0)
            return carry

        lax.fori_loop(0, npair, pair, 0)
        wait_add(1)

        plsc.subcore_barrier()
        pltpu.sync_copy(acc_sh.at[pl.ds(tr0, rows_per_tile)],
                        out_hbm.at[cid, pl.ds(tr0, rows_per_tile)])

    return scatter_k(msg3d, idx3d, zeros_nf)


def _tc_msg(hs3, oh2, bases_flat_bf16, wexp2):
    nch, gc, _ = hs3.shape
    cb = EBLK // gc

    def body(oh_ref, hs_ref, bf_ref, w2_ref, out_ref):
        coef = jnp.dot(oh_ref[...], w2_ref[...],
                       preferred_element_type=jnp.float32)
        y = jnp.dot(hs_ref[...].reshape(EBLK, F).astype(jnp.bfloat16),
                    bf_ref[...], preferred_element_type=jnp.float32)
        prod = coef * y
        acc = prod[:, 0:F]
        for b in range(1, NBASE):
            acc = acc + prod[:, b * F:(b + 1) * F]
        out_ref[...] = acc.reshape(cb, gc, F)

    return pl.pallas_call(
        body,
        grid=(nch // cb,),
        in_specs=[
            pl.BlockSpec((EBLK, 2 * NREL), lambda i: (i, 0)),
            pl.BlockSpec((cb, gc, F), lambda i: (i, 0, 0)),
            pl.BlockSpec((F, NBASE * F), lambda i: (0, 0)),
            pl.BlockSpec((2 * NREL, NBASE * F), lambda i: (0, 0)),
        ],
        out_specs=pl.BlockSpec((cb, gc, F), lambda i: (i, 0, 0)),
        out_shape=jax.ShapeDtypeStruct((nch, gc, F), jnp.float32),
    )(oh2, hs3, bases_flat_bf16, wexp2)


def _tc_combine(pa, pb, h_prev, w, bias_row):
    n = h_prev.shape[0]

    def body(p_ref, q_ref, h_ref, w_ref, b_ref, out_ref):
        acc = (p_ref[0] + p_ref[1] + q_ref[0] + q_ref[1]
               + jnp.dot(h_ref[...], w_ref[...],
                         preferred_element_type=jnp.float32)
               + b_ref[...])
        out_ref[...] = jnp.maximum(acc, 0.0)

    return pl.pallas_call(
        body,
        grid=(n // NBLK,),
        in_specs=[
            pl.BlockSpec((NC, NBLK, F), lambda i: (0, i, 0)),
            pl.BlockSpec((NC, NBLK, F), lambda i: (0, i, 0)),
            pl.BlockSpec((NBLK, F), lambda i: (i, 0)),
            pl.BlockSpec((F, F), lambda i: (0, 0)),
            pl.BlockSpec((1, F), lambda i: (0, 0)),
        ],
        out_specs=pl.BlockSpec((NBLK, F), lambda i: (i, 0)),
        out_shape=jax.ShapeDtypeStruct((n, F), jnp.float32),
    )(pa, pb, h_prev, w, bias_row)


def _tc_finalize(pa, pb, h_prev, w, bias_row, gid_col, wa, v):
    n = h_prev.shape[0]
    nsteps = n // NBLK
    att = wa.shape[1]
    nh = v.shape[1]

    def body(p_ref, q_ref, h_ref, w_ref, b_ref, gid_ref, wa_ref, v_ref,
             out_ref, num_acc, den_acc):
        i = pl.program_id(0)

        @pl.when(i == 0)
        def _():
            num_acc[...] = jnp.zeros_like(num_acc)
            den_acc[...] = jnp.zeros_like(den_acc)

        h2 = jnp.maximum(
            p_ref[0] + p_ref[1] + q_ref[0] + q_ref[1]
            + jnp.dot(h_ref[...], w_ref[...],
                      preferred_element_type=jnp.float32)
            + b_ref[...], 0.0)
        s = jnp.dot(
            jnp.tanh(jnp.dot(h2, wa_ref[...],
                             preferred_element_type=jnp.float32)),
            v_ref[...], preferred_element_type=jnp.float32)
        e = jnp.exp(s)
        oh = (gid_ref[...] == lax.broadcasted_iota(jnp.int32, (NBLK, G), 1)
              ).astype(jnp.float32)
        den_acc[...] += lax.dot_general(
            oh, e, (((0,), (0,)), ((), ())),
            preferred_element_type=jnp.float32)
        for hh in range(nh):
            num_acc[:, hh * F:(hh + 1) * F] += lax.dot_general(
                oh * e[:, hh:hh + 1], h2, (((0,), (0,)), ((), ())),
                preferred_element_type=jnp.float32)

        @pl.when(i == nsteps - 1)
        def _():
            inv = 1.0 / (den_acc[...] + 1e-9)
            scale = jnp.concatenate(
                [jnp.broadcast_to(inv[:, hh:hh + 1], (G, F))
                 for hh in range(nh)], axis=1)
            out_ref[...] = num_acc[...] * scale

    return pl.pallas_call(
        body,
        grid=(nsteps,),
        in_specs=[
            pl.BlockSpec((NC, NBLK, F), lambda i: (0, i, 0)),
            pl.BlockSpec((NC, NBLK, F), lambda i: (0, i, 0)),
            pl.BlockSpec((NBLK, F), lambda i: (i, 0)),
            pl.BlockSpec((F, F), lambda i: (0, 0)),
            pl.BlockSpec((1, F), lambda i: (0, 0)),
            pl.BlockSpec((NBLK, 1), lambda i: (i, 0)),
            pl.BlockSpec((F, att), lambda i: (0, 0)),
            pl.BlockSpec((att, nh), lambda i: (0, 0)),
        ],
        out_specs=pl.BlockSpec((G, nh * F), lambda i: (0, 0)),
        out_shape=jax.ShapeDtypeStruct((G, nh * F), jnp.float32),
        scratch_shapes=[
            pltpu.VMEM((G, nh * F), jnp.float32),
            pltpu.VMEM((G, nh), jnp.float32),
        ],
    )(pa, pb, h_prev, w, bias_row, gid_col, wa, v)


def kernel(x, edge_index, edge_type, graph_ids, bases0, wcomp0, Wself0,
           bias0, bases1, wcomp1, Wself1, bias1, Wa, v):
    n = x.shape[0]
    e = edge_type.shape[0]
    cpw = -(-e // (NW * GC))
    cpw = ((cpw + 3) // 4) * 4
    e2 = NW * cpw * GC
    npad = ((n + 8 * NS) // (8 * NS)) * (8 * NS)
    pad_e = e2 - e
    src_pad = jnp.concatenate(
        [edge_index[0], jnp.arange(pad_e, dtype=jnp.int32) % n])
    dst_pad = jnp.concatenate(
        [edge_index[1],
         n + (jnp.arange(pad_e, dtype=jnp.int32) % (npad - n))])
    et_pad = jnp.concatenate([edge_type, jnp.zeros((pad_e,), jnp.int32)])
    src3d = src_pad.reshape(NW, cpw, GC)
    dst3d = dst_pad.reshape(NW, cpw, GC)
    et3d = et_pad.reshape(NW, cpw, GC)
    hw = cpw // 2

    def _oh2(et):
        return (et.reshape(-1)[:, None]
                == (jnp.arange(2 * NREL)[None, :] % NREL)
                ).astype(jnp.bfloat16)

    halves = []
    for lo, hi in ((0, hw), (hw, cpw)):
        halves.append((src3d[:, lo:hi], dst3d[:, lo:hi],
                       _oh2(et3d[:, lo:hi])))
    gid_col = graph_ids.reshape(n, 1)
    bf0 = jnp.transpose(bases0, (1, 0, 2)).reshape(F, NBASE * F)
    bf1 = jnp.transpose(bases1, (1, 0, 2)).reshape(F, NBASE * F)
    def _wexp2(wc):
        wexp = jnp.repeat(wc, F, axis=1)
        hi = wexp.astype(jnp.bfloat16)
        lo = (wexp - hi.astype(jnp.float32)).astype(jnp.bfloat16)
        return jnp.concatenate([hi, lo], axis=0)

    w20 = _wexp2(wcomp0)
    w21 = _wexp2(wcomp1)
    zeros_nf = jnp.zeros((npad, F), jnp.float32)
    b0_row = bias0.reshape(1, F)
    b1_row = bias1.reshape(1, F)

    def layer(table, bf, w2):
        parts = []
        for src_h, dst_h, oh_h in halves:
            hs = _sc_gather(table, src_h)
            msg = _tc_msg(hs, oh_h, bf, w2)
            parts.append(_sc_scatter(msg, dst_h, zeros_nf))
        return parts

    pa1, pb1 = layer(x, bf0.astype(jnp.bfloat16), w20)
    h1 = _tc_combine(pa1, pb1, x, Wself0, b0_row)
    pa2, pb2 = layer(h1, bf1.astype(jnp.bfloat16), w21)
    return _tc_finalize(pa2, pb2, h1, Wself1, b1_row, gid_col, Wa, v)

# --- scband reference (transcript-rebuilt; emitter-appended) ---
"""Pipeline reference for scband-rgcn-graphpool-44985487458908 (READ-ONLY COPY).

The authoritative reference and input builder live on the scoring server;
editing this copy changes nothing except your own understanding.
"""

import jax, jax.numpy as jnp
import numpy as np

N = 10000
E = 320000
R = 32
B = 4
IN = 128
EMB = 128
ATT = 64
H = 4
G = 32


def setup_inputs(seed: int = 0) -> dict:
    key = jax.random.key(seed)
    ks = jax.random.split(key, 16)
    x = jax.random.normal(ks[0], (N, IN), dtype=jnp.float32)
    edge_index = jax.random.randint(ks[1], (2, E), 0, N, dtype=jnp.int32)
    edge_type = jax.random.randint(ks[2], (E,), 0, R, dtype=jnp.int32)
    graph_ids = jnp.sort(jax.random.randint(ks[3], (N,), 0, G, dtype=jnp.int32))
    bases0 = jax.random.normal(ks[4], (B, IN, EMB), dtype=jnp.float32) * 0.05
    wcomp0 = jax.random.normal(ks[5], (R, B), dtype=jnp.float32) * 0.3
    Wself0 = jax.random.normal(ks[6], (IN, EMB), dtype=jnp.float32) * 0.05
    bias0 = jnp.zeros((EMB,), dtype=jnp.float32)
    bases1 = jax.random.normal(ks[7], (B, EMB, EMB), dtype=jnp.float32) * 0.05
    wcomp1 = jax.random.normal(ks[8], (R, B), dtype=jnp.float32) * 0.3
    Wself1 = jax.random.normal(ks[9], (EMB, EMB), dtype=jnp.float32) * 0.05
    bias1 = jnp.zeros((EMB,), dtype=jnp.float32)
    Wa = jax.random.normal(ks[10], (EMB, ATT), dtype=jnp.float32) * 0.1
    v = jax.random.normal(ks[11], (ATT, H), dtype=jnp.float32) * 0.1
    return {
        'x': x, 'edge_index': edge_index, 'edge_type': edge_type, 'graph_ids': graph_ids,
        'bases0': bases0, 'wcomp0': wcomp0, 'Wself0': Wself0, 'bias0': bias0,
        'bases1': bases1, 'wcomp1': wcomp1, 'Wself1': Wself1, 'bias1': bias1,
        'Wa': Wa, 'v': v,
    }


def reference(x, edge_index, edge_type, graph_ids, bases0, wcomp0, Wself0, bias0,
              bases1, wcomp1, Wself1, bias1, Wa, v):
    src = edge_index[0]
    dst = edge_index[1]

    def rgcn_layer(h, bases, wcomp, Wself, bias):
        # basis-decomposition relational message passing (SumAggregator)
        coef = wcomp[edge_type]                      # gather [E, B]
        h_src = h[src]                               # gather [E, in]
        msg = jnp.zeros((src.shape[0], bases.shape[2]), dtype=h.dtype)
        for b in range(bases.shape[0]):
            msg = msg + coef[:, b:b + 1] * (h_src @ bases[b])
        agg = jax.ops.segment_sum(msg, dst, num_segments=h.shape[0])  # scatter-add
        return jax.nn.relu(agg + h @ Wself + bias)

    h = rgcn_layer(x, bases0, wcomp0, Wself0, bias0)
    h = rgcn_layer(h, bases1, wcomp1, Wself1, bias1)

    # Simple_Graphpooling: multi-head attention pooling per component graph
    s = jnp.tanh(h @ Wa) @ v                         # [N, H]
    smax = jax.ops.segment_max(s, graph_ids, num_segments=G)
    smax = jnp.where(jnp.isfinite(smax), smax, 0.0)
    e = jnp.exp(s - smax[graph_ids])
    denom = jax.ops.segment_sum(e, graph_ids, num_segments=G)
    alpha = e / (denom[graph_ids] + 1e-9)            # per-graph softmax over nodes
    pooled = jax.ops.segment_sum(alpha[:, :, None] * h[:, None, :], graph_ids, num_segments=G)
    return pooled.reshape(G, H * EMB)

if __name__ == "__main__":
    import jax
    _d = setup_inputs()
    print(jax.jit(kernel)(*tuple(_d.values())))

</pallas_src>

<mosaic_0001>
#map = affine_map<(d0, d1) -> (0, 0)>
#map1 = affine_map<(d0, d1) -> (0, 0, 0)>
module attributes {stable_mosaic.version = 14 : i64} {
  func.func @gather_k(%arg0: i32, %arg1: i32, %arg2: memref<10000x128xf32, #tpu.memory_space<hbm>>, %arg3: memref<32x40x128xi32, #tpu.memory_space<hbm>>, %arg4: memref<1280x128x128xf32, #tpu.memory_space<hbm>>, %arg5: memref<40x128xi32, #tpu.memory_space<vmem>>, %arg6: memref<4x128x128xf32, #tpu.memory_space<vmem>>, %arg7: memref<!tpu.dma_semaphore, #tpu.memory_space<semaphore_mem>>, %arg8: memref<!tpu.dma_semaphore, #tpu.memory_space<semaphore_mem>>, %arg9: memref<!tpu.dma_semaphore, #tpu.memory_space<semaphore_mem>>, %arg10: memref<!tpu.dma_semaphore, #tpu.memory_space<semaphore_mem>>, %arg11: memref<!tpu.dma_semaphore, #tpu.memory_space<semaphore_mem>>, %arg12: memref<!tpu.dma_semaphore, #tpu.memory_space<semaphore_mem>>, %arg13: memref<!tpu.dma_semaphore, #tpu.memory_space<semaphore_mem>>, %arg14: memref<!tpu.dma_semaphore, #tpu.memory_space<semaphore_mem>>) attributes {dimension_semantics = [#tpu.dimension_semantics<core_parallel>, #tpu.dimension_semantics<subcore_parallel>], iteration_bounds = array<i64: 2, 16>, scalar_prefetch = 0 : i64, scratch_operands = 10 : i64, tpu.core_type = #tpu.core_type<sc_vector_subcore>, window_params = [{transform_indices = #map}, {transform_indices = #map1}, {transform_indices = #map1}]} {
    %mul3A = arith.constant 2 : i32
    %mul3A_0 = arith.muli %arg1, %mul3A : i32
    %add3A = arith.addi %mul3A_0, %arg0 : i32
    %mul3A_1 = arith.constant 40 : i32
    %mul3A_2 = arith.muli %add3A, %mul3A_1 : i32
    "tpu.region"() ({
      %run_scoped3A = tpu.sem_alloc : memref<!tpu.dma_semaphore, #tpu.memory_space<semaphore_mem>>
      %dma_start3A = arith.constant 0 : i32
      %dma_start3A_8 = arith.constant 0 : i32
      %dma_start3A_9 = tpu.memref_slice %arg3[%add3A, %dma_start3A, %dma_start3A_8] : memref<32x40x128xi32, #tpu.memory_space<hbm>> -> memref<1x40x128xi32, #tpu.memory_space<hbm>>
      %dma_start3A_10 = tpu.memref_squeeze %dma_start3A_9 : memref<1x40x128xi32, #tpu.memory_space<hbm>> -> memref<40x128xi32, #tpu.memory_space<hbm>>
      %dma_start3A_11 = arith.constant 0 : i32
      %dma_start3A_12 = arith.constant 0 : i32
      %dma_start3A_13 = tpu.memref_slice %arg3[%add3A, %dma_start3A_11, %dma_start3A_12] : memref<32x40x128xi32, #tpu.memory_space<hbm>> -> memref<1x40x128xi32, #tpu.memory_space<hbm>>
      %dma_start3A_14 = tpu.memref_squeeze %dma_start3A_13 : memref<1x40x128xi32, #tpu.memory_space<hbm>> -> memref<40x128xi32, #tpu.memory_space<hbm>>
      tpu.enqueue_dma source(%dma_start3A_14 : memref<40x128xi32, #tpu.memory_space<hbm>>) target(%arg5 : memref<40x128xi32, #tpu.memory_space<vmem>>) target_semaphore(%run_scoped3A : memref<!tpu.dma_semaphore, #tpu.memory_space<semaphore_mem>>)
      %dma_wait3A = arith.constant 0 : i32
      %dma_wait3A_15 = arith.constant 0 : i32
      %dma_wait3A_16 = tpu.memref_slice %arg3[%add3A, %dma_wait3A, %dma_wait3A_15] : memref<32x40x128xi32, #tpu.memory_space<hbm>> -> memref<1x40x128xi32, #tpu.memory_space<hbm>>
      %dma_wait3A_17 = tpu.memref_squeeze %dma_wait3A_16 : memref<1x40x128xi32, #tpu.memory_space<hbm>> -> memref<40x128xi32, #tpu.memory_space<hbm>>
      %dma_wait3A_18 = arith.constant 0 : i32
      %dma_wait3A_19 = arith.constant 0 : i32
      %dma_wait3A_20 = tpu.memref_slice %arg3[%add3A, %dma_wait3A_18, %dma_wait3A_19] : memref<32x40x128xi32, #tpu.memory_space<hbm>> -> memref<1x40x128xi32, #tpu.memory_space<hbm>>
      %dma_wait3A_21 = tpu.memref_squeeze %dma_wait3A_20 : memref<1x40x128xi32, #tpu.memory_space<hbm>> -> memref<40x128xi32, #tpu.memory_space<hbm>>
      tpu.wait_dma2 semaphore(%run_scoped3A : memref<!tpu.dma_semaphore, #tpu.memory_space<semaphore_mem>>) src(%dma_wait3A_21 : memref<40x128xi32, #tpu.memory_space<hbm>>) dst(%arg5 : memref<40x128xi32, #tpu.memory_space<vmem>>)
      tpu.yield
    }) : () -> ()
    %scan3A = arith.constant 0 : i32
    %scan3A_3 = arith.constant 0 : i32
    %scan3A_4 = arith.constant 10 : i32
    %scan3A_5 = arith.addi %scan3A_3, %scan3A_4 : i32
    %scan3A_6 = arith.constant 1 : i32
    scf.for %scan3A_8 = %scan3A_3 to %scan3A_5 step %scan3A_6  : i32 {
      %mul3A_9 = arith.constant 4 : i32
      %mul3A_10 = arith.muli %scan3A_8, %mul3A_9 : i32
      %add3A_11 = arith.constant 0 : i32
      %add3A_12 = arith.addi %mul3A_10, %add3A_11 : i32
      %dma_start3A = arith.constant 0 : i32
      %dma_start3A_13 = arith.constant 0 : i32
      %dma_start3A_14 = arith.constant 0 : i32
      %dma_start3A_15 = tpu.memref_slice %arg6[%dma_start3A, %dma_start3A_13, %dma_start3A_14] : memref<4x128x128xf32, #tpu.memory_space<vmem>> -> memref<1x128x128xf32, #tpu.memory_space<vmem>>
      %dma_start3A_16 = tpu.memref_squeeze %dma_start3A_15 : memref<1x128x128xf32, #tpu.memory_space<vmem>> -> memref<128x128xf32, #tpu.memory_space<vmem>>
      %dma_start3A_17 = arith.constant 0 : i32
      %dma_start3A_18 = tpu.memref_slice %arg5[%add3A_12, %dma_start3A_17] : memref<40x128xi32, #tpu.memory_space<vmem>> -> memref<1x128xi32, #tpu.memory_space<vmem>>
      %dma_start3A_19 = tpu.memref_squeeze %dma_start3A_18 : memref<1x128xi32, #tpu.memory_space<vmem>> -> memref<128xi32, #tpu.memory_space<vmem>>
      %dma_start3A_20 = arith.constant 0 : i32
      %dma_start3A_21 = arith.constant 0 : i32
      %dma_start3A_22 = tpu.memref_slice %arg2[%dma_start3A_20, %dma_start3A_21] : memref<10000x128xf32, #tpu.memory_space<hbm>> -> memref<10000x128xf32, #tpu.memory_space<hbm>>
      tpu.enqueue_indirect_dma source(%dma_start3A_22 : memref<10000x128xf32, #tpu.memory_space<hbm>>) target(%dma_start3A_16 : memref<128x128xf32, #tpu.memory_space<vmem>>) offsets(%dma_start3A_19 : memref<128xi32, #tpu.memory_space<vmem>>) semaphore(%arg7 : memref<!tpu.dma_semaphore, #tpu.memory_space<semaphore_mem>>)
      %add3A_23 = arith.constant 1 : i32
      %add3A_24 = arith.addi %mul3A_10, %add3A_23 : i32
      %dma_start3A_25 = arith.constant 1 : i32
      %dma_start3A_26 = arith.constant 0 : i32
      %dma_start3A_27 = arith.constant 0 : i32
      %dma_start3A_28 = tpu.memref_slice %arg6[%dma_start3A_25, %dma_start3A_26, %dma_start3A_27] : memref<4x128x128xf32, #tpu.memory_space<vmem>> -> memref<1x128x128xf32, #tpu.memory_space<vmem>>
      %dma_start3A_29 = tpu.memref_squeeze %dma_start3A_28 : memref<1x128x128xf32, #tpu.memory_space<vmem>> -> memref<128x128xf32, #tpu.memory_space<vmem>>
      %dma_start3A_30 = arith.constant 0 : i32
      %dma_start3A_31 = tpu.memref_slice %arg5[%add3A_24, %dma_start3A_30] : memref<40x128xi32, #tpu.memory_space<vmem>> -> memref<1x128xi32, #tpu.memory_space<vmem>>
      %dma_start3A_32 = tpu.memref_squeeze %dma_start3A_31 : memref<1x128xi32, #tpu.memory_space<vmem>> -> memref<128xi32, #tpu.memory_space<vmem>>
      %dma_start3A_33 = arith.constant 0 : i32
      %dma_start3A_34 = arith.constant 0 : i32
      %dma_start3A_35 = tpu.memref_slice %arg2[%dma_start3A_33, %dma_start3A_34] : memref<10000x128xf32, #tpu.memory_space<hbm>> -> memref<10000x128xf32, #tpu.memory_space<hbm>>
      tpu.enqueue_indirect_dma source(%dma_start3A_35 : memref<10000x128xf32, #tpu.memory_space<hbm>>) target(%dma_start3A_29 : memref<128x128xf32, #tpu.memory_space<vmem>>) offsets(%dma_start3A_32 : memref<128xi32, #tpu.memory_space<vmem>>) semaphore(%arg8 : memref<!tpu.dma_semaphore, #tpu.memory_space<semaphore_mem>>)
      %add3A_36 = arith.constant 2 : i32
      %add3A_37 = arith.addi %mul3A_10, %add3A_36 : i32
      %dma_start3A_38 = arith.constant 2 : i32
      %dma_start3A_39 = arith.constant 0 : i32
      %dma_start3A_40 = arith.constant 0 : i32
      %dma_start3A_41 = tpu.memref_slice %arg6[%dma_start3A_38, %dma_start3A_39, %dma_start3A_40] : memref<4x128x128xf32, #tpu.memory_space<vmem>> -> memref<1x128x128xf32, #tpu.memory_space<vmem>>
      %dma_start3A_42 = tpu.memref_squeeze %dma_start3A_41 : memref<1x128x128xf32, #tpu.memory_space<vmem>> -> memref<128x128xf32, #tpu.memory_space<vmem>>
      %dma_start3A_43 = arith.constant 0 : i32
      %dma_start3A_44 = tpu.memref_slice %arg5[%add3A_37, %dma_start3A_43] : memref<40x128xi32, #tpu.memory_space<vmem>> -> memref<1x128xi32, #tpu.memory_space<vmem>>
      %dma_start3A_45 = tpu.memref_squeeze %dma_start3A_44 : memref<1x128xi32, #tpu.memory_space<vmem>> -> memref<128xi32, #tpu.memory_space<vmem>>
      %dma_start3A_46 = arith.constant 0 : i32
      %dma_start3A_47 = arith.constant 0 : i32
      %dma_start3A_48 = tpu.memref_slice %arg2[%dma_start3A_46, %dma_start3A_47] : memref<10000x128xf32, #tpu.memory_space<hbm>> -> memref<10000x128xf32, #tpu.memory_space<hbm>>
      tpu.enqueue_indirect_dma source(%dma_start3A_48 : memref<10000x128xf32, #tpu.memory_space<hbm>>) target(%dma_start3A_42 : memref<128x128xf32, #tpu.memory_space<vmem>>) offsets(%dma_start3A_45 : memref<128xi32, #tpu.memory_space<vmem>>) semaphore(%arg9 : memref<!tpu.dma_semaphore, #tpu.memory_space<semaphore_mem>>)
      %add3A_49 = arith.constant 3 : i32
      %add3A_50 = arith.addi %mul3A_10, %add3A_49 : i32
      %dma_start3A_51 = arith.constant 3 : i32
      %dma_start3A_52 = arith.constant 0 : i32
      %dma_start3A_53 = arith.constant 0 : i32
      %dma_start3A_54 = tpu.memref_slice %arg6[%dma_start3A_51, %dma_start3A_52, %dma_start3A_53] : memref<4x128x128xf32, #tpu.memory_space<vmem>> -> memref<1x128x128xf32, #tpu.memory_space<vmem>>
      %dma_start3A_55 = tpu.memref_squeeze %dma_start3A_54 : memref<1x128x128xf32, #tpu.memory_space<vmem>> -> memref<128x128xf32, #tpu.memory_space<vmem>>
      %dma_start3A_56 = arith.constant 0 : i32
      %dma_start3A_57 = tpu.memref_slice %arg5[%add3A_50, %dma_start3A_56] : memref<40x128xi32, #tpu.memory_space<vmem>> -> memref<1x128xi32, #tpu.memory_space<vmem>>
      %dma_start3A_58 = tpu.memref_squeeze %dma_start3A_57 : memref<1x128xi32, #tpu.memory_space<vmem>> -> memref<128xi32, #tpu.memory_space<vmem>>
      %dma_start3A_59 = arith.constant 0 : i32
      %dma_start3A_60 = arith.constant 0 : i32
      %dma_start3A_61 = tpu.memref_slice %arg2[%dma_start3A_59, %dma_start3A_60] : memref<10000x128xf32, #tpu.memory_space<hbm>> -> memref<10000x128xf32, #tpu.memory_space<hbm>>
      tpu.enqueue_indirect_dma source(%dma_start3A_61 : memref<10000x128xf32, #tpu.memory_space<hbm>>) target(%dma_start3A_55 : memref<128x128xf32, #tpu.memory_space<vmem>>) offsets(%dma_start3A_58 : memref<128xi32, #tpu.memory_space<vmem>>) semaphore(%arg10 : memref<!tpu.dma_semaphore, #tpu.memory_space<semaphore_mem>>)
      %dma_wait3A = arith.constant 0 : i32
      %dma_wait3A_62 = arith.constant 0 : i32
      %dma_wait3A_63 = arith.constant 0 : i32
      %dma_wait3A_64 = tpu.memref_slice %arg6[%dma_wait3A, %dma_wait3A_62, %dma_wait3A_63] : memref<4x128x128xf32, #tpu.memory_space<vmem>> -> memref<1x128x128xf32, #tpu.memory_space<vmem>>
      %dma_wait3A_65 = tpu.memref_squeeze %dma_wait3A_64 : memref<1x128x128xf32, #tpu.memory_space<vmem>> -> memref<128x128xf32, #tpu.memory_space<vmem>>
      %dma_wait3A_66 = arith.constant 0 : i32
      %dma_wait3A_67 = tpu.memref_slice %arg5[%add3A_12, %dma_wait3A_66] : memref<40x128xi32, #tpu.memory_space<vmem>> -> memref<1x128xi32, #tpu.memory_space<vmem>>
      %dma_wait3A_68 = tpu.memref_squeeze %dma_wait3A_67 : memref<1x128xi32, #tpu.memory_space<vmem>> -> memref<128xi32, #tpu.memory_space<vmem>>
      %dma_wait3A_69 = arith.constant 0 : i32
      %dma_wait3A_70 = arith.constant 0 : i32
      %dma_wait3A_71 = tpu.memref_slice %arg2[%dma_wait3A_69, %dma_wait3A_70] : memref<10000x128xf32, #tpu.memory_space<hbm>> -> memref<10000x128xf32, #tpu.memory_space<hbm>>
      tpu.wait_indirect_dma semaphore(%arg7 : memref<!tpu.dma_semaphore, #tpu.memory_space<semaphore_mem>>) src(%dma_wait3A_71 : memref<10000x128xf32, #tpu.memory_space<hbm>>) dst(%dma_wait3A_65 : memref<128x128xf32, #tpu.memory_space<vmem>>)
      %add3A_72 = arith.addi %mul3A_2, %mul3A_10 : i32
      %add3A_73 = arith.constant 0 : i32
      %add3A_74 = arith.addi %add3A_72, %add3A_73 : i32
      %dma_start3A_75 = arith.constant 0 : i32
      %dma_start3A_76 = arith.constant 0 : i32
      %dma_start3A_77 = arith.constant 0 : i32
      %dma_start3A_78 = tpu.memref_slice %arg6[%dma_start3A_75, %dma_start3A_76, %dma_start3A_77] : memref<4x128x128xf32, #tpu.memory_space<vmem>> -> memref<1x128x128xf32, #tpu.memory_space<vmem>>
      %dma_start3A_79 = tpu.memref_squeeze %dma_start3A_78 : memref<1x128x128xf32, #tpu.memory_space<vmem>> -> memref<128x128xf32, #tpu.memory_space<vmem>>
      %dma_start3A_80 = arith.constant 0 : i32
      %dma_start3A_81 = arith.constant 0 : i32
      %dma_start3A_82 = tpu.memref_slice %arg4[%add3A_74, %dma_start3A_80, %dma_start3A_81] : memref<1280x128x128xf32, #tpu.memory_space<hbm>> -> memref<1x128x128xf32, #tpu.memory_space<hbm>>
      %dma_start3A_83 = tpu.memref_squeeze %dma_start3A_82 : memref<1x128x128xf32, #tpu.memory_space<hbm>> -> memref<128x128xf32, #tpu.memory_space<hbm>>
      %dma_start3A_84 = arith.constant 0 : i32
      %dma_start3A_85 = arith.constant 0 : i32
      %dma_start3A_86 = tpu.memref_slice %arg4[%add3A_74, %dma_start3A_84, %dma_start3A_85] : memref<1280x128x128xf32, #tpu.memory_space<hbm>> -> memref<1x128x128xf32, #tpu.memory_space<hbm>>
      %dma_start3A_87 = tpu.memref_squeeze %dma_start3A_86 : memref<1x128x128xf32, #tpu.memory_space<hbm>> -> memref<128x128xf32, #tpu.memory_space<hbm>>
      %dma_start3A_88 = arith.constant 0 : i32
      %dma_start3A_89 = arith.constant 0 : i32
      %dma_start3A_90 = tpu.memref_slice %arg6[%dma_start3A_75, %dma_start3A_88, %dma_start3A_89] : memref<4x128x128xf32, #tpu.memory_space<vmem>> -> memref<1x128x128xf32, #tpu.memory_space<vmem>>
      %dma_start3A_91 = tpu.memref_squeeze %dma_start3A_90 : memref<1x128x128xf32, #tpu.memory_space<vmem>> -> memref<128x128xf32, #tpu.memory_space<vmem>>
      tpu.enqueue_dma source(%dma_start3A_91 : memref<128x128xf32, #tpu.memory_space<vmem>>) target(%dma_start3A_87 : memref<128x128xf32, #tpu.memory_space<hbm>>) target_semaphore(%arg11 : memref<!tpu.dma_semaphore, #tpu.memory_space<semaphore_mem>>)
      %dma_wait3A_92 = arith.constant 0 : i32
      %dma_wait3A_93 = arith.constant 0 : i32
      %dma_wait3A_94 = arith.constant 0 : i32
      %dma_wait3A_95 = tpu.memref_slice %arg6[%dma_wait3A_92, %dma_wait3A_93, %dma_wait3A_94] : memref<4x128x128xf32, #tpu.memory_space<vmem>> -> memref<1x128x128xf32, #tpu.memory_space<vmem>>
      %dma_wait3A_96 = tpu.memref_squeeze %dma_wait3A_95 : memref<1x128x128xf32, #tpu.memory_space<vmem>> -> memref<128x128xf32, #tpu.memory_space<vmem>>
      %dma_wait3A_97 = arith.constant 0 : i32
      %dma_wait3A_98 = arith.constant 0 : i32
      %dma_wait3A_99 = tpu.memref_slice %arg4[%mul3A_2, %dma_wait3A_97, %dma_wait3A_98] : memref<1280x128x128xf32, #tpu.memory_space<hbm>> -> memref<1x128x128xf32, #tpu.memory_space<hbm>>
      %dma_wait3A_100 = tpu.memref_squeeze %dma_wait3A_99 : memref<1x128x128xf32, #tpu.memory_space<hbm>> -> memref<128x128xf32, #tpu.memory_space<hbm>>
      %dma_wait3A_101 = arith.constant 0 : i32
      %dma_wait3A_102 = arith.constant 0 : i32
      %dma_wait3A_103 = tpu.memref_slice %arg4[%mul3A_2, %dma_wait3A_101, %dma_wait3A_102] : memref<1280x128x128xf32, #tpu.memory_space<hbm>> -> memref<1x128x128xf32, #tpu.memory_space<hbm>>
      %dma_wait3A_104 = tpu.memref_squeeze %dma_wait3A_103 : memref<1x128x128xf32, #tpu.memory_space<hbm>> -> memref<128x128xf32, #tpu.memory_space<hbm>>
      %dma_wait3A_105 = arith.constant 0 : i32
      %dma_wait3A_106 = arith.constant 0 : i32
      %dma_wait3A_107 = tpu.memref_slice %arg6[%dma_wait3A_92, %dma_wait3A_105, %dma_wait3A_106] : memref<4x128x128xf32, #tpu.memory_space<vmem>> -> memref<1x128x128xf32, #tpu.memory_space<vmem>>
      %dma_wait3A_108 = tpu.memref_squeeze %dma_wait3A_107 : memref<1x128x128xf32, #tpu.memory_space<vmem>> -> memref<128x128xf32, #tpu.memory_space<vmem>>
      tpu.wait_dma2 semaphore(%arg11 : memref<!tpu.dma_semaphore, #tpu.memory_space<semaphore_mem>>) src(%dma_wait3A_108 : memref<128x128xf32, #tpu.memory_space<vmem>>) dst(%dma_wait3A_104 : memref<128x128xf32, #tpu.memory_space<hbm>>)
      %dma_wait3A_109 = arith.constant 1 : i32
      %dma_wait3A_110 = arith.constant 0 : i32
      %dma_wait3A_111 = arith.constant 0 : i32
      %dma_wait3A_112 = tpu.memref_slice %arg6[%dma_wait3A_109, %dma_wait3A_110, %dma_wait3A_111] : memref<4x128x128xf32, #tpu.memory_space<vmem>> -> memref<1x128x128xf32, #tpu.memory_space<vmem>>
      %dma_wait3A_113 = tpu.memref_squeeze %dma_wait3A_112 : memref<1x128x128xf32, #tpu.memory_space<vmem>> -> memref<128x128xf32, #tpu.memory_space<vmem>>
      %dma_wait3A_114 = arith.constant 0 : i32
      %dma_wait3A_115 = tpu.memref_slice %arg5[%add3A_24, %dma_wait3A_114] : memref<40x128xi32, #tpu.memory_space<vmem>> -> memref<1x128xi32, #tpu.memory_space<vmem>>
      %dma_wait3A_116 = tpu.memref_squeeze %dma_wait3A_115 : memref<1x128xi32, #tpu.memory_space<vmem>> -> memref<128xi32, #tpu.memory_space<vmem>>
      %dma_wait3A_117 = arith.constant 0 : i32
      %dma_wait3A_118 = arith.constant 0 : i32
      %dma_wait3A_119 = tpu.memref_slice %arg2[%dma_wait3A_117, %dma_wait3A_118] : memref<10000x128xf32, #tpu.memory_space<hbm>> -> memref<10000x128xf32, #tpu.memory_space<hbm>>
      tpu.wait_indirect_dma semaphore(%arg8 : memref<!tpu.dma_semaphore, #tpu.memory_space<semaphore_mem>>) src(%dma_wait3A_119 : memref<10000x128xf32, #tpu.memory_space<hbm>>) dst(%dma_wait3A_113 : memref<128x128xf32, #tpu.memory_space<vmem>>)
      %add3A_120 = arith.addi %mul3A_2, %mul3A_10 : i32
      %add3A_121 = arith.constant 1 : i32
      %add3A_122 = arith.addi %add3A_120, %add3A_121 : i32
      %dma_start3A_123 = arith.constant 1 : i32
      %dma_start3A_124 = arith.constant 0 : i32
      %dma_start3A_125 = arith.constant 0 : i32
      %dma_start3A_126 = tpu.memref_slice %arg6[%dma_start3A_123, %dma_start3A_124, %dma_start3A_125] : memref<4x128x128xf32, #tpu.memory_space<vmem>> -> memref<1x128x128xf32, #tpu.memory_space<vmem>>
      %dma_start3A_127 = tpu.memref_squeeze %dma_start3A_126 : memref<1x128x128xf32, #tpu.memory_space<vmem>> -> memref<128x128xf32, #tpu.memory_space<vmem>>
      %dma_start3A_128 = arith.constant 0 : i32
      %dma_start3A_129 = arith.constant 0 : i32
      %dma_start3A_130 = tpu.memref_slice %arg4[%add3A_122, %dma_start3A_128, %dma_start3A_129] : memref<1280x128x128xf32, #tpu.memory_space<hbm>> -> memref<1x128x128xf32, #tpu.memory_space<hbm>>
      %dma_start3A_131 = tpu.memref_squeeze %dma_start3A_130 : memref<1x128x128xf32, #tpu.memory_space<hbm>> -> memref<128x128xf32, #tpu.memory_space<hbm>>
      %dma_start3A_132 = arith.constant 0 : i32
      %dma_start3A_133 = arith.constant 0 : i32
      %dma_start3A_134 = tpu.memref_slice %arg4[%add3A_122, %dma_start3A_132, %dma_start3A_133] : memref<1280x128x128xf32, #tpu.memory_space<hbm>> -> memref<1x128x128xf32, #tpu.memory_space<hbm>>
      %dma_start3A_135 = tpu.memref_squeeze %dma_start3A_134 : memref<1x128x128xf32, #tpu.memory_space<hbm>> -> memref<128x128xf32, #tpu.memory_space<hbm>>
      %dma_start3A_136 = arith.constant 0 : i32
      %dma_start3A_137 = arith.constant 0 : i32
      %dma_start3A_138 = tpu.memref_slice %arg6[%dma_start3A_123, %dma_start3A_136, %dma_start3A_137] : memref<4x128x128xf32, #tpu.memory_space<vmem>> -> memref<1x128x128xf32, #tpu.memory_space<vmem>>
      %dma_start3A_139 = tpu.memref_squeeze %dma_start3A_138 : memref<1x128x128xf32, #tpu.memory_space<vmem>> -> memref<128x128xf32, #tpu.memory_space<vmem>>
      tpu.enqueue_dma source(%dma_start3A_139 : memref<128x128xf32, #tpu.memory_space<vmem>>) target(%dma_start3A_135 : memref<128x128xf32, #tpu.memory_space<hbm>>) target_semaphore(%arg12 : memref<!tpu.dma_semaphore, #tpu.memory_space<semaphore_mem>>)
      %dma_wait3A_140 = arith.constant 1 : i32
      %dma_wait3A_141 = arith.constant 0 : i32
      %dma_wait3A_142 = arith.constant 0 : i32
      %dma_wait3A_143 = tpu.memref_slice %arg6[%dma_wait3A_140, %dma_wait3A_141, %dma_wait3A_142] : memref<4x128x128xf32, #tpu.memory_space<vmem>> -> memref<1x128x128xf32, #tpu.memory_space<vmem>>
      %dma_wait3A_144 = tpu.memref_squeeze %dma_wait3A_143 : memref<1x128x128xf32, #tpu.memory_space<vmem>> -> memref<128x128xf32, #tpu.memory_space<vmem>>
      %dma_wait3A_145 = arith.constant 0 : i32
      %dma_wait3A_146 = arith.constant 0 : i32
      %dma_wait3A_147 = tpu.memref_slice %arg4[%mul3A_2, %dma_wait3A_145, %dma_wait3A_146] : memref<1280x128x128xf32, #tpu.memory_space<hbm>> -> memref<1x128x128xf32, #tpu.memory_space<hbm>>
      %dma_wait3A_148 = tpu.memref_squeeze %dma_wait3A_147 : memref<1x128x128xf32, #tpu.memory_space<hbm>> -> memref<128x128xf32, #tpu.memory_space<hbm>>
      %dma_wait3A_149 = arith.constant 0 : i32
      %dma_wait3A_150 = arith.constant 0 : i32
      %dma_wait3A_151 = tpu.memref_slice %arg4[%mul3A_2, %dma_wait3A_149, %dma_wait3A_150] : memref<1280x128x128xf32, #tpu.memory_space<hbm>> -> memref<1x128x128xf32, #tpu.memory_space<hbm>>
      %dma_wait3A_152 = tpu.memref_squeeze %dma_wait3A_151 : memref<1x128x128xf32, #tpu.memory_space<hbm>> -> memref<128x128xf32, #tpu.memory_space<hbm>>
      %dma_wait3A_153 = arith.constant 0 : i32
      %dma_wait3A_154 = arith.constant 0 : i32
      %dma_wait3A_155 = tpu.memref_slice %arg6[%dma_wait3A_140, %dma_wait3A_153, %dma_wait3A_154] : memref<4x128x128xf32, #tpu.memory_space<vmem>> -> memref<1x128x128xf32, #tpu.memory_space<vmem>>
      %dma_wait3A_156 = tpu.memref_squeeze %dma_wait3A_155 : memref<1x128x128xf32, #tpu.memory_space<vmem>> -> memref<128x128xf32, #tpu.memory_space<vmem>>
      tpu.wait_dma2 semaphore(%arg12 : memref<!tpu.dma_semaphore, #tpu.memory_space<semaphore_mem>>) src(%dma_wait3A_156 : memref<128x128xf32, #tpu.memory_space<vmem>>) dst(%dma_wait3A_152 : memref<128x128xf32, #tpu.memory_space<hbm>>)
      %dma_wait3A_157 = arith.constant 2 : i32
      %dma_wait3A_158 = arith.constant 0 : i32
      %dma_wait3A_159 = arith.constant 0 : i32
      %dma_wait3A_160 = tpu.memref_slice %arg6[%dma_wait3A_157, %dma_wait3A_158, %dma_wait3A_159] : memref<4x128x128xf32, #tpu.memory_space<vmem>> -> memref<1x128x128xf32, #tpu.memory_space<vmem>>
      %dma_wait3A_161 = tpu.memref_squeeze %dma_wait3A_160 : memref<1x128x128xf32, #tpu.memory_space<vmem>> -> memref<128x128xf32, #tpu.memory_space<vmem>>
      %dma_wait3A_162 = arith.constant 0 : i32
      %dma_wait3A_163 = tpu.memref_slice %arg5[%add3A_37, %dma_wait3A_162] : memref<40x128xi32, #tpu.memory_space<vmem>> -> memref<1x128xi32, #tpu.memory_space<vmem>>
      %dma_wait3A_164 = tpu.memref_squeeze %dma_wait3A_163 : memref<1x128xi32, #tpu.memory_space<vmem>> -> memref<128xi32, #tpu.memory_space<vmem>>
      %dma_wait3A_165 = arith.constant 0 : i32
      %dma_wait3A_166 = arith.constant 0 : i32
      %dma_wait3A_167 = tpu.memref_slice %arg2[%dma_wait3A_165, %dma_wait3A_166] : memref<10000x128xf32, #tpu.memory_space<hbm>> -> memref<10000x128xf32, #tpu.memory_space<hbm>>
      tpu.wait_indirect_dma semaphore(%arg9 : memref<!tpu.dma_semaphore, #tpu.memory_space<semaphore_mem>>) src(%dma_wait3A_167 : memref<10000x128xf32, #tpu.memory_space<hbm>>) dst(%dma_wait3A_161 : memref<128x128xf32, #tpu.memory_space<vmem>>)
      %add3A_168 = arith.addi %mul3A_2, %mul3A_10 : i32
      %add3A_169 = arith.constant 2 : i32
      %add3A_170 = arith.addi %add3A_168, %add3A_169 : i32
      %dma_start3A_171 = arith.constant 2 : i32
      %dma_start3A_172 = arith.constant 0 : i32
      %dma_start3A_173 = arith.constant 0 : i32
      %dma_start3A_174 = tpu.memref_slice %arg6[%dma_start3A_171, %dma_start3A_172, %dma_start3A_173] : memref<4x128x128xf32, #tpu.memory_space<vmem>> -> memref<1x128x128xf32, #tpu.memory_space<vmem>>
      %dma_start3A_175 = tpu.memref_squeeze %dma_start3A_174 : memref<1x128x128xf32, #tpu.memory_space<vmem>> -> memref<128x128xf32, #tpu.memory_space<vmem>>
      %dma_start3A_176 = arith.constant 0 : i32
      %dma_start3A_177 = arith.constant 0 : i32
      %dma_start3A_178 = tpu.memref_slice %arg4[%add3A_170, %dma_start3A_176, %dma_start3A_177] : memref<1280x128x128xf32, #tpu.memory_space<hbm>> -> memref<1x128x128xf32, #tpu.memory_space<hbm>>
      %dma_start3A_179 = tpu.memref_squeeze %dma_start3A_178 : memref<1x128x128xf32, #tpu.memory_space<hbm>> -> memref<128x128xf32, #tpu.memory_space<hbm>>
      %dma_start3A_180 = arith.constant 0 : i32
      %dma_start3A_181 = arith.constant 0 : i32
      %dma_start3A_182 = tpu.memref_slice %arg4[%add3A_170, %dma_start3A_180, %dma_start3A_181] : memref<1280x128x128xf32, #tpu.memory_space<hbm>> -> memref<1x128x128xf32, #tpu.memory_space<hbm>>
      %dma_start3A_183 = tpu.memref_squeeze %dma_start3A_182 : memref<1x128x128xf32, #tpu.memory_space<hbm>> -> memref<128x128xf32, #tpu.memory_space<hbm>>
      %dma_start3A_184 = arith.constant 0 : i32
      %dma_start3A_185 = arith.constant 0 : i32
      %dma_start3A_186 = tpu.memref_slice %arg6[%dma_start3A_171, %dma_start3A_184, %dma_start3A_185] : memref<4x128x128xf32, #tpu.memory_space<vmem>> -> memref<1x128x128xf32, #tpu.memory_space<vmem>>
      %dma_start3A_187 = tpu.memref_squeeze %dma_start3A_186 : memref<1x128x128xf32, #tpu.memory_space<vmem>> -> memref<128x128xf32, #tpu.memory_space<vmem>>
      tpu.enqueue_dma source(%dma_start3A_187 : memref<128x128xf32, #tpu.memory_space<vmem>>) target(%dma_start3A_183 : memref<128x128xf32, #tpu.memory_space<hbm>>) target_semaphore(%arg13 : memref<!tpu.dma_semaphore, #tpu.memory_space<semaphore_mem>>)
      %dma_wait3A_188 = arith.constant 2 : i32
      %dma_wait3A_189 = arith.constant 0 : i32
      %dma_wait3A_190 = arith.constant 0 : i32
      %dma_wait3A_191 = tpu.memref_slice %arg6[%dma_wait3A_188, %dma_wait3A_189, %dma_wait3A_190] : memref<4x128x128xf32, #tpu.memory_space<vmem>> -> memref<1x128x128xf32, #tpu.memory_space<vmem>>
      %dma_wait3A_192 = tpu.memref_squeeze %dma_wait3A_191 : memref<1x128x128xf32, #tpu.memory_space<vmem>> -> memref<128x128xf32, #tpu.memory_space<vmem>>
      %dma_wait3A_193 = arith.constant 0 : i32
      %dma_wait3A_194 = arith.constant 0 : i32
      %dma_wait3A_195 = tpu.memref_slice %arg4[%mul3A_2, %dma_wait3A_193, %dma_wait3A_194] : memref<1280x128x128xf32, #tpu.memory_space<hbm>> -> memref<1x128x128xf32, #tpu.memory_space<hbm>>
      %dma_wait3A_196 = tpu.memref_squeeze %dma_wait3A_195 : memref<1x128x128xf32, #tpu.memory_space<hbm>> -> memref<128x128xf32, #tpu.memory_space<hbm>>
      %dma_wait3A_197 = arith.constant 0 : i32
      %dma_wait3A_198 = arith.constant 0 : i32
      %dma_wait3A_199 = tpu.memref_slice %arg4[%mul3A_2, %dma_wait3A_197, %dma_wait3A_198] : memref<1280x128x128xf32, #tpu.memory_space<hbm>> -> memref<1x128x128xf32, #tpu.memory_space<hbm>>
      %dma_wait3A_200 = tpu.memref_squeeze %dma_wait3A_199 : memref<1x128x128xf32, #tpu.memory_space<hbm>> -> memref<128x128xf32, #tpu.memory_space<hbm>>
      %dma_wait3A_201 = arith.constant 0 : i32
      %dma_wait3A_202 = arith.constant 0 : i32
      %dma_wait3A_203 = tpu.memref_slice %arg6[%dma_wait3A_188, %dma_wait3A_201, %dma_wait3A_202] : memref<4x128x128xf32, #tpu.memory_space<vmem>> -> memref<1x128x128xf32, #tpu.memory_space<vmem>>
      %dma_wait3A_204 = tpu.memref_squeeze %dma_wait3A_203 : memref<1x128x128xf32, #tpu.memory_space<vmem>> -> memref<128x128xf32, #tpu.memory_space<vmem>>
      tpu.wait_dma2 semaphore(%arg13 : memref<!tpu.dma_semaphore, #tpu.memory_space<semaphore_mem>>) src(%dma_wait3A_204 : memref<128x128xf32, #tpu.memory_space<vmem>>) dst(%dma_wait3A_200 : memref<128x128xf32, #tpu.memory_space<hbm>>)
      %dma_wait3A_205 = arith.constant 3 : i32
      %dma_wait3A_206 = arith.constant 0 : i32
      %dma_wait3A_207 = arith.constant 0 : i32
      %dma_wait3A_208 = tpu.memref_slice %arg6[%dma_wait3A_205, %dma_wait3A_206, %dma_wait3A_207] : memref<4x128x128xf32, #tpu.memory_space<vmem>> -> memref<1x128x128xf32, #tpu.memory_space<vmem>>
      %dma_wait3A_209 = tpu.memref_squeeze %dma_wait3A_208 : memref<1x128x128xf32, #tpu.memory_space<vmem>> -> memref<128x128xf32, #tpu.memory_space<vmem>>
      %dma_wait3A_210 = arith.constant 0 : i32
      %dma_wait3A_211 = tpu.memref_slice %arg5[%add3A_50, %dma_wait3A_210] : memref<40x128xi32, #tpu.memory_space<vmem>> -> memref<1x128xi32, #tpu.memory_space<vmem>>
      %dma_wait3A_212 = tpu.memref_squeeze %dma_wait3A_211 : memref<1x128xi32, #tpu.memory_space<vmem>> -> memref<128xi32, #tpu.memory_space<vmem>>
      %dma_wait3A_213 = arith.constant 0 : i32
      %dma_wait3A_214 = arith.constant 0 : i32
      %dma_wait3A_215 = tpu.memref_slice %arg2[%dma_wait3A_213, %dma_wait3A_214] : memref<10000x128xf32, #tpu.memory_space<hbm>> -> memref<10000x128xf32, #tpu.memory_space<hbm>>
      tpu.wait_indirect_dma semaphore(%arg10 : memref<!tpu.dma_semaphore, #tpu.memory_space<semaphore_mem>>) src(%dma_wait3A_215 : memref<10000x128xf32, #tpu.memory_space<hbm>>) dst(%dma_wait3A_209 : memref<128x128xf32, #tpu.memory_space<vmem>>)
      %add3A_216 = arith.addi %mul3A_2, %mul3A_10 : i32
      %add3A_217 = arith.constant 3 : i32
      %add3A_218 = arith.addi %add3A_216, %add3A_217 : i32
      %dma_start3A_219 = arith.constant 3 : i32
      %dma_start3A_220 = arith.constant 0 : i32
      %dma_start3A_221 = arith.constant 0 : i32
      %dma_start3A_222 = tpu.memref_slice %arg6[%dma_start3A_219, %dma_start3A_220, %dma_start3A_221] : memref<4x128x128xf32, #tpu.memory_space<vmem>> -> memref<1x128x128xf32, #tpu.memory_space<vmem>>
      %dma_start3A_223 = tpu.memref_squeeze %dma_start3A_222 : memref<1x128x128xf32, #tpu.memory_space<vmem>> -> memref<128x128xf32, #tpu.memory_space<vmem>>
      %dma_start3A_224 = arith.constant 0 : i32
      %dma_start3A_225 = arith.constant 0 : i32
      %dma_start3A_226 = tpu.memref_slice %arg4[%add3A_218, %dma_start3A_224, %dma_start3A_225] : memref<1280x128x128xf32, #tpu.memory_space<hbm>> -> memref<1x128x128xf32, #tpu.memory_space<hbm>>
      %dma_start3A_227 = tpu.memref_squeeze %dma_start3A_226 : memref<1x128x128xf32, #tpu.memory_space<hbm>> -> memref<128x128xf32, #tpu.memory_space<hbm>>
      %dma_start3A_228 = arith.constant 0 : i32
      %dma_start3A_229 = arith.constant 0 : i32
      %dma_start3A_230 = tpu.memref_slice %arg4[%add3A_218, %dma_start3A_228, %dma_start3A_229] : memref<1280x128x128xf32, #tpu.memory_space<hbm>> -> memref<1x128x128xf32, #tpu.memory_space<hbm>>
      %dma_start3A_231 = tpu.memref_squeeze %dma_start3A_230 : memref<1x128x128xf32, #tpu.memory_space<hbm>> -> memref<128x128xf32, #tpu.memory_space<hbm>>
      %dma_start3A_232 = arith.constant 0 : i32
      %dma_start3A_233 = arith.constant 0 : i32
      %dma_start3A_234 = tpu.memref_slice %arg6[%dma_start3A_219, %dma_start3A_232, %dma_start3A_233] : memref<4x128x128xf32, #tpu.memory_space<vmem>> -> memref<1x128x128xf32, #tpu.memory_space<vmem>>
      %dma_start3A_235 = tpu.memref_squeeze %dma_start3A_234 : memref<1x128x128xf32, #tpu.memory_space<vmem>> -> memref<128x128xf32, #tpu.memory_space<vmem>>
      tpu.enqueue_dma source(%dma_start3A_235 : memref<128x128xf32, #tpu.memory_space<vmem>>) target(%dma_start3A_231 : memref<128x128xf32, #tpu.memory_space<hbm>>) target_semaphore(%arg14 : memref<!tpu.dma_semaphore, #tpu.memory_space<semaphore_mem>>)
      %dma_wait3A_236 = arith.constant 3 : i32
      %dma_wait3A_237 = arith.constant 0 : i32
      %dma_wait3A_238 = arith.constant 0 : i32
      %dma_wait3A_239 = tpu.memref_slice %arg6[%dma_wait3A_236, %dma_wait3A_237, %dma_wait3A_238] : memref<4x128x128xf32, #tpu.memory_space<vmem>> -> memref<1x128x128xf32, #tpu.memory_space<vmem>>
      %dma_wait3A_240 = tpu.memref_squeeze %dma_wait3A_239 : memref<1x128x128xf32, #tpu.memory_space<vmem>> -> memref<128x128xf32, #tpu.memory_space<vmem>>
      %dma_wait3A_241 = arith.constant 0 : i32
      %dma_wait3A_242 = arith.constant 0 : i32
      %dma_wait3A_243 = tpu.memref_slice %arg4[%mul3A_2, %dma_wait3A_241, %dma_wait3A_242] : memref<1280x128x128xf32, #tpu.memory_space<hbm>> -> memref<1x128x128xf32, #tpu.memory_space<hbm>>
      %dma_wait3A_244 = tpu.memref_squeeze %dma_wait3A_243 : memref<1x128x128xf32, #tpu.memory_space<hbm>> -> memref<128x128xf32, #tpu.memory_space<hbm>>
      %dma_wait3A_245 = arith.constant 0 : i32
      %dma_wait3A_246 = arith.constant 0 : i32
      %dma_wait3A_247 = tpu.memref_slice %arg4[%mul3A_2, %dma_wait3A_245, %dma_wait3A_246] : memref<1280x128x128xf32, #tpu.memory_space<hbm>> -> memref<1x128x128xf32, #tpu.memory_space<hbm>>
      %dma_wait3A_248 = tpu.memref_squeeze %dma_wait3A_247 : memref<1x128x128xf32, #tpu.memory_space<hbm>> -> memref<128x128xf32, #tpu.memory_space<hbm>>
      %dma_wait3A_249 = arith.constant 0 : i32
      %dma_wait3A_250 = arith.constant 0 : i32
      %dma_wait3A_251 = tpu.memref_slice %arg6[%dma_wait3A_236, %dma_wait3A_249, %dma_wait3A_250] : memref<4x128x128xf32, #tpu.memory_space<vmem>> -> memref<1x128x128xf32, #tpu.memory_space<vmem>>
      %dma_wait3A_252 = tpu.memref_squeeze %dma_wait3A_251 : memref<1x128x128xf32, #tpu.memory_space<vmem>> -> memref<128x128xf32, #tpu.memory_space<vmem>>
      tpu.wait_dma2 semaphore(%arg14 : memref<!tpu.dma_semaphore, #tpu.memory_space<semaphore_mem>>) src(%dma_wait3A_252 : memref<128x128xf32, #tpu.memory_space<vmem>>) dst(%dma_wait3A_248 : memref<128x128xf32, #tpu.memory_space<hbm>>)
    }
    %scan3A_7 = arith.constant 10 : i32
    return
  }
}

#map = affine_map<(d0, d1) -> (0, 0)>
#map1 = affine_map<(d0, d1) -> (0, 0, 0)>
module attributes {stable_mosaic.version = 14 : i64} {
  func.func @gather_k(%arg0: i32, %arg1: i32, %arg2: memref<10000x128xf32, #tpu.memory_space<hbm>>, %arg3: memref<32x40x128xi32, #tpu.memory_space<hbm>>, %arg4: memref<1280x128x128xf32, #tpu.memory_space<hbm>>, %arg5: memref<40x128xi32, #tpu.memory_space<vmem>>, %arg6: memref<4x128x128xf32, #tpu.memory_space<vmem>>, %arg7: memref<!tpu.dma_semaphore, #tpu.memory_space<semaphore_mem>>, %arg8: memref<!tpu.dma_semaphore, #tpu.memory_space<semaphore_mem>>, %arg9: memref<!tpu.dma_semaphore, #tpu.memory_space<semaphore_mem>>, %arg10: memref<!tpu.dma_semaphore, #tpu.memory_space<semaphore_mem>>, %arg11: memref<!tpu.dma_semaphore, #tpu.memory_space<semaphore_mem>>, %arg12: memref<!tpu.dma_semaphore, #tpu.memory_space<semaphore_mem>>, %arg13: memref<!tpu.dma_semaphore, #tpu.memory_space<semaphore_mem>>, %arg14: memref<!tpu.dma_semaphore, #tpu.memory_space<semaphore_mem>>) attributes {dimension_semantics = [#tpu.dimension_semantics<core_parallel>, #tpu.dimension_semantics<subcore_parallel>], iteration_bounds = array<i64: 2, 16>, scalar_prefetch = 0 : i64, scratch_operands = 10 : i64, tpu.core_type = #tpu.core_type<sc_vector_subcore>, window_params = [{transform_indices = #map}, {transform_indices = #map1}, {transform_indices = #map1}]} {
    %mul3A = arith.constant 2 : i32
    %mul3A_0 = arith.muli %arg1, %mul3A : i32
    %add3A = arith.addi %mul3A_0, %arg0 : i32
    %mul3A_1 = arith.constant 40 : i32
    %mul3A_2 = arith.muli %add3A, %mul3A_1 : i32
    "tpu.region"() ({
      %run_scoped3A = tpu.sem_alloc : memref<!tpu.dma_semaphore, #tpu.memory_space<semaphore_mem>>
      %dma_start3A = arith.constant 0 : i32
      %dma_start3A_8 = arith.constant 0 : i32
      %dma_start3A_9 = tpu.memref_slice %arg3[%add3A, %dma_start3A, %dma_start3A_8] : memref<32x40x128xi32, #tpu.memory_space<hbm>> -> memref<1x40x128xi32, #tpu.memory_space<hbm>>
      %dma_start3A_10 = tpu.memref_squeeze %dma_start3A_9 : memref<1x40x128xi32, #tpu.memory_space<hbm>> -> memref<40x128xi32, #tpu.memory_space<hbm>>
      %dma_start3A_11 = arith.constant 0 : i32
      %dma_start3A_12 = arith.constant 0 : i32
      %dma_start3A_13 = tpu.memref_slice %arg3[%add3A, %dma_start3A_11, %dma_start3A_12] : memref<32x40x128xi32, #tpu.memory_space<hbm>> -> memref<1x40x128xi32, #tpu.memory_space<hbm>>
      %dma_start3A_14 = tpu.memref_squeeze %dma_start3A_13 : memref<1x40x128xi32, #tpu.memory_space<hbm>> -> memref<40x128xi32, #tpu.memory_space<hbm>>
      tpu.enqueue_dma source(%dma_start3A_14 : memref<40x128xi32, #tpu.memory_space<hbm>>) target(%arg5 : memref<40x128xi32, #tpu.memory_space<vmem>>) target_semaphore(%run_scoped3A : memref<!tpu.dma_semaphore, #tpu.memory_space<semaphore_mem>>)
      %dma_wait3A = arith.constant 0 : i32
      %dma_wait3A_15 = arith.constant 0 : i32
      %dma_wait3A_16 = tpu.memref_slice %arg3[%add3A, %dma_wait3A, %dma_wait3A_15] : memref<32x40x128xi32, #tpu.memory_space<hbm>> -> memref<1x40x128xi32, #tpu.memory_space<hbm>>
      %dma_wait3A_17 = tpu.memref_squeeze %dma_wait3A_16 : memref<1x40x128xi32, #tpu.memory_space<hbm>> -> memref<40x128xi32, #tpu.memory_space<hbm>>
      %dma_wait3A_18 = arith.constant 0 : i32
      %dma_wait3A_19 = arith.constant 0 : i32
      %dma_wait3A_20 = tpu.memref_slice %arg3[%add3A, %dma_wait3A_18, %dma_wait3A_19] : memref<32x40x128xi32, #tpu.memory_space<hbm>> -> memref<1x40x128xi32, #tpu.memory_space<hbm>>
      %dma_wait3A_21 = tpu.memref_squeeze %dma_wait3A_20 : memref<1x40x128xi32, #tpu.memory_space<hbm>> -> memref<40x128xi32, #tpu.memory_space<hbm>>
      tpu.wait_dma2 semaphore(%run_scoped3A : memref<!tpu.dma_semaphore, #tpu.memory_space<semaphore_mem>>) src(%dma_wait3A_21 : memref<40x128xi32, #tpu.memory_space<hbm>>) dst(%arg5 : memref<40x128xi32, #tpu.memory_space<vmem>>)
      tpu.yield
    }) : () -> ()
    %scan3A = arith.constant 0 : i32
    %scan3A_3 = arith.constant 0 : i32
    %scan3A_4 = arith.constant 10 : i32
    %scan3A_5 = arith.addi %scan3A_3, %scan3A_4 : i32
    %scan3A_6 = arith.constant 1 : i32
    scf.for %scan3A_8 = %scan3A_3 to %scan3A_5 step %scan3A_6  : i32 {
      %mul3A_9 = arith.constant 4 : i32
      %mul3A_10 = arith.muli %scan3A_8, %mul3A_9 : i32
      %add3A_11 = arith.constant 0 : i32
      %add3A_12 = arith.addi %mul3A_10, %add3A_11 : i32
      %dma_start3A = arith.constant 0 : i32
      %dma_start3A_13 = arith.constant 0 : i32
      %dma_start3A_14 = arith.constant 0 : i32
      %dma_start3A_15 = tpu.memref_slice %arg6[%dma_start3A, %dma_start3A_13, %dma_start3A_14] : memref<4x128x128xf32, #tpu.memory_space<vmem>> -> memref<1x128x128xf32, #tpu.memory_space<vmem>>
      %dma_start3A_16 = tpu.memref_squeeze %dma_start3A_15 : memref<1x128x128xf32, #tpu.memory_space<vmem>> -> memref<128x128xf32, #tpu.memory_space<vmem>>
      %dma_start3A_17 = arith.constant 0 : i32
      %dma_start3A_18 = tpu.memref_slice %arg5[%add3A_12, %dma_start3A_17] : memref<40x128xi32, #tpu.memory_space<vmem>> -> memref<1x128xi32, #tpu.memory_space<vmem>>
      %dma_start3A_19 = tpu.memref_squeeze %dma_start3A_18 : memref<1x128xi32, #tpu.memory_space<vmem>> -> memref<128xi32, #tpu.memory_space<vmem>>
      %dma_start3A_20 = arith.constant 0 : i32
      %dma_start3A_21 = arith.constant 0 : i32
      %dma_start3A_22 = tpu.memref_slice %arg2[%dma_start3A_20, %dma_start3A_21] : memref<10000x128xf32, #tpu.memory_space<hbm>> -> memref<10000x128xf32, #tpu.memory_space<hbm>>
      tpu.enqueue_indirect_dma source(%dma_start3A_22 : memref<10000x128xf32, #tpu.memory_space<hbm>>) target(%dma_start3A_16 : memref<128x128xf32, #tpu.memory_space<vmem>>) offsets(%dma_start3A_19 : memref<128xi32, #tpu.memory_space<vmem>>) semaphore(%arg7 : memref<!tpu.dma_semaphore, #tpu.memory_space<semaphore_mem>>)
      %add3A_23 = arith.constant 1 : i32
      %add3A_24 = arith.addi %mul3A_10, %add3A_23 : i32
      %dma_start3A_25 = arith.constant 1 : i32
      %dma_start3A_26 = arith.constant 0 : i32
      %dma_start3A_27 = arith.constant 0 : i32
      %dma_start3A_28 = tpu.memref_slice %arg6[%dma_start3A_25, %dma_start3A_26, %dma_start3A_27] : memref<4x128x128xf32, #tpu.memory_space<vmem>> -> memref<1x128x128xf32, #tpu.memory_space<vmem>>
      %dma_start3A_29 = tpu.memref_squeeze %dma_start3A_28 : memref<1x128x128xf32, #tpu.memory_space<vmem>> -> memref<128x128xf32, #tpu.memory_space<vmem>>
      %dma_start3A_30 = arith.constant 0 : i32
      %dma_start3A_31 = tpu.memref_slice %arg5[%add3A_24, %dma_start3A_30] : memref<40x128xi32, #tpu.memory_space<vmem>> -> memref<1x128xi32, #tpu.memory_space<vmem>>
      %dma_start3A_32 = tpu.memref_squeeze %dma_start3A_31 : memref<1x128xi32, #tpu.memory_space<vmem>> -> memref<128xi32, #tpu.memory_space<vmem>>
      %dma_start3A_33 = arith.constant 0 : i32
      %dma_start3A_34 = arith.constant 0 : i32
      %dma_start3A_35 = tpu.memref_slice %arg2[%dma_start3A_33, %dma_start3A_34] : memref<10000x128xf32, #tpu.memory_space<hbm>> -> memref<10000x128xf32, #tpu.memory_space<hbm>>
      tpu.enqueue_indirect_dma source(%dma_start3A_35 : memref<10000x128xf32, #tpu.memory_space<hbm>>) target(%dma_start3A_29 : memref<128x128xf32, #tpu.memory_space<vmem>>) offsets(%dma_start3A_32 : memref<128xi32, #tpu.memory_space<vmem>>) semaphore(%arg8 : memref<!tpu.dma_semaphore, #tpu.memory_space<semaphore_mem>>)
      %add3A_36 = arith.constant 2 : i32
      %add3A_37 = arith.addi %mul3A_10, %add3A_36 : i32
      %dma_start3A_38 = arith.constant 2 : i32
      %dma_start3A_39 = arith.constant 0 : i32
      %dma_start3A_40 = arith.constant 0 : i32
      %dma_start3A_41 = tpu.memref_slice %arg6[%dma_start3A_38, %dma_start3A_39, %dma_start3A_40] : memref<4x128x128xf32, #tpu.memory_space<vmem>> -> memref<1x128x128xf32, #tpu.memory_space<vmem>>
      %dma_start3A_42 = tpu.memref_squeeze %dma_start3A_41 : memref<1x128x128xf32, #tpu.memory_space<vmem>> -> memref<128x128xf32, #tpu.memory_space<vmem>>
      %dma_start3A_43 = arith.constant 0 : i32
      %dma_start3A_44 = tpu.memref_slice %arg5[%add3A_37, %dma_start3A_43] : memref<40x128xi32, #tpu.memory_space<vmem>> -> memref<1x128xi32, #tpu.memory_space<vmem>>
      %dma_start3A_45 = tpu.memref_squeeze %dma_start3A_44 : memref<1x128xi32, #tpu.memory_space<vmem>> -> memref<128xi32, #tpu.memory_space<vmem>>
      %dma_start3A_46 = arith.constant 0 : i32
      %dma_start3A_47 = arith.constant 0 : i32
      %dma_start3A_48 = tpu.memref_slice %arg2[%dma_start3A_46, %dma_start3A_47] : memref<10000x128xf32, #tpu.memory_space<hbm>> -> memref<10000x128xf32, #tpu.memory_space<hbm>>
      tpu.enqueue_indirect_dma source(%dma_start3A_48 : memref<10000x128xf32, #tpu.memory_space<hbm>>) target(%dma_start3A_42 : memref<128x128xf32, #tpu.memory_space<vmem>>) offsets(%dma_start3A_45 : memref<128xi32, #tpu.memory_space<vmem>>) semaphore(%arg9 : memref<!tpu.dma_semaphore, #tpu.memory_space<semaphore_mem>>)
      %add3A_49 = arith.constant 3 : i32
      %add3A_50 = arith.addi %mul3A_10, %add3A_49 : i32
      %dma_start3A_51 = arith.constant 3 : i32
      %dma_start3A_52 = arith.constant 0 : i32
      %dma_start3A_53 = arith.constant 0 : i32
      %dma_start3A_54 = tpu.memref_slice %arg6[%dma_start3A_51, %dma_start3A_52, %dma_start3A_53] : memref<4x128x128xf32, #tpu.memory_space<vmem>> -> memref<1x128x128xf32, #tpu.memory_space<vmem>>
      %dma_start3A_55 = tpu.memref_squeeze %dma_start3A_54 : memref<1x128x128xf32, #tpu.memory_space<vmem>> -> memref<128x128xf32, #tpu.memory_space<vmem>>
      %dma_start3A_56 = arith.constant 0 : i32
      %dma_start3A_57 = tpu.memref_slice %arg5[%add3A_50, %dma_start3A_56] : memref<40x128xi32, #tpu.memory_space<vmem>> -> memref<1x128xi32, #tpu.memory_space<vmem>>
      %dma_start3A_58 = tpu.memref_squeeze %dma_start3A_57 : memref<1x128xi32, #tpu.memory_space<vmem>> -> memref<128xi32, #tpu.memory_space<vmem>>
      %dma_start3A_59 = arith.constant 0 : i32
      %dma_start3A_60 = arith.constant 0 : i32
      %dma_start3A_61 = tpu.memref_slice %arg2[%dma_start3A_59, %dma_start3A_60] : memref<10000x128xf32, #tpu.memory_space<hbm>> -> memref<10000x128xf32, #tpu.memory_space<hbm>>
      tpu.enqueue_indirect_dma source(%dma_start3A_61 : memref<10000x128xf32, #tpu.memory_space<hbm>>) target(%dma_start3A_55 : memref<128x128xf32, #tpu.memory_space<vmem>>) offsets(%dma_start3A_58 : memref<128xi32, #tpu.memory_space<vmem>>) semaphore(%arg10 : memref<!tpu.dma_semaphore, #tpu.memory_space<semaphore_mem>>)
      %dma_wait3A = arith.constant 0 : i32
      %dma_wait3A_62 = arith.constant 0 : i32
      %dma_wait3A_63 = arith.constant 0 : i32
      %dma_wait3A_64 = tpu.memref_slice %arg6[%dma_wait3A, %dma_wait3A_62, %dma_wait3A_63] : memref<4x128x128xf32, #tpu.memory_space<vmem>> -> memref<1x128x128xf32, #tpu.memory_space<vmem>>
      %dma_wait3A_65 = tpu.memref_squeeze %dma_wait3A_64 : memref<1x128x128xf32, #tpu.memory_space<vmem>> -> memref<128x128xf32, #tpu.memory_space<vmem>>
      %dma_wait3A_66 = arith.constant 0 : i32
      %dma_wait3A_67 = tpu.memref_slice %arg5[%add3A_12, %dma_wait3A_66] : memref<40x128xi32, #tpu.memory_space<vmem>> -> memref<1x128xi32, #tpu.memory_space<vmem>>
      %dma_wait3A_68 = tpu.memref_squeeze %dma_wait3A_67 : memref<1x128xi32, #tpu.memory_space<vmem>> -> memref<128xi32, #tpu.memory_space<vmem>>
      %dma_wait3A_69 = arith.constant 0 : i32
      %dma_wait3A_70 = arith.constant 0 : i32
      %dma_wait3A_71 = tpu.memref_slice %arg2[%dma_wait3A_69, %dma_wait3A_70] : memref<10000x128xf32, #tpu.memory_space<hbm>> -> memref<10000x128xf32, #tpu.memory_space<hbm>>
      tpu.wait_indirect_dma semaphore(%arg7 : memref<!tpu.dma_semaphore, #tpu.memory_space<semaphore_mem>>) src(%dma_wait3A_71 : memref<10000x128xf32, #tpu.memory_space<hbm>>) dst(%dma_wait3A_65 : memref<128x128xf32, #tpu.memory_space<vmem>>)
      %add3A_72 = arith.addi %mul3A_2, %mul3A_10 : i32
      %add3A_73 = arith.constant 0 : i32
      %add3A_74 = arith.addi %add3A_72, %add3A_73 : i32
      %dma_start3A_75 = arith.constant 0 : i32
      %dma_start3A_76 = arith.constant 0 : i32
      %dma_start3A_77 = arith.constant 0 : i32
      %dma_start3A_78 = tpu.memref_slice %arg6[%dma_start3A_75, %dma_start3A_76, %dma_start3A_77] : memref<4x128x128xf32, #tpu.memory_space<vmem>> -> memref<1x128x128xf32, #tpu.memory_space<vmem>>
      %dma_start3A_79 = tpu.memref_squeeze %dma_start3A_78 : memref<1x128x128xf32, #tpu.memory_space<vmem>> -> memref<128x128xf32, #tpu.memory_space<vmem>>
      %dma_start3A_80 = arith.constant 0 : i32
      %dma_start3A_81 = arith.constant 0 : i32
      %dma_start3A_82 = tpu.memref_slice %arg4[%add3A_74, %dma_start3A_80, %dma_start3A_81] : memref<1280x128x128xf32, #tpu.memory_space<hbm>> -> memref<1x128x128xf32, #tpu.memory_space<hbm>>
      %dma_start3A_83 = tpu.memref_squeeze %dma_start3A_82 : memref<1x128x128xf32, #tpu.memory_space<hbm>> -> memref<128x128xf32, #tpu.memory_space<hbm>>
      %dma_start3A_84 = arith.constant 0 : i32
      %dma_start3A_85 = arith.constant 0 : i32
      %dma_start3A_86 = tpu.memref_slice %arg4[%add3A_74, %dma_start3A_84, %dma_start3A_85] : memref<1280x128x128xf32, #tpu.memory_space<hbm>> -> memref<1x128x128xf32, #tpu.memory_space<hbm>>
      %dma_start3A_87 = tpu.memref_squeeze %dma_start3A_86 : memref<1x128x128xf32, #tpu.memory_space<hbm>> -> memref<128x128xf32, #tpu.memory_space<hbm>>
      %dma_start3A_88 = arith.constant 0 : i32
      %dma_start3A_89 = arith.constant 0 : i32
      %dma_start3A_90 = tpu.memref_slice %arg6[%dma_start3A_75, %dma_start3A_88, %dma_start3A_89] : memref<4x128x128xf32, #tpu.memory_space<vmem>> -> memref<1x128x128xf32, #tpu.memory_space<vmem>>
      %dma_start3A_91 = tpu.memref_squeeze %dma_start3A_90 : memref<1x128x128xf32, #tpu.memory_space<vmem>> -> memref<128x128xf32, #tpu.memory_space<vmem>>
      tpu.enqueue_dma source(%dma_start3A_91 : memref<128x128xf32, #tpu.memory_space<vmem>>) target(%dma_start3A_87 : memref<128x128xf32, #tpu.memory_space<hbm>>) target_semaphore(%arg11 : memref<!tpu.dma_semaphore, #tpu.memory_space<semaphore_mem>>)
      %dma_wait3A_92 = arith.constant 0 : i32
      %dma_wait3A_93 = arith.constant 0 : i32
      %dma_wait3A_94 = arith.constant 0 : i32
      %dma_wait3A_95 = tpu.memref_slice %arg6[%dma_wait3A_92, %dma_wait3A_93, %dma_wait3A_94] : memref<4x128x128xf32, #tpu.memory_space<vmem>> -> memref<1x128x128xf32, #tpu.memory_space<vmem>>
      %dma_wait3A_96 = tpu.memref_squeeze %dma_wait3A_95 : memref<1x128x128xf32, #tpu.memory_space<vmem>> -> memref<128x128xf32, #tpu.memory_space<vmem>>
      %dma_wait3A_97 = arith.constant 0 : i32
      %dma_wait3A_98 = arith.constant 0 : i32
      %dma_wait3A_99 = tpu.memref_slice %arg4[%mul3A_2, %dma_wait3A_97, %dma_wait3A_98] : memref<1280x128x128xf32, #tpu.memory_space<hbm>> -> memref<1x128x128xf32, #tpu.memory_space<hbm>>
      %dma_wait3A_100 = tpu.memref_squeeze %dma_wait3A_99 : memref<1x128x128xf32, #tpu.memory_space<hbm>> -> memref<128x128xf32, #tpu.memory_space<hbm>>
      %dma_wait3A_101 = arith.constant 0 : i32
      %dma_wait3A_102 = arith.constant 0 : i32
      %dma_wait3A_103 = tpu.memref_slice %arg4[%mul3A_2, %dma_wait3A_101, %dma_wait3A_102] : memref<1280x128x128xf32, #tpu.memory_space<hbm>> -> memref<1x128x128xf32, #tpu.memory_space<hbm>>
      %dma_wait3A_104 = tpu.memref_squeeze %dma_wait3A_103 : memref<1x128x128xf32, #tpu.memory_space<hbm>> -> memref<128x128xf32, #tpu.memory_space<hbm>>
      %dma_wait3A_105 = arith.constant 0 : i32
      %dma_wait3A_106 = arith.constant 0 : i32
      %dma_wait3A_107 = tpu.memref_slice %arg6[%dma_wait3A_92, %dma_wait3A_105, %dma_wait3A_106] : memref<4x128x128xf32, #tpu.memory_space<vmem>> -> memref<1x128x128xf32, #tpu.memory_space<vmem>>
      %dma_wait3A_108 = tpu.memref_squeeze %dma_wait3A_107 : memref<1x128x128xf32, #tpu.memory_space<vmem>> -> memref<128x128xf32, #tpu.memory_space<vmem>>
      tpu.wait_dma2 semaphore(%arg11 : memref<!tpu.dma_semaphore, #tpu.memory_space<semaphore_mem>>) src(%dma_wait3A_108 : memref<128x128xf32, #tpu.memory_space<vmem>>) dst(%dma_wait3A_104 : memref<128x128xf32, #tpu.memory_space<hbm>>)
      %dma_wait3A_109 = arith.constant 1 : i32
      %dma_wait3A_110 = arith.constant 0 : i32
      %dma_wait3A_111 = arith.constant 0 : i32
      %dma_wait3A_112 = tpu.memref_slice %arg6[%dma_wait3A_109, %dma_wait3A_110, %dma_wait3A_111] : memref<4x128x128xf32, #tpu.memory_space<vmem>> -> memref<1x128x128xf32, #tpu.memory_space<vmem>>
      %dma_wait3A_113 = tpu.memref_squeeze %dma_wait3A_112 : memref<1x128x128xf32, #tpu.memory_space<vmem>> -> memref<128x128xf32, #tpu.memory_space<vmem>>
      %dma_wait3A_114 = arith.constant 0 : i32
      %dma_wait3A_115 = tpu.memref_slice %arg5[%add3A_24, %dma_wait3A_114] : memref<40x128xi32, #tpu.memory_space<vmem>> -> memref<1x128xi32, #tpu.memory_space<vmem>>
      %dma_wait3A_116 = tpu.memref_squeeze %dma_wait3A_115 : memref<1x128xi32, #tpu.memory_space<vmem>> -> memref<128xi32, #tpu.memory_space<vmem>>
      %dma_wait3A_117 = arith.constant 0 : i32
      %dma_wait3A_118 = arith.constant 0 : i32
      %dma_wait3A_119 = tpu.memref_slice %arg2[%dma_wait3A_117, %dma_wait3A_118] : memref<10000x128xf32, #tpu.memory_space<hbm>> -> memref<10000x128xf32, #tpu.memory_space<hbm>>
      tpu.wait_indirect_dma semaphore(%arg8 : memref<!tpu.dma_semaphore, #tpu.memory_space<semaphore_mem>>) src(%dma_wait3A_119 : memref<10000x128xf32, #tpu.memory_space<hbm>>) dst(%dma_wait3A_113 : memref<128x128xf32, #tpu.memory_space<vmem>>)
      %add3A_120 = arith.addi %mul3A_2, %mul3A_10 : i32
      %add3A_121 = arith.constant 1 : i32
      %add3A_122 = arith.addi %add3A_120, %add3A_121 : i32
      %dma_start3A_123 = arith.constant 1 : i32
      %dma_start3A_124 = arith.constant 0 : i32
      %dma_start3A_125 = arith.constant 0 : i32
      %dma_start3A_126 = tpu.memref_slice %arg6[%dma_start3A_123, %dma_start3A_124, %dma_start3A_125] : memref<4x128x128xf32, #tpu.memory_space<vmem>> -> memref<1x128x128xf32, #tpu.memory_space<vmem>>
      %dma_start3A_127 = tpu.memref_squeeze %dma_start3A_126 : memref<1x128x128xf32, #tpu.memory_space<vmem>> -> memref<128x128xf32, #tpu.memory_space<vmem>>
      %dma_start3A_128 = arith.constant 0 : i32
      %dma_start3A_129 = arith.constant 0 : i32
      %dma_start3A_130 = tpu.memref_slice %arg4[%add3A_122, %dma_start3A_128, %dma_start3A_129] : memref<1280x128x128xf32, #tpu.memory_space<hbm>> -> memref<1x128x128xf32, #tpu.memory_space<hbm>>
      %dma_start3A_131 = tpu.memref_squeeze %dma_start3A_130 : memref<1x128x128xf32, #tpu.memory_space<hbm>> -> memref<128x128xf32, #tpu.memory_space<hbm>>
      %dma_start3A_132 = arith.constant 0 : i32
      %dma_start3A_133 = arith.constant 0 : i32
      %dma_start3A_134 = tpu.memref_slice %arg4[%add3A_122, %dma_start3A_132, %dma_start3A_133] : memref<1280x128x128xf32, #tpu.memory_space<hbm>> -> memref<1x128x128xf32, #tpu.memory_space<hbm>>
      %dma_start3A_135 = tpu.memref_squeeze %dma_start3A_134 : memref<1x128x128xf32, #tpu.memory_space<hbm>> -> memref<128x128xf32, #tpu.memory_space<hbm>>
      %dma_start3A_136 = arith.constant 0 : i32
      %dma_start3A_137 = arith.constant 0 : i32
      %dma_start3A_138 = tpu.memref_slice %arg6[%dma_start3A_123, %dma_start3A_136, %dma_start3A_137] : memref<4x128x128xf32, #tpu.memory_space<vmem>> -> memref<1x128x128xf32, #tpu.memory_space<vmem>>
      %dma_start3A_139 = tpu.memref_squeeze %dma_start3A_138 : memref<1x128x128xf32, #tpu.memory_space<vmem>> -> memref<128x128xf32, #tpu.memory_space<vmem>>
      tpu.enqueue_dma source(%dma_start3A_139 : memref<128x128xf32, #tpu.memory_space<vmem>>) target(%dma_start3A_135 : memref<128x128xf32, #tpu.memory_space<hbm>>) target_semaphore(%arg12 : memref<!tpu.dma_semaphore, #tpu.memory_space<semaphore_mem>>)
      %dma_wait3A_140 = arith.constant 1 : i32
      %dma_wait3A_141 = arith.constant 0 : i32
      %dma_wait3A_142 = arith.constant 0 : i32
      %dma_wait3A_143 = tpu.memref_slice %arg6[%dma_wait3A_140, %dma_wait3A_141, %dma_wait3A_142] : memref<4x128x128xf32, #tpu.memory_space<vmem>> -> memref<1x128x128xf32, #tpu.memory_space<vmem>>
      %dma_wait3A_144 = tpu.memref_squeeze %dma_wait3A_143 : memref<1x128x128xf32, #tpu.memory_space<vmem>> -> memref<128x128xf32, #tpu.memory_space<vmem>>
      %dma_wait3A_145 = arith.constant 0 : i32
      %dma_wait3A_146 = arith.constant 0 : i32
      %dma_wait3A_147 = tpu.memref_slice %arg4[%mul3A_2, %dma_wait3A_145, %dma_wait3A_146] : memref<1280x128x128xf32, #tpu.memory_space<hbm>> -> memref<1x128x128xf32, #tpu.memory_space<hbm>>
      %dma_wait3A_148 = tpu.memref_squeeze %dma_wait3A_147 : memref<1x128x128xf32, #tpu.memory_space<hbm>> -> memref<128x128xf32, #tpu.memory_space<hbm>>
      %dma_wait3A_149 = arith.constant 0 : i32
      %dma_wait3A_150 = arith.constant 0 : i32
      %dma_wait3A_151 = tpu.memref_slice %arg4[%mul3A_2, %dma_wait3A_149, %dma_wait3A_150] : memref<1280x128x128xf32, #tpu.memory_space<hbm>> -> memref<1x128x128xf32, #tpu.memory_space<hbm>>
      %dma_wait3A_152 = tpu.memref_squeeze %dma_wait3A_151 : memref<1x128x128xf32, #tpu.memory_space<hbm>> -> memref<128x128xf32, #tpu.memory_space<hbm>>
      %dma_wait3A_153 = arith.constant 0 : i32
      %dma_wait3A_154 = arith.constant 0 : i32
      %dma_wait3A_155 = tpu.memref_slice %arg6[%dma_wait3A_140, %dma_wait3A_153, %dma_wait3A_154] : memref<4x128x128xf32, #tpu.memory_space<vmem>> -> memref<1x128x128xf32, #tpu.memory_space<vmem>>
      %dma_wait3A_156 = tpu.memref_squeeze %dma_wait3A_155 : memref<1x128x128xf32, #tpu.memory_space<vmem>> -> memref<128x128xf32, #tpu.memory_space<vmem>>
      tpu.wait_dma2 semaphore(%arg12 : memref<!tpu.dma_semaphore, #tpu.memory_space<semaphore_mem>>) src(%dma_wait3A_156 : memref<128x128xf32, #tpu.memory_space<vmem>>) dst(%dma_wait3A_152 : memref<128x128xf32, #tpu.memory_space<hbm>>)
      %dma_wait3A_157 = arith.constant 2 : i32
      %dma_wait3A_158 = arith.constant 0 : i32
      %dma_wait3A_159 = arith.constant 0 : i32
      %dma_wait3A_160 = tpu.memref_slice %arg6[%dma_wait3A_157, %dma_wait3A_158, %dma_wait3A_159] : memref<4x128x128xf32, #tpu.memory_space<vmem>> -> memref<1x128x128xf32, #tpu.memory_space<vmem>>
      %dma_wait3A_161 = tpu.memref_squeeze %dma_wait3A_160 : memref<1x128x128xf32, #tpu.memory_space<vmem>> -> memref<128x128xf32, #tpu.memory_space<vmem>>
      %dma_wait3A_162 = arith.constant 0 : i32
      %dma_wait3A_163 = tpu.memref_slice %arg5[%add3A_37, %dma_wait3A_162] : memref<40x128xi32, #tpu.memory_space<vmem>> -> memref<1x128xi32, #tpu.memory_space<vmem>>
      %dma_wait3A_164 = tpu.memref_squeeze %dma_wait3A_163 : memref<1x128xi32, #tpu.memory_space<vmem>> -> memref<128xi32, #tpu.memory_space<vmem>>
      %dma_wait3A_165 = arith.constant 0 : i32
      %dma_wait3A_166 = arith.constant 0 : i32
      %dma_wait3A_167 = tpu.memref_slice %arg2[%dma_wait3A_165, %dma_wait3A_166] : memref<10000x128xf32, #tpu.memory_space<hbm>> -> memref<10000x128xf32, #tpu.memory_space<hbm>>
      tpu.wait_indirect_dma semaphore(%arg9 : memref<!tpu.dma_semaphore, #tpu.memory_space<semaphore_mem>>) src(%dma_wait3A_167 : memref<10000x128xf32, #tpu.memory_space<hbm>>) dst(%dma_wait3A_161 : memref<128x128xf32, #tpu.memory_space<vmem>>)
      %add3A_168 = arith.addi %mul3A_2, %mul3A_10 : i32
      %add3A_169 = arith.constant 2 : i32
      %add3A_170 = arith.addi %add3A_168, %add3A_169 : i32
      %dma_start3A_171 = arith.constant 2 : i32
      %dma_start3A_172 = arith.constant 0 : i32
      %dma_start3A_173 = arith.constant 0 : i32
      %dma_start3A_174 = tpu.memref_slice %arg6[%dma_start3A_171, %dma_start3A_172, %dma_start3A_173] : memref<4x128x128xf32, #tpu.memory_space<vmem>> -> memref<1x128x128xf32, #tpu.memory_space<vmem>>
      %dma_start3A_175 = tpu.memref_squeeze %dma_start3A_174 : memref<1x128x128xf32, #tpu.memory_space<vmem>> -> memref<128x128xf32, #tpu.memory_space<vmem>>
      %dma_start3A_176 = arith.constant 0 : i32
      %dma_start3A_177 = arith.constant 0 : i32
      %dma_start3A_178 = tpu.memref_slice %arg4[%add3A_170, %dma_start3A_176, %dma_start3A_177] : memref<1280x128x128xf32, #tpu.memory_space<hbm>> -> memref<1x128x128xf32, #tpu.memory_space<hbm>>
      %dma_start3A_179 = tpu.memref_squeeze %dma_start3A_178 : memref<1x128x128xf32, #tpu.memory_space<hbm>> -> memref<128x128xf32, #tpu.memory_space<hbm>>
      %dma_start3A_180 = arith.constant 0 : i32
      %dma_start3A_181 = arith.constant 0 : i32
      %dma_start3A_182 = tpu.memref_slice %arg4[%add3A_170, %dma_start3A_180, %dma_start3A_181] : memref<1280x128x128xf32, #tpu.memory_space<hbm>> -> memref<1x128x128xf32, #tpu.memory_space<hbm>>
      %dma_start3A_183 = tpu.memref_squeeze %dma_start3A_182 : memref<1x128x128xf32, #tpu.memory_space<hbm>> -> memref<128x128xf32, #tpu.memory_space<hbm>>
      %dma_start3A_184 = arith.constant 0 : i32
      %dma_start3A_185 = arith.constant 0 : i32
      %dma_start3A_186 = tpu.memref_slice %arg6[%dma_start3A_171, %dma_start3A_184, %dma_start3A_185] : memref<4x128x128xf32, #tpu.memory_space<vmem>> -> memref<1x128x128xf32, #tpu.memory_space<vmem>>
      %dma_start3A_187 = tpu.memref_squeeze %dma_start3A_186 : memref<1x128x128xf32, #tpu.memory_space<vmem>> -> memref<128x128xf32, #tpu.memory_space<vmem>>
      tpu.enqueue_dma source(%dma_start3A_187 : memref<128x128xf32, #tpu.memory_space<vmem>>) target(%dma_start3A_183 : memref<128x128xf32, #tpu.memory_space<hbm>>) target_semaphore(%arg13 : memref<!tpu.dma_semaphore, #tpu.memory_space<semaphore_mem>>)
      %dma_wait3A_188 = arith.constant 2 : i32
      %dma_wait3A_189 = arith.constant 0 : i32
      %dma_wait3A_190 = arith.constant 0 : i32
      %dma_wait3A_191 = tpu.memref_slice %arg6[%dma_wait3A_188, %dma_wait3A_189, %dma_wait3A_190] : memref<4x128x128xf32, #tpu.memory_space<vmem>> -> memref<1x128x128xf32, #tpu.memory_space<vmem>>
      %dma_wait3A_192 = tpu.memref_squeeze %dma_wait3A_191 : memref<1x128x128xf32, #tpu.memory_space<vmem>> -> memref<128x128xf32, #tpu.memory_space<vmem>>
      %dma_wait3A_193 = arith.constant 0 : i32
      %dma_wait3A_194 = arith.constant 0 : i32
      %dma_wait3A_195 = tpu.memref_slice %arg4[%mul3A_2, %dma_wait3A_193, %dma_wait3A_194] : memref<1280x128x128xf32, #tpu.memory_space<hbm>> -> memref<1x128x128xf32, #tpu.memory_space<hbm>>
      %dma_wait3A_196 = tpu.memref_squeeze %dma_wait3A_195 : memref<1x128x128xf32, #tpu.memory_space<hbm>> -> memref<128x128xf32, #tpu.memory_space<hbm>>
      %dma_wait3A_197 = arith.constant 0 : i32
      %dma_wait3A_198 = arith.constant 0 : i32
      %dma_wait3A_199 = tpu.memref_slice %arg4[%mul3A_2, %dma_wait3A_197, %dma_wait3A_198] : memref<1280x128x128xf32, #tpu.memory_space<hbm>> -> memref<1x128x128xf32, #tpu.memory_space<hbm>>
      %dma_wait3A_200 = tpu.memref_squeeze %dma_wait3A_199 : memref<1x128x128xf32, #tpu.memory_space<hbm>> -> memref<128x128xf32, #tpu.memory_space<hbm>>
      %dma_wait3A_201 = arith.constant 0 : i32
      %dma_wait3A_202 = arith.constant 0 : i32
      %dma_wait3A_203 = tpu.memref_slice %arg6[%dma_wait3A_188, %dma_wait3A_201, %dma_wait3A_202] : memref<4x128x128xf32, #tpu.memory_space<vmem>> -> memref<1x128x128xf32, #tpu.memory_space<vmem>>
      %dma_wait3A_204 = tpu.memref_squeeze %dma_wait3A_203 : memref<1x128x128xf32, #tpu.memory_space<vmem>> -> memref<128x128xf32, #tpu.memory_space<vmem>>
      tpu.wait_dma2 semaphore(%arg13 : memref<!tpu.dma_semaphore, #tpu.memory_space<semaphore_mem>>) src(%dma_wait3A_204 : memref<128x128xf32, #tpu.memory_space<vmem>>) dst(%dma_wait3A_200 : memref<128x128xf32, #tpu.memory_space<hbm>>)
      %dma_wait3A_205 = arith.constant 3 : i32
      %dma_wait3A_206 = arith.constant 0 : i32
      %dma_wait3A_207 = arith.constant 0 : i32
      %dma_wait3A_208 = tpu.memref_slice %arg6[%dma_wait3A_205, %dma_wait3A_206, %dma_wait3A_207] : memref<4x128x128xf32, #tpu.memory_space<vmem>> -> memref<1x128x128xf32, #tpu.memory_space<vmem>>
      %dma_wait3A_209 = tpu.memref_squeeze %dma_wait3A_208 : memref<1x128x128xf32, #tpu.memory_space<vmem>> -> memref<128x128xf32, #tpu.memory_space<vmem>>
      %dma_wait3A_210 = arith.constant 0 : i32
      %dma_wait3A_211 = tpu.memref_slice %arg5[%add3A_50, %dma_wait3A_210] : memref<40x128xi32, #tpu.memory_space<vmem>> -> memref<1x128xi32, #tpu.memory_space<vmem>>
      %dma_wait3A_212 = tpu.memref_squeeze %dma_wait3A_211 : memref<1x128xi32, #tpu.memory_space<vmem>> -> memref<128xi32, #tpu.memory_space<vmem>>
      %dma_wait3A_213 = arith.constant 0 : i32
      %dma_wait3A_214 = arith.constant 0 : i32
      %dma_wait3A_215 = tpu.memref_slice %arg2[%dma_wait3A_213, %dma_wait3A_214] : memref<10000x128xf32, #tpu.memory_space<hbm>> -> memref<10000x128xf32, #tpu.memory_space<hbm>>
      tpu.wait_indirect_dma semaphore(%arg10 : memref<!tpu.dma_semaphore, #tpu.memory_space<semaphore_mem>>) src(%dma_wait3A_215 : memref<10000x128xf32, #tpu.memory_space<hbm>>) dst(%dma_wait3A_209 : memref<128x128xf32, #tpu.memory_space<vmem>>)
      %add3A_216 = arith.addi %mul3A_2, %mul3A_10 : i32
      %add3A_217 = arith.constant 3 : i32
      %add3A_218 = arith.addi %add3A_216, %add3A_217 : i32
      %dma_start3A_219 = arith.constant 3 : i32
      %dma_start3A_220 = arith.constant 0 : i32
      %dma_start3A_221 = arith.constant 0 : i32
      %dma_start3A_222 = tpu.memref_slice %arg6[%dma_start3A_219, %dma_start3A_220, %dma_start3A_221] : memref<4x128x128xf32, #tpu.memory_space<vmem>> -> memref<1x128x128xf32, #tpu.memory_space<vmem>>
      %dma_start3A_223 = tpu.memref_squeeze %dma_start3A_222 : memref<1x128x128xf32, #tpu.memory_space<vmem>> -> memref<128x128xf32, #tpu.memory_space<vmem>>
      %dma_start3A_224 = arith.constant 0 : i32
      %dma_start3A_225 = arith.constant 0 : i32
      %dma_start3A_226 = tpu.memref_slice %arg4[%add3A_218, %dma_start3A_224, %dma_start3A_225] : memref<1280x128x128xf32, #tpu.memory_space<hbm>> -> memref<1x128x128xf32, #tpu.memory_space<hbm>>
      %dma_start3A_227 = tpu.memref_squeeze %dma_start3A_226 : memref<1x128x128xf32, #tpu.memory_space<hbm>> -> memref<128x128xf32, #tpu.memory_space<hbm>>
      %dma_start3A_228 = arith.constant 0 : i32
      %dma_start3A_229 = arith.constant 0 : i32
      %dma_start3A_230 = tpu.memref_slice %arg4[%add3A_218, %dma_start3A_228, %dma_start3A_229] : memref<1280x128x128xf32, #tpu.memory_space<hbm>> -> memref<1x128x128xf32, #tpu.memory_space<hbm>>
      %dma_start3A_231 = tpu.memref_squeeze %dma_start3A_230 : memref<1x128x128xf32, #tpu.memory_space<hbm>> -> memref<128x128xf32, #tpu.memory_space<hbm>>
      %dma_start3A_232 = arith.constant 0 : i32
      %dma_start3A_233 = arith.constant 0 : i32
      %dma_start3A_234 = tpu.memref_slice %arg6[%dma_start3A_219, %dma_start3A_232, %dma_start3A_233] : memref<4x128x128xf32, #tpu.memory_space<vmem>> -> memref<1x128x128xf32, #tpu.memory_space<vmem>>
      %dma_start3A_235 = tpu.memref_squeeze %dma_start3A_234 : memref<1x128x128xf32, #tpu.memory_space<vmem>> -> memref<128x128xf32, #tpu.memory_space<vmem>>
      tpu.enqueue_dma source(%dma_start3A_235 : memref<128x128xf32, #tpu.memory_space<vmem>>) target(%dma_start3A_231 : memref<128x128xf32, #tpu.memory_space<hbm>>) target_semaphore(%arg14 : memref<!tpu.dma_semaphore, #tpu.memory_space<semaphore_mem>>)
      %dma_wait3A_236 = arith.constant 3 : i32
      %dma_wait3A_237 = arith.constant 0 : i32
      %dma_wait3A_238 = arith.constant 0 : i32
      %dma_wait3A_239 = tpu.memref_slice %arg6[%dma_wait3A_236, %dma_wait3A_237, %dma_wait3A_238] : memref<4x128x128xf32, #tpu.memory_space<vmem>> -> memref<1x128x128xf32, #tpu.memory_space<vmem>>
      %dma_wait3A_240 = tpu.memref_squeeze %dma_wait3A_239 : memref<1x128x128xf32, #tpu.memory_space<vmem>> -> memref<128x128xf32, #tpu.memory_space<vmem>>
      %dma_wait3A_241 = arith.constant 0 : i32
      %dma_wait3A_242 = arith.constant 0 : i32
      %dma_wait3A_243 = tpu.memref_slice %arg4[%mul3A_2, %dma_wait3A_241, %dma_wait3A_242] : memref<1280x128x128xf32, #tpu.memory_space<hbm>> -> memref<1x128x128xf32, #tpu.memory_space<hbm>>
      %dma_wait3A_244 = tpu.memref_squeeze %dma_wait3A_243 : memref<1x128x128xf32, #tpu.memory_space<hbm>> -> memref<128x128xf32, #tpu.memory_space<hbm>>
      %dma_wait3A_245 = arith.constant 0 : i32
      %dma_wait3A_246 = arith.constant 0 : i32
      %dma_wait3A_247 = tpu.memref_slice %arg4[%mul3A_2, %dma_wait3A_245, %dma_wait3A_246] : memref<1280x128x128xf32, #tpu.memory_space<hbm>> -> memref<1x128x128xf32, #tpu.memory_space<hbm>>
      %dma_wait3A_248 = tpu.memref_squeeze %dma_wait3A_247 : memref<1x128x128xf32, #tpu.memory_space<hbm>> -> memref<128x128xf32, #tpu.memory_space<hbm>>
      %dma_wait3A_249 = arith.constant 0 : i32
      %dma_wait3A_250 = arith.constant 0 : i32
      %dma_wait3A_251 = tpu.memref_slice %arg6[%dma_wait3A_236, %dma_wait3A_249, %dma_wait3A_250] : memref<4x128x128xf32, #tpu.memory_space<vmem>> -> memref<1x128x128xf32, #tpu.memory_space<vmem>>
      %dma_wait3A_252 = tpu.memref_squeeze %dma_wait3A_251 : memref<1x128x128xf32, #tpu.memory_space<vmem>> -> memref<128x128xf32, #tpu.memory_space<vmem>>
      tpu.wait_dma2 semaphore(%arg14 : memref<!tpu.dma_semaphore, #tpu.memory_space<semaphore_mem>>) src(%dma_wait3A_252 : memref<128x128xf32, #tpu.memory_space<vmem>>) dst(%dma_wait3A_248 : memref<128x128xf32, #tpu.memory_space<hbm>>)
    }
    %scan3A_7 = arith.constant 10 : i32
    return
  }
}

#map = affine_map<(d0, d1) -> (0, 0, 0)>
#map1 = affine_map<(d0, d1) -> (0, 0)>
module attributes {stable_mosaic.version = 14 : i64} {
  func.func @scatter_k(%arg0: i32, %arg1: i32, %arg2: memref<1280x128x128xf32, #tpu.memory_space<hbm>>, %arg3: memref<32x40x128xi32, #tpu.memory_space<hbm>>, %arg4: memref<10112x128xf32, #tpu.memory_space<hbm>>, %arg5: memref<2x10112x128xf32, #tpu.memory_space<hbm>>, %arg6: memref<40x128xi32, #tpu.memory_space<vmem>>, %arg7: memref<2x128x128xf32, #tpu.memory_space<vmem>>, %arg8: memref<10112x128xf32, #tpu.memory_space<vmem_shared>>, %arg9: memref<!tpu.dma_semaphore, #tpu.memory_space<semaphore_mem>>, %arg10: memref<!tpu.dma_semaphore, #tpu.memory_space<semaphore_mem>>, %arg11: memref<!tpu.dma_semaphore, #tpu.memory_space<semaphore_mem>>, %arg12: memref<!tpu.dma_semaphore, #tpu.memory_space<semaphore_mem>>) attributes {dimension_semantics = [#tpu.dimension_semantics<core_parallel>, #tpu.dimension_semantics<subcore_parallel>], iteration_bounds = array<i64: 2, 16>, scalar_prefetch = 0 : i64, scratch_operands = 7 : i64, tpu.core_type = #tpu.core_type<sc_vector_subcore>, window_params = [{transform_indices = #map}, {transform_indices = #map}, {transform_indices = #map1}, {transform_indices = #map}]} {
    %mul3A = arith.constant 2 : i32
    %mul3A_0 = arith.muli %arg1, %mul3A : i32
    %add3A = arith.addi %mul3A_0, %arg0 : i32
    %mul3A_1 = arith.constant 40 : i32
    %mul3A_2 = arith.muli %add3A, %mul3A_1 : i32
    %mul3A_3 = arith.constant 632 : i32
    %mul3A_4 = arith.muli %arg1, %mul3A_3 : i32
    "tpu.region"() ({
      %run_scoped3A = tpu.sem_alloc : memref<!tpu.dma_semaphore, #tpu.memory_space<semaphore_mem>>
      %dma_start3A_59 = arith.constant 0 : i32
      %dma_start3A_60 = tpu.memref_slice %arg8[%mul3A_4, %dma_start3A_59] : memref<10112x128xf32, #tpu.memory_space<vmem_shared>> -> memref<632x128xf32, #tpu.memory_space<vmem_shared>>
      %dma_start3A_61 = arith.constant 0 : i32
      %dma_start3A_62 = tpu.memref_slice %arg4[%mul3A_4, %dma_start3A_61] : memref<10112x128xf32, #tpu.memory_space<hbm>> -> memref<632x128xf32, #tpu.memory_space<hbm>>
      tpu.enqueue_dma source(%dma_start3A_62 : memref<632x128xf32, #tpu.memory_space<hbm>>) target(%dma_start3A_60 : memref<632x128xf32, #tpu.memory_space<vmem_shared>>) target_semaphore(%run_scoped3A : memref<!tpu.dma_semaphore, #tpu.memory_space<semaphore_mem>>)
      %dma_wait3A_63 = arith.constant 0 : i32
      %dma_wait3A_64 = tpu.memref_slice %arg8[%mul3A_4, %dma_wait3A_63] : memref<10112x128xf32, #tpu.memory_space<vmem_shared>> -> memref<632x128xf32, #tpu.memory_space<vmem_shared>>
      %dma_wait3A_65 = arith.constant 0 : i32
      %dma_wait3A_66 = tpu.memref_slice %arg4[%mul3A_4, %dma_wait3A_65] : memref<10112x128xf32, #tpu.memory_space<hbm>> -> memref<632x128xf32, #tpu.memory_space<hbm>>
      tpu.wait_dma2 semaphore(%run_scoped3A : memref<!tpu.dma_semaphore, #tpu.memory_space<semaphore_mem>>) src(%dma_wait3A_66 : memref<632x128xf32, #tpu.memory_space<hbm>>) dst(%dma_wait3A_64 : memref<632x128xf32, #tpu.memory_space<vmem_shared>>)
      tpu.yield
    }) : () -> ()
    "tpu.region"() ({
      %run_scoped3A = tpu.sem_alloc : memref<!tpu.dma_semaphore, #tpu.memory_space<semaphore_mem>>
      %dma_start3A_59 = arith.constant 0 : i32
      %dma_start3A_60 = arith.constant 0 : i32
      %dma_start3A_61 = tpu.memref_slice %arg3[%add3A, %dma_start3A_59, %dma_start3A_60] : memref<32x40x128xi32, #tpu.memory_space<hbm>> -> memref<1x40x128xi32, #tpu.memory_space<hbm>>
      %dma_start3A_62 = tpu.memref_squeeze %dma_start3A_61 : memref<1x40x128xi32, #tpu.memory_space<hbm>> -> memref<40x128xi32, #tpu.memory_space<hbm>>
      %dma_start3A_63 = arith.constant 0 : i32
      %dma_start3A_64 = arith.constant 0 : i32
      %dma_start3A_65 = tpu.memref_slice %arg3[%add3A, %dma_start3A_63, %dma_start3A_64] : memref<32x40x128xi32, #tpu.memory_space<hbm>> -> memref<1x40x128xi32, #tpu.memory_space<hbm>>
      %dma_start3A_66 = tpu.memref_squeeze %dma_start3A_65 : memref<1x40x128xi32, #tpu.memory_space<hbm>> -> memref<40x128xi32, #tpu.memory_space<hbm>>
      tpu.enqueue_dma source(%dma_start3A_66 : memref<40x128xi32, #tpu.memory_space<hbm>>) target(%arg6 : memref<40x128xi32, #tpu.memory_space<vmem>>) target_semaphore(%run_scoped3A : memref<!tpu.dma_semaphore, #tpu.memory_space<semaphore_mem>>)
      %dma_wait3A_67 = arith.constant 0 : i32
      %dma_wait3A_68 = arith.constant 0 : i32
      %dma_wait3A_69 = tpu.memref_slice %arg3[%add3A, %dma_wait3A_67, %dma_wait3A_68] : memref<32x40x128xi32, #tpu.memory_space<hbm>> -> memref<1x40x128xi32, #tpu.memory_space<hbm>>
      %dma_wait3A_70 = tpu.memref_squeeze %dma_wait3A_69 : memref<1x40x128xi32, #tpu.memory_space<hbm>> -> memref<40x128xi32, #tpu.memory_space<hbm>>
      %dma_wait3A_71 = arith.constant 0 : i32
      %dma_wait3A_72 = arith.constant 0 : i32
      %dma_wait3A_73 = tpu.memref_slice %arg3[%add3A, %dma_wait3A_71, %dma_wait3A_72] : memref<32x40x128xi32, #tpu.memory_space<hbm>> -> memref<1x40x128xi32, #tpu.memory_space<hbm>>
      %dma_wait3A_74 = tpu.memref_squeeze %dma_wait3A_73 : memref<1x40x128xi32, #tpu.memory_space<hbm>> -> memref<40x128xi32, #tpu.memory_space<hbm>>
      tpu.wait_dma2 semaphore(%run_scoped3A : memref<!tpu.dma_semaphore, #tpu.memory_space<semaphore_mem>>) src(%dma_wait3A_74 : memref<40x128xi32, #tpu.memory_space<hbm>>) dst(%arg6 : memref<40x128xi32, #tpu.memory_space<vmem>>)
      tpu.yield
    }) : () -> ()
    %barrier3A = arith.constant 0 : index
    tpu.barrier barrier_id(%barrier3A)
    %add3A_5 = arith.constant 0 : i32
    %add3A_6 = arith.addi %mul3A_2, %add3A_5 : i32
    %dma_start3A = arith.constant 0 : i32
    %dma_start3A_7 = arith.constant 0 : i32
    %dma_start3A_8 = arith.constant 0 : i32
    %dma_start3A_9 = tpu.memref_slice %arg7[%dma_start3A, %dma_start3A_7, %dma_start3A_8] : memref<2x128x128xf32, #tpu.memory_space<vmem>> -> memref<1x128x128xf32, #tpu.memory_space<vmem>>
    %dma_start3A_10 = tpu.memref_squeeze %dma_start3A_9 : memref<1x128x128xf32, #tpu.memory_space<vmem>> -> memref<128x128xf32, #tpu.memory_space<vmem>>
    %dma_start3A_11 = arith.constant 0 : i32
    %dma_start3A_12 = arith.constant 0 : i32
    %dma_start3A_13 = tpu.memref_slice %arg2[%add3A_6, %dma_start3A_11, %dma_start3A_12] : memref<1280x128x128xf32, #tpu.memory_space<hbm>> -> memref<1x128x128xf32, #tpu.memory_space<hbm>>
    %dma_start3A_14 = tpu.memref_squeeze %dma_start3A_13 : memref<1x128x128xf32, #tpu.memory_space<hbm>> -> memref<128x128xf32, #tpu.memory_space<hbm>>
    %dma_start3A_15 = arith.constant 0 : i32
    %dma_start3A_16 = arith.constant 0 : i32
    %dma_start3A_17 = tpu.memref_slice %arg7[%dma_start3A, %dma_start3A_15, %dma_start3A_16] : memref<2x128x128xf32, #tpu.memory_space<vmem>> -> memref<1x128x128xf32, #tpu.memory_space<vmem>>
    %dma_start3A_18 = tpu.memref_squeeze %dma_start3A_17 : memref<1x128x128xf32, #tpu.memory_space<vmem>> -> memref<128x128xf32, #tpu.memory_space<vmem>>
    %dma_start3A_19 = arith.constant 0 : i32
    %dma_start3A_20 = arith.constant 0 : i32
    %dma_start3A_21 = tpu.memref_slice %arg2[%add3A_6, %dma_start3A_19, %dma_start3A_20] : memref<1280x128x128xf32, #tpu.memory_space<hbm>> -> memref<1x128x128xf32, #tpu.memory_space<hbm>>
    %dma_start3A_22 = tpu.memref_squeeze %dma_start3A_21 : memref<1x128x128xf32, #tpu.memory_space<hbm>> -> memref<128x128xf32, #tpu.memory_space<hbm>>
    tpu.enqueue_dma source(%dma_start3A_22 : memref<128x128xf32, #tpu.memory_space<hbm>>) target(%dma_start3A_18 : memref<128x128xf32, #tpu.memory_space<vmem>>) target_semaphore(%arg9 : memref<!tpu.dma_semaphore, #tpu.memory_space<semaphore_mem>>)
    %add3A_23 = arith.constant 1 : i32
    %add3A_24 = arith.addi %mul3A_2, %add3A_23 : i32
    %dma_start3A_25 = arith.constant 1 : i32
    %dma_start3A_26 = arith.constant 0 : i32
    %dma_start3A_27 = arith.constant 0 : i32
    %dma_start3A_28 = tpu.memref_slice %arg7[%dma_start3A_25, %dma_start3A_26, %dma_start3A_27] : memref<2x128x128xf32, #tpu.memory_space<vmem>> -> memref<1x128x128xf32, #tpu.memory_space<vmem>>
    %dma_start3A_29 = tpu.memref_squeeze %dma_start3A_28 : memref<1x128x128xf32, #tpu.memory_space<vmem>> -> memref<128x128xf32, #tpu.memory_space<vmem>>
    %dma_start3A_30 = arith.constant 0 : i32
    %dma_start3A_31 = arith.constant 0 : i32
    %dma_start3A_32 = tpu.memref_slice %arg2[%add3A_24, %dma_start3A_30, %dma_start3A_31] : memref<1280x128x128xf32, #tpu.memory_space<hbm>> -> memref<1x128x128xf32, #tpu.memory_space<hbm>>
    %dma_start3A_33 = tpu.memref_squeeze %dma_start3A_32 : memref<1x128x128xf32, #tpu.memory_space<hbm>> -> memref<128x128xf32, #tpu.memory_space<hbm>>
    %dma_start3A_34 = arith.constant 0 : i32
    %dma_start3A_35 = arith.constant 0 : i32
    %dma_start3A_36 = tpu.memref_slice %arg7[%dma_start3A_25, %dma_start3A_34, %dma_start3A_35] : memref<2x128x128xf32, #tpu.memory_space<vmem>> -> memref<1x128x128xf32, #tpu.memory_space<vmem>>
    %dma_start3A_37 = tpu.memref_squeeze %dma_start3A_36 : memref<1x128x128xf32, #tpu.memory_space<vmem>> -> memref<128x128xf32, #tpu.memory_space<vmem>>
    %dma_start3A_38 = arith.constant 0 : i32
    %dma_start3A_39 = arith.constant 0 : i32
    %dma_start3A_40 = tpu.memref_slice %arg2[%add3A_24, %dma_start3A_38, %dma_start3A_39] : memref<1280x128x128xf32, #tpu.memory_space<hbm>> -> memref<1x128x128xf32, #tpu.memory_space<hbm>>
    %dma_start3A_41 = tpu.memref_squeeze %dma_start3A_40 : memref<1x128x128xf32, #tpu.memory_space<hbm>> -> memref<128x128xf32, #tpu.memory_space<hbm>>
    tpu.enqueue_dma source(%dma_start3A_41 : memref<128x128xf32, #tpu.memory_space<hbm>>) target(%dma_start3A_37 : memref<128x128xf32, #tpu.memory_space<vmem>>) target_semaphore(%arg10 : memref<!tpu.dma_semaphore, #tpu.memory_space<semaphore_mem>>)
    %scan3A = arith.constant 0 : i32
    %scan3A_42 = arith.constant 0 : i32
    %scan3A_43 = arith.constant 20 : i32
    %scan3A_44 = arith.addi %scan3A_42, %scan3A_43 : i32
    %scan3A_45 = arith.constant 1 : i32
    scf.for %scan3A_59 = %scan3A_42 to %scan3A_44 step %scan3A_45  : i32 {
      %mul3A_60 = arith.constant 2 : i32
      %mul3A_61 = arith.muli %mul3A_60, %scan3A_59 : i32
      %dma_wait3A_62 = arith.constant 0 : i32
      %dma_wait3A_63 = arith.constant 0 : i32
      %dma_wait3A_64 = arith.constant 0 : i32
      %dma_wait3A_65 = tpu.memref_slice %arg7[%dma_wait3A_62, %dma_wait3A_63, %dma_wait3A_64] : memref<2x128x128xf32, #tpu.memory_space<vmem>> -> memref<1x128x128xf32, #tpu.memory_space<vmem>>
      %dma_wait3A_66 = tpu.memref_squeeze %dma_wait3A_65 : memref<1x128x128xf32, #tpu.memory_space<vmem>> -> memref<128x128xf32, #tpu.memory_space<vmem>>
      %dma_wait3A_67 = arith.constant 0 : i32
      %dma_wait3A_68 = arith.constant 0 : i32
      %dma_wait3A_69 = tpu.memref_slice %arg2[%mul3A_2, %dma_wait3A_67, %dma_wait3A_68] : memref<1280x128x128xf32, #tpu.memory_space<hbm>> -> memref<1x128x128xf32, #tpu.memory_space<hbm>>
      %dma_wait3A_70 = tpu.memref_squeeze %dma_wait3A_69 : memref<1x128x128xf32, #tpu.memory_space<hbm>> -> memref<128x128xf32, #tpu.memory_space<hbm>>
      %dma_wait3A_71 = arith.constant 0 : i32
      %dma_wait3A_72 = arith.constant 0 : i32
      %dma_wait3A_73 = tpu.memref_slice %arg7[%dma_wait3A_62, %dma_wait3A_71, %dma_wait3A_72] : memref<2x128x128xf32, #tpu.memory_space<vmem>> -> memref<1x128x128xf32, #tpu.memory_space<vmem>>
      %dma_wait3A_74 = tpu.memref_squeeze %dma_wait3A_73 : memref<1x128x128xf32, #tpu.memory_space<vmem>> -> memref<128x128xf32, #tpu.memory_space<vmem>>
      %dma_wait3A_75 = arith.constant 0 : i32
      %dma_wait3A_76 = arith.constant 0 : i32
      %dma_wait3A_77 = tpu.memref_slice %arg2[%mul3A_2, %dma_wait3A_75, %dma_wait3A_76] : memref<1280x128x128xf32, #tpu.memory_space<hbm>> -> memref<1x128x128xf32, #tpu.memory_space<hbm>>
      %dma_wait3A_78 = tpu.memref_squeeze %dma_wait3A_77 : memref<1x128x128xf32, #tpu.memory_space<hbm>> -> memref<128x128xf32, #tpu.memory_space<hbm>>
      tpu.wait_dma2 semaphore(%arg9 : memref<!tpu.dma_semaphore, #tpu.memory_space<semaphore_mem>>) src(%dma_wait3A_78 : memref<128x128xf32, #tpu.memory_space<hbm>>) dst(%dma_wait3A_74 : memref<128x128xf32, #tpu.memory_space<vmem>>)
      %dma_start3A_79 = arith.constant 0 : i32
      %dma_start3A_80 = arith.constant 0 : i32
      %dma_start3A_81 = arith.constant 0 : i32
      %dma_start3A_82 = tpu.memref_slice %arg7[%dma_start3A_79, %dma_start3A_80, %dma_start3A_81] : memref<2x128x128xf32, #tpu.memory_space<vmem>> -> memref<1x128x128xf32, #tpu.memory_space<vmem>>
      %dma_start3A_83 = tpu.memref_squeeze %dma_start3A_82 : memref<1x128x128xf32, #tpu.memory_space<vmem>> -> memref<128x128xf32, #tpu.memory_space<vmem>>
      %dma_start3A_84 = arith.constant 0 : i32
      %dma_start3A_85 = tpu.memref_slice %arg6[%mul3A_61, %dma_start3A_84] : memref<40x128xi32, #tpu.memory_space<vmem>> -> memref<1x128xi32, #tpu.memory_space<vmem>>
      %dma_start3A_86 = tpu.memref_squeeze %dma_start3A_85 : memref<1x128xi32, #tpu.memory_space<vmem>> -> memref<128xi32, #tpu.memory_space<vmem>>
      %dma_start3A_87 = arith.constant 0 : i32
      %dma_start3A_88 = arith.constant 0 : i32
      %dma_start3A_89 = tpu.memref_slice %arg8[%dma_start3A_87, %dma_start3A_88] : memref<10112x128xf32, #tpu.memory_space<vmem_shared>> -> memref<10112x128xf32, #tpu.memory_space<vmem_shared>>
      tpu.enqueue_indirect_dma source(%dma_start3A_83 : memref<128x128xf32, #tpu.memory_space<vmem>>) target(%dma_start3A_89 : memref<10112x128xf32, #tpu.memory_space<vmem_shared>>) offsets(%dma_start3A_86 : memref<128xi32, #tpu.memory_space<vmem>>) semaphore(%arg11 : memref<!tpu.dma_semaphore, #tpu.memory_space<semaphore_mem>>) {add = true}
      %gt3A = arith.constant 0 : i32
      %gt3A_90 = arith.cmpi sgt, %scan3A_59, %gt3A : i32
      %convert_element_type3A = arith.extui %gt3A_90 : i1 to i32
      %cond3A = arith.constant 0 : i32
      %cond3A_91 = arith.cmpi ne, %convert_element_type3A, %cond3A : i32
      scf.if %cond3A_91 {
        %dma_wait3A_143 = arith.constant 1 : i32
        %dma_wait3A_144 = arith.constant 0 : i32
        %dma_wait3A_145 = arith.constant 0 : i32
        %dma_wait3A_146 = arith.constant 0 : i32
        %dma_wait3A_147 = tpu.memref_slice %arg7[%dma_wait3A_143, %dma_wait3A_145, %dma_wait3A_146] : memref<2x128x128xf32, #tpu.memory_space<vmem>> -> memref<1x128x128xf32, #tpu.memory_space<vmem>>
        %dma_wait3A_148 = tpu.memref_squeeze %dma_wait3A_147 : memref<1x128x128xf32, #tpu.memory_space<vmem>> -> memref<128x128xf32, #tpu.memory_space<vmem>>
        %dma_wait3A_149 = arith.constant 0 : i32
        %dma_wait3A_150 = tpu.memref_slice %arg6[%dma_wait3A_144, %dma_wait3A_149] : memref<40x128xi32, #tpu.memory_space<vmem>> -> memref<1x128xi32, #tpu.memory_space<vmem>>
        %dma_wait3A_151 = tpu.memref_squeeze %dma_wait3A_150 : memref<1x128xi32, #tpu.memory_space<vmem>> -> memref<128xi32, #tpu.memory_space<vmem>>
        %dma_wait3A_152 = arith.constant 0 : i32
        %dma_wait3A_153 = arith.constant 0 : i32
        %dma_wait3A_154 = tpu.memref_slice %arg8[%dma_wait3A_152, %dma_wait3A_153] : memref<10112x128xf32, #tpu.memory_space<vmem_shared>> -> memref<10112x128xf32, #tpu.memory_space<vmem_shared>>
        tpu.wait_indirect_dma semaphore(%arg12 : memref<!tpu.dma_semaphore, #tpu.memory_space<semaphore_mem>>) src(%dma_wait3A_148 : memref<128x128xf32, #tpu.memory_space<vmem>>) dst(%dma_wait3A_154 : memref<10112x128xf32, #tpu.memory_space<vmem_shared>>)
      } else {
      }
      %gt3A_92 = arith.constant 0 : i32
      %gt3A_93 = arith.cmpi sgt, %scan3A_59, %gt3A_92 : i32
      %convert_element_type3A_94 = arith.extui %gt3A_93 : i1 to i32
      %cond3A_95 = arith.constant 0 : i32
      %cond3A_96 = arith.cmpi ne, %convert_element_type3A_94, %cond3A_95 : i32
      scf.if %cond3A_96 {
        %add3A_143 = arith.constant 1 : i32
        %add3A_144 = arith.addi %mul3A_61, %add3A_143 : i32
        %add3A_145 = arith.addi %mul3A_2, %add3A_144 : i32
        %dma_start3A_146 = arith.constant 1 : i32
        %dma_start3A_147 = arith.constant 0 : i32
        %dma_start3A_148 = arith.constant 0 : i32
        %dma_start3A_149 = tpu.memref_slice %arg7[%dma_start3A_146, %dma_start3A_147, %dma_start3A_148] : memref<2x128x128xf32, #tpu.memory_space<vmem>> -> memref<1x128x128xf32, #tpu.memory_space<vmem>>
        %dma_start3A_150 = tpu.memref_squeeze %dma_start3A_149 : memref<1x128x128xf32, #tpu.memory_space<vmem>> -> memref<128x128xf32, #tpu.memory_space<vmem>>
        %dma_start3A_151 = arith.constant 0 : i32
        %dma_start3A_152 = arith.constant 0 : i32
        %dma_start3A_153 = tpu.memref_slice %arg2[%add3A_145, %dma_start3A_151, %dma_start3A_152] : memref<1280x128x128xf32, #tpu.memory_space<hbm>> -> memref<1x128x128xf32, #tpu.memory_space<hbm>>
        %dma_start3A_154 = tpu.memref_squeeze %dma_start3A_153 : memref<1x128x128xf32, #tpu.memory_space<hbm>> -> memref<128x128xf32, #tpu.memory_space<hbm>>
        %dma_start3A_155 = arith.constant 0 : i32
        %dma_start3A_156 = arith.constant 0 : i32
        %dma_start3A_157 = tpu.memref_slice %arg7[%dma_start3A_146, %dma_start3A_155, %dma_start3A_156] : memref<2x128x128xf32, #tpu.memory_space<vmem>> -> memref<1x128x128xf32, #tpu.memory_space<vmem>>
        %dma_start3A_158 = tpu.memref_squeeze %dma_start3A_157 : memref<1x128x128xf32, #tpu.memory_space<vmem>> -> memref<128x128xf32, #tpu.memory_space<vmem>>
        %dma_start3A_159 = arith.constant 0 : i32
        %dma_start3A_160 = arith.constant 0 : i32
        %dma_start3A_161 = tpu.memref_slice %arg2[%add3A_145, %dma_start3A_159, %dma_start3A_160] : memref<1280x128x128xf32, #tpu.memory_space<hbm>> -> memref<1x128x128xf32, #tpu.memory_space<hbm>>
        %dma_start3A_162 = tpu.memref_squeeze %dma_start3A_161 : memref<1x128x128xf32, #tpu.memory_space<hbm>> -> memref<128x128xf32, #tpu.memory_space<hbm>>
        tpu.enqueue_dma source(%dma_start3A_162 : memref<128x128xf32, #tpu.memory_space<hbm>>) target(%dma_start3A_158 : memref<128x128xf32, #tpu.memory_space<vmem>>) target_semaphore(%arg10 : memref<!tpu.dma_semaphore, #tpu.memory_space<semaphore_mem>>)
      } else {
      }
      %dma_wait3A_97 = arith.constant 1 : i32
      %dma_wait3A_98 = arith.constant 0 : i32
      %dma_wait3A_99 = arith.constant 0 : i32
      %dma_wait3A_100 = tpu.memref_slice %arg7[%dma_wait3A_97, %dma_wait3A_98, %dma_wait3A_99] : memref<2x128x128xf32, #tpu.memory_space<vmem>> -> memref<1x128x128xf32, #tpu.memory_space<vmem>>
      %dma_wait3A_101 = tpu.memref_squeeze %dma_wait3A_100 : memref<1x128x128xf32, #tpu.memory_space<vmem>> -> memref<128x128xf32, #tpu.memory_space<vmem>>
      %dma_wait3A_102 = arith.constant 0 : i32
      %dma_wait3A_103 = arith.constant 0 : i32
      %dma_wait3A_104 = tpu.memref_slice %arg2[%mul3A_2, %dma_wait3A_102, %dma_wait3A_103] : memref<1280x128x128xf32, #tpu.memory_space<hbm>> -> memref<1x128x128xf32, #tpu.memory_space<hbm>>
      %dma_wait3A_105 = tpu.memref_squeeze %dma_wait3A_104 : memref<1x128x128xf32, #tpu.memory_space<hbm>> -> memref<128x128xf32, #tpu.memory_space<hbm>>
      %dma_wait3A_106 = arith.constant 0 : i32
      %dma_wait3A_107 = arith.constant 0 : i32
      %dma_wait3A_108 = tpu.memref_slice %arg7[%dma_wait3A_97, %dma_wait3A_106, %dma_wait3A_107] : memref<2x128x128xf32, #tpu.memory_space<vmem>> -> memref<1x128x128xf32, #tpu.memory_space<vmem>>
      %dma_wait3A_109 = tpu.memref_squeeze %dma_wait3A_108 : memref<1x128x128xf32, #tpu.memory_space<vmem>> -> memref<128x128xf32, #tpu.memory_space<vmem>>
      %dma_wait3A_110 = arith.constant 0 : i32
      %dma_wait3A_111 = arith.constant 0 : i32
      %dma_wait3A_112 = tpu.memref_slice %arg2[%mul3A_2, %dma_wait3A_110, %dma_wait3A_111] : memref<1280x128x128xf32, #tpu.memory_space<hbm>> -> memref<1x128x128xf32, #tpu.memory_space<hbm>>
      %dma_wait3A_113 = tpu.memref_squeeze %dma_wait3A_112 : memref<1x128x128xf32, #tpu.memory_space<hbm>> -> memref<128x128xf32, #tpu.memory_space<hbm>>
      tpu.wait_dma2 semaphore(%arg10 : memref<!tpu.dma_semaphore, #tpu.memory_space<semaphore_mem>>) src(%dma_wait3A_113 : memref<128x128xf32, #tpu.memory_space<hbm>>) dst(%dma_wait3A_109 : memref<128x128xf32, #tpu.memory_space<vmem>>)
      %add3A_114 = arith.constant 1 : i32
      %add3A_115 = arith.addi %mul3A_61, %add3A_114 : i32
      %dma_start3A_116 = arith.constant 1 : i32
      %dma_start3A_117 = arith.constant 0 : i32
      %dma_start3A_118 = arith.constant 0 : i32
      %dma_start3A_119 = tpu.memref_slice %arg7[%dma_start3A_116, %dma_start3A_117, %dma_start3A_118] : memref<2x128x128xf32, #tpu.memory_space<vmem>> -> memref<1x128x128xf32, #tpu.memory_space<vmem>>
      %dma_start3A_120 = tpu.memref_squeeze %dma_start3A_119 : memref<1x128x128xf32, #tpu.memory_space<vmem>> -> memref<128x128xf32, #tpu.memory_space<vmem>>
      %dma_start3A_121 = arith.constant 0 : i32
      %dma_start3A_122 = tpu.memref_slice %arg6[%add3A_115, %dma_start3A_121] : memref<40x128xi32, #tpu.memory_space<vmem>> -> memref<1x128xi32, #tpu.memory_space<vmem>>
      %dma_start3A_123 = tpu.memref_squeeze %dma_start3A_122 : memref<1x128xi32, #tpu.memory_space<vmem>> -> memref<128xi32, #tpu.memory_space<vmem>>
      %dma_start3A_124 = arith.constant 0 : i32
      %dma_start3A_125 = arith.constant 0 : i32
      %dma_start3A_126 = tpu.memref_slice %arg8[%dma_start3A_124, %dma_start3A_125] : memref<10112x128xf32, #tpu.memory_space<vmem_shared>> -> memref<10112x128xf32, #tpu.memory_space<vmem_shared>>
      tpu.enqueue_indirect_dma source(%dma_start3A_120 : memref<128x128xf32, #tpu.memory_space<vmem>>) target(%dma_start3A_126 : memref<10112x128xf32, #tpu.memory_space<vmem_shared>>) offsets(%dma_start3A_123 : memref<128xi32, #tpu.memory_space<vmem>>) semaphore(%arg12 : memref<!tpu.dma_semaphore, #tpu.memory_space<semaphore_mem>>) {add = true}
      %dma_wait3A_127 = arith.constant 0 : i32
      %dma_wait3A_128 = arith.constant 0 : i32
      %dma_wait3A_129 = arith.constant 0 : i32
      %dma_wait3A_130 = arith.constant 0 : i32
      %dma_wait3A_131 = tpu.memref_slice %arg7[%dma_wait3A_127, %dma_wait3A_129, %dma_wait3A_130] : memref<2x128x128xf32, #tpu.memory_space<vmem>> -> memref<1x128x128xf32, #tpu.memory_space<vmem>>
      %dma_wait3A_132 = tpu.memref_squeeze %dma_wait3A_131 : memref<1x128x128xf32, #tpu.memory_space<vmem>> -> memref<128x128xf32, #tpu.memory_space<vmem>>
      %dma_wait3A_133 = arith.constant 0 : i32
      %dma_wait3A_134 = tpu.memref_slice %arg6[%dma_wait3A_128, %dma_wait3A_133] : memref<40x128xi32, #tpu.memory_space<vmem>> -> memref<1x128xi32, #tpu.memory_space<vmem>>
      %dma_wait3A_135 = tpu.memref_squeeze %dma_wait3A_134 : memref<1x128xi32, #tpu.memory_space<vmem>> -> memref<128xi32, #tpu.memory_space<vmem>>
      %dma_wait3A_136 = arith.constant 0 : i32
      %dma_wait3A_137 = arith.constant 0 : i32
      %dma_wait3A_138 = tpu.memref_slice %arg8[%dma_wait3A_136, %dma_wait3A_137] : memref<10112x128xf32, #tpu.memory_space<vmem_shared>> -> memref<10112x128xf32, #tpu.memory_space<vmem_shared>>
      tpu.wait_indirect_dma semaphore(%arg11 : memref<!tpu.dma_semaphore, #tpu.memory_space<semaphore_mem>>) src(%dma_wait3A_132 : memref<128x128xf32, #tpu.memory_space<vmem>>) dst(%dma_wait3A_138 : memref<10112x128xf32, #tpu.memory_space<vmem_shared>>)
      %lt3A = arith.constant 19 : i32
      %lt3A_139 = arith.cmpi slt, %scan3A_59, %lt3A : i32
      %convert_element_type3A_140 = arith.extui %lt3A_139 : i1 to i32
      %cond3A_141 = arith.constant 0 : i32
      %cond3A_142 = arith.cmpi ne, %convert_element_type3A_140, %cond3A_141 : i32
      scf.if %cond3A_142 {
        %add3A_143 = arith.constant 2 : i32
        %add3A_144 = arith.addi %mul3A_61, %add3A_143 : i32
        %add3A_145 = arith.addi %mul3A_2, %add3A_144 : i32
        %dma_start3A_146 = arith.constant 0 : i32
        %dma_start3A_147 = arith.constant 0 : i32
        %dma_start3A_148 = arith.constant 0 : i32
        %dma_start3A_149 = tpu.memref_slice %arg7[%dma_start3A_146, %dma_start3A_147, %dma_start3A_148] : memref<2x128x128xf32, #tpu.memory_space<vmem>> -> memref<1x128x128xf32, #tpu.memory_space<vmem>>
        %dma_start3A_150 = tpu.memref_squeeze %dma_start3A_149 : memref<1x128x128xf32, #tpu.memory_space<vmem>> -> memref<128x128xf32, #tpu.memory_space<vmem>>
        %dma_start3A_151 = arith.constant 0 : i32
        %dma_start3A_152 = arith.constant 0 : i32
        %dma_start3A_153 = tpu.memref_slice %arg2[%add3A_145, %dma_start3A_151, %dma_start3A_152] : memref<1280x128x128xf32, #tpu.memory_space<hbm>> -> memref<1x128x128xf32, #tpu.memory_space<hbm>>
        %dma_start3A_154 = tpu.memref_squeeze %dma_start3A_153 : memref<1x128x128xf32, #tpu.memory_space<hbm>> -> memref<128x128xf32, #tpu.memory_space<hbm>>
        %dma_start3A_155 = arith.constant 0 : i32
        %dma_start3A_156 = arith.constant 0 : i32
        %dma_start3A_157 = tpu.memref_slice %arg7[%dma_start3A_146, %dma_start3A_155, %dma_start3A_156] : memref<2x128x128xf32, #tpu.memory_space<vmem>> -> memref<1x128x128xf32, #tpu.memory_space<vmem>>
        %dma_start3A_158 = tpu.memref_squeeze %dma_start3A_157 : memref<1x128x128xf32, #tpu.memory_space<vmem>> -> memref<128x128xf32, #tpu.memory_space<vmem>>
        %dma_start3A_159 = arith.constant 0 : i32
        %dma_start3A_160 = arith.constant 0 : i32
        %dma_start3A_161 = tpu.memref_slice %arg2[%add3A_145, %dma_start3A_159, %dma_start3A_160] : memref<1280x128x128xf32, #tpu.memory_space<hbm>> -> memref<1x128x128xf32, #tpu.memory_space<hbm>>
        %dma_start3A_162 = tpu.memref_squeeze %dma_start3A_161 : memref<1x128x128xf32, #tpu.memory_space<hbm>> -> memref<128x128xf32, #tpu.memory_space<hbm>>
        tpu.enqueue_dma source(%dma_start3A_162 : memref<128x128xf32, #tpu.memory_space<hbm>>) target(%dma_start3A_158 : memref<128x128xf32, #tpu.memory_space<vmem>>) target_semaphore(%arg9 : memref<!tpu.dma_semaphore, #tpu.memory_space<semaphore_mem>>)
      } else {
      }
    }
    %scan3A_46 = arith.constant 20 : i32
    %dma_wait3A = arith.constant 1 : i32
    %dma_wait3A_47 = arith.constant 0 : i32
    %dma_wait3A_48 = arith.constant 0 : i32
    %dma_wait3A_49 = arith.constant 0 : i32
    %dma_wait3A_50 = tpu.memref_slice %arg7[%dma_wait3A, %dma_wait3A_48, %dma_wait3A_49] : memref<2x128x128xf32, #tpu.memory_space<vmem>> -> memref<1x128x128xf32, #tpu.memory_space<vmem>>
    %dma_wait3A_51 = tpu.memref_squeeze %dma_wait3A_50 : memref<1x128x128xf32, #tpu.memory_space<vmem>> -> memref<128x128xf32, #tpu.memory_space<vmem>>
    %dma_wait3A_52 = arith.constant 0 : i32
    %dma_wait3A_53 = tpu.memref_slice %arg6[%dma_wait3A_47, %dma_wait3A_52] : memref<40x128xi32, #tpu.memory_space<vmem>> -> memref<1x128xi32, #tpu.memory_space<vmem>>
    %dma_wait3A_54 = tpu.memref_squeeze %dma_wait3A_53 : memref<1x128xi32, #tpu.memory_space<vmem>> -> memref<128xi32, #tpu.memory_space<vmem>>
    %dma_wait3A_55 = arith.constant 0 : i32
    %dma_wait3A_56 = arith.constant 0 : i32
    %dma_wait3A_57 = tpu.memref_slice %arg8[%dma_wait3A_55, %dma_wait3A_56] : memref<10112x128xf32, #tpu.memory_space<vmem_shared>> -> memref<10112x128xf32, #tpu.memory_space<vmem_shared>>
    tpu.wait_indirect_dma semaphore(%arg12 : memref<!tpu.dma_semaphore, #tpu.memory_space<semaphore_mem>>) src(%dma_wait3A_51 : memref<128x128xf32, #tpu.memory_space<vmem>>) dst(%dma_wait3A_57 : memref<10112x128xf32, #tpu.memory_space<vmem_shared>>)
    %barrier3A_58 = arith.constant 0 : index
    tpu.barrier barrier_id(%barrier3A_58)
    "tpu.region"() ({
      %run_scoped3A = tpu.sem_alloc : memref<!tpu.dma_semaphore, #tpu.memory_space<semaphore_mem>>
      %dma_start3A_59 = arith.constant 0 : i32
      %dma_start3A_60 = tpu.memref_slice %arg5[%arg0, %mul3A_4, %dma_start3A_59] : memref<2x10112x128xf32, #tpu.memory_space<hbm>> -> memref<1x632x128xf32, #tpu.memory_space<hbm>>
      %dma_start3A_61 = tpu.memref_squeeze %dma_start3A_60 : memref<1x632x128xf32, #tpu.memory_space<hbm>> -> memref<632x128xf32, #tpu.memory_space<hbm>>
      %dma_start3A_62 = arith.constant 0 : i32
      %dma_start3A_63 = tpu.memref_slice %arg8[%mul3A_4, %dma_start3A_62] : memref<10112x128xf32, #tpu.memory_space<vmem_shared>> -> memref<632x128xf32, #tpu.memory_space<vmem_shared>>
      tpu.enqueue_dma source(%dma_start3A_63 : memref<632x128xf32, #tpu.memory_space<vmem_shared>>) target(%dma_start3A_61 : memref<632x128xf32, #tpu.memory_space<hbm>>) target_semaphore(%run_scoped3A : memref<!tpu.dma_semaphore, #tpu.memory_space<semaphore_mem>>)
      %dma_wait3A_64 = arith.constant 0 : i32
      %dma_wait3A_65 = tpu.memref_slice %arg5[%arg0, %mul3A_4, %dma_wait3A_64] : memref<2x10112x128xf32, #tpu.memory_space<hbm>> -> memref<1x632x128xf32, #tpu.memory_space<hbm>>
      %dma_wait3A_66 = tpu.memref_squeeze %dma_wait3A_65 : memref<1x632x128xf32, #tpu.memory_space<hbm>> -> memref<632x128xf32, #tpu.memory_space<hbm>>
      %dma_wait3A_67 = arith.constant 0 : i32
      %dma_wait3A_68 = tpu.memref_slice %arg8[%mul3A_4, %dma_wait3A_67] : memref<10112x128xf32, #tpu.memory_space<vmem_shared>> -> memref<632x128xf32, #tpu.memory_space<vmem_shared>>
      tpu.wait_dma2 semaphore(%run_scoped3A : memref<!tpu.dma_semaphore, #tpu.memory_space<semaphore_mem>>) src(%dma_wait3A_68 : memref<632x128xf32, #tpu.memory_space<vmem_shared>>) dst(%dma_wait3A_66 : memref<632x128xf32, #tpu.memory_space<hbm>>)
      tpu.yield
    }) : () -> ()
    return
  }
}

#map = affine_map<(d0, d1) -> (0, 0, 0)>
#map1 = affine_map<(d0, d1) -> (0, 0)>
module attributes {stable_mosaic.version = 14 : i64} {
  func.func @scatter_k(%arg0: i32, %arg1: i32, %arg2: memref<1280x128x128xf32, #tpu.memory_space<hbm>>, %arg3: memref<32x40x128xi32, #tpu.memory_space<hbm>>, %arg4: memref<10112x128xf32, #tpu.memory_space<hbm>>, %arg5: memref<2x10112x128xf32, #tpu.memory_space<hbm>>, %arg6: memref<40x128xi32, #tpu.memory_space<vmem>>, %arg7: memref<2x128x128xf32, #tpu.memory_space<vmem>>, %arg8: memref<10112x128xf32, #tpu.memory_space<vmem_shared>>, %arg9: memref<!tpu.dma_semaphore, #tpu.memory_space<semaphore_mem>>, %arg10: memref<!tpu.dma_semaphore, #tpu.memory_space<semaphore_mem>>, %arg11: memref<!tpu.dma_semaphore, #tpu.memory_space<semaphore_mem>>, %arg12: memref<!tpu.dma_semaphore, #tpu.memory_space<semaphore_mem>>) attributes {dimension_semantics = [#tpu.dimension_semantics<core_parallel>, #tpu.dimension_semantics<subcore_parallel>], iteration_bounds = array<i64: 2, 16>, scalar_prefetch = 0 : i64, scratch_operands = 7 : i64, tpu.core_type = #tpu.core_type<sc_vector_subcore>, window_params = [{transform_indices = #map}, {transform_indices = #map}, {transform_indices = #map1}, {transform_indices = #map}]} {
    %mul3A = arith.constant 2 : i32
    %mul3A_0 = arith.muli %arg1, %mul3A : i32
    %add3A = arith.addi %mul3A_0, %arg0 : i32
    %mul3A_1 = arith.constant 40 : i32
    %mul3A_2 = arith.muli %add3A, %mul3A_1 : i32
    %mul3A_3 = arith.constant 632 : i32
    %mul3A_4 = arith.muli %arg1, %mul3A_3 : i32
    "tpu.region"() ({
      %run_scoped3A = tpu.sem_alloc : memref<!tpu.dma_semaphore, #tpu.memory_space<semaphore_mem>>
      %dma_start3A_59 = arith.constant 0 : i32
      %dma_start3A_60 = tpu.memref_slice %arg8[%mul3A_4, %dma_start3A_59] : memref<10112x128xf32, #tpu.memory_space<vmem_shared>> -> memref<632x128xf32, #tpu.memory_space<vmem_shared>>
      %dma_start3A_61 = arith.constant 0 : i32
      %dma_start3A_62 = tpu.memref_slice %arg4[%mul3A_4, %dma_start3A_61] : memref<10112x128xf32, #tpu.memory_space<hbm>> -> memref<632x128xf32, #tpu.memory_space<hbm>>
      tpu.enqueue_dma source(%dma_start3A_62 : memref<632x128xf32, #tpu.memory_space<hbm>>) target(%dma_start3A_60 : memref<632x128xf32, #tpu.memory_space<vmem_shared>>) target_semaphore(%run_scoped3A : memref<!tpu.dma_semaphore, #tpu.memory_space<semaphore_mem>>)
      %dma_wait3A_63 = arith.constant 0 : i32
      %dma_wait3A_64 = tpu.memref_slice %arg8[%mul3A_4, %dma_wait3A_63] : memref<10112x128xf32, #tpu.memory_space<vmem_shared>> -> memref<632x128xf32, #tpu.memory_space<vmem_shared>>
      %dma_wait3A_65 = arith.constant 0 : i32
      %dma_wait3A_66 = tpu.memref_slice %arg4[%mul3A_4, %dma_wait3A_65] : memref<10112x128xf32, #tpu.memory_space<hbm>> -> memref<632x128xf32, #tpu.memory_space<hbm>>
      tpu.wait_dma2 semaphore(%run_scoped3A : memref<!tpu.dma_semaphore, #tpu.memory_space<semaphore_mem>>) src(%dma_wait3A_66 : memref<632x128xf32, #tpu.memory_space<hbm>>) dst(%dma_wait3A_64 : memref<632x128xf32, #tpu.memory_space<vmem_shared>>)
      tpu.yield
    }) : () -> ()
    "tpu.region"() ({
      %run_scoped3A = tpu.sem_alloc : memref<!tpu.dma_semaphore, #tpu.memory_space<semaphore_mem>>
      %dma_start3A_59 = arith.constant 0 : i32
      %dma_start3A_60 = arith.constant 0 : i32
      %dma_start3A_61 = tpu.memref_slice %arg3[%add3A, %dma_start3A_59, %dma_start3A_60] : memref<32x40x128xi32, #tpu.memory_space<hbm>> -> memref<1x40x128xi32, #tpu.memory_space<hbm>>
      %dma_start3A_62 = tpu.memref_squeeze %dma_start3A_61 : memref<1x40x128xi32, #tpu.memory_space<hbm>> -> memref<40x128xi32, #tpu.memory_space<hbm>>
      %dma_start3A_63 = arith.constant 0 : i32
      %dma_start3A_64 = arith.constant 0 : i32
      %dma_start3A_65 = tpu.memref_slice %arg3[%add3A, %dma_start3A_63, %dma_start3A_64] : memref<32x40x128xi32, #tpu.memory_space<hbm>> -> memref<1x40x128xi32, #tpu.memory_space<hbm>>
      %dma_start3A_66 = tpu.memref_squeeze %dma_start3A_65 : memref<1x40x128xi32, #tpu.memory_space<hbm>> -> memref<40x128xi32, #tpu.memory_space<hbm>>
      tpu.enqueue_dma source(%dma_start3A_66 : memref<40x128xi32, #tpu.memory_space<hbm>>) target(%arg6 : memref<40x128xi32, #tpu.memory_space<vmem>>) target_semaphore(%run_scoped3A : memref<!tpu.dma_semaphore, #tpu.memory_space<semaphore_mem>>)
      %dma_wait3A_67 = arith.constant 0 : i32
      %dma_wait3A_68 = arith.constant 0 : i32
      %dma_wait3A_69 = tpu.memref_slice %arg3[%add3A, %dma_wait3A_67, %dma_wait3A_68] : memref<32x40x128xi32, #tpu.memory_space<hbm>> -> memref<1x40x128xi32, #tpu.memory_space<hbm>>
      %dma_wait3A_70 = tpu.memref_squeeze %dma_wait3A_69 : memref<1x40x128xi32, #tpu.memory_space<hbm>> -> memref<40x128xi32, #tpu.memory_space<hbm>>
      %dma_wait3A_71 = arith.constant 0 : i32
      %dma_wait3A_72 = arith.constant 0 : i32
      %dma_wait3A_73 = tpu.memref_slice %arg3[%add3A, %dma_wait3A_71, %dma_wait3A_72] : memref<32x40x128xi32, #tpu.memory_space<hbm>> -> memref<1x40x128xi32, #tpu.memory_space<hbm>>
      %dma_wait3A_74 = tpu.memref_squeeze %dma_wait3A_73 : memref<1x40x128xi32, #tpu.memory_space<hbm>> -> memref<40x128xi32, #tpu.memory_space<hbm>>
      tpu.wait_dma2 semaphore(%run_scoped3A : memref<!tpu.dma_semaphore, #tpu.memory_space<semaphore_mem>>) src(%dma_wait3A_74 : memref<40x128xi32, #tpu.memory_space<hbm>>) dst(%arg6 : memref<40x128xi32, #tpu.memory_space<vmem>>)
      tpu.yield
    }) : () -> ()
    %barrier3A = arith.constant 0 : index
    tpu.barrier barrier_id(%barrier3A)
    %add3A_5 = arith.constant 0 : i32
    %add3A_6 = arith.addi %mul3A_2, %add3A_5 : i32
    %dma_start3A = arith.constant 0 : i32
    %dma_start3A_7 = arith.constant 0 : i32
    %dma_start3A_8 = arith.constant 0 : i32
    %dma_start3A_9 = tpu.memref_slice %arg7[%dma_start3A, %dma_start3A_7, %dma_start3A_8] : memref<2x128x128xf32, #tpu.memory_space<vmem>> -> memref<1x128x128xf32, #tpu.memory_space<vmem>>
    %dma_start3A_10 = tpu.memref_squeeze %dma_start3A_9 : memref<1x128x128xf32, #tpu.memory_space<vmem>> -> memref<128x128xf32, #tpu.memory_space<vmem>>
    %dma_start3A_11 = arith.constant 0 : i32
    %dma_start3A_12 = arith.constant 0 : i32
    %dma_start3A_13 = tpu.memref_slice %arg2[%add3A_6, %dma_start3A_11, %dma_start3A_12] : memref<1280x128x128xf32, #tpu.memory_space<hbm>> -> memref<1x128x128xf32, #tpu.memory_space<hbm>>
    %dma_start3A_14 = tpu.memref_squeeze %dma_start3A_13 : memref<1x128x128xf32, #tpu.memory_space<hbm>> -> memref<128x128xf32, #tpu.memory_space<hbm>>
    %dma_start3A_15 = arith.constant 0 : i32
    %dma_start3A_16 = arith.constant 0 : i32
    %dma_start3A_17 = tpu.memref_slice %arg7[%dma_start3A, %dma_start3A_15, %dma_start3A_16] : memref<2x128x128xf32, #tpu.memory_space<vmem>> -> memref<1x128x128xf32, #tpu.memory_space<vmem>>
    %dma_start3A_18 = tpu.memref_squeeze %dma_start3A_17 : memref<1x128x128xf32, #tpu.memory_space<vmem>> -> memref<128x128xf32, #tpu.memory_space<vmem>>
    %dma_start3A_19 = arith.constant 0 : i32
    %dma_start3A_20 = arith.constant 0 : i32
    %dma_start3A_21 = tpu.memref_slice %arg2[%add3A_6, %dma_start3A_19, %dma_start3A_20] : memref<1280x128x128xf32, #tpu.memory_space<hbm>> -> memref<1x128x128xf32, #tpu.memory_space<hbm>>
    %dma_start3A_22 = tpu.memref_squeeze %dma_start3A_21 : memref<1x128x128xf32, #tpu.memory_space<hbm>> -> memref<128x128xf32, #tpu.memory_space<hbm>>
    tpu.enqueue_dma source(%dma_start3A_22 : memref<128x128xf32, #tpu.memory_space<hbm>>) target(%dma_start3A_18 : memref<128x128xf32, #tpu.memory_space<vmem>>) target_semaphore(%arg9 : memref<!tpu.dma_semaphore, #tpu.memory_space<semaphore_mem>>)
    %add3A_23 = arith.constant 1 : i32
    %add3A_24 = arith.addi %mul3A_2, %add3A_23 : i32
    %dma_start3A_25 = arith.constant 1 : i32
    %dma_start3A_26 = arith.constant 0 : i32
    %dma_start3A_27 = arith.constant 0 : i32
    %dma_start3A_28 = tpu.memref_slice %arg7[%dma_start3A_25, %dma_start3A_26, %dma_start3A_27] : memref<2x128x128xf32, #tpu.memory_space<vmem>> -> memref<1x128x128xf32, #tpu.memory_space<vmem>>
    %dma_start3A_29 = tpu.memref_squeeze %dma_start3A_28 : memref<1x128x128xf32, #tpu.memory_space<vmem>> -> memref<128x128xf32, #tpu.memory_space<vmem>>
    %dma_start3A_30 = arith.constant 0 : i32
    %dma_start3A_31 = arith.constant 0 : i32
    %dma_start3A_32 = tpu.memref_slice %arg2[%add3A_24, %dma_start3A_30, %dma_start3A_31] : memref<1280x128x128xf32, #tpu.memory_space<hbm>> -> memref<1x128x128xf32, #tpu.memory_space<hbm>>
    %dma_start3A_33 = tpu.memref_squeeze %dma_start3A_32 : memref<1x128x128xf32, #tpu.memory_space<hbm>> -> memref<128x128xf32, #tpu.memory_space<hbm>>
    %dma_start3A_34 = arith.constant 0 : i32
    %dma_start3A_35 = arith.constant 0 : i32
    %dma_start3A_36 = tpu.memref_slice %arg7[%dma_start3A_25, %dma_start3A_34, %dma_start3A_35] : memref<2x128x128xf32, #tpu.memory_space<vmem>> -> memref<1x128x128xf32, #tpu.memory_space<vmem>>
    %dma_start3A_37 = tpu.memref_squeeze %dma_start3A_36 : memref<1x128x128xf32, #tpu.memory_space<vmem>> -> memref<128x128xf32, #tpu.memory_space<vmem>>
    %dma_start3A_38 = arith.constant 0 : i32
    %dma_start3A_39 = arith.constant 0 : i32
    %dma_start3A_40 = tpu.memref_slice %arg2[%add3A_24, %dma_start3A_38, %dma_start3A_39] : memref<1280x128x128xf32, #tpu.memory_space<hbm>> -> memref<1x128x128xf32, #tpu.memory_space<hbm>>
    %dma_start3A_41 = tpu.memref_squeeze %dma_start3A_40 : memref<1x128x128xf32, #tpu.memory_space<hbm>> -> memref<128x128xf32, #tpu.memory_space<hbm>>
    tpu.enqueue_dma source(%dma_start3A_41 : memref<128x128xf32, #tpu.memory_space<hbm>>) target(%dma_start3A_37 : memref<128x128xf32, #tpu.memory_space<vmem>>) target_semaphore(%arg10 : memref<!tpu.dma_semaphore, #tpu.memory_space<semaphore_mem>>)
    %scan3A = arith.constant 0 : i32
    %scan3A_42 = arith.constant 0 : i32
    %scan3A_43 = arith.constant 20 : i32
    %scan3A_44 = arith.addi %scan3A_42, %scan3A_43 : i32
    %scan3A_45 = arith.constant 1 : i32
    scf.for %scan3A_59 = %scan3A_42 to %scan3A_44 step %scan3A_45  : i32 {
      %mul3A_60 = arith.constant 2 : i32
      %mul3A_61 = arith.muli %mul3A_60, %scan3A_59 : i32
      %dma_wait3A_62 = arith.constant 0 : i32
      %dma_wait3A_63 = arith.constant 0 : i32
      %dma_wait3A_64 = arith.constant 0 : i32
      %dma_wait3A_65 = tpu.memref_slice %arg7[%dma_wait3A_62, %dma_wait3A_63, %dma_wait3A_64] : memref<2x128x128xf32, #tpu.memory_space<vmem>> -> memref<1x128x128xf32, #tpu.memory_space<vmem>>
      %dma_wait3A_66 = tpu.memref_squeeze %dma_wait3A_65 : memref<1x128x128xf32, #tpu.memory_space<vmem>> -> memref<128x128xf32, #tpu.memory_space<vmem>>
      %dma_wait3A_67 = arith.constant 0 : i32
      %dma_wait3A_68 = arith.constant 0 : i32
      %dma_wait3A_69 = tpu.memref_slice %arg2[%mul3A_2, %dma_wait3A_67, %dma_wait3A_68] : memref<1280x128x128xf32, #tpu.memory_space<hbm>> -> memref<1x128x128xf32, #tpu.memory_space<hbm>>
      %dma_wait3A_70 = tpu.memref_squeeze %dma_wait3A_69 : memref<1x128x128xf32, #tpu.memory_space<hbm>> -> memref<128x128xf32, #tpu.memory_space<hbm>>
      %dma_wait3A_71 = arith.constant 0 : i32
      %dma_wait3A_72 = arith.constant 0 : i32
      %dma_wait3A_73 = tpu.memref_slice %arg7[%dma_wait3A_62, %dma_wait3A_71, %dma_wait3A_72] : memref<2x128x128xf32, #tpu.memory_space<vmem>> -> memref<1x128x128xf32, #tpu.memory_space<vmem>>
      %dma_wait3A_74 = tpu.memref_squeeze %dma_wait3A_73 : memref<1x128x128xf32, #tpu.memory_space<vmem>> -> memref<128x128xf32, #tpu.memory_space<vmem>>
      %dma_wait3A_75 = arith.constant 0 : i32
      %dma_wait3A_76 = arith.constant 0 : i32
      %dma_wait3A_77 = tpu.memref_slice %arg2[%mul3A_2, %dma_wait3A_75, %dma_wait3A_76] : memref<1280x128x128xf32, #tpu.memory_space<hbm>> -> memref<1x128x128xf32, #tpu.memory_space<hbm>>
      %dma_wait3A_78 = tpu.memref_squeeze %dma_wait3A_77 : memref<1x128x128xf32, #tpu.memory_space<hbm>> -> memref<128x128xf32, #tpu.memory_space<hbm>>
      tpu.wait_dma2 semaphore(%arg9 : memref<!tpu.dma_semaphore, #tpu.memory_space<semaphore_mem>>) src(%dma_wait3A_78 : memref<128x128xf32, #tpu.memory_space<hbm>>) dst(%dma_wait3A_74 : memref<128x128xf32, #tpu.memory_space<vmem>>)
      %dma_start3A_79 = arith.constant 0 : i32
      %dma_start3A_80 = arith.constant 0 : i32
      %dma_start3A_81 = arith.constant 0 : i32
      %dma_start3A_82 = tpu.memref_slice %arg7[%dma_start3A_79, %dma_start3A_80, %dma_start3A_81] : memref<2x128x128xf32, #tpu.memory_space<vmem>> -> memref<1x128x128xf32, #tpu.memory_space<vmem>>
      %dma_start3A_83 = tpu.memref_squeeze %dma_start3A_82 : memref<1x128x128xf32, #tpu.memory_space<vmem>> -> memref<128x128xf32, #tpu.memory_space<vmem>>
      %dma_start3A_84 = arith.constant 0 : i32
      %dma_start3A_85 = tpu.memref_slice %arg6[%mul3A_61, %dma_start3A_84] : memref<40x128xi32, #tpu.memory_space<vmem>> -> memref<1x128xi32, #tpu.memory_space<vmem>>
      %dma_start3A_86 = tpu.memref_squeeze %dma_start3A_85 : memref<1x128xi32, #tpu.memory_space<vmem>> -> memref<128xi32, #tpu.memory_space<vmem>>
      %dma_start3A_87 = arith.constant 0 : i32
      %dma_start3A_88 = arith.constant 0 : i32
      %dma_start3A_89 = tpu.memref_slice %arg8[%dma_start3A_87, %dma_start3A_88] : memref<10112x128xf32, #tpu.memory_space<vmem_shared>> -> memref<10112x128xf32, #tpu.memory_space<vmem_shared>>
      tpu.enqueue_indirect_dma source(%dma_start3A_83 : memref<128x128xf32, #tpu.memory_space<vmem>>) target(%dma_start3A_89 : memref<10112x128xf32, #tpu.memory_space<vmem_shared>>) offsets(%dma_start3A_86 : memref<128xi32, #tpu.memory_space<vmem>>) semaphore(%arg11 : memref<!tpu.dma_semaphore, #tpu.memory_space<semaphore_mem>>) {add = true}
      %gt3A = arith.constant 0 : i32
      %gt3A_90 = arith.cmpi sgt, %scan3A_59, %gt3A : i32
      %convert_element_type3A = arith.extui %gt3A_90 : i1 to i32
      %cond3A = arith.constant 0 : i32
      %cond3A_91 = arith.cmpi ne, %convert_element_type3A, %cond3A : i32
      scf.if %cond3A_91 {
        %dma_wait3A_143 = arith.constant 1 : i32
        %dma_wait3A_144 = arith.constant 0 : i32
        %dma_wait3A_145 = arith.constant 0 : i32
        %dma_wait3A_146 = arith.constant 0 : i32
        %dma_wait3A_147 = tpu.memref_slice %arg7[%dma_wait3A_143, %dma_wait3A_145, %dma_wait3A_146] : memref<2x128x128xf32, #tpu.memory_space<vmem>> -> memref<1x128x128xf32, #tpu.memory_space<vmem>>
        %dma_wait3A_148 = tpu.memref_squeeze %dma_wait3A_147 : memref<1x128x128xf32, #tpu.memory_space<vmem>> -> memref<128x128xf32, #tpu.memory_space<vmem>>
        %dma_wait3A_149 = arith.constant 0 : i32
        %dma_wait3A_150 = tpu.memref_slice %arg6[%dma_wait3A_144, %dma_wait3A_149] : memref<40x128xi32, #tpu.memory_space<vmem>> -> memref<1x128xi32, #tpu.memory_space<vmem>>
        %dma_wait3A_151 = tpu.memref_squeeze %dma_wait3A_150 : memref<1x128xi32, #tpu.memory_space<vmem>> -> memref<128xi32, #tpu.memory_space<vmem>>
        %dma_wait3A_152 = arith.constant 0 : i32
        %dma_wait3A_153 = arith.constant 0 : i32
        %dma_wait3A_154 = tpu.memref_slice %arg8[%dma_wait3A_152, %dma_wait3A_153] : memref<10112x128xf32, #tpu.memory_space<vmem_shared>> -> memref<10112x128xf32, #tpu.memory_space<vmem_shared>>
        tpu.wait_indirect_dma semaphore(%arg12 : memref<!tpu.dma_semaphore, #tpu.memory_space<semaphore_mem>>) src(%dma_wait3A_148 : memref<128x128xf32, #tpu.memory_space<vmem>>) dst(%dma_wait3A_154 : memref<10112x128xf32, #tpu.memory_space<vmem_shared>>)
      } else {
      }
      %gt3A_92 = arith.constant 0 : i32
      %gt3A_93 = arith.cmpi sgt, %scan3A_59, %gt3A_92 : i32
      %convert_element_type3A_94 = arith.extui %gt3A_93 : i1 to i32
      %cond3A_95 = arith.constant 0 : i32
      %cond3A_96 = arith.cmpi ne, %convert_element_type3A_94, %cond3A_95 : i32
      scf.if %cond3A_96 {
        %add3A_143 = arith.constant 1 : i32
        %add3A_144 = arith.addi %mul3A_61, %add3A_143 : i32
        %add3A_145 = arith.addi %mul3A_2, %add3A_144 : i32
        %dma_start3A_146 = arith.constant 1 : i32
        %dma_start3A_147 = arith.constant 0 : i32
        %dma_start3A_148 = arith.constant 0 : i32
        %dma_start3A_149 = tpu.memref_slice %arg7[%dma_start3A_146, %dma_start3A_147, %dma_start3A_148] : memref<2x128x128xf32, #tpu.memory_space<vmem>> -> memref<1x128x128xf32, #tpu.memory_space<vmem>>
        %dma_start3A_150 = tpu.memref_squeeze %dma_start3A_149 : memref<1x128x128xf32, #tpu.memory_space<vmem>> -> memref<128x128xf32, #tpu.memory_space<vmem>>
        %dma_start3A_151 = arith.constant 0 : i32
        %dma_start3A_152 = arith.constant 0 : i32
        %dma_start3A_153 = tpu.memref_slice %arg2[%add3A_145, %dma_start3A_151, %dma_start3A_152] : memref<1280x128x128xf32, #tpu.memory_space<hbm>> -> memref<1x128x128xf32, #tpu.memory_space<hbm>>
        %dma_start3A_154 = tpu.memref_squeeze %dma_start3A_153 : memref<1x128x128xf32, #tpu.memory_space<hbm>> -> memref<128x128xf32, #tpu.memory_space<hbm>>
        %dma_start3A_155 = arith.constant 0 : i32
        %dma_start3A_156 = arith.constant 0 : i32
        %dma_start3A_157 = tpu.memref_slice %arg7[%dma_start3A_146, %dma_start3A_155, %dma_start3A_156] : memref<2x128x128xf32, #tpu.memory_space<vmem>> -> memref<1x128x128xf32, #tpu.memory_space<vmem>>
        %dma_start3A_158 = tpu.memref_squeeze %dma_start3A_157 : memref<1x128x128xf32, #tpu.memory_space<vmem>> -> memref<128x128xf32, #tpu.memory_space<vmem>>
        %dma_start3A_159 = arith.constant 0 : i32
        %dma_start3A_160 = arith.constant 0 : i32
        %dma_start3A_161 = tpu.memref_slice %arg2[%add3A_145, %dma_start3A_159, %dma_start3A_160] : memref<1280x128x128xf32, #tpu.memory_space<hbm>> -> memref<1x128x128xf32, #tpu.memory_space<hbm>>
        %dma_start3A_162 = tpu.memref_squeeze %dma_start3A_161 : memref<1x128x128xf32, #tpu.memory_space<hbm>> -> memref<128x128xf32, #tpu.memory_space<hbm>>
        tpu.enqueue_dma source(%dma_start3A_162 : memref<128x128xf32, #tpu.memory_space<hbm>>) target(%dma_start3A_158 : memref<128x128xf32, #tpu.memory_space<vmem>>) target_semaphore(%arg10 : memref<!tpu.dma_semaphore, #tpu.memory_space<semaphore_mem>>)
      } else {
      }
      %dma_wait3A_97 = arith.constant 1 : i32
      %dma_wait3A_98 = arith.constant 0 : i32
      %dma_wait3A_99 = arith.constant 0 : i32
      %dma_wait3A_100 = tpu.memref_slice %arg7[%dma_wait3A_97, %dma_wait3A_98, %dma_wait3A_99] : memref<2x128x128xf32, #tpu.memory_space<vmem>> -> memref<1x128x128xf32, #tpu.memory_space<vmem>>
      %dma_wait3A_101 = tpu.memref_squeeze %dma_wait3A_100 : memref<1x128x128xf32, #tpu.memory_space<vmem>> -> memref<128x128xf32, #tpu.memory_space<vmem>>
      %dma_wait3A_102 = arith.constant 0 : i32
      %dma_wait3A_103 = arith.constant 0 : i32
      %dma_wait3A_104 = tpu.memref_slice %arg2[%mul3A_2, %dma_wait3A_102, %dma_wait3A_103] : memref<1280x128x128xf32, #tpu.memory_space<hbm>> -> memref<1x128x128xf32, #tpu.memory_space<hbm>>
      %dma_wait3A_105 = tpu.memref_squeeze %dma_wait3A_104 : memref<1x128x128xf32, #tpu.memory_space<hbm>> -> memref<128x128xf32, #tpu.memory_space<hbm>>
      %dma_wait3A_106 = arith.constant 0 : i32
      %dma_wait3A_107 = arith.constant 0 : i32
      %dma_wait3A_108 = tpu.memref_slice %arg7[%dma_wait3A_97, %dma_wait3A_106, %dma_wait3A_107] : memref<2x128x128xf32, #tpu.memory_space<vmem>> -> memref<1x128x128xf32, #tpu.memory_space<vmem>>
      %dma_wait3A_109 = tpu.memref_squeeze %dma_wait3A_108 : memref<1x128x128xf32, #tpu.memory_space<vmem>> -> memref<128x128xf32, #tpu.memory_space<vmem>>
      %dma_wait3A_110 = arith.constant 0 : i32
      %dma_wait3A_111 = arith.constant 0 : i32
      %dma_wait3A_112 = tpu.memref_slice %arg2[%mul3A_2, %dma_wait3A_110, %dma_wait3A_111] : memref<1280x128x128xf32, #tpu.memory_space<hbm>> -> memref<1x128x128xf32, #tpu.memory_space<hbm>>
      %dma_wait3A_113 = tpu.memref_squeeze %dma_wait3A_112 : memref<1x128x128xf32, #tpu.memory_space<hbm>> -> memref<128x128xf32, #tpu.memory_space<hbm>>
      tpu.wait_dma2 semaphore(%arg10 : memref<!tpu.dma_semaphore, #tpu.memory_space<semaphore_mem>>) src(%dma_wait3A_113 : memref<128x128xf32, #tpu.memory_space<hbm>>) dst(%dma_wait3A_109 : memref<128x128xf32, #tpu.memory_space<vmem>>)
      %add3A_114 = arith.constant 1 : i32
      %add3A_115 = arith.addi %mul3A_61, %add3A_114 : i32
      %dma_start3A_116 = arith.constant 1 : i32
      %dma_start3A_117 = arith.constant 0 : i32
      %dma_start3A_118 = arith.constant 0 : i32
      %dma_start3A_119 = tpu.memref_slice %arg7[%dma_start3A_116, %dma_start3A_117, %dma_start3A_118] : memref<2x128x128xf32, #tpu.memory_space<vmem>> -> memref<1x128x128xf32, #tpu.memory_space<vmem>>
      %dma_start3A_120 = tpu.memref_squeeze %dma_start3A_119 : memref<1x128x128xf32, #tpu.memory_space<vmem>> -> memref<128x128xf32, #tpu.memory_space<vmem>>
      %dma_start3A_121 = arith.constant 0 : i32
      %dma_start3A_122 = tpu.memref_slice %arg6[%add3A_115, %dma_start3A_121] : memref<40x128xi32, #tpu.memory_space<vmem>> -> memref<1x128xi32, #tpu.memory_space<vmem>>
      %dma_start3A_123 = tpu.memref_squeeze %dma_start3A_122 : memref<1x128xi32, #tpu.memory_space<vmem>> -> memref<128xi32, #tpu.memory_space<vmem>>
      %dma_start3A_124 = arith.constant 0 : i32
      %dma_start3A_125 = arith.constant 0 : i32
      %dma_start3A_126 = tpu.memref_slice %arg8[%dma_start3A_124, %dma_start3A_125] : memref<10112x128xf32, #tpu.memory_space<vmem_shared>> -> memref<10112x128xf32, #tpu.memory_space<vmem_shared>>
      tpu.enqueue_indirect_dma source(%dma_start3A_120 : memref<128x128xf32, #tpu.memory_space<vmem>>) target(%dma_start3A_126 : memref<10112x128xf32, #tpu.memory_space<vmem_shared>>) offsets(%dma_start3A_123 : memref<128xi32, #tpu.memory_space<vmem>>) semaphore(%arg12 : memref<!tpu.dma_semaphore, #tpu.memory_space<semaphore_mem>>) {add = true}
      %dma_wait3A_127 = arith.constant 0 : i32
      %dma_wait3A_128 = arith.constant 0 : i32
      %dma_wait3A_129 = arith.constant 0 : i32
      %dma_wait3A_130 = arith.constant 0 : i32
      %dma_wait3A_131 = tpu.memref_slice %arg7[%dma_wait3A_127, %dma_wait3A_129, %dma_wait3A_130] : memref<2x128x128xf32, #tpu.memory_space<vmem>> -> memref<1x128x128xf32, #tpu.memory_space<vmem>>
      %dma_wait3A_132 = tpu.memref_squeeze %dma_wait3A_131 : memref<1x128x128xf32, #tpu.memory_space<vmem>> -> memref<128x128xf32, #tpu.memory_space<vmem>>
      %dma_wait3A_133 = arith.constant 0 : i32
      %dma_wait3A_134 = tpu.memref_slice %arg6[%dma_wait3A_128, %dma_wait3A_133] : memref<40x128xi32, #tpu.memory_space<vmem>> -> memref<1x128xi32, #tpu.memory_space<vmem>>
      %dma_wait3A_135 = tpu.memref_squeeze %dma_wait3A_134 : memref<1x128xi32, #tpu.memory_space<vmem>> -> memref<128xi32, #tpu.memory_space<vmem>>
      %dma_wait3A_136 = arith.constant 0 : i32
      %dma_wait3A_137 = arith.constant 0 : i32
      %dma_wait3A_138 = tpu.memref_slice %arg8[%dma_wait3A_136, %dma_wait3A_137] : memref<10112x128xf32, #tpu.memory_space<vmem_shared>> -> memref<10112x128xf32, #tpu.memory_space<vmem_shared>>
      tpu.wait_indirect_dma semaphore(%arg11 : memref<!tpu.dma_semaphore, #tpu.memory_space<semaphore_mem>>) src(%dma_wait3A_132 : memref<128x128xf32, #tpu.memory_space<vmem>>) dst(%dma_wait3A_138 : memref<10112x128xf32, #tpu.memory_space<vmem_shared>>)
      %lt3A = arith.constant 19 : i32
      %lt3A_139 = arith.cmpi slt, %scan3A_59, %lt3A : i32
      %convert_element_type3A_140 = arith.extui %lt3A_139 : i1 to i32
      %cond3A_141 = arith.constant 0 : i32
      %cond3A_142 = arith.cmpi ne, %convert_element_type3A_140, %cond3A_141 : i32
      scf.if %cond3A_142 {
        %add3A_143 = arith.constant 2 : i32
        %add3A_144 = arith.addi %mul3A_61, %add3A_143 : i32
        %add3A_145 = arith.addi %mul3A_2, %add3A_144 : i32
        %dma_start3A_146 = arith.constant 0 : i32
        %dma_start3A_147 = arith.constant 0 : i32
        %dma_start3A_148 = arith.constant 0 : i32
        %dma_start3A_149 = tpu.memref_slice %arg7[%dma_start3A_146, %dma_start3A_147, %dma_start3A_148] : memref<2x128x128xf32, #tpu.memory_space<vmem>> -> memref<1x128x128xf32, #tpu.memory_space<vmem>>
        %dma_start3A_150 = tpu.memref_squeeze %dma_start3A_149 : memref<1x128x128xf32, #tpu.memory_space<vmem>> -> memref<128x128xf32, #tpu.memory_space<vmem>>
        %dma_start3A_151 = arith.constant 0 : i32
        %dma_start3A_152 = arith.constant 0 : i32
        %dma_start3A_153 = tpu.memref_slice %arg2[%add3A_145, %dma_start3A_151, %dma_start3A_152] : memref<1280x128x128xf32, #tpu.memory_space<hbm>> -> memref<1x128x128xf32, #tpu.memory_space<hbm>>
        %dma_start3A_154 = tpu.memref_squeeze %dma_start3A_153 : memref<1x128x128xf32, #tpu.memory_space<hbm>> -> memref<128x128xf32, #tpu.memory_space<hbm>>
        %dma_start3A_155 = arith.constant 0 : i32
        %dma_start3A_156 = arith.constant 0 : i32
        %dma_start3A_157 = tpu.memref_slice %arg7[%dma_start3A_146, %dma_start3A_155, %dma_start3A_156] : memref<2x128x128xf32, #tpu.memory_space<vmem>> -> memref<1x128x128xf32, #tpu.memory_space<vmem>>
        %dma_start3A_158 = tpu.memref_squeeze %dma_start3A_157 : memref<1x128x128xf32, #tpu.memory_space<vmem>> -> memref<128x128xf32, #tpu.memory_space<vmem>>
        %dma_start3A_159 = arith.constant 0 : i32
        %dma_start3A_160 = arith.constant 0 : i32
        %dma_start3A_161 = tpu.memref_slice %arg2[%add3A_145, %dma_start3A_159, %dma_start3A_160] : memref<1280x128x128xf32, #tpu.memory_space<hbm>> -> memref<1x128x128xf32, #tpu.memory_space<hbm>>
        %dma_start3A_162 = tpu.memref_squeeze %dma_start3A_161 : memref<1x128x128xf32, #tpu.memory_space<hbm>> -> memref<128x128xf32, #tpu.memory_space<hbm>>
        tpu.enqueue_dma source(%dma_start3A_162 : memref<128x128xf32, #tpu.memory_space<hbm>>) target(%dma_start3A_158 : memref<128x128xf32, #tpu.memory_space<vmem>>) target_semaphore(%arg9 : memref<!tpu.dma_semaphore, #tpu.memory_space<semaphore_mem>>)
      } else {
      }
    }
    %scan3A_46 = arith.constant 20 : i32
    %dma_wait3A = arith.constant 1 : i32
    %dma_wait3A_47 = arith.constant 0 : i32
    %dma_wait3A_48 = arith.constant 0 : i32
    %dma_wait3A_49 = arith.constant 0 : i32
    %dma_wait3A_50 = tpu.memref_slice %arg7[%dma_wait3A, %dma_wait3A_48, %dma_wait3A_49] : memref<2x128x128xf32, #tpu.memory_space<vmem>> -> memref<1x128x128xf32, #tpu.memory_space<vmem>>
    %dma_wait3A_51 = tpu.memref_squeeze %dma_wait3A_50 : memref<1x128x128xf32, #tpu.memory_space<vmem>> -> memref<128x128xf32, #tpu.memory_space<vmem>>
    %dma_wait3A_52 = arith.constant 0 : i32
    %dma_wait3A_53 = tpu.memref_slice %arg6[%dma_wait3A_47, %dma_wait3A_52] : memref<40x128xi32, #tpu.memory_space<vmem>> -> memref<1x128xi32, #tpu.memory_space<vmem>>
    %dma_wait3A_54 = tpu.memref_squeeze %dma_wait3A_53 : memref<1x128xi32, #tpu.memory_space<vmem>> -> memref<128xi32, #tpu.memory_space<vmem>>
    %dma_wait3A_55 = arith.constant 0 : i32
    %dma_wait3A_56 = arith.constant 0 : i32
    %dma_wait3A_57 = tpu.memref_slice %arg8[%dma_wait3A_55, %dma_wait3A_56] : memref<10112x128xf32, #tpu.memory_space<vmem_shared>> -> memref<10112x128xf32, #tpu.memory_space<vmem_shared>>
    tpu.wait_indirect_dma semaphore(%arg12 : memref<!tpu.dma_semaphore, #tpu.memory_space<semaphore_mem>>) src(%dma_wait3A_51 : memref<128x128xf32, #tpu.memory_space<vmem>>) dst(%dma_wait3A_57 : memref<10112x128xf32, #tpu.memory_space<vmem_shared>>)
    %barrier3A_58 = arith.constant 0 : index
    tpu.barrier barrier_id(%barrier3A_58)
    "tpu.region"() ({
      %run_scoped3A = tpu.sem_alloc : memref<!tpu.dma_semaphore, #tpu.memory_space<semaphore_mem>>
      %dma_start3A_59 = arith.constant 0 : i32
      %dma_start3A_60 = tpu.memref_slice %arg5[%arg0, %mul3A_4, %dma_start3A_59] : memref<2x10112x128xf32, #tpu.memory_space<hbm>> -> memref<1x632x128xf32, #tpu.memory_space<hbm>>
      %dma_start3A_61 = tpu.memref_squeeze %dma_start3A_60 : memref<1x632x128xf32, #tpu.memory_space<hbm>> -> memref<632x128xf32, #tpu.memory_space<hbm>>
      %dma_start3A_62 = arith.constant 0 : i32
      %dma_start3A_63 = tpu.memref_slice %arg8[%mul3A_4, %dma_start3A_62] : memref<10112x128xf32, #tpu.memory_space<vmem_shared>> -> memref<632x128xf32, #tpu.memory_space<vmem_shared>>
      tpu.enqueue_dma source(%dma_start3A_63 : memref<632x128xf32, #tpu.memory_space<vmem_shared>>) target(%dma_start3A_61 : memref<632x128xf32, #tpu.memory_space<hbm>>) target_semaphore(%run_scoped3A : memref<!tpu.dma_semaphore, #tpu.memory_space<semaphore_mem>>)
      %dma_wait3A_64 = arith.constant 0 : i32
      %dma_wait3A_65 = tpu.memref_slice %arg5[%arg0, %mul3A_4, %dma_wait3A_64] : memref<2x10112x128xf32, #tpu.memory_space<hbm>> -> memref<1x632x128xf32, #tpu.memory_space<hbm>>
      %dma_wait3A_66 = tpu.memref_squeeze %dma_wait3A_65 : memref<1x632x128xf32, #tpu.memory_space<hbm>> -> memref<632x128xf32, #tpu.memory_space<hbm>>
      %dma_wait3A_67 = arith.constant 0 : i32
      %dma_wait3A_68 = tpu.memref_slice %arg8[%mul3A_4, %dma_wait3A_67] : memref<10112x128xf32, #tpu.memory_space<vmem_shared>> -> memref<632x128xf32, #tpu.memory_space<vmem_shared>>
      tpu.wait_dma2 semaphore(%run_scoped3A : memref<!tpu.dma_semaphore, #tpu.memory_space<semaphore_mem>>) src(%dma_wait3A_68 : memref<632x128xf32, #tpu.memory_space<vmem_shared>>) dst(%dma_wait3A_66 : memref<632x128xf32, #tpu.memory_space<hbm>>)
      tpu.yield
    }) : () -> ()
    return
  }
}

#map = affine_map<(d0, d1) -> (0, 0)>
#map1 = affine_map<(d0, d1) -> (0, 0, 0)>
module attributes {stable_mosaic.version = 14 : i64} {
  func.func @gather_k(%arg0: i32, %arg1: i32, %arg2: memref<10000x128xf32, #tpu.memory_space<hbm>>, %arg3: memref<32x40x128xi32, #tpu.memory_space<hbm>>, %arg4: memref<1280x128x128xf32, #tpu.memory_space<hbm>>, %arg5: memref<40x128xi32, #tpu.memory_space<vmem>>, %arg6: memref<4x128x128xf32, #tpu.memory_space<vmem>>, %arg7: memref<!tpu.dma_semaphore, #tpu.memory_space<semaphore_mem>>, %arg8: memref<!tpu.dma_semaphore, #tpu.memory_space<semaphore_mem>>, %arg9: memref<!tpu.dma_semaphore, #tpu.memory_space<semaphore_mem>>, %arg10: memref<!tpu.dma_semaphore, #tpu.memory_space<semaphore_mem>>, %arg11: memref<!tpu.dma_semaphore, #tpu.memory_space<semaphore_mem>>, %arg12: memref<!tpu.dma_semaphore, #tpu.memory_space<semaphore_mem>>, %arg13: memref<!tpu.dma_semaphore, #tpu.memory_space<semaphore_mem>>, %arg14: memref<!tpu.dma_semaphore, #tpu.memory_space<semaphore_mem>>) attributes {dimension_semantics = [#tpu.dimension_semantics<core_parallel>, #tpu.dimension_semantics<subcore_parallel>], iteration_bounds = array<i64: 2, 16>, scalar_prefetch = 0 : i64, scratch_operands = 10 : i64, tpu.core_type = #tpu.core_type<sc_vector_subcore>, window_params = [{transform_indices = #map}, {transform_indices = #map1}, {transform_indices = #map1}]} {
    %mul3A = arith.constant 2 : i32
    %mul3A_0 = arith.muli %arg1, %mul3A : i32
    %add3A = arith.addi %mul3A_0, %arg0 : i32
    %mul3A_1 = arith.constant 40 : i32
    %mul3A_2 = arith.muli %add3A, %mul3A_1 : i32
    "tpu.region"() ({
      %run_scoped3A = tpu.sem_alloc : memref<!tpu.dma_semaphore, #tpu.memory_space<semaphore_mem>>
      %dma_start3A = arith.constant 0 : i32
      %dma_start3A_8 = arith.constant 0 : i32
      %dma_start3A_9 = tpu.memref_slice %arg3[%add3A, %dma_start3A, %dma_start3A_8] : memref<32x40x128xi32, #tpu.memory_space<hbm>> -> memref<1x40x128xi32, #tpu.memory_space<hbm>>
      %dma_start3A_10 = tpu.memref_squeeze %dma_start3A_9 : memref<1x40x128xi32, #tpu.memory_space<hbm>> -> memref<40x128xi32, #tpu.memory_space<hbm>>
      %dma_start3A_11 = arith.constant 0 : i32
      %dma_start3A_12 = arith.constant 0 : i32
      %dma_start3A_13 = tpu.memref_slice %arg3[%add3A, %dma_start3A_11, %dma_start3A_12] : memref<32x40x128xi32, #tpu.memory_space<hbm>> -> memref<1x40x128xi32, #tpu.memory_space<hbm>>
      %dma_start3A_14 = tpu.memref_squeeze %dma_start3A_13 : memref<1x40x128xi32, #tpu.memory_space<hbm>> -> memref<40x128xi32, #tpu.memory_space<hbm>>
      tpu.enqueue_dma source(%dma_start3A_14 : memref<40x128xi32, #tpu.memory_space<hbm>>) target(%arg5 : memref<40x128xi32, #tpu.memory_space<vmem>>) target_semaphore(%run_scoped3A : memref<!tpu.dma_semaphore, #tpu.memory_space<semaphore_mem>>)
      %dma_wait3A = arith.constant 0 : i32
      %dma_wait3A_15 = arith.constant 0 : i32
      %dma_wait3A_16 = tpu.memref_slice %arg3[%add3A, %dma_wait3A, %dma_wait3A_15] : memref<32x40x128xi32, #tpu.memory_space<hbm>> -> memref<1x40x128xi32, #tpu.memory_space<hbm>>
      %dma_wait3A_17 = tpu.memref_squeeze %dma_wait3A_16 : memref<1x40x128xi32, #tpu.memory_space<hbm>> -> memref<40x128xi32, #tpu.memory_space<hbm>>
      %dma_wait3A_18 = arith.constant 0 : i32
      %dma_wait3A_19 = arith.constant 0 : i32
      %dma_wait3A_20 = tpu.memref_slice %arg3[%add3A, %dma_wait3A_18, %dma_wait3A_19] : memref<32x40x128xi32, #tpu.memory_space<hbm>> -> memref<1x40x128xi32, #tpu.memory_space<hbm>>
      %dma_wait3A_21 = tpu.memref_squeeze %dma_wait3A_20 : memref<1x40x128xi32, #tpu.memory_space<hbm>> -> memref<40x128xi32, #tpu.memory_space<hbm>>
      tpu.wait_dma2 semaphore(%run_scoped3A : memref<!tpu.dma_semaphore, #tpu.memory_space<semaphore_mem>>) src(%dma_wait3A_21 : memref<40x128xi32, #tpu.memory_space<hbm>>) dst(%arg5 : memref<40x128xi32, #tpu.memory_space<vmem>>)
      tpu.yield
    }) : () -> ()
    %scan3A = arith.constant 0 : i32
    %scan3A_3 = arith.constant 0 : i32
    %scan3A_4 = arith.constant 10 : i32
    %scan3A_5 = arith.addi %scan3A_3, %scan3A_4 : i32
    %scan3A_6 = arith.constant 1 : i32
    scf.for %scan3A_8 = %scan3A_3 to %scan3A_5 step %scan3A_6  : i32 {
      %mul3A_9 = arith.constant 4 : i32
      %mul3A_10 = arith.muli %scan3A_8, %mul3A_9 : i32
      %add3A_11 = arith.constant 0 : i32
      %add3A_12 = arith.addi %mul3A_10, %add3A_11 : i32
      %dma_start3A = arith.constant 0 : i32
      %dma_start3A_13 = arith.constant 0 : i32
      %dma_start3A_14 = arith.constant 0 : i32
      %dma_start3A_15 = tpu.memref_slice %arg6[%dma_start3A, %dma_start3A_13, %dma_start3A_14] : memref<4x128x128xf32, #tpu.memory_space<vmem>> -> memref<1x128x128xf32, #tpu.memory_space<vmem>>
      %dma_start3A_16 = tpu.memref_squeeze %dma_start3A_15 : memref<1x128x128xf32, #tpu.memory_space<vmem>> -> memref<128x128xf32, #tpu.memory_space<vmem>>
      %dma_start3A_17 = arith.constant 0 : i32
      %dma_start3A_18 = tpu.memref_slice %arg5[%add3A_12, %dma_start3A_17] : memref<40x128xi32, #tpu.memory_space<vmem>> -> memref<1x128xi32, #tpu.memory_space<vmem>>
      %dma_start3A_19 = tpu.memref_squeeze %dma_start3A_18 : memref<1x128xi32, #tpu.memory_space<vmem>> -> memref<128xi32, #tpu.memory_space<vmem>>
      %dma_start3A_20 = arith.constant 0 : i32
      %dma_start3A_21 = arith.constant 0 : i32
      %dma_start3A_22 = tpu.memref_slice %arg2[%dma_start3A_20, %dma_start3A_21] : memref<10000x128xf32, #tpu.memory_space<hbm>> -> memref<10000x128xf32, #tpu.memory_space<hbm>>
      tpu.enqueue_indirect_dma source(%dma_start3A_22 : memref<10000x128xf32, #tpu.memory_space<hbm>>) target(%dma_start3A_16 : memref<128x128xf32, #tpu.memory_space<vmem>>) offsets(%dma_start3A_19 : memref<128xi32, #tpu.memory_space<vmem>>) semaphore(%arg7 : memref<!tpu.dma_semaphore, #tpu.memory_space<semaphore_mem>>)
      %add3A_23 = arith.constant 1 : i32
      %add3A_24 = arith.addi %mul3A_10, %add3A_23 : i32
      %dma_start3A_25 = arith.constant 1 : i32
      %dma_start3A_26 = arith.constant 0 : i32
      %dma_start3A_27 = arith.constant 0 : i32
      %dma_start3A_28 = tpu.memref_slice %arg6[%dma_start3A_25, %dma_start3A_26, %dma_start3A_27] : memref<4x128x128xf32, #tpu.memory_space<vmem>> -> memref<1x128x128xf32, #tpu.memory_space<vmem>>
      %dma_start3A_29 = tpu.memref_squeeze %dma_start3A_28 : memref<1x128x128xf32, #tpu.memory_space<vmem>> -> memref<128x128xf32, #tpu.memory_space<vmem>>
      %dma_start3A_30 = arith.constant 0 : i32
      %dma_start3A_31 = tpu.memref_slice %arg5[%add3A_24, %dma_start3A_30] : memref<40x128xi32, #tpu.memory_space<vmem>> -> memref<1x128xi32, #tpu.memory_space<vmem>>
      %dma_start3A_32 = tpu.memref_squeeze %dma_start3A_31 : memref<1x128xi32, #tpu.memory_space<vmem>> -> memref<128xi32, #tpu.memory_space<vmem>>
      %dma_start3A_33 = arith.constant 0 : i32
      %dma_start3A_34 = arith.constant 0 : i32
      %dma_start3A_35 = tpu.memref_slice %arg2[%dma_start3A_33, %dma_start3A_34] : memref<10000x128xf32, #tpu.memory_space<hbm>> -> memref<10000x128xf32, #tpu.memory_space<hbm>>
      tpu.enqueue_indirect_dma source(%dma_start3A_35 : memref<10000x128xf32, #tpu.memory_space<hbm>>) target(%dma_start3A_29 : memref<128x128xf32, #tpu.memory_space<vmem>>) offsets(%dma_start3A_32 : memref<128xi32, #tpu.memory_space<vmem>>) semaphore(%arg8 : memref<!tpu.dma_semaphore, #tpu.memory_space<semaphore_mem>>)
      %add3A_36 = arith.constant 2 : i32
      %add3A_37 = arith.addi %mul3A_10, %add3A_36 : i32
      %dma_start3A_38 = arith.constant 2 : i32
      %dma_start3A_39 = arith.constant 0 : i32
      %dma_start3A_40 = arith.constant 0 : i32
      %dma_start3A_41 = tpu.memref_slice %arg6[%dma_start3A_38, %dma_start3A_39, %dma_start3A_40] : memref<4x128x128xf32, #tpu.memory_space<vmem>> -> memref<1x128x128xf32, #tpu.memory_space<vmem>>
      %dma_start3A_42 = tpu.memref_squeeze %dma_start3A_41 : memref<1x128x128xf32, #tpu.memory_space<vmem>> -> memref<128x128xf32, #tpu.memory_space<vmem>>
      %dma_start3A_43 = arith.constant 0 : i32
      %dma_start3A_44 = tpu.memref_slice %arg5[%add3A_37, %dma_start3A_43] : memref<40x128xi32, #tpu.memory_space<vmem>> -> memref<1x128xi32, #tpu.memory_space<vmem>>
      %dma_start3A_45 = tpu.memref_squeeze %dma_start3A_44 : memref<1x128xi32, #tpu.memory_space<vmem>> -> memref<128xi32, #tpu.memory_space<vmem>>
      %dma_start3A_46 = arith.constant 0 : i32
      %dma_start3A_47 = arith.constant 0 : i32
      %dma_start3A_48 = tpu.memref_slice %arg2[%dma_start3A_46, %dma_start3A_47] : memref<10000x128xf32, #tpu.memory_space<hbm>> -> memref<10000x128xf32, #tpu.memory_space<hbm>>
      tpu.enqueue_indirect_dma source(%dma_start3A_48 : memref<10000x128xf32, #tpu.memory_space<hbm>>) target(%dma_start3A_42 : memref<128x128xf32, #tpu.memory_space<vmem>>) offsets(%dma_start3A_45 : memref<128xi32, #tpu.memory_space<vmem>>) semaphore(%arg9 : memref<!tpu.dma_semaphore, #tpu.memory_space<semaphore_mem>>)
      %add3A_49 = arith.constant 3 : i32
      %add3A_50 = arith.addi %mul3A_10, %add3A_49 : i32
      %dma_start3A_51 = arith.constant 3 : i32
      %dma_start3A_52 = arith.constant 0 : i32
      %dma_start3A_53 = arith.constant 0 : i32
      %dma_start3A_54 = tpu.memref_slice %arg6[%dma_start3A_51, %dma_start3A_52, %dma_start3A_53] : memref<4x128x128xf32, #tpu.memory_space<vmem>> -> memref<1x128x128xf32, #tpu.memory_space<vmem>>
      %dma_start3A_55 = tpu.memref_squeeze %dma_start3A_54 : memref<1x128x128xf32, #tpu.memory_space<vmem>> -> memref<128x128xf32, #tpu.memory_space<vmem>>
      %dma_start3A_56 = arith.constant 0 : i32
      %dma_start3A_57 = tpu.memref_slice %arg5[%add3A_50, %dma_start3A_56] : memref<40x128xi32, #tpu.memory_space<vmem>> -> memref<1x128xi32, #tpu.memory_space<vmem>>
      %dma_start3A_58 = tpu.memref_squeeze %dma_start3A_57 : memref<1x128xi32, #tpu.memory_space<vmem>> -> memref<128xi32, #tpu.memory_space<vmem>>
      %dma_start3A_59 = arith.constant 0 : i32
      %dma_start3A_60 = arith.constant 0 : i32
      %dma_start3A_61 = tpu.memref_slice %arg2[%dma_start3A_59, %dma_start3A_60] : memref<10000x128xf32, #tpu.memory_space<hbm>> -> memref<10000x128xf32, #tpu.memory_space<hbm>>
      tpu.enqueue_indirect_dma source(%dma_start3A_61 : memref<10000x128xf32, #tpu.memory_space<hbm>>) target(%dma_start3A_55 : memref<128x128xf32, #tpu.memory_space<vmem>>) offsets(%dma_start3A_58 : memref<128xi32, #tpu.memory_space<vmem>>) semaphore(%arg10 : memref<!tpu.dma_semaphore, #tpu.memory_space<semaphore_mem>>)
      %dma_wait3A = arith.constant 0 : i32
      %dma_wait3A_62 = arith.constant 0 : i32
      %dma_wait3A_63 = arith.constant 0 : i32
      %dma_wait3A_64 = tpu.memref_slice %arg6[%dma_wait3A, %dma_wait3A_62, %dma_wait3A_63] : memref<4x128x128xf32, #tpu.memory_space<vmem>> -> memref<1x128x128xf32, #tpu.memory_space<vmem>>
      %dma_wait3A_65 = tpu.memref_squeeze %dma_wait3A_64 : memref<1x128x128xf32, #tpu.memory_space<vmem>> -> memref<128x128xf32, #tpu.memory_space<vmem>>
      %dma_wait3A_66 = arith.constant 0 : i32
      %dma_wait3A_67 = tpu.memref_slice %arg5[%add3A_12, %dma_wait3A_66] : memref<40x128xi32, #tpu.memory_space<vmem>> -> memref<1x128xi32, #tpu.memory_space<vmem>>
      %dma_wait3A_68 = tpu.memref_squeeze %dma_wait3A_67 : memref<1x128xi32, #tpu.memory_space<vmem>> -> memref<128xi32, #tpu.memory_space<vmem>>
      %dma_wait3A_69 = arith.constant 0 : i32
      %dma_wait3A_70 = arith.constant 0 : i32
      %dma_wait3A_71 = tpu.memref_slice %arg2[%dma_wait3A_69, %dma_wait3A_70] : memref<10000x128xf32, #tpu.memory_space<hbm>> -> memref<10000x128xf32, #tpu.memory_space<hbm>>
      tpu.wait_indirect_dma semaphore(%arg7 : memref<!tpu.dma_semaphore, #tpu.memory_space<semaphore_mem>>) src(%dma_wait3A_71 : memref<10000x128xf32, #tpu.memory_space<hbm>>) dst(%dma_wait3A_65 : memref<128x128xf32, #tpu.memory_space<vmem>>)
      %add3A_72 = arith.addi %mul3A_2, %mul3A_10 : i32
      %add3A_73 = arith.constant 0 : i32
      %add3A_74 = arith.addi %add3A_72, %add3A_73 : i32
      %dma_start3A_75 = arith.constant 0 : i32
      %dma_start3A_76 = arith.constant 0 : i32
      %dma_start3A_77 = arith.constant 0 : i32
      %dma_start3A_78 = tpu.memref_slice %arg6[%dma_start3A_75, %dma_start3A_76, %dma_start3A_77] : memref<4x128x128xf32, #tpu.memory_space<vmem>> -> memref<1x128x128xf32, #tpu.memory_space<vmem>>
      %dma_start3A_79 = tpu.memref_squeeze %dma_start3A_78 : memref<1x128x128xf32, #tpu.memory_space<vmem>> -> memref<128x128xf32, #tpu.memory_space<vmem>>
      %dma_start3A_80 = arith.constant 0 : i32
      %dma_start3A_81 = arith.constant 0 : i32
      %dma_start3A_82 = tpu.memref_slice %arg4[%add3A_74, %dma_start3A_80, %dma_start3A_81] : memref<1280x128x128xf32, #tpu.memory_space<hbm>> -> memref<1x128x128xf32, #tpu.memory_space<hbm>>
      %dma_start3A_83 = tpu.memref_squeeze %dma_start3A_82 : memref<1x128x128xf32, #tpu.memory_space<hbm>> -> memref<128x128xf32, #tpu.memory_space<hbm>>
      %dma_start3A_84 = arith.constant 0 : i32
      %dma_start3A_85 = arith.constant 0 : i32
      %dma_start3A_86 = tpu.memref_slice %arg4[%add3A_74, %dma_start3A_84, %dma_start3A_85] : memref<1280x128x128xf32, #tpu.memory_space<hbm>> -> memref<1x128x128xf32, #tpu.memory_space<hbm>>
      %dma_start3A_87 = tpu.memref_squeeze %dma_start3A_86 : memref<1x128x128xf32, #tpu.memory_space<hbm>> -> memref<128x128xf32, #tpu.memory_space<hbm>>
      %dma_start3A_88 = arith.constant 0 : i32
      %dma_start3A_89 = arith.constant 0 : i32
      %dma_start3A_90 = tpu.memref_slice %arg6[%dma_start3A_75, %dma_start3A_88, %dma_start3A_89] : memref<4x128x128xf32, #tpu.memory_space<vmem>> -> memref<1x128x128xf32, #tpu.memory_space<vmem>>
      %dma_start3A_91 = tpu.memref_squeeze %dma_start3A_90 : memref<1x128x128xf32, #tpu.memory_space<vmem>> -> memref<128x128xf32, #tpu.memory_space<vmem>>
      tpu.enqueue_dma source(%dma_start3A_91 : memref<128x128xf32, #tpu.memory_space<vmem>>) target(%dma_start3A_87 : memref<128x128xf32, #tpu.memory_space<hbm>>) target_semaphore(%arg11 : memref<!tpu.dma_semaphore, #tpu.memory_space<semaphore_mem>>)
      %dma_wait3A_92 = arith.constant 0 : i32
      %dma_wait3A_93 = arith.constant 0 : i32
      %dma_wait3A_94 = arith.constant 0 : i32
      %dma_wait3A_95 = tpu.memref_slice %arg6[%dma_wait3A_92, %dma_wait3A_93, %dma_wait3A_94] : memref<4x128x128xf32, #tpu.memory_space<vmem>> -> memref<1x128x128xf32, #tpu.memory_space<vmem>>
      %dma_wait3A_96 = tpu.memref_squeeze %dma_wait3A_95 : memref<1x128x128xf32, #tpu.memory_space<vmem>> -> memref<128x128xf32, #tpu.memory_space<vmem>>
      %dma_wait3A_97 = arith.constant 0 : i32
      %dma_wait3A_98 = arith.constant 0 : i32
      %dma_wait3A_99 = tpu.memref_slice %arg4[%mul3A_2, %dma_wait3A_97, %dma_wait3A_98] : memref<1280x128x128xf32, #tpu.memory_space<hbm>> -> memref<1x128x128xf32, #tpu.memory_space<hbm>>
      %dma_wait3A_100 = tpu.memref_squeeze %dma_wait3A_99 : memref<1x128x128xf32, #tpu.memory_space<hbm>> -> memref<128x128xf32, #tpu.memory_space<hbm>>
      %dma_wait3A_101 = arith.constant 0 : i32
      %dma_wait3A_102 = arith.constant 0 : i32
      %dma_wait3A_103 = tpu.memref_slice %arg4[%mul3A_2, %dma_wait3A_101, %dma_wait3A_102] : memref<1280x128x128xf32, #tpu.memory_space<hbm>> -> memref<1x128x128xf32, #tpu.memory_space<hbm>>
      %dma_wait3A_104 = tpu.memref_squeeze %dma_wait3A_103 : memref<1x128x128xf32, #tpu.memory_space<hbm>> -> memref<128x128xf32, #tpu.memory_space<hbm>>
      %dma_wait3A_105 = arith.constant 0 : i32
      %dma_wait3A_106 = arith.constant 0 : i32
      %dma_wait3A_107 = tpu.memref_slice %arg6[%dma_wait3A_92, %dma_wait3A_105, %dma_wait3A_106] : memref<4x128x128xf32, #tpu.memory_space<vmem>> -> memref<1x128x128xf32, #tpu.memory_space<vmem>>
      %dma_wait3A_108 = tpu.memref_squeeze %dma_wait3A_107 : memref<1x128x128xf32, #tpu.memory_space<vmem>> -> memref<128x128xf32, #tpu.memory_space<vmem>>
      tpu.wait_dma2 semaphore(%arg11 : memref<!tpu.dma_semaphore, #tpu.memory_space<semaphore_mem>>) src(%dma_wait3A_108 : memref<128x128xf32, #tpu.memory_space<vmem>>) dst(%dma_wait3A_104 : memref<128x128xf32, #tpu.memory_space<hbm>>)
      %dma_wait3A_109 = arith.constant 1 : i32
      %dma_wait3A_110 = arith.constant 0 : i32
      %dma_wait3A_111 = arith.constant 0 : i32
      %dma_wait3A_112 = tpu.memref_slice %arg6[%dma_wait3A_109, %dma_wait3A_110, %dma_wait3A_111] : memref<4x128x128xf32, #tpu.memory_space<vmem>> -> memref<1x128x128xf32, #tpu.memory_space<vmem>>
      %dma_wait3A_113 = tpu.memref_squeeze %dma_wait3A_112 : memref<1x128x128xf32, #tpu.memory_space<vmem>> -> memref<128x128xf32, #tpu.memory_space<vmem>>
      %dma_wait3A_114 = arith.constant 0 : i32
      %dma_wait3A_115 = tpu.memref_slice %arg5[%add3A_24, %dma_wait3A_114] : memref<40x128xi32, #tpu.memory_space<vmem>> -> memref<1x128xi32, #tpu.memory_space<vmem>>
      %dma_wait3A_116 = tpu.memref_squeeze %dma_wait3A_115 : memref<1x128xi32, #tpu.memory_space<vmem>> -> memref<128xi32, #tpu.memory_space<vmem>>
      %dma_wait3A_117 = arith.constant 0 : i32
      %dma_wait3A_118 = arith.constant 0 : i32
      %dma_wait3A_119 = tpu.memref_slice %arg2[%dma_wait3A_117, %dma_wait3A_118] : memref<10000x128xf32, #tpu.memory_space<hbm>> -> memref<10000x128xf32, #tpu.memory_space<hbm>>
      tpu.wait_indirect_dma semaphore(%arg8 : memref<!tpu.dma_semaphore, #tpu.memory_space<semaphore_mem>>) src(%dma_wait3A_119 : memref<10000x128xf32, #tpu.memory_space<hbm>>) dst(%dma_wait3A_113 : memref<128x128xf32, #tpu.memory_space<vmem>>)
      %add3A_120 = arith.addi %mul3A_2, %mul3A_10 : i32
      %add3A_121 = arith.constant 1 : i32
      %add3A_122 = arith.addi %add3A_120, %add3A_121 : i32
      %dma_start3A_123 = arith.constant 1 : i32
      %dma_start3A_124 = arith.constant 0 : i32
      %dma_start3A_125 = arith.constant 0 : i32
      %dma_start3A_126 = tpu.memref_slice %arg6[%dma_start3A_123, %dma_start3A_124, %dma_start3A_125] : memref<4x128x128xf32, #tpu.memory_space<vmem>> -> memref<1x128x128xf32, #tpu.memory_space<vmem>>
      %dma_start3A_127 = tpu.memref_squeeze %dma_start3A_126 : memref<1x128x128xf32, #tpu.memory_space<vmem>> -> memref<128x128xf32, #tpu.memory_space<vmem>>
      %dma_start3A_128 = arith.constant 0 : i32
      %dma_start3A_129 = arith.constant 0 : i32
      %dma_start3A_130 = tpu.memref_slice %arg4[%add3A_122, %dma_start3A_128, %dma_start3A_129] : memref<1280x128x128xf32, #tpu.memory_space<hbm>> -> memref<1x128x128xf32, #tpu.memory_space<hbm>>
      %dma_start3A_131 = tpu.memref_squeeze %dma_start3A_130 : memref<1x128x128xf32, #tpu.memory_space<hbm>> -> memref<128x128xf32, #tpu.memory_space<hbm>>
      %dma_start3A_132 = arith.constant 0 : i32
      %dma_start3A_133 = arith.constant 0 : i32
      %dma_start3A_134 = tpu.memref_slice %arg4[%add3A_122, %dma_start3A_132, %dma_start3A_133] : memref<1280x128x128xf32, #tpu.memory_space<hbm>> -> memref<1x128x128xf32, #tpu.memory_space<hbm>>
      %dma_start3A_135 = tpu.memref_squeeze %dma_start3A_134 : memref<1x128x128xf32, #tpu.memory_space<hbm>> -> memref<128x128xf32, #tpu.memory_space<hbm>>
      %dma_start3A_136 = arith.constant 0 : i32
      %dma_start3A_137 = arith.constant 0 : i32
      %dma_start3A_138 = tpu.memref_slice %arg6[%dma_start3A_123, %dma_start3A_136, %dma_start3A_137] : memref<4x128x128xf32, #tpu.memory_space<vmem>> -> memref<1x128x128xf32, #tpu.memory_space<vmem>>
      %dma_start3A_139 = tpu.memref_squeeze %dma_start3A_138 : memref<1x128x128xf32, #tpu.memory_space<vmem>> -> memref<128x128xf32, #tpu.memory_space<vmem>>
      tpu.enqueue_dma source(%dma_start3A_139 : memref<128x128xf32, #tpu.memory_space<vmem>>) target(%dma_start3A_135 : memref<128x128xf32, #tpu.memory_space<hbm>>) target_semaphore(%arg12 : memref<!tpu.dma_semaphore, #tpu.memory_space<semaphore_mem>>)
      %dma_wait3A_140 = arith.constant 1 : i32
      %dma_wait3A_141 = arith.constant 0 : i32
      %dma_wait3A_142 = arith.constant 0 : i32
      %dma_wait3A_143 = tpu.memref_slice %arg6[%dma_wait3A_140, %dma_wait3A_141, %dma_wait3A_142] : memref<4x128x128xf32, #tpu.memory_space<vmem>> -> memref<1x128x128xf32, #tpu.memory_space<vmem>>
      %dma_wait3A_144 = tpu.memref_squeeze %dma_wait3A_143 : memref<1x128x128xf32, #tpu.memory_space<vmem>> -> memref<128x128xf32, #tpu.memory_space<vmem>>
      %dma_wait3A_145 = arith.constant 0 : i32
      %dma_wait3A_146 = arith.constant 0 : i32
      %dma_wait3A_147 = tpu.memref_slice %arg4[%mul3A_2, %dma_wait3A_145, %dma_wait3A_146] : memref<1280x128x128xf32, #tpu.memory_space<hbm>> -> memref<1x128x128xf32, #tpu.memory_space<hbm>>
      %dma_wait3A_148 = tpu.memref_squeeze %dma_wait3A_147 : memref<1x128x128xf32, #tpu.memory_space<hbm>> -> memref<128x128xf32, #tpu.memory_space<hbm>>
      %dma_wait3A_149 = arith.constant 0 : i32
      %dma_wait3A_150 = arith.constant 0 : i32
      %dma_wait3A_151 = tpu.memref_slice %arg4[%mul3A_2, %dma_wait3A_149, %dma_wait3A_150] : memref<1280x128x128xf32, #tpu.memory_space<hbm>> -> memref<1x128x128xf32, #tpu.memory_space<hbm>>
      %dma_wait3A_152 = tpu.memref_squeeze %dma_wait3A_151 : memref<1x128x128xf32, #tpu.memory_space<hbm>> -> memref<128x128xf32, #tpu.memory_space<hbm>>
      %dma_wait3A_153 = arith.constant 0 : i32
      %dma_wait3A_154 = arith.constant 0 : i32
      %dma_wait3A_155 = tpu.memref_slice %arg6[%dma_wait3A_140, %dma_wait3A_153, %dma_wait3A_154] : memref<4x128x128xf32, #tpu.memory_space<vmem>> -> memref<1x128x128xf32, #tpu.memory_space<vmem>>
      %dma_wait3A_156 = tpu.memref_squeeze %dma_wait3A_155 : memref<1x128x128xf32, #tpu.memory_space<vmem>> -> memref<128x128xf32, #tpu.memory_space<vmem>>
      tpu.wait_dma2 semaphore(%arg12 : memref<!tpu.dma_semaphore, #tpu.memory_space<semaphore_mem>>) src(%dma_wait3A_156 : memref<128x128xf32, #tpu.memory_space<vmem>>) dst(%dma_wait3A_152 : memref<128x128xf32, #tpu.memory_space<hbm>>)
      %dma_wait3A_157 = arith.constant 2 : i32
      %dma_wait3A_158 = arith.constant 0 : i32
      %dma_wait3A_159 = arith.constant 0 : i32
      %dma_wait3A_160 = tpu.memref_slice %arg6[%dma_wait3A_157, %dma_wait3A_158, %dma_wait3A_159] : memref<4x128x128xf32, #tpu.memory_space<vmem>> -> memref<1x128x128xf32, #tpu.memory_space<vmem>>
      %dma_wait3A_161 = tpu.memref_squeeze %dma_wait3A_160 : memref<1x128x128xf32, #tpu.memory_space<vmem>> -> memref<128x128xf32, #tpu.memory_space<vmem>>
      %dma_wait3A_162 = arith.constant 0 : i32
      %dma_wait3A_163 = tpu.memref_slice %arg5[%add3A_37, %dma_wait3A_162] : memref<40x128xi32, #tpu.memory_space<vmem>> -> memref<1x128xi32, #tpu.memory_space<vmem>>
      %dma_wait3A_164 = tpu.memref_squeeze %dma_wait3A_163 : memref<1x128xi32, #tpu.memory_space<vmem>> -> memref<128xi32, #tpu.memory_space<vmem>>
      %dma_wait3A_165 = arith.constant 0 : i32
      %dma_wait3A_166 = arith.constant 0 : i32
      %dma_wait3A_167 = tpu.memref_slice %arg2[%dma_wait3A_165, %dma_wait3A_166] : memref<10000x128xf32, #tpu.memory_space<hbm>> -> memref<10000x128xf32, #tpu.memory_space<hbm>>
      tpu.wait_indirect_dma semaphore(%arg9 : memref<!tpu.dma_semaphore, #tpu.memory_space<semaphore_mem>>) src(%dma_wait3A_167 : memref<10000x128xf32, #tpu.memory_space<hbm>>) dst(%dma_wait3A_161 : memref<128x128xf32, #tpu.memory_space<vmem>>)
      %add3A_168 = arith.addi %mul3A_2, %mul3A_10 : i32
      %add3A_169 = arith.constant 2 : i32
      %add3A_170 = arith.addi %add3A_168, %add3A_169 : i32
      %dma_start3A_171 = arith.constant 2 : i32
      %dma_start3A_172 = arith.constant 0 : i32
      %dma_start3A_173 = arith.constant 0 : i32
      %dma_start3A_174 = tpu.memref_slice %arg6[%dma_start3A_171, %dma_start3A_172, %dma_start3A_173] : memref<4x128x128xf32, #tpu.memory_space<vmem>> -> memref<1x128x128xf32, #tpu.memory_space<vmem>>
      %dma_start3A_175 = tpu.memref_squeeze %dma_start3A_174 : memref<1x128x128xf32, #tpu.memory_space<vmem>> -> memref<128x128xf32, #tpu.memory_space<vmem>>
      %dma_start3A_176 = arith.constant 0 : i32
      %dma_start3A_177 = arith.constant 0 : i32
      %dma_start3A_178 = tpu.memref_slice %arg4[%add3A_170, %dma_start3A_176, %dma_start3A_177] : memref<1280x128x128xf32, #tpu.memory_space<hbm>> -> memref<1x128x128xf32, #tpu.memory_space<hbm>>
      %dma_start3A_179 = tpu.memref_squeeze %dma_start3A_178 : memref<1x128x128xf32, #tpu.memory_space<hbm>> -> memref<128x128xf32, #tpu.memory_space<hbm>>
      %dma_start3A_180 = arith.constant 0 : i32
      %dma_start3A_181 = arith.constant 0 : i32
      %dma_start3A_182 = tpu.memref_slice %arg4[%add3A_170, %dma_start3A_180, %dma_start3A_181] : memref<1280x128x128xf32, #tpu.memory_space<hbm>> -> memref<1x128x128xf32, #tpu.memory_space<hbm>>
      %dma_start3A_183 = tpu.memref_squeeze %dma_start3A_182 : memref<1x128x128xf32, #tpu.memory_space<hbm>> -> memref<128x128xf32, #tpu.memory_space<hbm>>
      %dma_start3A_184 = arith.constant 0 : i32
      %dma_start3A_185 = arith.constant 0 : i32
      %dma_start3A_186 = tpu.memref_slice %arg6[%dma_start3A_171, %dma_start3A_184, %dma_start3A_185] : memref<4x128x128xf32, #tpu.memory_space<vmem>> -> memref<1x128x128xf32, #tpu.memory_space<vmem>>
      %dma_start3A_187 = tpu.memref_squeeze %dma_start3A_186 : memref<1x128x128xf32, #tpu.memory_space<vmem>> -> memref<128x128xf32, #tpu.memory_space<vmem>>
      tpu.enqueue_dma source(%dma_start3A_187 : memref<128x128xf32, #tpu.memory_space<vmem>>) target(%dma_start3A_183 : memref<128x128xf32, #tpu.memory_space<hbm>>) target_semaphore(%arg13 : memref<!tpu.dma_semaphore, #tpu.memory_space<semaphore_mem>>)
      %dma_wait3A_188 = arith.constant 2 : i32
      %dma_wait3A_189 = arith.constant 0 : i32
      %dma_wait3A_190 = arith.constant 0 : i32
      %dma_wait3A_191 = tpu.memref_slice %arg6[%dma_wait3A_188, %dma_wait3A_189, %dma_wait3A_190] : memref<4x128x128xf32, #tpu.memory_space<vmem>> -> memref<1x128x128xf32, #tpu.memory_space<vmem>>
      %dma_wait3A_192 = tpu.memref_squeeze %dma_wait3A_191 : memref<1x128x128xf32, #tpu.memory_space<vmem>> -> memref<128x128xf32, #tpu.memory_space<vmem>>
      %dma_wait3A_193 = arith.constant 0 : i32
      %dma_wait3A_194 = arith.constant 0 : i32
      %dma_wait3A_195 = tpu.memref_slice %arg4[%mul3A_2, %dma_wait3A_193, %dma_wait3A_194] : memref<1280x128x128xf32, #tpu.memory_space<hbm>> -> memref<1x128x128xf32, #tpu.memory_space<hbm>>
      %dma_wait3A_196 = tpu.memref_squeeze %dma_wait3A_195 : memref<1x128x128xf32, #tpu.memory_space<hbm>> -> memref<128x128xf32, #tpu.memory_space<hbm>>
      %dma_wait3A_197 = arith.constant 0 : i32
      %dma_wait3A_198 = arith.constant 0 : i32
      %dma_wait3A_199 = tpu.memref_slice %arg4[%mul3A_2, %dma_wait3A_197, %dma_wait3A_198] : memref<1280x128x128xf32, #tpu.memory_space<hbm>> -> memref<1x128x128xf32, #tpu.memory_space<hbm>>
      %dma_wait3A_200 = tpu.memref_squeeze %dma_wait3A_199 : memref<1x128x128xf32, #tpu.memory_space<hbm>> -> memref<128x128xf32, #tpu.memory_space<hbm>>
      %dma_wait3A_201 = arith.constant 0 : i32
      %dma_wait3A_202 = arith.constant 0 : i32
      %dma_wait3A_203 = tpu.memref_slice %arg6[%dma_wait3A_188, %dma_wait3A_201, %dma_wait3A_202] : memref<4x128x128xf32, #tpu.memory_space<vmem>> -> memref<1x128x128xf32, #tpu.memory_space<vmem>>
      %dma_wait3A_204 = tpu.memref_squeeze %dma_wait3A_203 : memref<1x128x128xf32, #tpu.memory_space<vmem>> -> memref<128x128xf32, #tpu.memory_space<vmem>>
      tpu.wait_dma2 semaphore(%arg13 : memref<!tpu.dma_semaphore, #tpu.memory_space<semaphore_mem>>) src(%dma_wait3A_204 : memref<128x128xf32, #tpu.memory_space<vmem>>) dst(%dma_wait3A_200 : memref<128x128xf32, #tpu.memory_space<hbm>>)
      %dma_wait3A_205 = arith.constant 3 : i32
      %dma_wait3A_206 = arith.constant 0 : i32
      %dma_wait3A_207 = arith.constant 0 : i32
      %dma_wait3A_208 = tpu.memref_slice %arg6[%dma_wait3A_205, %dma_wait3A_206, %dma_wait3A_207] : memref<4x128x128xf32, #tpu.memory_space<vmem>> -> memref<1x128x128xf32, #tpu.memory_space<vmem>>
      %dma_wait3A_209 = tpu.memref_squeeze %dma_wait3A_208 : memref<1x128x128xf32, #tpu.memory_space<vmem>> -> memref<128x128xf32, #tpu.memory_space<vmem>>
      %dma_wait3A_210 = arith.constant 0 : i32
      %dma_wait3A_211 = tpu.memref_slice %arg5[%add3A_50, %dma_wait3A_210] : memref<40x128xi32, #tpu.memory_space<vmem>> -> memref<1x128xi32, #tpu.memory_space<vmem>>
      %dma_wait3A_212 = tpu.memref_squeeze %dma_wait3A_211 : memref<1x128xi32, #tpu.memory_space<vmem>> -> memref<128xi32, #tpu.memory_space<vmem>>
      %dma_wait3A_213 = arith.constant 0 : i32
      %dma_wait3A_214 = arith.constant 0 : i32
      %dma_wait3A_215 = tpu.memref_slice %arg2[%dma_wait3A_213, %dma_wait3A_214] : memref<10000x128xf32, #tpu.memory_space<hbm>> -> memref<10000x128xf32, #tpu.memory_space<hbm>>
      tpu.wait_indirect_dma semaphore(%arg10 : memref<!tpu.dma_semaphore, #tpu.memory_space<semaphore_mem>>) src(%dma_wait3A_215 : memref<10000x128xf32, #tpu.memory_space<hbm>>) dst(%dma_wait3A_209 : memref<128x128xf32, #tpu.memory_space<vmem>>)
      %add3A_216 = arith.addi %mul3A_2, %mul3A_10 : i32
      %add3A_217 = arith.constant 3 : i32
      %add3A_218 = arith.addi %add3A_216, %add3A_217 : i32
      %dma_start3A_219 = arith.constant 3 : i32
      %dma_start3A_220 = arith.constant 0 : i32
      %dma_start3A_221 = arith.constant 0 : i32
      %dma_start3A_222 = tpu.memref_slice %arg6[%dma_start3A_219, %dma_start3A_220, %dma_start3A_221] : memref<4x128x128xf32, #tpu.memory_space<vmem>> -> memref<1x128x128xf32, #tpu.memory_space<vmem>>
      %dma_start3A_223 = tpu.memref_squeeze %dma_start3A_222 : memref<1x128x128xf32, #tpu.memory_space<vmem>> -> memref<128x128xf32, #tpu.memory_space<vmem>>
      %dma_start3A_224 = arith.constant 0 : i32
      %dma_start3A_225 = arith.constant 0 : i32
      %dma_start3A_226 = tpu.memref_slice %arg4[%add3A_218, %dma_start3A_224, %dma_start3A_225] : memref<1280x128x128xf32, #tpu.memory_space<hbm>> -> memref<1x128x128xf32, #tpu.memory_space<hbm>>
      %dma_start3A_227 = tpu.memref_squeeze %dma_start3A_226 : memref<1x128x128xf32, #tpu.memory_space<hbm>> -> memref<128x128xf32, #tpu.memory_space<hbm>>
      %dma_start3A_228 = arith.constant 0 : i32
      %dma_start3A_229 = arith.constant 0 : i32
      %dma_start3A_230 = tpu.memref_slice %arg4[%add3A_218, %dma_start3A_228, %dma_start3A_229] : memref<1280x128x128xf32, #tpu.memory_space<hbm>> -> memref<1x128x128xf32, #tpu.memory_space<hbm>>
      %dma_start3A_231 = tpu.memref_squeeze %dma_start3A_230 : memref<1x128x128xf32, #tpu.memory_space<hbm>> -> memref<128x128xf32, #tpu.memory_space<hbm>>
      %dma_start3A_232 = arith.constant 0 : i32
      %dma_start3A_233 = arith.constant 0 : i32
      %dma_start3A_234 = tpu.memref_slice %arg6[%dma_start3A_219, %dma_start3A_232, %dma_start3A_233] : memref<4x128x128xf32, #tpu.memory_space<vmem>> -> memref<1x128x128xf32, #tpu.memory_space<vmem>>
      %dma_start3A_235 = tpu.memref_squeeze %dma_start3A_234 : memref<1x128x128xf32, #tpu.memory_space<vmem>> -> memref<128x128xf32, #tpu.memory_space<vmem>>
      tpu.enqueue_dma source(%dma_start3A_235 : memref<128x128xf32, #tpu.memory_space<vmem>>) target(%dma_start3A_231 : memref<128x128xf32, #tpu.memory_space<hbm>>) target_semaphore(%arg14 : memref<!tpu.dma_semaphore, #tpu.memory_space<semaphore_mem>>)
      %dma_wait3A_236 = arith.constant 3 : i32
      %dma_wait3A_237 = arith.constant 0 : i32
      %dma_wait3A_238 = arith.constant 0 : i32
      %dma_wait3A_239 = tpu.memref_slice %arg6[%dma_wait3A_236, %dma_wait3A_237, %dma_wait3A_238] : memref<4x128x128xf32, #tpu.memory_space<vmem>> -> memref<1x128x128xf32, #tpu.memory_space<vmem>>
      %dma_wait3A_240 = tpu.memref_squeeze %dma_wait3A_239 : memref<1x128x128xf32, #tpu.memory_space<vmem>> -> memref<128x128xf32, #tpu.memory_space<vmem>>
      %dma_wait3A_241 = arith.constant 0 : i32
      %dma_wait3A_242 = arith.constant 0 : i32
      %dma_wait3A_243 = tpu.memref_slice %arg4[%mul3A_2, %dma_wait3A_241, %dma_wait3A_242] : memref<1280x128x128xf32, #tpu.memory_space<hbm>> -> memref<1x128x128xf32, #tpu.memory_space<hbm>>
      %dma_wait3A_244 = tpu.memref_squeeze %dma_wait3A_243 : memref<1x128x128xf32, #tpu.memory_space<hbm>> -> memref<128x128xf32, #tpu.memory_space<hbm>>
      %dma_wait3A_245 = arith.constant 0 : i32
      %dma_wait3A_246 = arith.constant 0 : i32
      %dma_wait3A_247 = tpu.memref_slice %arg4[%mul3A_2, %dma_wait3A_245, %dma_wait3A_246] : memref<1280x128x128xf32, #tpu.memory_space<hbm>> -> memref<1x128x128xf32, #tpu.memory_space<hbm>>
      %dma_wait3A_248 = tpu.memref_squeeze %dma_wait3A_247 : memref<1x128x128xf32, #tpu.memory_space<hbm>> -> memref<128x128xf32, #tpu.memory_space<hbm>>
      %dma_wait3A_249 = arith.constant 0 : i32
      %dma_wait3A_250 = arith.constant 0 : i32
      %dma_wait3A_251 = tpu.memref_slice %arg6[%dma_wait3A_236, %dma_wait3A_249, %dma_wait3A_250] : memref<4x128x128xf32, #tpu.memory_space<vmem>> -> memref<1x128x128xf32, #tpu.memory_space<vmem>>
      %dma_wait3A_252 = tpu.memref_squeeze %dma_wait3A_251 : memref<1x128x128xf32, #tpu.memory_space<vmem>> -> memref<128x128xf32, #tpu.memory_space<vmem>>
      tpu.wait_dma2 semaphore(%arg14 : memref<!tpu.dma_semaphore, #tpu.memory_space<semaphore_mem>>) src(%dma_wait3A_252 : memref<128x128xf32, #tpu.memory_space<vmem>>) dst(%dma_wait3A_248 : memref<128x128xf32, #tpu.memory_space<hbm>>)
    }
    %scan3A_7 = arith.constant 10 : i32
    return
  }
}

#map = affine_map<(d0, d1) -> (0, 0)>
#map1 = affine_map<(d0, d1) -> (0, 0, 0)>
module attributes {stable_mosaic.version = 14 : i64} {
  func.func @gather_k(%arg0: i32, %arg1: i32, %arg2: memref<10000x128xf32, #tpu.memory_space<hbm>>, %arg3: memref<32x40x128xi32, #tpu.memory_space<hbm>>, %arg4: memref<1280x128x128xf32, #tpu.memory_space<hbm>>, %arg5: memref<40x128xi32, #tpu.memory_space<vmem>>, %arg6: memref<4x128x128xf32, #tpu.memory_space<vmem>>, %arg7: memref<!tpu.dma_semaphore, #tpu.memory_space<semaphore_mem>>, %arg8: memref<!tpu.dma_semaphore, #tpu.memory_space<semaphore_mem>>, %arg9: memref<!tpu.dma_semaphore, #tpu.memory_space<semaphore_mem>>, %arg10: memref<!tpu.dma_semaphore, #tpu.memory_space<semaphore_mem>>, %arg11: memref<!tpu.dma_semaphore, #tpu.memory_space<semaphore_mem>>, %arg12: memref<!tpu.dma_semaphore, #tpu.memory_space<semaphore_mem>>, %arg13: memref<!tpu.dma_semaphore, #tpu.memory_space<semaphore_mem>>, %arg14: memref<!tpu.dma_semaphore, #tpu.memory_space<semaphore_mem>>) attributes {dimension_semantics = [#tpu.dimension_semantics<core_parallel>, #tpu.dimension_semantics<subcore_parallel>], iteration_bounds = array<i64: 2, 16>, scalar_prefetch = 0 : i64, scratch_operands = 10 : i64, tpu.core_type = #tpu.core_type<sc_vector_subcore>, window_params = [{transform_indices = #map}, {transform_indices = #map1}, {transform_indices = #map1}]} {
    %mul3A = arith.constant 2 : i32
    %mul3A_0 = arith.muli %arg1, %mul3A : i32
    %add3A = arith.addi %mul3A_0, %arg0 : i32
    %mul3A_1 = arith.constant 40 : i32
    %mul3A_2 = arith.muli %add3A, %mul3A_1 : i32
    "tpu.region"() ({
      %run_scoped3A = tpu.sem_alloc : memref<!tpu.dma_semaphore, #tpu.memory_space<semaphore_mem>>
      %dma_start3A = arith.constant 0 : i32
      %dma_start3A_8 = arith.constant 0 : i32
      %dma_start3A_9 = tpu.memref_slice %arg3[%add3A, %dma_start3A, %dma_start3A_8] : memref<32x40x128xi32, #tpu.memory_space<hbm>> -> memref<1x40x128xi32, #tpu.memory_space<hbm>>
      %dma_start3A_10 = tpu.memref_squeeze %dma_start3A_9 : memref<1x40x128xi32, #tpu.memory_space<hbm>> -> memref<40x128xi32, #tpu.memory_space<hbm>>
      %dma_start3A_11 = arith.constant 0 : i32
      %dma_start3A_12 = arith.constant 0 : i32
      %dma_start3A_13 = tpu.memref_slice %arg3[%add3A, %dma_start3A_11, %dma_start3A_12] : memref<32x40x128xi32, #tpu.memory_space<hbm>> -> memref<1x40x128xi32, #tpu.memory_space<hbm>>
      %dma_start3A_14 = tpu.memref_squeeze %dma_start3A_13 : memref<1x40x128xi32, #tpu.memory_space<hbm>> -> memref<40x128xi32, #tpu.memory_space<hbm>>
      tpu.enqueue_dma source(%dma_start3A_14 : memref<40x128xi32, #tpu.memory_space<hbm>>) target(%arg5 : memref<40x128xi32, #tpu.memory_space<vmem>>) target_semaphore(%run_scoped3A : memref<!tpu.dma_semaphore, #tpu.memory_space<semaphore_mem>>)
      %dma_wait3A = arith.constant 0 : i32
      %dma_wait3A_15 = arith.constant 0 : i32
      %dma_wait3A_16 = tpu.memref_slice %arg3[%add3A, %dma_wait3A, %dma_wait3A_15] : memref<32x40x128xi32, #tpu.memory_space<hbm>> -> memref<1x40x128xi32, #tpu.memory_space<hbm>>
      %dma_wait3A_17 = tpu.memref_squeeze %dma_wait3A_16 : memref<1x40x128xi32, #tpu.memory_space<hbm>> -> memref<40x128xi32, #tpu.memory_space<hbm>>
      %dma_wait3A_18 = arith.constant 0 : i32
      %dma_wait3A_19 = arith.constant 0 : i32
      %dma_wait3A_20 = tpu.memref_slice %arg3[%add3A, %dma_wait3A_18, %dma_wait3A_19] : memref<32x40x128xi32, #tpu.memory_space<hbm>> -> memref<1x40x128xi32, #tpu.memory_space<hbm>>
      %dma_wait3A_21 = tpu.memref_squeeze %dma_wait3A_20 : memref<1x40x128xi32, #tpu.memory_space<hbm>> -> memref<40x128xi32, #tpu.memory_space<hbm>>
      tpu.wait_dma2 semaphore(%run_scoped3A : memref<!tpu.dma_semaphore, #tpu.memory_space<semaphore_mem>>) src(%dma_wait3A_21 : memref<40x128xi32, #tpu.memory_space<hbm>>) dst(%arg5 : memref<40x128xi32, #tpu.memory_space<vmem>>)
      tpu.yield
    }) : () -> ()
    %scan3A = arith.constant 0 : i32
    %scan3A_3 = arith.constant 0 : i32
    %scan3A_4 = arith.constant 10 : i32
    %scan3A_5 = arith.addi %scan3A_3, %scan3A_4 : i32
    %scan3A_6 = arith.constant 1 : i32
    scf.for %scan3A_8 = %scan3A_3 to %scan3A_5 step %scan3A_6  : i32 {
      %mul3A_9 = arith.constant 4 : i32
      %mul3A_10 = arith.muli %scan3A_8, %mul3A_9 : i32
      %add3A_11 = arith.constant 0 : i32
      %add3A_12 = arith.addi %mul3A_10, %add3A_11 : i32
      %dma_start3A = arith.constant 0 : i32
      %dma_start3A_13 = arith.constant 0 : i32
      %dma_start3A_14 = arith.constant 0 : i32
      %dma_start3A_15 = tpu.memref_slice %arg6[%dma_start3A, %dma_start3A_13, %dma_start3A_14] : memref<4x128x128xf32, #tpu.memory_space<vmem>> -> memref<1x128x128xf32, #tpu.memory_space<vmem>>
      %dma_start3A_16 = tpu.memref_squeeze %dma_start3A_15 : memref<1x128x128xf32, #tpu.memory_space<vmem>> -> memref<128x128xf32, #tpu.memory_space<vmem>>
      %dma_start3A_17 = arith.constant 0 : i32
      %dma_start3A_18 = tpu.memref_slice %arg5[%add3A_12, %dma_start3A_17] : memref<40x128xi32, #tpu.memory_space<vmem>> -> memref<1x128xi32, #tpu.memory_space<vmem>>
      %dma_start3A_19 = tpu.memref_squeeze %dma_start3A_18 : memref<1x128xi32, #tpu.memory_space<vmem>> -> memref<128xi32, #tpu.memory_space<vmem>>
      %dma_start3A_20 = arith.constant 0 : i32
      %dma_start3A_21 = arith.constant 0 : i32
      %dma_start3A_22 = tpu.memref_slice %arg2[%dma_start3A_20, %dma_start3A_21] : memref<10000x128xf32, #tpu.memory_space<hbm>> -> memref<10000x128xf32, #tpu.memory_space<hbm>>
      tpu.enqueue_indirect_dma source(%dma_start3A_22 : memref<10000x128xf32, #tpu.memory_space<hbm>>) target(%dma_start3A_16 : memref<128x128xf32, #tpu.memory_space<vmem>>) offsets(%dma_start3A_19 : memref<128xi32, #tpu.memory_space<vmem>>) semaphore(%arg7 : memref<!tpu.dma_semaphore, #tpu.memory_space<semaphore_mem>>)
      %add3A_23 = arith.constant 1 : i32
      %add3A_24 = arith.addi %mul3A_10, %add3A_23 : i32
      %dma_start3A_25 = arith.constant 1 : i32
      %dma_start3A_26 = arith.constant 0 : i32
      %dma_start3A_27 = arith.constant 0 : i32
      %dma_start3A_28 = tpu.memref_slice %arg6[%dma_start3A_25, %dma_start3A_26, %dma_start3A_27] : memref<4x128x128xf32, #tpu.memory_space<vmem>> -> memref<1x128x128xf32, #tpu.memory_space<vmem>>
      %dma_start3A_29 = tpu.memref_squeeze %dma_start3A_28 : memref<1x128x128xf32, #tpu.memory_space<vmem>> -> memref<128x128xf32, #tpu.memory_space<vmem>>
      %dma_start3A_30 = arith.constant 0 : i32
      %dma_start3A_31 = tpu.memref_slice %arg5[%add3A_24, %dma_start3A_30] : memref<40x128xi32, #tpu.memory_space<vmem>> -> memref<1x128xi32, #tpu.memory_space<vmem>>
      %dma_start3A_32 = tpu.memref_squeeze %dma_start3A_31 : memref<1x128xi32, #tpu.memory_space<vmem>> -> memref<128xi32, #tpu.memory_space<vmem>>
      %dma_start3A_33 = arith.constant 0 : i32
      %dma_start3A_34 = arith.constant 0 : i32
      %dma_start3A_35 = tpu.memref_slice %arg2[%dma_start3A_33, %dma_start3A_34] : memref<10000x128xf32, #tpu.memory_space<hbm>> -> memref<10000x128xf32, #tpu.memory_space<hbm>>
      tpu.enqueue_indirect_dma source(%dma_start3A_35 : memref<10000x128xf32, #tpu.memory_space<hbm>>) target(%dma_start3A_29 : memref<128x128xf32, #tpu.memory_space<vmem>>) offsets(%dma_start3A_32 : memref<128xi32, #tpu.memory_space<vmem>>) semaphore(%arg8 : memref<!tpu.dma_semaphore, #tpu.memory_space<semaphore_mem>>)
      %add3A_36 = arith.constant 2 : i32
      %add3A_37 = arith.addi %mul3A_10, %add3A_36 : i32
      %dma_start3A_38 = arith.constant 2 : i32
      %dma_start3A_39 = arith.constant 0 : i32
      %dma_start3A_40 = arith.constant 0 : i32
      %dma_start3A_41 = tpu.memref_slice %arg6[%dma_start3A_38, %dma_start3A_39, %dma_start3A_40] : memref<4x128x128xf32, #tpu.memory_space<vmem>> -> memref<1x128x128xf32, #tpu.memory_space<vmem>>
      %dma_start3A_42 = tpu.memref_squeeze %dma_start3A_41 : memref<1x128x128xf32, #tpu.memory_space<vmem>> -> memref<128x128xf32, #tpu.memory_space<vmem>>
      %dma_start3A_43 = arith.constant 0 : i32
      %dma_start3A_44 = tpu.memref_slice %arg5[%add3A_37, %dma_start3A_43] : memref<40x128xi32, #tpu.memory_space<vmem>> -> memref<1x128xi32, #tpu.memory_space<vmem>>
      %dma_start3A_45 = tpu.memref_squeeze %dma_start3A_44 : memref<1x128xi32, #tpu.memory_space<vmem>> -> memref<128xi32, #tpu.memory_space<vmem>>
      %dma_start3A_46 = arith.constant 0 : i32
      %dma_start3A_47 = arith.constant 0 : i32
      %dma_start3A_48 = tpu.memref_slice %arg2[%dma_start3A_46, %dma_start3A_47] : memref<10000x128xf32, #tpu.memory_space<hbm>> -> memref<10000x128xf32, #tpu.memory_space<hbm>>
      tpu.enqueue_indirect_dma source(%dma_start3A_48 : memref<10000x128xf32, #tpu.memory_space<hbm>>) target(%dma_start3A_42 : memref<128x128xf32, #tpu.memory_space<vmem>>) offsets(%dma_start3A_45 : memref<128xi32, #tpu.memory_space<vmem>>) semaphore(%arg9 : memref<!tpu.dma_semaphore, #tpu.memory_space<semaphore_mem>>)
      %add3A_49 = arith.constant 3 : i32
      %add3A_50 = arith.addi %mul3A_10, %add3A_49 : i32
      %dma_start3A_51 = arith.constant 3 : i32
      %dma_start3A_52 = arith.constant 0 : i32
      %dma_start3A_53 = arith.constant 0 : i32
      %dma_start3A_54 = tpu.memref_slice %arg6[%dma_start3A_51, %dma_start3A_52, %dma_start3A_53] : memref<4x128x128xf32, #tpu.memory_space<vmem>> -> memref<1x128x128xf32, #tpu.memory_space<vmem>>
      %dma_start3A_55 = tpu.memref_squeeze %dma_start3A_54 : memref<1x128x128xf32, #tpu.memory_space<vmem>> -> memref<128x128xf32, #tpu.memory_space<vmem>>
      %dma_start3A_56 = arith.constant 0 : i32
      %dma_start3A_57 = tpu.memref_slice %arg5[%add3A_50, %dma_start3A_56] : memref<40x128xi32, #tpu.memory_space<vmem>> -> memref<1x128xi32, #tpu.memory_space<vmem>>
      %dma_start3A_58 = tpu.memref_squeeze %dma_start3A_57 : memref<1x128xi32, #tpu.memory_space<vmem>> -> memref<128xi32, #tpu.memory_space<vmem>>
      %dma_start3A_59 = arith.constant 0 : i32
      %dma_start3A_60 = arith.constant 0 : i32
      %dma_start3A_61 = tpu.memref_slice %arg2[%dma_start3A_59, %dma_start3A_60] : memref<10000x128xf32, #tpu.memory_space<hbm>> -> memref<10000x128xf32, #tpu.memory_space<hbm>>
      tpu.enqueue_indirect_dma source(%dma_start3A_61 : memref<10000x128xf32, #tpu.memory_space<hbm>>) target(%dma_start3A_55 : memref<128x128xf32, #tpu.memory_space<vmem>>) offsets(%dma_start3A_58 : memref<128xi32, #tpu.memory_space<vmem>>) semaphore(%arg10 : memref<!tpu.dma_semaphore, #tpu.memory_space<semaphore_mem>>)
      %dma_wait3A = arith.constant 0 : i32
      %dma_wait3A_62 = arith.constant 0 : i32
      %dma_wait3A_63 = arith.constant 0 : i32
      %dma_wait3A_64 = tpu.memref_slice %arg6[%dma_wait3A, %dma_wait3A_62, %dma_wait3A_63] : memref<4x128x128xf32, #tpu.memory_space<vmem>> -> memref<1x128x128xf32, #tpu.memory_space<vmem>>
      %dma_wait3A_65 = tpu.memref_squeeze %dma_wait3A_64 : memref<1x128x128xf32, #tpu.memory_space<vmem>> -> memref<128x128xf32, #tpu.memory_space<vmem>>
      %dma_wait3A_66 = arith.constant 0 : i32
      %dma_wait3A_67 = tpu.memref_slice %arg5[%add3A_12, %dma_wait3A_66] : memref<40x128xi32, #tpu.memory_space<vmem>> -> memref<1x128xi32, #tpu.memory_space<vmem>>
      %dma_wait3A_68 = tpu.memref_squeeze %dma_wait3A_67 : memref<1x128xi32, #tpu.memory_space<vmem>> -> memref<128xi32, #tpu.memory_space<vmem>>
      %dma_wait3A_69 = arith.constant 0 : i32
      %dma_wait3A_70 = arith.constant 0 : i32
      %dma_wait3A_71 = tpu.memref_slice %arg2[%dma_wait3A_69, %dma_wait3A_70] : memref<10000x128xf32, #tpu.memory_space<hbm>> -> memref<10000x128xf32, #tpu.memory_space<hbm>>
      tpu.wait_indirect_dma semaphore(%arg7 : memref<!tpu.dma_semaphore, #tpu.memory_space<semaphore_mem>>) src(%dma_wait3A_71 : memref<10000x128xf32, #tpu.memory_space<hbm>>) dst(%dma_wait3A_65 : memref<128x128xf32, #tpu.memory_space<vmem>>)
      %add3A_72 = arith.addi %mul3A_2, %mul3A_10 : i32
      %add3A_73 = arith.constant 0 : i32
      %add3A_74 = arith.addi %add3A_72, %add3A_73 : i32
      %dma_start3A_75 = arith.constant 0 : i32
      %dma_start3A_76 = arith.constant 0 : i32
      %dma_start3A_77 = arith.constant 0 : i32
      %dma_start3A_78 = tpu.memref_slice %arg6[%dma_start3A_75, %dma_start3A_76, %dma_start3A_77] : memref<4x128x128xf32, #tpu.memory_space<vmem>> -> memref<1x128x128xf32, #tpu.memory_space<vmem>>
      %dma_start3A_79 = tpu.memref_squeeze %dma_start3A_78 : memref<1x128x128xf32, #tpu.memory_space<vmem>> -> memref<128x128xf32, #tpu.memory_space<vmem>>
      %dma_start3A_80 = arith.constant 0 : i32
      %dma_start3A_81 = arith.constant 0 : i32
      %dma_start3A_82 = tpu.memref_slice %arg4[%add3A_74, %dma_start3A_80, %dma_start3A_81] : memref<1280x128x128xf32, #tpu.memory_space<hbm>> -> memref<1x128x128xf32, #tpu.memory_space<hbm>>
      %dma_start3A_83 = tpu.memref_squeeze %dma_start3A_82 : memref<1x128x128xf32, #tpu.memory_space<hbm>> -> memref<128x128xf32, #tpu.memory_space<hbm>>
      %dma_start3A_84 = arith.constant 0 : i32
      %dma_start3A_85 = arith.constant 0 : i32
      %dma_start3A_86 = tpu.memref_slice %arg4[%add3A_74, %dma_start3A_84, %dma_start3A_85] : memref<1280x128x128xf32, #tpu.memory_space<hbm>> -> memref<1x128x128xf32, #tpu.memory_space<hbm>>
      %dma_start3A_87 = tpu.memref_squeeze %dma_start3A_86 : memref<1x128x128xf32, #tpu.memory_space<hbm>> -> memref<128x128xf32, #tpu.memory_space<hbm>>
      %dma_start3A_88 = arith.constant 0 : i32
      %dma_start3A_89 = arith.constant 0 : i32
      %dma_start3A_90 = tpu.memref_slice %arg6[%dma_start3A_75, %dma_start3A_88, %dma_start3A_89] : memref<4x128x128xf32, #tpu.memory_space<vmem>> -> memref<1x128x128xf32, #tpu.memory_space<vmem>>
      %dma_start3A_91 = tpu.memref_squeeze %dma_start3A_90 : memref<1x128x128xf32, #tpu.memory_space<vmem>> -> memref<128x128xf32, #tpu.memory_space<vmem>>
      tpu.enqueue_dma source(%dma_start3A_91 : memref<128x128xf32, #tpu.memory_space<vmem>>) target(%dma_start3A_87 : memref<128x128xf32, #tpu.memory_space<hbm>>) target_semaphore(%arg11 : memref<!tpu.dma_semaphore, #tpu.memory_space<semaphore_mem>>)
      %dma_wait3A_92 = arith.constant 0 : i32
      %dma_wait3A_93 = arith.constant 0 : i32
      %dma_wait3A_94 = arith.constant 0 : i32
      %dma_wait3A_95 = tpu.memref_slice %arg6[%dma_wait3A_92, %dma_wait3A_93, %dma_wait3A_94] : memref<4x128x128xf32, #tpu.memory_space<vmem>> -> memref<1x128x128xf32, #tpu.memory_space<vmem>>
      %dma_wait3A_96 = tpu.memref_squeeze %dma_wait3A_95 : memref<1x128x128xf32, #tpu.memory_space<vmem>> -> memref<128x128xf32, #tpu.memory_space<vmem>>
      %dma_wait3A_97 = arith.constant 0 : i32
      %dma_wait3A_98 = arith.constant 0 : i32
      %dma_wait3A_99 = tpu.memref_slice %arg4[%mul3A_2, %dma_wait3A_97, %dma_wait3A_98] : memref<1280x128x128xf32, #tpu.memory_space<hbm>> -> memref<1x128x128xf32, #tpu.memory_space<hbm>>
      %dma_wait3A_100 = tpu.memref_squeeze %dma_wait3A_99 : memref<1x128x128xf32, #tpu.memory_space<hbm>> -> memref<128x128xf32, #tpu.memory_space<hbm>>
      %dma_wait3A_101 = arith.constant 0 : i32
      %dma_wait3A_102 = arith.constant 0 : i32
      %dma_wait3A_103 = tpu.memref_slice %arg4[%mul3A_2, %dma_wait3A_101, %dma_wait3A_102] : memref<1280x128x128xf32, #tpu.memory_space<hbm>> -> memref<1x128x128xf32, #tpu.memory_space<hbm>>
      %dma_wait3A_104 = tpu.memref_squeeze %dma_wait3A_103 : memref<1x128x128xf32, #tpu.memory_space<hbm>> -> memref<128x128xf32, #tpu.memory_space<hbm>>
      %dma_wait3A_105 = arith.constant 0 : i32
      %dma_wait3A_106 = arith.constant 0 : i32
      %dma_wait3A_107 = tpu.memref_slice %arg6[%dma_wait3A_92, %dma_wait3A_105, %dma_wait3A_106] : memref<4x128x128xf32, #tpu.memory_space<vmem>> -> memref<1x128x128xf32, #tpu.memory_space<vmem>>
      %dma_wait3A_108 = tpu.memref_squeeze %dma_wait3A_107 : memref<1x128x128xf32, #tpu.memory_space<vmem>> -> memref<128x128xf32, #tpu.memory_space<vmem>>
      tpu.wait_dma2 semaphore(%arg11 : memref<!tpu.dma_semaphore, #tpu.memory_space<semaphore_mem>>) src(%dma_wait3A_108 : memref<128x128xf32, #tpu.memory_space<vmem>>) dst(%dma_wait3A_104 : memref<128x128xf32, #tpu.memory_space<hbm>>)
      %dma_wait3A_109 = arith.constant 1 : i32
      %dma_wait3A_110 = arith.constant 0 : i32
      %dma_wait3A_111 = arith.constant 0 : i32
      %dma_wait3A_112 = tpu.memref_slice %arg6[%dma_wait3A_109, %dma_wait3A_110, %dma_wait3A_111] : memref<4x128x128xf32, #tpu.memory_space<vmem>> -> memref<1x128x128xf32, #tpu.memory_space<vmem>>
      %dma_wait3A_113 = tpu.memref_squeeze %dma_wait3A_112 : memref<1x128x128xf32, #tpu.memory_space<vmem>> -> memref<128x128xf32, #tpu.memory_space<vmem>>
      %dma_wait3A_114 = arith.constant 0 : i32
      %dma_wait3A_115 = tpu.memref_slice %arg5[%add3A_24, %dma_wait3A_114] : memref<40x128xi32, #tpu.memory_space<vmem>> -> memref<1x128xi32, #tpu.memory_space<vmem>>
      %dma_wait3A_116 = tpu.memref_squeeze %dma_wait3A_115 : memref<1x128xi32, #tpu.memory_space<vmem>> -> memref<128xi32, #tpu.memory_space<vmem>>
      %dma_wait3A_117 = arith.constant 0 : i32
      %dma_wait3A_118 = arith.constant 0 : i32
      %dma_wait3A_119 = tpu.memref_slice %arg2[%dma_wait3A_117, %dma_wait3A_118] : memref<10000x128xf32, #tpu.memory_space<hbm>> -> memref<10000x128xf32, #tpu.memory_space<hbm>>
      tpu.wait_indirect_dma semaphore(%arg8 : memref<!tpu.dma_semaphore, #tpu.memory_space<semaphore_mem>>) src(%dma_wait3A_119 : memref<10000x128xf32, #tpu.memory_space<hbm>>) dst(%dma_wait3A_113 : memref<128x128xf32, #tpu.memory_space<vmem>>)
      %add3A_120 = arith.addi %mul3A_2, %mul3A_10 : i32
      %add3A_121 = arith.constant 1 : i32
      %add3A_122 = arith.addi %add3A_120, %add3A_121 : i32
      %dma_start3A_123 = arith.constant 1 : i32
      %dma_start3A_124 = arith.constant 0 : i32
      %dma_start3A_125 = arith.constant 0 : i32
      %dma_start3A_126 = tpu.memref_slice %arg6[%dma_start3A_123, %dma_start3A_124, %dma_start3A_125] : memref<4x128x128xf32, #tpu.memory_space<vmem>> -> memref<1x128x128xf32, #tpu.memory_space<vmem>>
      %dma_start3A_127 = tpu.memref_squeeze %dma_start3A_126 : memref<1x128x128xf32, #tpu.memory_space<vmem>> -> memref<128x128xf32, #tpu.memory_space<vmem>>
      %dma_start3A_128 = arith.constant 0 : i32
      %dma_start3A_129 = arith.constant 0 : i32
      %dma_start3A_130 = tpu.memref_slice %arg4[%add3A_122, %dma_start3A_128, %dma_start3A_129] : memref<1280x128x128xf32, #tpu.memory_space<hbm>> -> memref<1x128x128xf32, #tpu.memory_space<hbm>>
      %dma_start3A_131 = tpu.memref_squeeze %dma_start3A_130 : memref<1x128x128xf32, #tpu.memory_space<hbm>> -> memref<128x128xf32, #tpu.memory_space<hbm>>
      %dma_start3A_132 = arith.constant 0 : i32
      %dma_start3A_133 = arith.constant 0 : i32
      %dma_start3A_134 = tpu.memref_slice %arg4[%add3A_122, %dma_start3A_132, %dma_start3A_133] : memref<1280x128x128xf32, #tpu.memory_space<hbm>> -> memref<1x128x128xf32, #tpu.memory_space<hbm>>
      %dma_start3A_135 = tpu.memref_squeeze %dma_start3A_134 : memref<1x128x128xf32, #tpu.memory_space<hbm>> -> memref<128x128xf32, #tpu.memory_space<hbm>>
      %dma_start3A_136 = arith.constant 0 : i32
      %dma_start3A_137 = arith.constant 0 : i32
      %dma_start3A_138 = tpu.memref_slice %arg6[%dma_start3A_123, %dma_start3A_136, %dma_start3A_137] : memref<4x128x128xf32, #tpu.memory_space<vmem>> -> memref<1x128x128xf32, #tpu.memory_space<vmem>>
      %dma_start3A_139 = tpu.memref_squeeze %dma_start3A_138 : memref<1x128x128xf32, #tpu.memory_space<vmem>> -> memref<128x128xf32, #tpu.memory_space<vmem>>
      tpu.enqueue_dma source(%dma_start3A_139 : memref<128x128xf32, #tpu.memory_space<vmem>>) target(%dma_start3A_135 : memref<128x128xf32, #tpu.memory_space<hbm>>) target_semaphore(%arg12 : memref<!tpu.dma_semaphore, #tpu.memory_space<semaphore_mem>>)
      %dma_wait3A_140 = arith.constant 1 : i32
      %dma_wait3A_141 = arith.constant 0 : i32
      %dma_wait3A_142 = arith.constant 0 : i32
      %dma_wait3A_143 = tpu.memref_slice %arg6[%dma_wait3A_140, %dma_wait3A_141, %dma_wait3A_142] : memref<4x128x128xf32, #tpu.memory_space<vmem>> -> memref<1x128x128xf32, #tpu.memory_space<vmem>>
      %dma_wait3A_144 = tpu.memref_squeeze %dma_wait3A_143 : memref<1x128x128xf32, #tpu.memory_space<vmem>> -> memref<128x128xf32, #tpu.memory_space<vmem>>
      %dma_wait3A_145 = arith.constant 0 : i32
      %dma_wait3A_146 = arith.constant 0 : i32
      %dma_wait3A_147 = tpu.memref_slice %arg4[%mul3A_2, %dma_wait3A_145, %dma_wait3A_146] : memref<1280x128x128xf32, #tpu.memory_space<hbm>> -> memref<1x128x128xf32, #tpu.memory_space<hbm>>
      %dma_wait3A_148 = tpu.memref_squeeze %dma_wait3A_147 : memref<1x128x128xf32, #tpu.memory_space<hbm>> -> memref<128x128xf32, #tpu.memory_space<hbm>>
      %dma_wait3A_149 = arith.constant 0 : i32
      %dma_wait3A_150 = arith.constant 0 : i32
      %dma_wait3A_151 = tpu.memref_slice %arg4[%mul3A_2, %dma_wait3A_149, %dma_wait3A_150] : memref<1280x128x128xf32, #tpu.memory_space<hbm>> -> memref<1x128x128xf32, #tpu.memory_space<hbm>>
      %dma_wait3A_152 = tpu.memref_squeeze %dma_wait3A_151 : memref<1x128x128xf32, #tpu.memory_space<hbm>> -> memref<128x128xf32, #tpu.memory_space<hbm>>
      %dma_wait3A_153 = arith.constant 0 : i32
      %dma_wait3A_154 = arith.constant 0 : i32
      %dma_wait3A_155 = tpu.memref_slice %arg6[%dma_wait3A_140, %dma_wait3A_153, %dma_wait3A_154] : memref<4x128x128xf32, #tpu.memory_space<vmem>> -> memref<1x128x128xf32, #tpu.memory_space<vmem>>
      %dma_wait3A_156 = tpu.memref_squeeze %dma_wait3A_155 : memref<1x128x128xf32, #tpu.memory_space<vmem>> -> memref<128x128xf32, #tpu.memory_space<vmem>>
      tpu.wait_dma2 semaphore(%arg12 : memref<!tpu.dma_semaphore, #tpu.memory_space<semaphore_mem>>) src(%dma_wait3A_156 : memref<128x128xf32, #tpu.memory_space<vmem>>) dst(%dma_wait3A_152 : memref<128x128xf32, #tpu.memory_space<hbm>>)
      %dma_wait3A_157 = arith.constant 2 : i32
      %dma_wait3A_158 = arith.constant 0 : i32
      %dma_wait3A_159 = arith.constant 0 : i32
      %dma_wait3A_160 = tpu.memref_slice %arg6[%dma_wait3A_157, %dma_wait3A_158, %dma_wait3A_159] : memref<4x128x128xf32, #tpu.memory_space<vmem>> -> memref<1x128x128xf32, #tpu.memory_space<vmem>>
      %dma_wait3A_161 = tpu.memref_squeeze %dma_wait3A_160 : memref<1x128x128xf32, #tpu.memory_space<vmem>> -> memref<128x128xf32, #tpu.memory_space<vmem>>
      %dma_wait3A_162 = arith.constant 0 : i32
      %dma_wait3A_163 = tpu.memref_slice %arg5[%add3A_37, %dma_wait3A_162] : memref<40x128xi32, #tpu.memory_space<vmem>> -> memref<1x128xi32, #tpu.memory_space<vmem>>
      %dma_wait3A_164 = tpu.memref_squeeze %dma_wait3A_163 : memref<1x128xi32, #tpu.memory_space<vmem>> -> memref<128xi32, #tpu.memory_space<vmem>>
      %dma_wait3A_165 = arith.constant 0 : i32
      %dma_wait3A_166 = arith.constant 0 : i32
      %dma_wait3A_167 = tpu.memref_slice %arg2[%dma_wait3A_165, %dma_wait3A_166] : memref<10000x128xf32, #tpu.memory_space<hbm>> -> memref<10000x128xf32, #tpu.memory_space<hbm>>
      tpu.wait_indirect_dma semaphore(%arg9 : memref<!tpu.dma_semaphore, #tpu.memory_space<semaphore_mem>>) src(%dma_wait3A_167 : memref<10000x128xf32, #tpu.memory_space<hbm>>) dst(%dma_wait3A_161 : memref<128x128xf32, #tpu.memory_space<vmem>>)
      %add3A_168 = arith.addi %mul3A_2, %mul3A_10 : i32
      %add3A_169 = arith.constant 2 : i32
      %add3A_170 = arith.addi %add3A_168, %add3A_169 : i32
      %dma_start3A_171 = arith.constant 2 : i32
      %dma_start3A_172 = arith.constant 0 : i32
      %dma_start3A_173 = arith.constant 0 : i32
      %dma_start3A_174 = tpu.memref_slice %arg6[%dma_start3A_171, %dma_start3A_172, %dma_start3A_173] : memref<4x128x128xf32, #tpu.memory_space<vmem>> -> memref<1x128x128xf32, #tpu.memory_space<vmem>>
      %dma_start3A_175 = tpu.memref_squeeze %dma_start3A_174 : memref<1x128x128xf32, #tpu.memory_space<vmem>> -> memref<128x128xf32, #tpu.memory_space<vmem>>
      %dma_start3A_176 = arith.constant 0 : i32
      %dma_start3A_177 = arith.constant 0 : i32
      %dma_start3A_178 = tpu.memref_slice %arg4[%add3A_170, %dma_start3A_176, %dma_start3A_177] : memref<1280x128x128xf32, #tpu.memory_space<hbm>> -> memref<1x128x128xf32, #tpu.memory_space<hbm>>
      %dma_start3A_179 = tpu.memref_squeeze %dma_start3A_178 : memref<1x128x128xf32, #tpu.memory_space<hbm>> -> memref<128x128xf32, #tpu.memory_space<hbm>>
      %dma_start3A_180 = arith.constant 0 : i32
      %dma_start3A_181 = arith.constant 0 : i32
      %dma_start3A_182 = tpu.memref_slice %arg4[%add3A_170, %dma_start3A_180, %dma_start3A_181] : memref<1280x128x128xf32, #tpu.memory_space<hbm>> -> memref<1x128x128xf32, #tpu.memory_space<hbm>>
      %dma_start3A_183 = tpu.memref_squeeze %dma_start3A_182 : memref<1x128x128xf32, #tpu.memory_space<hbm>> -> memref<128x128xf32, #tpu.memory_space<hbm>>
      %dma_start3A_184 = arith.constant 0 : i32
      %dma_start3A_185 = arith.constant 0 : i32
      %dma_start3A_186 = tpu.memref_slice %arg6[%dma_start3A_171, %dma_start3A_184, %dma_start3A_185] : memref<4x128x128xf32, #tpu.memory_space<vmem>> -> memref<1x128x128xf32, #tpu.memory_space<vmem>>
      %dma_start3A_187 = tpu.memref_squeeze %dma_start3A_186 : memref<1x128x128xf32, #tpu.memory_space<vmem>> -> memref<128x128xf32, #tpu.memory_space<vmem>>
      tpu.enqueue_dma source(%dma_start3A_187 : memref<128x128xf32, #tpu.memory_space<vmem>>) target(%dma_start3A_183 : memref<128x128xf32, #tpu.memory_space<hbm>>) target_semaphore(%arg13 : memref<!tpu.dma_semaphore, #tpu.memory_space<semaphore_mem>>)
      %dma_wait3A_188 = arith.constant 2 : i32
      %dma_wait3A_189 = arith.constant 0 : i32
      %dma_wait3A_190 = arith.constant 0 : i32
      %dma_wait3A_191 = tpu.memref_slice %arg6[%dma_wait3A_188, %dma_wait3A_189, %dma_wait3A_190] : memref<4x128x128xf32, #tpu.memory_space<vmem>> -> memref<1x128x128xf32, #tpu.memory_space<vmem>>
      %dma_wait3A_192 = tpu.memref_squeeze %dma_wait3A_191 : memref<1x128x128xf32, #tpu.memory_space<vmem>> -> memref<128x128xf32, #tpu.memory_space<vmem>>
      %dma_wait3A_193 = arith.constant 0 : i32
      %dma_wait3A_194 = arith.constant 0 : i32
      %dma_wait3A_195 = tpu.memref_slice %arg4[%mul3A_2, %dma_wait3A_193, %dma_wait3A_194] : memref<1280x128x128xf32, #tpu.memory_space<hbm>> -> memref<1x128x128xf32, #tpu.memory_space<hbm>>
      %dma_wait3A_196 = tpu.memref_squeeze %dma_wait3A_195 : memref<1x128x128xf32, #tpu.memory_space<hbm>> -> memref<128x128xf32, #tpu.memory_space<hbm>>
      %dma_wait3A_197 = arith.constant 0 : i32
      %dma_wait3A_198 = arith.constant 0 : i32
      %dma_wait3A_199 = tpu.memref_slice %arg4[%mul3A_2, %dma_wait3A_197, %dma_wait3A_198] : memref<1280x128x128xf32, #tpu.memory_space<hbm>> -> memref<1x128x128xf32, #tpu.memory_space<hbm>>
      %dma_wait3A_200 = tpu.memref_squeeze %dma_wait3A_199 : memref<1x128x128xf32, #tpu.memory_space<hbm>> -> memref<128x128xf32, #tpu.memory_space<hbm>>
      %dma_wait3A_201 = arith.constant 0 : i32
      %dma_wait3A_202 = arith.constant 0 : i32
      %dma_wait3A_203 = tpu.memref_slice %arg6[%dma_wait3A_188, %dma_wait3A_201, %dma_wait3A_202] : memref<4x128x128xf32, #tpu.memory_space<vmem>> -> memref<1x128x128xf32, #tpu.memory_space<vmem>>
      %dma_wait3A_204 = tpu.memref_squeeze %dma_wait3A_203 : memref<1x128x128xf32, #tpu.memory_space<vmem>> -> memref<128x128xf32, #tpu.memory_space<vmem>>
      tpu.wait_dma2 semaphore(%arg13 : memref<!tpu.dma_semaphore, #tpu.memory_space<semaphore_mem>>) src(%dma_wait3A_204 : memref<128x128xf32, #tpu.memory_space<vmem>>) dst(%dma_wait3A_200 : memref<128x128xf32, #tpu.memory_space<hbm>>)
      %dma_wait3A_205 = arith.constant 3 : i32
      %dma_wait3A_206 = arith.constant 0 : i32
      %dma_wait3A_207 = arith.constant 0 : i32
      %dma_wait3A_208 = tpu.memref_slice %arg6[%dma_wait3A_205, %dma_wait3A_206, %dma_wait3A_207] : memref<4x128x128xf32, #tpu.memory_space<vmem>> -> memref<1x128x128xf32, #tpu.memory_space<vmem>>
      %dma_wait3A_209 = tpu.memref_squeeze %dma_wait3A_208 : memref<1x128x128xf32, #tpu.memory_space<vmem>> -> memref<128x128xf32, #tpu.memory_space<vmem>>
      %dma_wait3A_210 = arith.constant 0 : i32
      %dma_wait3A_211 = tpu.memref_slice %arg5[%add3A_50, %dma_wait3A_210] : memref<40x128xi32, #tpu.memory_space<vmem>> -> memref<1x128xi32, #tpu.memory_space<vmem>>
      %dma_wait3A_212 = tpu.memref_squeeze %dma_wait3A_211 : memref<1x128xi32, #tpu.memory_space<vmem>> -> memref<128xi32, #tpu.memory_space<vmem>>
      %dma_wait3A_213 = arith.constant 0 : i32
      %dma_wait3A_214 = arith.constant 0 : i32
      %dma_wait3A_215 = tpu.memref_slice %arg2[%dma_wait3A_213, %dma_wait3A_214] : memref<10000x128xf32, #tpu.memory_space<hbm>> -> memref<10000x128xf32, #tpu.memory_space<hbm>>
      tpu.wait_indirect_dma semaphore(%arg10 : memref<!tpu.dma_semaphore, #tpu.memory_space<semaphore_mem>>) src(%dma_wait3A_215 : memref<10000x128xf32, #tpu.memory_space<hbm>>) dst(%dma_wait3A_209 : memref<128x128xf32, #tpu.memory_space<vmem>>)
      %add3A_216 = arith.addi %mul3A_2, %mul3A_10 : i32
      %add3A_217 = arith.constant 3 : i32
      %add3A_218 = arith.addi %add3A_216, %add3A_217 : i32
      %dma_start3A_219 = arith.constant 3 : i32
      %dma_start3A_220 = arith.constant 0 : i32
      %dma_start3A_221 = arith.constant 0 : i32
      %dma_start3A_222 = tpu.memref_slice %arg6[%dma_start3A_219, %dma_start3A_220, %dma_start3A_221] : memref<4x128x128xf32, #tpu.memory_space<vmem>> -> memref<1x128x128xf32, #tpu.memory_space<vmem>>
      %dma_start3A_223 = tpu.memref_squeeze %dma_start3A_222 : memref<1x128x128xf32, #tpu.memory_space<vmem>> -> memref<128x128xf32, #tpu.memory_space<vmem>>
      %dma_start3A_224 = arith.constant 0 : i32
      %dma_start3A_225 = arith.constant 0 : i32
      %dma_start3A_226 = tpu.memref_slice %arg4[%add3A_218, %dma_start3A_224, %dma_start3A_225] : memref<1280x128x128xf32, #tpu.memory_space<hbm>> -> memref<1x128x128xf32, #tpu.memory_space<hbm>>
      %dma_start3A_227 = tpu.memref_squeeze %dma_start3A_226 : memref<1x128x128xf32, #tpu.memory_space<hbm>> -> memref<128x128xf32, #tpu.memory_space<hbm>>
      %dma_start3A_228 = arith.constant 0 : i32
      %dma_start3A_229 = arith.constant 0 : i32
      %dma_start3A_230 = tpu.memref_slice %arg4[%add3A_218, %dma_start3A_228, %dma_start3A_229] : memref<1280x128x128xf32, #tpu.memory_space<hbm>> -> memref<1x128x128xf32, #tpu.memory_space<hbm>>
      %dma_start3A_231 = tpu.memref_squeeze %dma_start3A_230 : memref<1x128x128xf32, #tpu.memory_space<hbm>> -> memref<128x128xf32, #tpu.memory_space<hbm>>
      %dma_start3A_232 = arith.constant 0 : i32
      %dma_start3A_233 = arith.constant 0 : i32
      %dma_start3A_234 = tpu.memref_slice %arg6[%dma_start3A_219, %dma_start3A_232, %dma_start3A_233] : memref<4x128x128xf32, #tpu.memory_space<vmem>> -> memref<1x128x128xf32, #tpu.memory_space<vmem>>
      %dma_start3A_235 = tpu.memref_squeeze %dma_start3A_234 : memref<1x128x128xf32, #tpu.memory_space<vmem>> -> memref<128x128xf32, #tpu.memory_space<vmem>>
      tpu.enqueue_dma source(%dma_start3A_235 : memref<128x128xf32, #tpu.memory_space<vmem>>) target(%dma_start3A_231 : memref<128x128xf32, #tpu.memory_space<hbm>>) target_semaphore(%arg14 : memref<!tpu.dma_semaphore, #tpu.memory_space<semaphore_mem>>)
      %dma_wait3A_236 = arith.constant 3 : i32
      %dma_wait3A_237 = arith.constant 0 : i32
      %dma_wait3A_238 = arith.constant 0 : i32
      %dma_wait3A_239 = tpu.memref_slice %arg6[%dma_wait3A_236, %dma_wait3A_237, %dma_wait3A_238] : memref<4x128x128xf32, #tpu.memory_space<vmem>> -> memref<1x128x128xf32, #tpu.memory_space<vmem>>
      %dma_wait3A_240 = tpu.memref_squeeze %dma_wait3A_239 : memref<1x128x128xf32, #tpu.memory_space<vmem>> -> memref<128x128xf32, #tpu.memory_space<vmem>>
      %dma_wait3A_241 = arith.constant 0 : i32
      %dma_wait3A_242 = arith.constant 0 : i32
      %dma_wait3A_243 = tpu.memref_slice %arg4[%mul3A_2, %dma_wait3A_241, %dma_wait3A_242] : memref<1280x128x128xf32, #tpu.memory_space<hbm>> -> memref<1x128x128xf32, #tpu.memory_space<hbm>>
      %dma_wait3A_244 = tpu.memref_squeeze %dma_wait3A_243 : memref<1x128x128xf32, #tpu.memory_space<hbm>> -> memref<128x128xf32, #tpu.memory_space<hbm>>
      %dma_wait3A_245 = arith.constant 0 : i32
      %dma_wait3A_246 = arith.constant 0 : i32
      %dma_wait3A_247 = tpu.memref_slice %arg4[%mul3A_2, %dma_wait3A_245, %dma_wait3A_246] : memref<1280x128x128xf32, #tpu.memory_space<hbm>> -> memref<1x128x128xf32, #tpu.memory_space<hbm>>
      %dma_wait3A_248 = tpu.memref_squeeze %dma_wait3A_247 : memref<1x128x128xf32, #tpu.memory_space<hbm>> -> memref<128x128xf32, #tpu.memory_space<hbm>>
      %dma_wait3A_249 = arith.constant 0 : i32
      %dma_wait3A_250 = arith.constant 0 : i32
      %dma_wait3A_251 = tpu.memref_slice %arg6[%dma_wait3A_236, %dma_wait3A_249, %dma_wait3A_250] : memref<4x128x128xf32, #tpu.memory_space<vmem>> -> memref<1x128x128xf32, #tpu.memory_space<vmem>>
      %dma_wait3A_252 = tpu.memref_squeeze %dma_wait3A_251 : memref<1x128x128xf32, #tpu.memory_space<vmem>> -> memref<128x128xf32, #tpu.memory_space<vmem>>
      tpu.wait_dma2 semaphore(%arg14 : memref<!tpu.dma_semaphore, #tpu.memory_space<semaphore_mem>>) src(%dma_wait3A_252 : memref<128x128xf32, #tpu.memory_space<vmem>>) dst(%dma_wait3A_248 : memref<128x128xf32, #tpu.memory_space<hbm>>)
    }
    %scan3A_7 = arith.constant 10 : i32
    return
  }
}

#map = affine_map<(d0, d1) -> (0, 0, 0)>
#map1 = affine_map<(d0, d1) -> (0, 0)>
module attributes {stable_mosaic.version = 14 : i64} {
  func.func @scatter_k(%arg0: i32, %arg1: i32, %arg2: memref<1280x128x128xf32, #tpu.memory_space<hbm>>, %arg3: memref<32x40x128xi32, #tpu.memory_space<hbm>>, %arg4: memref<10112x128xf32, #tpu.memory_space<hbm>>, %arg5: memref<2x10112x128xf32, #tpu.memory_space<hbm>>, %arg6: memref<40x128xi32, #tpu.memory_space<vmem>>, %arg7: memref<2x128x128xf32, #tpu.memory_space<vmem>>, %arg8: memref<10112x128xf32, #tpu.memory_space<vmem_shared>>, %arg9: memref<!tpu.dma_semaphore, #tpu.memory_space<semaphore_mem>>, %arg10: memref<!tpu.dma_semaphore, #tpu.memory_space<semaphore_mem>>, %arg11: memref<!tpu.dma_semaphore, #tpu.memory_space<semaphore_mem>>, %arg12: memref<!tpu.dma_semaphore, #tpu.memory_space<semaphore_mem>>) attributes {dimension_semantics = [#tpu.dimension_semantics<core_parallel>, #tpu.dimension_semantics<subcore_parallel>], iteration_bounds = array<i64: 2, 16>, scalar_prefetch = 0 : i64, scratch_operands = 7 : i64, tpu.core_type = #tpu.core_type<sc_vector_subcore>, window_params = [{transform_indices = #map}, {transform_indices = #map}, {transform_indices = #map1}, {transform_indices = #map}]} {
    %mul3A = arith.constant 2 : i32
    %mul3A_0 = arith.muli %arg1, %mul3A : i32
    %add3A = arith.addi %mul3A_0, %arg0 : i32
    %mul3A_1 = arith.constant 40 : i32
    %mul3A_2 = arith.muli %add3A, %mul3A_1 : i32
    %mul3A_3 = arith.constant 632 : i32
    %mul3A_4 = arith.muli %arg1, %mul3A_3 : i32
    "tpu.region"() ({
      %run_scoped3A = tpu.sem_alloc : memref<!tpu.dma_semaphore, #tpu.memory_space<semaphore_mem>>
      %dma_start3A_59 = arith.constant 0 : i32
      %dma_start3A_60 = tpu.memref_slice %arg8[%mul3A_4, %dma_start3A_59] : memref<10112x128xf32, #tpu.memory_space<vmem_shared>> -> memref<632x128xf32, #tpu.memory_space<vmem_shared>>
      %dma_start3A_61 = arith.constant 0 : i32
      %dma_start3A_62 = tpu.memref_slice %arg4[%mul3A_4, %dma_start3A_61] : memref<10112x128xf32, #tpu.memory_space<hbm>> -> memref<632x128xf32, #tpu.memory_space<hbm>>
      tpu.enqueue_dma source(%dma_start3A_62 : memref<632x128xf32, #tpu.memory_space<hbm>>) target(%dma_start3A_60 : memref<632x128xf32, #tpu.memory_space<vmem_shared>>) target_semaphore(%run_scoped3A : memref<!tpu.dma_semaphore, #tpu.memory_space<semaphore_mem>>)
      %dma_wait3A_63 = arith.constant 0 : i32
      %dma_wait3A_64 = tpu.memref_slice %arg8[%mul3A_4, %dma_wait3A_63] : memref<10112x128xf32, #tpu.memory_space<vmem_shared>> -> memref<632x128xf32, #tpu.memory_space<vmem_shared>>
      %dma_wait3A_65 = arith.constant 0 : i32
      %dma_wait3A_66 = tpu.memref_slice %arg4[%mul3A_4, %dma_wait3A_65] : memref<10112x128xf32, #tpu.memory_space<hbm>> -> memref<632x128xf32, #tpu.memory_space<hbm>>
      tpu.wait_dma2 semaphore(%run_scoped3A : memref<!tpu.dma_semaphore, #tpu.memory_space<semaphore_mem>>) src(%dma_wait3A_66 : memref<632x128xf32, #tpu.memory_space<hbm>>) dst(%dma_wait3A_64 : memref<632x128xf32, #tpu.memory_space<vmem_shared>>)
      tpu.yield
    }) : () -> ()
    "tpu.region"() ({
      %run_scoped3A = tpu.sem_alloc : memref<!tpu.dma_semaphore, #tpu.memory_space<semaphore_mem>>
      %dma_start3A_59 = arith.constant 0 : i32
      %dma_start3A_60 = arith.constant 0 : i32
      %dma_start3A_61 = tpu.memref_slice %arg3[%add3A, %dma_start3A_59, %dma_start3A_60] : memref<32x40x128xi32, #tpu.memory_space<hbm>> -> memref<1x40x128xi32, #tpu.memory_space<hbm>>
      %dma_start3A_62 = tpu.memref_squeeze %dma_start3A_61 : memref<1x40x128xi32, #tpu.memory_space<hbm>> -> memref<40x128xi32, #tpu.memory_space<hbm>>
      %dma_start3A_63 = arith.constant 0 : i32
      %dma_start3A_64 = arith.constant 0 : i32
      %dma_start3A_65 = tpu.memref_slice %arg3[%add3A, %dma_start3A_63, %dma_start3A_64] : memref<32x40x128xi32, #tpu.memory_space<hbm>> -> memref<1x40x128xi32, #tpu.memory_space<hbm>>
      %dma_start3A_66 = tpu.memref_squeeze %dma_start3A_65 : memref<1x40x128xi32, #tpu.memory_space<hbm>> -> memref<40x128xi32, #tpu.memory_space<hbm>>
      tpu.enqueue_dma source(%dma_start3A_66 : memref<40x128xi32, #tpu.memory_space<hbm>>) target(%arg6 : memref<40x128xi32, #tpu.memory_space<vmem>>) target_semaphore(%run_scoped3A : memref<!tpu.dma_semaphore, #tpu.memory_space<semaphore_mem>>)
      %dma_wait3A_67 = arith.constant 0 : i32
      %dma_wait3A_68 = arith.constant 0 : i32
      %dma_wait3A_69 = tpu.memref_slice %arg3[%add3A, %dma_wait3A_67, %dma_wait3A_68] : memref<32x40x128xi32, #tpu.memory_space<hbm>> -> memref<1x40x128xi32, #tpu.memory_space<hbm>>
      %dma_wait3A_70 = tpu.memref_squeeze %dma_wait3A_69 : memref<1x40x128xi32, #tpu.memory_space<hbm>> -> memref<40x128xi32, #tpu.memory_space<hbm>>
      %dma_wait3A_71 = arith.constant 0 : i32
      %dma_wait3A_72 = arith.constant 0 : i32
      %dma_wait3A_73 = tpu.memref_slice %arg3[%add3A, %dma_wait3A_71, %dma_wait3A_72] : memref<32x40x128xi32, #tpu.memory_space<hbm>> -> memref<1x40x128xi32, #tpu.memory_space<hbm>>
      %dma_wait3A_74 = tpu.memref_squeeze %dma_wait3A_73 : memref<1x40x128xi32, #tpu.memory_space<hbm>> -> memref<40x128xi32, #tpu.memory_space<hbm>>
      tpu.wait_dma2 semaphore(%run_scoped3A : memref<!tpu.dma_semaphore, #tpu.memory_space<semaphore_mem>>) src(%dma_wait3A_74 : memref<40x128xi32, #tpu.memory_space<hbm>>) dst(%arg6 : memref<40x128xi32, #tpu.memory_space<vmem>>)
      tpu.yield
    }) : () -> ()
    %barrier3A = arith.constant 0 : index
    tpu.barrier barrier_id(%barrier3A)
    %add3A_5 = arith.constant 0 : i32
    %add3A_6 = arith.addi %mul3A_2, %add3A_5 : i32
    %dma_start3A = arith.constant 0 : i32
    %dma_start3A_7 = arith.constant 0 : i32
    %dma_start3A_8 = arith.constant 0 : i32
    %dma_start3A_9 = tpu.memref_slice %arg7[%dma_start3A, %dma_start3A_7, %dma_start3A_8] : memref<2x128x128xf32, #tpu.memory_space<vmem>> -> memref<1x128x128xf32, #tpu.memory_space<vmem>>
    %dma_start3A_10 = tpu.memref_squeeze %dma_start3A_9 : memref<1x128x128xf32, #tpu.memory_space<vmem>> -> memref<128x128xf32, #tpu.memory_space<vmem>>
    %dma_start3A_11 = arith.constant 0 : i32
    %dma_start3A_12 = arith.constant 0 : i32
    %dma_start3A_13 = tpu.memref_slice %arg2[%add3A_6, %dma_start3A_11, %dma_start3A_12] : memref<1280x128x128xf32, #tpu.memory_space<hbm>> -> memref<1x128x128xf32, #tpu.memory_space<hbm>>
    %dma_start3A_14 = tpu.memref_squeeze %dma_start3A_13 : memref<1x128x128xf32, #tpu.memory_space<hbm>> -> memref<128x128xf32, #tpu.memory_space<hbm>>
    %dma_start3A_15 = arith.constant 0 : i32
    %dma_start3A_16 = arith.constant 0 : i32
    %dma_start3A_17 = tpu.memref_slice %arg7[%dma_start3A, %dma_start3A_15, %dma_start3A_16] : memref<2x128x128xf32, #tpu.memory_space<vmem>> -> memref<1x128x128xf32, #tpu.memory_space<vmem>>
    %dma_start3A_18 = tpu.memref_squeeze %dma_start3A_17 : memref<1x128x128xf32, #tpu.memory_space<vmem>> -> memref<128x128xf32, #tpu.memory_space<vmem>>
    %dma_start3A_19 = arith.constant 0 : i32
    %dma_start3A_20 = arith.constant 0 : i32
    %dma_start3A_21 = tpu.memref_slice %arg2[%add3A_6, %dma_start3A_19, %dma_start3A_20] : memref<1280x128x128xf32, #tpu.memory_space<hbm>> -> memref<1x128x128xf32, #tpu.memory_space<hbm>>
    %dma_start3A_22 = tpu.memref_squeeze %dma_start3A_21 : memref<1x128x128xf32, #tpu.memory_space<hbm>> -> memref<128x128xf32, #tpu.memory_space<hbm>>
    tpu.enqueue_dma source(%dma_start3A_22 : memref<128x128xf32, #tpu.memory_space<hbm>>) target(%dma_start3A_18 : memref<128x128xf32, #tpu.memory_space<vmem>>) target_semaphore(%arg9 : memref<!tpu.dma_semaphore, #tpu.memory_space<semaphore_mem>>)
    %add3A_23 = arith.constant 1 : i32
    %add3A_24 = arith.addi %mul3A_2, %add3A_23 : i32
    %dma_start3A_25 = arith.constant 1 : i32
    %dma_start3A_26 = arith.constant 0 : i32
    %dma_start3A_27 = arith.constant 0 : i32
    %dma_start3A_28 = tpu.memref_slice %arg7[%dma_start3A_25, %dma_start3A_26, %dma_start3A_27] : memref<2x128x128xf32, #tpu.memory_space<vmem>> -> memref<1x128x128xf32, #tpu.memory_space<vmem>>
    %dma_start3A_29 = tpu.memref_squeeze %dma_start3A_28 : memref<1x128x128xf32, #tpu.memory_space<vmem>> -> memref<128x128xf32, #tpu.memory_space<vmem>>
    %dma_start3A_30 = arith.constant 0 : i32
    %dma_start3A_31 = arith.constant 0 : i32
    %dma_start3A_32 = tpu.memref_slice %arg2[%add3A_24, %dma_start3A_30, %dma_start3A_31] : memref<1280x128x128xf32, #tpu.memory_space<hbm>> -> memref<1x128x128xf32, #tpu.memory_space<hbm>>
    %dma_start3A_33 = tpu.memref_squeeze %dma_start3A_32 : memref<1x128x128xf32, #tpu.memory_space<hbm>> -> memref<128x128xf32, #tpu.memory_space<hbm>>
    %dma_start3A_34 = arith.constant 0 : i32
    %dma_start3A_35 = arith.constant 0 : i32
    %dma_start3A_36 = tpu.memref_slice %arg7[%dma_start3A_25, %dma_start3A_34, %dma_start3A_35] : memref<2x128x128xf32, #tpu.memory_space<vmem>> -> memref<1x128x128xf32, #tpu.memory_space<vmem>>
    %dma_start3A_37 = tpu.memref_squeeze %dma_start3A_36 : memref<1x128x128xf32, #tpu.memory_space<vmem>> -> memref<128x128xf32, #tpu.memory_space<vmem>>
    %dma_start3A_38 = arith.constant 0 : i32
    %dma_start3A_39 = arith.constant 0 : i32
    %dma_start3A_40 = tpu.memref_slice %arg2[%add3A_24, %dma_start3A_38, %dma_start3A_39] : memref<1280x128x128xf32, #tpu.memory_space<hbm>> -> memref<1x128x128xf32, #tpu.memory_space<hbm>>
    %dma_start3A_41 = tpu.memref_squeeze %dma_start3A_40 : memref<1x128x128xf32, #tpu.memory_space<hbm>> -> memref<128x128xf32, #tpu.memory_space<hbm>>
    tpu.enqueue_dma source(%dma_start3A_41 : memref<128x128xf32, #tpu.memory_space<hbm>>) target(%dma_start3A_37 : memref<128x128xf32, #tpu.memory_space<vmem>>) target_semaphore(%arg10 : memref<!tpu.dma_semaphore, #tpu.memory_space<semaphore_mem>>)
    %scan3A = arith.constant 0 : i32
    %scan3A_42 = arith.constant 0 : i32
    %scan3A_43 = arith.constant 20 : i32
    %scan3A_44 = arith.addi %scan3A_42, %scan3A_43 : i32
    %scan3A_45 = arith.constant 1 : i32
    scf.for %scan3A_59 = %scan3A_42 to %scan3A_44 step %scan3A_45  : i32 {
      %mul3A_60 = arith.constant 2 : i32
      %mul3A_61 = arith.muli %mul3A_60, %scan3A_59 : i32
      %dma_wait3A_62 = arith.constant 0 : i32
      %dma_wait3A_63 = arith.constant 0 : i32
      %dma_wait3A_64 = arith.constant 0 : i32
      %dma_wait3A_65 = tpu.memref_slice %arg7[%dma_wait3A_62, %dma_wait3A_63, %dma_wait3A_64] : memref<2x128x128xf32, #tpu.memory_space<vmem>> -> memref<1x128x128xf32, #tpu.memory_space<vmem>>
      %dma_wait3A_66 = tpu.memref_squeeze %dma_wait3A_65 : memref<1x128x128xf32, #tpu.memory_space<vmem>> -> memref<128x128xf32, #tpu.memory_space<vmem>>
      %dma_wait3A_67 = arith.constant 0 : i32
      %dma_wait3A_68 = arith.constant 0 : i32
      %dma_wait3A_69 = tpu.memref_slice %arg2[%mul3A_2, %dma_wait3A_67, %dma_wait3A_68] : memref<1280x128x128xf32, #tpu.memory_space<hbm>> -> memref<1x128x128xf32, #tpu.memory_space<hbm>>
      %dma_wait3A_70 = tpu.memref_squeeze %dma_wait3A_69 : memref<1x128x128xf32, #tpu.memory_space<hbm>> -> memref<128x128xf32, #tpu.memory_space<hbm>>
      %dma_wait3A_71 = arith.constant 0 : i32
      %dma_wait3A_72 = arith.constant 0 : i32
      %dma_wait3A_73 = tpu.memref_slice %arg7[%dma_wait3A_62, %dma_wait3A_71, %dma_wait3A_72] : memref<2x128x128xf32, #tpu.memory_space<vmem>> -> memref<1x128x128xf32, #tpu.memory_space<vmem>>
      %dma_wait3A_74 = tpu.memref_squeeze %dma_wait3A_73 : memref<1x128x128xf32, #tpu.memory_space<vmem>> -> memref<128x128xf32, #tpu.memory_space<vmem>>
      %dma_wait3A_75 = arith.constant 0 : i32
      %dma_wait3A_76 = arith.constant 0 : i32
      %dma_wait3A_77 = tpu.memref_slice %arg2[%mul3A_2, %dma_wait3A_75, %dma_wait3A_76] : memref<1280x128x128xf32, #tpu.memory_space<hbm>> -> memref<1x128x128xf32, #tpu.memory_space<hbm>>
      %dma_wait3A_78 = tpu.memref_squeeze %dma_wait3A_77 : memref<1x128x128xf32, #tpu.memory_space<hbm>> -> memref<128x128xf32, #tpu.memory_space<hbm>>
      tpu.wait_dma2 semaphore(%arg9 : memref<!tpu.dma_semaphore, #tpu.memory_space<semaphore_mem>>) src(%dma_wait3A_78 : memref<128x128xf32, #tpu.memory_space<hbm>>) dst(%dma_wait3A_74 : memref<128x128xf32, #tpu.memory_space<vmem>>)
      %dma_start3A_79 = arith.constant 0 : i32
      %dma_start3A_80 = arith.constant 0 : i32
      %dma_start3A_81 = arith.constant 0 : i32
      %dma_start3A_82 = tpu.memref_slice %arg7[%dma_start3A_79, %dma_start3A_80, %dma_start3A_81] : memref<2x128x128xf32, #tpu.memory_space<vmem>> -> memref<1x128x128xf32, #tpu.memory_space<vmem>>
      %dma_start3A_83 = tpu.memref_squeeze %dma_start3A_82 : memref<1x128x128xf32, #tpu.memory_space<vmem>> -> memref<128x128xf32, #tpu.memory_space<vmem>>
      %dma_start3A_84 = arith.constant 0 : i32
      %dma_start3A_85 = tpu.memref_slice %arg6[%mul3A_61, %dma_start3A_84] : memref<40x128xi32, #tpu.memory_space<vmem>> -> memref<1x128xi32, #tpu.memory_space<vmem>>
      %dma_start3A_86 = tpu.memref_squeeze %dma_start3A_85 : memref<1x128xi32, #tpu.memory_space<vmem>> -> memref<128xi32, #tpu.memory_space<vmem>>
      %dma_start3A_87 = arith.constant 0 : i32
      %dma_start3A_88 = arith.constant 0 : i32
      %dma_start3A_89 = tpu.memref_slice %arg8[%dma_start3A_87, %dma_start3A_88] : memref<10112x128xf32, #tpu.memory_space<vmem_shared>> -> memref<10112x128xf32, #tpu.memory_space<vmem_shared>>
      tpu.enqueue_indirect_dma source(%dma_start3A_83 : memref<128x128xf32, #tpu.memory_space<vmem>>) target(%dma_start3A_89 : memref<10112x128xf32, #tpu.memory_space<vmem_shared>>) offsets(%dma_start3A_86 : memref<128xi32, #tpu.memory_space<vmem>>) semaphore(%arg11 : memref<!tpu.dma_semaphore, #tpu.memory_space<semaphore_mem>>) {add = true}
      %gt3A = arith.constant 0 : i32
      %gt3A_90 = arith.cmpi sgt, %scan3A_59, %gt3A : i32
      %convert_element_type3A = arith.extui %gt3A_90 : i1 to i32
      %cond3A = arith.constant 0 : i32
      %cond3A_91 = arith.cmpi ne, %convert_element_type3A, %cond3A : i32
      scf.if %cond3A_91 {
        %dma_wait3A_143 = arith.constant 1 : i32
        %dma_wait3A_144 = arith.constant 0 : i32
        %dma_wait3A_145 = arith.constant 0 : i32
        %dma_wait3A_146 = arith.constant 0 : i32
        %dma_wait3A_147 = tpu.memref_slice %arg7[%dma_wait3A_143, %dma_wait3A_145, %dma_wait3A_146] : memref<2x128x128xf32, #tpu.memory_space<vmem>> -> memref<1x128x128xf32, #tpu.memory_space<vmem>>
        %dma_wait3A_148 = tpu.memref_squeeze %dma_wait3A_147 : memref<1x128x128xf32, #tpu.memory_space<vmem>> -> memref<128x128xf32, #tpu.memory_space<vmem>>
        %dma_wait3A_149 = arith.constant 0 : i32
        %dma_wait3A_150 = tpu.memref_slice %arg6[%dma_wait3A_144, %dma_wait3A_149] : memref<40x128xi32, #tpu.memory_space<vmem>> -> memref<1x128xi32, #tpu.memory_space<vmem>>
        %dma_wait3A_151 = tpu.memref_squeeze %dma_wait3A_150 : memref<1x128xi32, #tpu.memory_space<vmem>> -> memref<128xi32, #tpu.memory_space<vmem>>
        %dma_wait3A_152 = arith.constant 0 : i32
        %dma_wait3A_153 = arith.constant 0 : i32
        %dma_wait3A_154 = tpu.memref_slice %arg8[%dma_wait3A_152, %dma_wait3A_153] : memref<10112x128xf32, #tpu.memory_space<vmem_shared>> -> memref<10112x128xf32, #tpu.memory_space<vmem_shared>>
        tpu.wait_indirect_dma semaphore(%arg12 : memref<!tpu.dma_semaphore, #tpu.memory_space<semaphore_mem>>) src(%dma_wait3A_148 : memref<128x128xf32, #tpu.memory_space<vmem>>) dst(%dma_wait3A_154 : memref<10112x128xf32, #tpu.memory_space<vmem_shared>>)
      } else {
      }
      %gt3A_92 = arith.constant 0 : i32
      %gt3A_93 = arith.cmpi sgt, %scan3A_59, %gt3A_92 : i32
      %convert_element_type3A_94 = arith.extui %gt3A_93 : i1 to i32
      %cond3A_95 = arith.constant 0 : i32
      %cond3A_96 = arith.cmpi ne, %convert_element_type3A_94, %cond3A_95 : i32
      scf.if %cond3A_96 {
        %add3A_143 = arith.constant 1 : i32
        %add3A_144 = arith.addi %mul3A_61, %add3A_143 : i32
        %add3A_145 = arith.addi %mul3A_2, %add3A_144 : i32
        %dma_start3A_146 = arith.constant 1 : i32
        %dma_start3A_147 = arith.constant 0 : i32
        %dma_start3A_148 = arith.constant 0 : i32
        %dma_start3A_149 = tpu.memref_slice %arg7[%dma_start3A_146, %dma_start3A_147, %dma_start3A_148] : memref<2x128x128xf32, #tpu.memory_space<vmem>> -> memref<1x128x128xf32, #tpu.memory_space<vmem>>
        %dma_start3A_150 = tpu.memref_squeeze %dma_start3A_149 : memref<1x128x128xf32, #tpu.memory_space<vmem>> -> memref<128x128xf32, #tpu.memory_space<vmem>>
        %dma_start3A_151 = arith.constant 0 : i32
        %dma_start3A_152 = arith.constant 0 : i32
        %dma_start3A_153 = tpu.memref_slice %arg2[%add3A_145, %dma_start3A_151, %dma_start3A_152] : memref<1280x128x128xf32, #tpu.memory_space<hbm>> -> memref<1x128x128xf32, #tpu.memory_space<hbm>>
        %dma_start3A_154 = tpu.memref_squeeze %dma_start3A_153 : memref<1x128x128xf32, #tpu.memory_space<hbm>> -> memref<128x128xf32, #tpu.memory_space<hbm>>
        %dma_start3A_155 = arith.constant 0 : i32
        %dma_start3A_156 = arith.constant 0 : i32
        %dma_start3A_157 = tpu.memref_slice %arg7[%dma_start3A_146, %dma_start3A_155, %dma_start3A_156] : memref<2x128x128xf32, #tpu.memory_space<vmem>> -> memref<1x128x128xf32, #tpu.memory_space<vmem>>
        %dma_start3A_158 = tpu.memref_squeeze %dma_start3A_157 : memref<1x128x128xf32, #tpu.memory_space<vmem>> -> memref<128x128xf32, #tpu.memory_space<vmem>>
        %dma_start3A_159 = arith.constant 0 : i32
        %dma_start3A_160 = arith.constant 0 : i32
        %dma_start3A_161 = tpu.memref_slice %arg2[%add3A_145, %dma_start3A_159, %dma_start3A_160] : memref<1280x128x128xf32, #tpu.memory_space<hbm>> -> memref<1x128x128xf32, #tpu.memory_space<hbm>>
        %dma_start3A_162 = tpu.memref_squeeze %dma_start3A_161 : memref<1x128x128xf32, #tpu.memory_space<hbm>> -> memref<128x128xf32, #tpu.memory_space<hbm>>
        tpu.enqueue_dma source(%dma_start3A_162 : memref<128x128xf32, #tpu.memory_space<hbm>>) target(%dma_start3A_158 : memref<128x128xf32, #tpu.memory_space<vmem>>) target_semaphore(%arg10 : memref<!tpu.dma_semaphore, #tpu.memory_space<semaphore_mem>>)
      } else {
      }
      %dma_wait3A_97 = arith.constant 1 : i32
      %dma_wait3A_98 = arith.constant 0 : i32
      %dma_wait3A_99 = arith.constant 0 : i32
      %dma_wait3A_100 = tpu.memref_slice %arg7[%dma_wait3A_97, %dma_wait3A_98, %dma_wait3A_99] : memref<2x128x128xf32, #tpu.memory_space<vmem>> -> memref<1x128x128xf32, #tpu.memory_space<vmem>>
      %dma_wait3A_101 = tpu.memref_squeeze %dma_wait3A_100 : memref<1x128x128xf32, #tpu.memory_space<vmem>> -> memref<128x128xf32, #tpu.memory_space<vmem>>
      %dma_wait3A_102 = arith.constant 0 : i32
      %dma_wait3A_103 = arith.constant 0 : i32
      %dma_wait3A_104 = tpu.memref_slice %arg2[%mul3A_2, %dma_wait3A_102, %dma_wait3A_103] : memref<1280x128x128xf32, #tpu.memory_space<hbm>> -> memref<1x128x128xf32, #tpu.memory_space<hbm>>
      %dma_wait3A_105 = tpu.memref_squeeze %dma_wait3A_104 : memref<1x128x128xf32, #tpu.memory_space<hbm>> -> memref<128x128xf32, #tpu.memory_space<hbm>>
      %dma_wait3A_106 = arith.constant 0 : i32
      %dma_wait3A_107 = arith.constant 0 : i32
      %dma_wait3A_108 = tpu.memref_slice %arg7[%dma_wait3A_97, %dma_wait3A_106, %dma_wait3A_107] : memref<2x128x128xf32, #tpu.memory_space<vmem>> -> memref<1x128x128xf32, #tpu.memory_space<vmem>>
      %dma_wait3A_109 = tpu.memref_squeeze %dma_wait3A_108 : memref<1x128x128xf32, #tpu.memory_space<vmem>> -> memref<128x128xf32, #tpu.memory_space<vmem>>
      %dma_wait3A_110 = arith.constant 0 : i32
      %dma_wait3A_111 = arith.constant 0 : i32
      %dma_wait3A_112 = tpu.memref_slice %arg2[%mul3A_2, %dma_wait3A_110, %dma_wait3A_111] : memref<1280x128x128xf32, #tpu.memory_space<hbm>> -> memref<1x128x128xf32, #tpu.memory_space<hbm>>
      %dma_wait3A_113 = tpu.memref_squeeze %dma_wait3A_112 : memref<1x128x128xf32, #tpu.memory_space<hbm>> -> memref<128x128xf32, #tpu.memory_space<hbm>>
      tpu.wait_dma2 semaphore(%arg10 : memref<!tpu.dma_semaphore, #tpu.memory_space<semaphore_mem>>) src(%dma_wait3A_113 : memref<128x128xf32, #tpu.memory_space<hbm>>) dst(%dma_wait3A_109 : memref<128x128xf32, #tpu.memory_space<vmem>>)
      %add3A_114 = arith.constant 1 : i32
      %add3A_115 = arith.addi %mul3A_61, %add3A_114 : i32
      %dma_start3A_116 = arith.constant 1 : i32
      %dma_start3A_117 = arith.constant 0 : i32
      %dma_start3A_118 = arith.constant 0 : i32
      %dma_start3A_119 = tpu.memref_slice %arg7[%dma_start3A_116, %dma_start3A_117, %dma_start3A_118] : memref<2x128x128xf32, #tpu.memory_space<vmem>> -> memref<1x128x128xf32, #tpu.memory_space<vmem>>
      %dma_start3A_120 = tpu.memref_squeeze %dma_start3A_119 : memref<1x128x128xf32, #tpu.memory_space<vmem>> -> memref<128x128xf32, #tpu.memory_space<vmem>>
      %dma_start3A_121 = arith.constant 0 : i32
      %dma_start3A_122 = tpu.memref_slice %arg6[%add3A_115, %dma_start3A_121] : memref<40x128xi32, #tpu.memory_space<vmem>> -> memref<1x128xi32, #tpu.memory_space<vmem>>
      %dma_start3A_123 = tpu.memref_squeeze %dma_start3A_122 : memref<1x128xi32, #tpu.memory_space<vmem>> -> memref<128xi32, #tpu.memory_space<vmem>>
      %dma_start3A_124 = arith.constant 0 : i32
      %dma_start3A_125 = arith.constant 0 : i32
      %dma_start3A_126 = tpu.memref_slice %arg8[%dma_start3A_124, %dma_start3A_125] : memref<10112x128xf32, #tpu.memory_space<vmem_shared>> -> memref<10112x128xf32, #tpu.memory_space<vmem_shared>>
      tpu.enqueue_indirect_dma source(%dma_start3A_120 : memref<128x128xf32, #tpu.memory_space<vmem>>) target(%dma_start3A_126 : memref<10112x128xf32, #tpu.memory_space<vmem_shared>>) offsets(%dma_start3A_123 : memref<128xi32, #tpu.memory_space<vmem>>) semaphore(%arg12 : memref<!tpu.dma_semaphore, #tpu.memory_space<semaphore_mem>>) {add = true}
      %dma_wait3A_127 = arith.constant 0 : i32
      %dma_wait3A_128 = arith.constant 0 : i32
      %dma_wait3A_129 = arith.constant 0 : i32
      %dma_wait3A_130 = arith.constant 0 : i32
      %dma_wait3A_131 = tpu.memref_slice %arg7[%dma_wait3A_127, %dma_wait3A_129, %dma_wait3A_130] : memref<2x128x128xf32, #tpu.memory_space<vmem>> -> memref<1x128x128xf32, #tpu.memory_space<vmem>>
      %dma_wait3A_132 = tpu.memref_squeeze %dma_wait3A_131 : memref<1x128x128xf32, #tpu.memory_space<vmem>> -> memref<128x128xf32, #tpu.memory_space<vmem>>
      %dma_wait3A_133 = arith.constant 0 : i32
      %dma_wait3A_134 = tpu.memref_slice %arg6[%dma_wait3A_128, %dma_wait3A_133] : memref<40x128xi32, #tpu.memory_space<vmem>> -> memref<1x128xi32, #tpu.memory_space<vmem>>
      %dma_wait3A_135 = tpu.memref_squeeze %dma_wait3A_134 : memref<1x128xi32, #tpu.memory_space<vmem>> -> memref<128xi32, #tpu.memory_space<vmem>>
      %dma_wait3A_136 = arith.constant 0 : i32
      %dma_wait3A_137 = arith.constant 0 : i32
      %dma_wait3A_138 = tpu.memref_slice %arg8[%dma_wait3A_136, %dma_wait3A_137] : memref<10112x128xf32, #tpu.memory_space<vmem_shared>> -> memref<10112x128xf32, #tpu.memory_space<vmem_shared>>
      tpu.wait_indirect_dma semaphore(%arg11 : memref<!tpu.dma_semaphore, #tpu.memory_space<semaphore_mem>>) src(%dma_wait3A_132 : memref<128x128xf32, #tpu.memory_space<vmem>>) dst(%dma_wait3A_138 : memref<10112x128xf32, #tpu.memory_space<vmem_shared>>)
      %lt3A = arith.constant 19 : i32
      %lt3A_139 = arith.cmpi slt, %scan3A_59, %lt3A : i32
      %convert_element_type3A_140 = arith.extui %lt3A_139 : i1 to i32
      %cond3A_141 = arith.constant 0 : i32
      %cond3A_142 = arith.cmpi ne, %convert_element_type3A_140, %cond3A_141 : i32
      scf.if %cond3A_142 {
        %add3A_143 = arith.constant 2 : i32
        %add3A_144 = arith.addi %mul3A_61, %add3A_143 : i32
        %add3A_145 = arith.addi %mul3A_2, %add3A_144 : i32
        %dma_start3A_146 = arith.constant 0 : i32
        %dma_start3A_147 = arith.constant 0 : i32
        %dma_start3A_148 = arith.constant 0 : i32
        %dma_start3A_149 = tpu.memref_slice %arg7[%dma_start3A_146, %dma_start3A_147, %dma_start3A_148] : memref<2x128x128xf32, #tpu.memory_space<vmem>> -> memref<1x128x128xf32, #tpu.memory_space<vmem>>
        %dma_start3A_150 = tpu.memref_squeeze %dma_start3A_149 : memref<1x128x128xf32, #tpu.memory_space<vmem>> -> memref<128x128xf32, #tpu.memory_space<vmem>>
        %dma_start3A_151 = arith.constant 0 : i32
        %dma_start3A_152 = arith.constant 0 : i32
        %dma_start3A_153 = tpu.memref_slice %arg2[%add3A_145, %dma_start3A_151, %dma_start3A_152] : memref<1280x128x128xf32, #tpu.memory_space<hbm>> -> memref<1x128x128xf32, #tpu.memory_space<hbm>>
        %dma_start3A_154 = tpu.memref_squeeze %dma_start3A_153 : memref<1x128x128xf32, #tpu.memory_space<hbm>> -> memref<128x128xf32, #tpu.memory_space<hbm>>
        %dma_start3A_155 = arith.constant 0 : i32
        %dma_start3A_156 = arith.constant 0 : i32
        %dma_start3A_157 = tpu.memref_slice %arg7[%dma_start3A_146, %dma_start3A_155, %dma_start3A_156] : memref<2x128x128xf32, #tpu.memory_space<vmem>> -> memref<1x128x128xf32, #tpu.memory_space<vmem>>
        %dma_start3A_158 = tpu.memref_squeeze %dma_start3A_157 : memref<1x128x128xf32, #tpu.memory_space<vmem>> -> memref<128x128xf32, #tpu.memory_space<vmem>>
        %dma_start3A_159 = arith.constant 0 : i32
        %dma_start3A_160 = arith.constant 0 : i32
        %dma_start3A_161 = tpu.memref_slice %arg2[%add3A_145, %dma_start3A_159, %dma_start3A_160] : memref<1280x128x128xf32, #tpu.memory_space<hbm>> -> memref<1x128x128xf32, #tpu.memory_space<hbm>>
        %dma_start3A_162 = tpu.memref_squeeze %dma_start3A_161 : memref<1x128x128xf32, #tpu.memory_space<hbm>> -> memref<128x128xf32, #tpu.memory_space<hbm>>
        tpu.enqueue_dma source(%dma_start3A_162 : memref<128x128xf32, #tpu.memory_space<hbm>>) target(%dma_start3A_158 : memref<128x128xf32, #tpu.memory_space<vmem>>) target_semaphore(%arg9 : memref<!tpu.dma_semaphore, #tpu.memory_space<semaphore_mem>>)
      } else {
      }
    }
    %scan3A_46 = arith.constant 20 : i32
    %dma_wait3A = arith.constant 1 : i32
    %dma_wait3A_47 = arith.constant 0 : i32
    %dma_wait3A_48 = arith.constant 0 : i32
    %dma_wait3A_49 = arith.constant 0 : i32
    %dma_wait3A_50 = tpu.memref_slice %arg7[%dma_wait3A, %dma_wait3A_48, %dma_wait3A_49] : memref<2x128x128xf32, #tpu.memory_space<vmem>> -> memref<1x128x128xf32, #tpu.memory_space<vmem>>
    %dma_wait3A_51 = tpu.memref_squeeze %dma_wait3A_50 : memref<1x128x128xf32, #tpu.memory_space<vmem>> -> memref<128x128xf32, #tpu.memory_space<vmem>>
    %dma_wait3A_52 = arith.constant 0 : i32
    %dma_wait3A_53 = tpu.memref_slice %arg6[%dma_wait3A_47, %dma_wait3A_52] : memref<40x128xi32, #tpu.memory_space<vmem>> -> memref<1x128xi32, #tpu.memory_space<vmem>>
    %dma_wait3A_54 = tpu.memref_squeeze %dma_wait3A_53 : memref<1x128xi32, #tpu.memory_space<vmem>> -> memref<128xi32, #tpu.memory_space<vmem>>
    %dma_wait3A_55 = arith.constant 0 : i32
    %dma_wait3A_56 = arith.constant 0 : i32
    %dma_wait3A_57 = tpu.memref_slice %arg8[%dma_wait3A_55, %dma_wait3A_56] : memref<10112x128xf32, #tpu.memory_space<vmem_shared>> -> memref<10112x128xf32, #tpu.memory_space<vmem_shared>>
    tpu.wait_indirect_dma semaphore(%arg12 : memref<!tpu.dma_semaphore, #tpu.memory_space<semaphore_mem>>) src(%dma_wait3A_51 : memref<128x128xf32, #tpu.memory_space<vmem>>) dst(%dma_wait3A_57 : memref<10112x128xf32, #tpu.memory_space<vmem_shared>>)
    %barrier3A_58 = arith.constant 0 : index
    tpu.barrier barrier_id(%barrier3A_58)
    "tpu.region"() ({
      %run_scoped3A = tpu.sem_alloc : memref<!tpu.dma_semaphore, #tpu.memory_space<semaphore_mem>>
      %dma_start3A_59 = arith.constant 0 : i32
      %dma_start3A_60 = tpu.memref_slice %arg5[%arg0, %mul3A_4, %dma_start3A_59] : memref<2x10112x128xf32, #tpu.memory_space<hbm>> -> memref<1x632x128xf32, #tpu.memory_space<hbm>>
      %dma_start3A_61 = tpu.memref_squeeze %dma_start3A_60 : memref<1x632x128xf32, #tpu.memory_space<hbm>> -> memref<632x128xf32, #tpu.memory_space<hbm>>
      %dma_start3A_62 = arith.constant 0 : i32
      %dma_start3A_63 = tpu.memref_slice %arg8[%mul3A_4, %dma_start3A_62] : memref<10112x128xf32, #tpu.memory_space<vmem_shared>> -> memref<632x128xf32, #tpu.memory_space<vmem_shared>>
      tpu.enqueue_dma source(%dma_start3A_63 : memref<632x128xf32, #tpu.memory_space<vmem_shared>>) target(%dma_start3A_61 : memref<632x128xf32, #tpu.memory_space<hbm>>) target_semaphore(%run_scoped3A : memref<!tpu.dma_semaphore, #tpu.memory_space<semaphore_mem>>)
      %dma_wait3A_64 = arith.constant 0 : i32
      %dma_wait3A_65 = tpu.memref_slice %arg5[%arg0, %mul3A_4, %dma_wait3A_64] : memref<2x10112x128xf32, #tpu.memory_space<hbm>> -> memref<1x632x128xf32, #tpu.memory_space<hbm>>
      %dma_wait3A_66 = tpu.memref_squeeze %dma_wait3A_65 : memref<1x632x128xf32, #tpu.memory_space<hbm>> -> memref<632x128xf32, #tpu.memory_space<hbm>>
      %dma_wait3A_67 = arith.constant 0 : i32
      %dma_wait3A_68 = tpu.memref_slice %arg8[%mul3A_4, %dma_wait3A_67] : memref<10112x128xf32, #tpu.memory_space<vmem_shared>> -> memref<632x128xf32, #tpu.memory_space<vmem_shared>>
      tpu.wait_dma2 semaphore(%run_scoped3A : memref<!tpu.dma_semaphore, #tpu.memory_space<semaphore_mem>>) src(%dma_wait3A_68 : memref<632x128xf32, #tpu.memory_space<vmem_shared>>) dst(%dma_wait3A_66 : memref<632x128xf32, #tpu.memory_space<hbm>>)
      tpu.yield
    }) : () -> ()
    return
  }
}

#map = affine_map<(d0, d1) -> (0, 0, 0)>
#map1 = affine_map<(d0, d1) -> (0, 0)>
module attributes {stable_mosaic.version = 14 : i64} {
  func.func @scatter_k(%arg0: i32, %arg1: i32, %arg2: memref<1280x128x128xf32, #tpu.memory_space<hbm>>, %arg3: memref<32x40x128xi32, #tpu.memory_space<hbm>>, %arg4: memref<10112x128xf32, #tpu.memory_space<hbm>>, %arg5: memref<2x10112x128xf32, #tpu.memory_space<hbm>>, %arg6: memref<40x128xi32, #tpu.memory_space<vmem>>, %arg7: memref<2x128x128xf32, #tpu.memory_space<vmem>>, %arg8: memref<10112x128xf32, #tpu.memory_space<vmem_shared>>, %arg9: memref<!tpu.dma_semaphore, #tpu.memory_space<semaphore_mem>>, %arg10: memref<!tpu.dma_semaphore, #tpu.memory_space<semaphore_mem>>, %arg11: memref<!tpu.dma_semaphore, #tpu.memory_space<semaphore_mem>>, %arg12: memref<!tpu.dma_semaphore, #tpu.memory_space<semaphore_mem>>) attributes {dimension_semantics = [#tpu.dimension_semantics<core_parallel>, #tpu.dimension_semantics<subcore_parallel>], iteration_bounds = array<i64: 2, 16>, scalar_prefetch = 0 : i64, scratch_operands = 7 : i64, tpu.core_type = #tpu.core_type<sc_vector_subcore>, window_params = [{transform_indices = #map}, {transform_indices = #map}, {transform_indices = #map1}, {transform_indices = #map}]} {
    %mul3A = arith.constant 2 : i32
    %mul3A_0 = arith.muli %arg1, %mul3A : i32
    %add3A = arith.addi %mul3A_0, %arg0 : i32
    %mul3A_1 = arith.constant 40 : i32
    %mul3A_2 = arith.muli %add3A, %mul3A_1 : i32
    %mul3A_3 = arith.constant 632 : i32
    %mul3A_4 = arith.muli %arg1, %mul3A_3 : i32
    "tpu.region"() ({
      %run_scoped3A = tpu.sem_alloc : memref<!tpu.dma_semaphore, #tpu.memory_space<semaphore_mem>>
      %dma_start3A_59 = arith.constant 0 : i32
      %dma_start3A_60 = tpu.memref_slice %arg8[%mul3A_4, %dma_start3A_59] : memref<10112x128xf32, #tpu.memory_space<vmem_shared>> -> memref<632x128xf32, #tpu.memory_space<vmem_shared>>
      %dma_start3A_61 = arith.constant 0 : i32
      %dma_start3A_62 = tpu.memref_slice %arg4[%mul3A_4, %dma_start3A_61] : memref<10112x128xf32, #tpu.memory_space<hbm>> -> memref<632x128xf32, #tpu.memory_space<hbm>>
      tpu.enqueue_dma source(%dma_start3A_62 : memref<632x128xf32, #tpu.memory_space<hbm>>) target(%dma_start3A_60 : memref<632x128xf32, #tpu.memory_space<vmem_shared>>) target_semaphore(%run_scoped3A : memref<!tpu.dma_semaphore, #tpu.memory_space<semaphore_mem>>)
      %dma_wait3A_63 = arith.constant 0 : i32
      %dma_wait3A_64 = tpu.memref_slice %arg8[%mul3A_4, %dma_wait3A_63] : memref<10112x128xf32, #tpu.memory_space<vmem_shared>> -> memref<632x128xf32, #tpu.memory_space<vmem_shared>>
      %dma_wait3A_65 = arith.constant 0 : i32
      %dma_wait3A_66 = tpu.memref_slice %arg4[%mul3A_4, %dma_wait3A_65] : memref<10112x128xf32, #tpu.memory_space<hbm>> -> memref<632x128xf32, #tpu.memory_space<hbm>>
      tpu.wait_dma2 semaphore(%run_scoped3A : memref<!tpu.dma_semaphore, #tpu.memory_space<semaphore_mem>>) src(%dma_wait3A_66 : memref<632x128xf32, #tpu.memory_space<hbm>>) dst(%dma_wait3A_64 : memref<632x128xf32, #tpu.memory_space<vmem_shared>>)
      tpu.yield
    }) : () -> ()
    "tpu.region"() ({
      %run_scoped3A = tpu.sem_alloc : memref<!tpu.dma_semaphore, #tpu.memory_space<semaphore_mem>>
      %dma_start3A_59 = arith.constant 0 : i32
      %dma_start3A_60 = arith.constant 0 : i32
      %dma_start3A_61 = tpu.memref_slice %arg3[%add3A, %dma_start3A_59, %dma_start3A_60] : memref<32x40x128xi32, #tpu.memory_space<hbm>> -> memref<1x40x128xi32, #tpu.memory_space<hbm>>
      %dma_start3A_62 = tpu.memref_squeeze %dma_start3A_61 : memref<1x40x128xi32, #tpu.memory_space<hbm>> -> memref<40x128xi32, #tpu.memory_space<hbm>>
      %dma_start3A_63 = arith.constant 0 : i32
      %dma_start3A_64 = arith.constant 0 : i32
      %dma_start3A_65 = tpu.memref_slice %arg3[%add3A, %dma_start3A_63, %dma_start3A_64] : memref<32x40x128xi32, #tpu.memory_space<hbm>> -> memref<1x40x128xi32, #tpu.memory_space<hbm>>
      %dma_start3A_66 = tpu.memref_squeeze %dma_start3A_65 : memref<1x40x128xi32, #tpu.memory_space<hbm>> -> memref<40x128xi32, #tpu.memory_space<hbm>>
      tpu.enqueue_dma source(%dma_start3A_66 : memref<40x128xi32, #tpu.memory_space<hbm>>) target(%arg6 : memref<40x128xi32, #tpu.memory_space<vmem>>) target_semaphore(%run_scoped3A : memref<!tpu.dma_semaphore, #tpu.memory_space<semaphore_mem>>)
      %dma_wait3A_67 = arith.constant 0 : i32
      %dma_wait3A_68 = arith.constant 0 : i32
      %dma_wait3A_69 = tpu.memref_slice %arg3[%add3A, %dma_wait3A_67, %dma_wait3A_68] : memref<32x40x128xi32, #tpu.memory_space<hbm>> -> memref<1x40x128xi32, #tpu.memory_space<hbm>>
      %dma_wait3A_70 = tpu.memref_squeeze %dma_wait3A_69 : memref<1x40x128xi32, #tpu.memory_space<hbm>> -> memref<40x128xi32, #tpu.memory_space<hbm>>
      %dma_wait3A_71 = arith.constant 0 : i32
      %dma_wait3A_72 = arith.constant 0 : i32
      %dma_wait3A_73 = tpu.memref_slice %arg3[%add3A, %dma_wait3A_71, %dma_wait3A_72] : memref<32x40x128xi32, #tpu.memory_space<hbm>> -> memref<1x40x128xi32, #tpu.memory_space<hbm>>
      %dma_wait3A_74 = tpu.memref_squeeze %dma_wait3A_73 : memref<1x40x128xi32, #tpu.memory_space<hbm>> -> memref<40x128xi32, #tpu.memory_space<hbm>>
      tpu.wait_dma2 semaphore(%run_scoped3A : memref<!tpu.dma_semaphore, #tpu.memory_space<semaphore_mem>>) src(%dma_wait3A_74 : memref<40x128xi32, #tpu.memory_space<hbm>>) dst(%arg6 : memref<40x128xi32, #tpu.memory_space<vmem>>)
      tpu.yield
    }) : () -> ()
    %barrier3A = arith.constant 0 : index
    tpu.barrier barrier_id(%barrier3A)
    %add3A_5 = arith.constant 0 : i32
    %add3A_6 = arith.addi %mul3A_2, %add3A_5 : i32
    %dma_start3A = arith.constant 0 : i32
    %dma_start3A_7 = arith.constant 0 : i32
    %dma_start3A_8 = arith.constant 0 : i32
    %dma_start3A_9 = tpu.memref_slice %arg7[%dma_start3A, %dma_start3A_7, %dma_start3A_8] : memref<2x128x128xf32, #tpu.memory_space<vmem>> -> memref<1x128x128xf32, #tpu.memory_space<vmem>>
    %dma_start3A_10 = tpu.memref_squeeze %dma_start3A_9 : memref<1x128x128xf32, #tpu.memory_space<vmem>> -> memref<128x128xf32, #tpu.memory_space<vmem>>
    %dma_start3A_11 = arith.constant 0 : i32
    %dma_start3A_12 = arith.constant 0 : i32
    %dma_start3A_13 = tpu.memref_slice %arg2[%add3A_6, %dma_start3A_11, %dma_start3A_12] : memref<1280x128x128xf32, #tpu.memory_space<hbm>> -> memref<1x128x128xf32, #tpu.memory_space<hbm>>
    %dma_start3A_14 = tpu.memref_squeeze %dma_start3A_13 : memref<1x128x128xf32, #tpu.memory_space<hbm>> -> memref<128x128xf32, #tpu.memory_space<hbm>>
    %dma_start3A_15 = arith.constant 0 : i32
    %dma_start3A_16 = arith.constant 0 : i32
    %dma_start3A_17 = tpu.memref_slice %arg7[%dma_start3A, %dma_start3A_15, %dma_start3A_16] : memref<2x128x128xf32, #tpu.memory_space<vmem>> -> memref<1x128x128xf32, #tpu.memory_space<vmem>>
    %dma_start3A_18 = tpu.memref_squeeze %dma_start3A_17 : memref<1x128x128xf32, #tpu.memory_space<vmem>> -> memref<128x128xf32, #tpu.memory_space<vmem>>
    %dma_start3A_19 = arith.constant 0 : i32
    %dma_start3A_20 = arith.constant 0 : i32
    %dma_start3A_21 = tpu.memref_slice %arg2[%add3A_6, %dma_start3A_19, %dma_start3A_20] : memref<1280x128x128xf32, #tpu.memory_space<hbm>> -> memref<1x128x128xf32, #tpu.memory_space<hbm>>
    %dma_start3A_22 = tpu.memref_squeeze %dma_start3A_21 : memref<1x128x128xf32, #tpu.memory_space<hbm>> -> memref<128x128xf32, #tpu.memory_space<hbm>>
    tpu.enqueue_dma source(%dma_start3A_22 : memref<128x128xf32, #tpu.memory_space<hbm>>) target(%dma_start3A_18 : memref<128x128xf32, #tpu.memory_space<vmem>>) target_semaphore(%arg9 : memref<!tpu.dma_semaphore, #tpu.memory_space<semaphore_mem>>)
    %add3A_23 = arith.constant 1 : i32
    %add3A_24 = arith.addi %mul3A_2, %add3A_23 : i32
    %dma_start3A_25 = arith.constant 1 : i32
    %dma_start3A_26 = arith.constant 0 : i32
    %dma_start3A_27 = arith.constant 0 : i32
    %dma_start3A_28 = tpu.memref_slice %arg7[%dma_start3A_25, %dma_start3A_26, %dma_start3A_27] : memref<2x128x128xf32, #tpu.memory_space<vmem>> -> memref<1x128x128xf32, #tpu.memory_space<vmem>>
    %dma_start3A_29 = tpu.memref_squeeze %dma_start3A_28 : memref<1x128x128xf32, #tpu.memory_space<vmem>> -> memref<128x128xf32, #tpu.memory_space<vmem>>
    %dma_start3A_30 = arith.constant 0 : i32
    %dma_start3A_31 = arith.constant 0 : i32
    %dma_start3A_32 = tpu.memref_slice %arg2[%add3A_24, %dma_start3A_30, %dma_start3A_31] : memref<1280x128x128xf32, #tpu.memory_space<hbm>> -> memref<1x128x128xf32, #tpu.memory_space<hbm>>
    %dma_start3A_33 = tpu.memref_squeeze %dma_start3A_32 : memref<1x128x128xf32, #tpu.memory_space<hbm>> -> memref<128x128xf32, #tpu.memory_space<hbm>>
    %dma_start3A_34 = arith.constant 0 : i32
    %dma_start3A_35 = arith.constant 0 : i32
    %dma_start3A_36 = tpu.memref_slice %arg7[%dma_start3A_25, %dma_start3A_34, %dma_start3A_35] : memref<2x128x128xf32, #tpu.memory_space<vmem>> -> memref<1x128x128xf32, #tpu.memory_space<vmem>>
    %dma_start3A_37 = tpu.memref_squeeze %dma_start3A_36 : memref<1x128x128xf32, #tpu.memory_space<vmem>> -> memref<128x128xf32, #tpu.memory_space<vmem>>
    %dma_start3A_38 = arith.constant 0 : i32
    %dma_start3A_39 = arith.constant 0 : i32
    %dma_start3A_40 = tpu.memref_slice %arg2[%add3A_24, %dma_start3A_38, %dma_start3A_39] : memref<1280x128x128xf32, #tpu.memory_space<hbm>> -> memref<1x128x128xf32, #tpu.memory_space<hbm>>
    %dma_start3A_41 = tpu.memref_squeeze %dma_start3A_40 : memref<1x128x128xf32, #tpu.memory_space<hbm>> -> memref<128x128xf32, #tpu.memory_space<hbm>>
    tpu.enqueue_dma source(%dma_start3A_41 : memref<128x128xf32, #tpu.memory_space<hbm>>) target(%dma_start3A_37 : memref<128x128xf32, #tpu.memory_space<vmem>>) target_semaphore(%arg10 : memref<!tpu.dma_semaphore, #tpu.memory_space<semaphore_mem>>)
    %scan3A = arith.constant 0 : i32
    %scan3A_42 = arith.constant 0 : i32
    %scan3A_43 = arith.constant 20 : i32
    %scan3A_44 = arith.addi %scan3A_42, %scan3A_43 : i32
    %scan3A_45 = arith.constant 1 : i32
    scf.for %scan3A_59 = %scan3A_42 to %scan3A_44 step %scan3A_45  : i32 {
      %mul3A_60 = arith.constant 2 : i32
      %mul3A_61 = arith.muli %mul3A_60, %scan3A_59 : i32
      %dma_wait3A_62 = arith.constant 0 : i32
      %dma_wait3A_63 = arith.constant 0 : i32
      %dma_wait3A_64 = arith.constant 0 : i32
      %dma_wait3A_65 = tpu.memref_slice %arg7[%dma_wait3A_62, %dma_wait3A_63, %dma_wait3A_64] : memref<2x128x128xf32, #tpu.memory_space<vmem>> -> memref<1x128x128xf32, #tpu.memory_space<vmem>>
      %dma_wait3A_66 = tpu.memref_squeeze %dma_wait3A_65 : memref<1x128x128xf32, #tpu.memory_space<vmem>> -> memref<128x128xf32, #tpu.memory_space<vmem>>
      %dma_wait3A_67 = arith.constant 0 : i32
      %dma_wait3A_68 = arith.constant 0 : i32
      %dma_wait3A_69 = tpu.memref_slice %arg2[%mul3A_2, %dma_wait3A_67, %dma_wait3A_68] : memref<1280x128x128xf32, #tpu.memory_space<hbm>> -> memref<1x128x128xf32, #tpu.memory_space<hbm>>
      %dma_wait3A_70 = tpu.memref_squeeze %dma_wait3A_69 : memref<1x128x128xf32, #tpu.memory_space<hbm>> -> memref<128x128xf32, #tpu.memory_space<hbm>>
      %dma_wait3A_71 = arith.constant 0 : i32
      %dma_wait3A_72 = arith.constant 0 : i32
      %dma_wait3A_73 = tpu.memref_slice %arg7[%dma_wait3A_62, %dma_wait3A_71, %dma_wait3A_72] : memref<2x128x128xf32, #tpu.memory_space<vmem>> -> memref<1x128x128xf32, #tpu.memory_space<vmem>>
      %dma_wait3A_74 = tpu.memref_squeeze %dma_wait3A_73 : memref<1x128x128xf32, #tpu.memory_space<vmem>> -> memref<128x128xf32, #tpu.memory_space<vmem>>
      %dma_wait3A_75 = arith.constant 0 : i32
      %dma_wait3A_76 = arith.constant 0 : i32
      %dma_wait3A_77 = tpu.memref_slice %arg2[%mul3A_2, %dma_wait3A_75, %dma_wait3A_76] : memref<1280x128x128xf32, #tpu.memory_space<hbm>> -> memref<1x128x128xf32, #tpu.memory_space<hbm>>
      %dma_wait3A_78 = tpu.memref_squeeze %dma_wait3A_77 : memref<1x128x128xf32, #tpu.memory_space<hbm>> -> memref<128x128xf32, #tpu.memory_space<hbm>>
      tpu.wait_dma2 semaphore(%arg9 : memref<!tpu.dma_semaphore, #tpu.memory_space<semaphore_mem>>) src(%dma_wait3A_78 : memref<128x128xf32, #tpu.memory_space<hbm>>) dst(%dma_wait3A_74 : memref<128x128xf32, #tpu.memory_space<vmem>>)
      %dma_start3A_79 = arith.constant 0 : i32
      %dma_start3A_80 = arith.constant 0 : i32
      %dma_start3A_81 = arith.constant 0 : i32
      %dma_start3A_82 = tpu.memref_slice %arg7[%dma_start3A_79, %dma_start3A_80, %dma_start3A_81] : memref<2x128x128xf32, #tpu.memory_space<vmem>> -> memref<1x128x128xf32, #tpu.memory_space<vmem>>
      %dma_start3A_83 = tpu.memref_squeeze %dma_start3A_82 : memref<1x128x128xf32, #tpu.memory_space<vmem>> -> memref<128x128xf32, #tpu.memory_space<vmem>>
      %dma_start3A_84 = arith.constant 0 : i32
      %dma_start3A_85 = tpu.memref_slice %arg6[%mul3A_61, %dma_start3A_84] : memref<40x128xi32, #tpu.memory_space<vmem>> -> memref<1x128xi32, #tpu.memory_space<vmem>>
      %dma_start3A_86 = tpu.memref_squeeze %dma_start3A_85 : memref<1x128xi32, #tpu.memory_space<vmem>> -> memref<128xi32, #tpu.memory_space<vmem>>
      %dma_start3A_87 = arith.constant 0 : i32
      %dma_start3A_88 = arith.constant 0 : i32
      %dma_start3A_89 = tpu.memref_slice %arg8[%dma_start3A_87, %dma_start3A_88] : memref<10112x128xf32, #tpu.memory_space<vmem_shared>> -> memref<10112x128xf32, #tpu.memory_space<vmem_shared>>
      tpu.enqueue_indirect_dma source(%dma_start3A_83 : memref<128x128xf32, #tpu.memory_space<vmem>>) target(%dma_start3A_89 : memref<10112x128xf32, #tpu.memory_space<vmem_shared>>) offsets(%dma_start3A_86 : memref<128xi32, #tpu.memory_space<vmem>>) semaphore(%arg11 : memref<!tpu.dma_semaphore, #tpu.memory_space<semaphore_mem>>) {add = true}
      %gt3A = arith.constant 0 : i32
      %gt3A_90 = arith.cmpi sgt, %scan3A_59, %gt3A : i32
      %convert_element_type3A = arith.extui %gt3A_90 : i1 to i32
      %cond3A = arith.constant 0 : i32
      %cond3A_91 = arith.cmpi ne, %convert_element_type3A, %cond3A : i32
      scf.if %cond3A_91 {
        %dma_wait3A_143 = arith.constant 1 : i32
        %dma_wait3A_144 = arith.constant 0 : i32
        %dma_wait3A_145 = arith.constant 0 : i32
        %dma_wait3A_146 = arith.constant 0 : i32
        %dma_wait3A_147 = tpu.memref_slice %arg7[%dma_wait3A_143, %dma_wait3A_145, %dma_wait3A_146] : memref<2x128x128xf32, #tpu.memory_space<vmem>> -> memref<1x128x128xf32, #tpu.memory_space<vmem>>
        %dma_wait3A_148 = tpu.memref_squeeze %dma_wait3A_147 : memref<1x128x128xf32, #tpu.memory_space<vmem>> -> memref<128x128xf32, #tpu.memory_space<vmem>>
        %dma_wait3A_149 = arith.constant 0 : i32
        %dma_wait3A_150 = tpu.memref_slice %arg6[%dma_wait3A_144, %dma_wait3A_149] : memref<40x128xi32, #tpu.memory_space<vmem>> -> memref<1x128xi32, #tpu.memory_space<vmem>>
        %dma_wait3A_151 = tpu.memref_squeeze %dma_wait3A_150 : memref<1x128xi32, #tpu.memory_space<vmem>> -> memref<128xi32, #tpu.memory_space<vmem>>
        %dma_wait3A_152 = arith.constant 0 : i32
        %dma_wait3A_153 = arith.constant 0 : i32
        %dma_wait3A_154 = tpu.memref_slice %arg8[%dma_wait3A_152, %dma_wait3A_153] : memref<10112x128xf32, #tpu.memory_space<vmem_shared>> -> memref<10112x128xf32, #tpu.memory_space<vmem_shared>>
        tpu.wait_indirect_dma semaphore(%arg12 : memref<!tpu.dma_semaphore, #tpu.memory_space<semaphore_mem>>) src(%dma_wait3A_148 : memref<128x128xf32, #tpu.memory_space<vmem>>) dst(%dma_wait3A_154 : memref<10112x128xf32, #tpu.memory_space<vmem_shared>>)
      } else {
      }
      %gt3A_92 = arith.constant 0 : i32
      %gt3A_93 = arith.cmpi sgt, %scan3A_59, %gt3A_92 : i32
      %convert_element_type3A_94 = arith.extui %gt3A_93 : i1 to i32
      %cond3A_95 = arith.constant 0 : i32
      %cond3A_96 = arith.cmpi ne, %convert_element_type3A_94, %cond3A_95 : i32
      scf.if %cond3A_96 {
        %add3A_143 = arith.constant 1 : i32
        %add3A_144 = arith.addi %mul3A_61, %add3A_143 : i32
        %add3A_145 = arith.addi %mul3A_2, %add3A_144 : i32
        %dma_start3A_146 = arith.constant 1 : i32
        %dma_start3A_147 = arith.constant 0 : i32
        %dma_start3A_148 = arith.constant 0 : i32
        %dma_start3A_149 = tpu.memref_slice %arg7[%dma_start3A_146, %dma_start3A_147, %dma_start3A_148] : memref<2x128x128xf32, #tpu.memory_space<vmem>> -> memref<1x128x128xf32, #tpu.memory_space<vmem>>
        %dma_start3A_150 = tpu.memref_squeeze %dma_start3A_149 : memref<1x128x128xf32, #tpu.memory_space<vmem>> -> memref<128x128xf32, #tpu.memory_space<vmem>>
        %dma_start3A_151 = arith.constant 0 : i32
        %dma_start3A_152 = arith.constant 0 : i32
        %dma_start3A_153 = tpu.memref_slice %arg2[%add3A_145, %dma_start3A_151, %dma_start3A_152] : memref<1280x128x128xf32, #tpu.memory_space<hbm>> -> memref<1x128x128xf32, #tpu.memory_space<hbm>>
        %dma_start3A_154 = tpu.memref_squeeze %dma_start3A_153 : memref<1x128x128xf32, #tpu.memory_space<hbm>> -> memref<128x128xf32, #tpu.memory_space<hbm>>
        %dma_start3A_155 = arith.constant 0 : i32
        %dma_start3A_156 = arith.constant 0 : i32
        %dma_start3A_157 = tpu.memref_slice %arg7[%dma_start3A_146, %dma_start3A_155, %dma_start3A_156] : memref<2x128x128xf32, #tpu.memory_space<vmem>> -> memref<1x128x128xf32, #tpu.memory_space<vmem>>
        %dma_start3A_158 = tpu.memref_squeeze %dma_start3A_157 : memref<1x128x128xf32, #tpu.memory_space<vmem>> -> memref<128x128xf32, #tpu.memory_space<vmem>>
        %dma_start3A_159 = arith.constant 0 : i32
        %dma_start3A_160 = arith.constant 0 : i32
        %dma_start3A_161 = tpu.memref_slice %arg2[%add3A_145, %dma_start3A_159, %dma_start3A_160] : memref<1280x128x128xf32, #tpu.memory_space<hbm>> -> memref<1x128x128xf32, #tpu.memory_space<hbm>>
        %dma_start3A_162 = tpu.memref_squeeze %dma_start3A_161 : memref<1x128x128xf32, #tpu.memory_space<hbm>> -> memref<128x128xf32, #tpu.memory_space<hbm>>
        tpu.enqueue_dma source(%dma_start3A_162 : memref<128x128xf32, #tpu.memory_space<hbm>>) target(%dma_start3A_158 : memref<128x128xf32, #tpu.memory_space<vmem>>) target_semaphore(%arg10 : memref<!tpu.dma_semaphore, #tpu.memory_space<semaphore_mem>>)
      } else {
      }
      %dma_wait3A_97 = arith.constant 1 : i32
      %dma_wait3A_98 = arith.constant 0 : i32
      %dma_wait3A_99 = arith.constant 0 : i32
      %dma_wait3A_100 = tpu.memref_slice %arg7[%dma_wait3A_97, %dma_wait3A_98, %dma_wait3A_99] : memref<2x128x128xf32, #tpu.memory_space<vmem>> -> memref<1x128x128xf32, #tpu.memory_space<vmem>>
      %dma_wait3A_101 = tpu.memref_squeeze %dma_wait3A_100 : memref<1x128x128xf32, #tpu.memory_space<vmem>> -> memref<128x128xf32, #tpu.memory_space<vmem>>
      %dma_wait3A_102 = arith.constant 0 : i32
      %dma_wait3A_103 = arith.constant 0 : i32
      %dma_wait3A_104 = tpu.memref_slice %arg2[%mul3A_2, %dma_wait3A_102, %dma_wait3A_103] : memref<1280x128x128xf32, #tpu.memory_space<hbm>> -> memref<1x128x128xf32, #tpu.memory_space<hbm>>
      %dma_wait3A_105 = tpu.memref_squeeze %dma_wait3A_104 : memref<1x128x128xf32, #tpu.memory_space<hbm>> -> memref<128x128xf32, #tpu.memory_space<hbm>>
      %dma_wait3A_106 = arith.constant 0 : i32
      %dma_wait3A_107 = arith.constant 0 : i32
      %dma_wait3A_108 = tpu.memref_slice %arg7[%dma_wait3A_97, %dma_wait3A_106, %dma_wait3A_107] : memref<2x128x128xf32, #tpu.memory_space<vmem>> -> memref<1x128x128xf32, #tpu.memory_space<vmem>>
      %dma_wait3A_109 = tpu.memref_squeeze %dma_wait3A_108 : memref<1x128x128xf32, #tpu.memory_space<vmem>> -> memref<128x128xf32, #tpu.memory_space<vmem>>
      %dma_wait3A_110 = arith.constant 0 : i32
      %dma_wait3A_111 = arith.constant 0 : i32
      %dma_wait3A_112 = tpu.memref_slice %arg2[%mul3A_2, %dma_wait3A_110, %dma_wait3A_111] : memref<1280x128x128xf32, #tpu.memory_space<hbm>> -> memref<1x128x128xf32, #tpu.memory_space<hbm>>
      %dma_wait3A_113 = tpu.memref_squeeze %dma_wait3A_112 : memref<1x128x128xf32, #tpu.memory_space<hbm>> -> memref<128x128xf32, #tpu.memory_space<hbm>>
      tpu.wait_dma2 semaphore(%arg10 : memref<!tpu.dma_semaphore, #tpu.memory_space<semaphore_mem>>) src(%dma_wait3A_113 : memref<128x128xf32, #tpu.memory_space<hbm>>) dst(%dma_wait3A_109 : memref<128x128xf32, #tpu.memory_space<vmem>>)
      %add3A_114 = arith.constant 1 : i32
      %add3A_115 = arith.addi %mul3A_61, %add3A_114 : i32
      %dma_start3A_116 = arith.constant 1 : i32
      %dma_start3A_117 = arith.constant 0 : i32
      %dma_start3A_118 = arith.constant 0 : i32
      %dma_start3A_119 = tpu.memref_slice %arg7[%dma_start3A_116, %dma_start3A_117, %dma_start3A_118] : memref<2x128x128xf32, #tpu.memory_space<vmem>> -> memref<1x128x128xf32, #tpu.memory_space<vmem>>
      %dma_start3A_120 = tpu.memref_squeeze %dma_start3A_119 : memref<1x128x128xf32, #tpu.memory_space<vmem>> -> memref<128x128xf32, #tpu.memory_space<vmem>>
      %dma_start3A_121 = arith.constant 0 : i32
      %dma_start3A_122 = tpu.memref_slice %arg6[%add3A_115, %dma_start3A_121] : memref<40x128xi32, #tpu.memory_space<vmem>> -> memref<1x128xi32, #tpu.memory_space<vmem>>
      %dma_start3A_123 = tpu.memref_squeeze %dma_start3A_122 : memref<1x128xi32, #tpu.memory_space<vmem>> -> memref<128xi32, #tpu.memory_space<vmem>>
      %dma_start3A_124 = arith.constant 0 : i32
      %dma_start3A_125 = arith.constant 0 : i32
      %dma_start3A_126 = tpu.memref_slice %arg8[%dma_start3A_124, %dma_start3A_125] : memref<10112x128xf32, #tpu.memory_space<vmem_shared>> -> memref<10112x128xf32, #tpu.memory_space<vmem_shared>>
      tpu.enqueue_indirect_dma source(%dma_start3A_120 : memref<128x128xf32, #tpu.memory_space<vmem>>) target(%dma_start3A_126 : memref<10112x128xf32, #tpu.memory_space<vmem_shared>>) offsets(%dma_start3A_123 : memref<128xi32, #tpu.memory_space<vmem>>) semaphore(%arg12 : memref<!tpu.dma_semaphore, #tpu.memory_space<semaphore_mem>>) {add = true}
      %dma_wait3A_127 = arith.constant 0 : i32
      %dma_wait3A_128 = arith.constant 0 : i32
      %dma_wait3A_129 = arith.constant 0 : i32
      %dma_wait3A_130 = arith.constant 0 : i32
      %dma_wait3A_131 = tpu.memref_slice %arg7[%dma_wait3A_127, %dma_wait3A_129, %dma_wait3A_130] : memref<2x128x128xf32, #tpu.memory_space<vmem>> -> memref<1x128x128xf32, #tpu.memory_space<vmem>>
      %dma_wait3A_132 = tpu.memref_squeeze %dma_wait3A_131 : memref<1x128x128xf32, #tpu.memory_space<vmem>> -> memref<128x128xf32, #tpu.memory_space<vmem>>
      %dma_wait3A_133 = arith.constant 0 : i32
      %dma_wait3A_134 = tpu.memref_slice %arg6[%dma_wait3A_128, %dma_wait3A_133] : memref<40x128xi32, #tpu.memory_space<vmem>> -> memref<1x128xi32, #tpu.memory_space<vmem>>
      %dma_wait3A_135 = tpu.memref_squeeze %dma_wait3A_134 : memref<1x128xi32, #tpu.memory_space<vmem>> -> memref<128xi32, #tpu.memory_space<vmem>>
      %dma_wait3A_136 = arith.constant 0 : i32
      %dma_wait3A_137 = arith.constant 0 : i32
      %dma_wait3A_138 = tpu.memref_slice %arg8[%dma_wait3A_136, %dma_wait3A_137] : memref<10112x128xf32, #tpu.memory_space<vmem_shared>> -> memref<10112x128xf32, #tpu.memory_space<vmem_shared>>
      tpu.wait_indirect_dma semaphore(%arg11 : memref<!tpu.dma_semaphore, #tpu.memory_space<semaphore_mem>>) src(%dma_wait3A_132 : memref<128x128xf32, #tpu.memory_space<vmem>>) dst(%dma_wait3A_138 : memref<10112x128xf32, #tpu.memory_space<vmem_shared>>)
      %lt3A = arith.constant 19 : i32
      %lt3A_139 = arith.cmpi slt, %scan3A_59, %lt3A : i32
      %convert_element_type3A_140 = arith.extui %lt3A_139 : i1 to i32
      %cond3A_141 = arith.constant 0 : i32
      %cond3A_142 = arith.cmpi ne, %convert_element_type3A_140, %cond3A_141 : i32
      scf.if %cond3A_142 {
        %add3A_143 = arith.constant 2 : i32
        %add3A_144 = arith.addi %mul3A_61, %add3A_143 : i32
        %add3A_145 = arith.addi %mul3A_2, %add3A_144 : i32
        %dma_start3A_146 = arith.constant 0 : i32
        %dma_start3A_147 = arith.constant 0 : i32
        %dma_start3A_148 = arith.constant 0 : i32
        %dma_start3A_149 = tpu.memref_slice %arg7[%dma_start3A_146, %dma_start3A_147, %dma_start3A_148] : memref<2x128x128xf32, #tpu.memory_space<vmem>> -> memref<1x128x128xf32, #tpu.memory_space<vmem>>
        %dma_start3A_150 = tpu.memref_squeeze %dma_start3A_149 : memref<1x128x128xf32, #tpu.memory_space<vmem>> -> memref<128x128xf32, #tpu.memory_space<vmem>>
        %dma_start3A_151 = arith.constant 0 : i32
        %dma_start3A_152 = arith.constant 0 : i32
        %dma_start3A_153 = tpu.memref_slice %arg2[%add3A_145, %dma_start3A_151, %dma_start3A_152] : memref<1280x128x128xf32, #tpu.memory_space<hbm>> -> memref<1x128x128xf32, #tpu.memory_space<hbm>>
        %dma_start3A_154 = tpu.memref_squeeze %dma_start3A_153 : memref<1x128x128xf32, #tpu.memory_space<hbm>> -> memref<128x128xf32, #tpu.memory_space<hbm>>
        %dma_start3A_155 = arith.constant 0 : i32
        %dma_start3A_156 = arith.constant 0 : i32
        %dma_start3A_157 = tpu.memref_slice %arg7[%dma_start3A_146, %dma_start3A_155, %dma_start3A_156] : memref<2x128x128xf32, #tpu.memory_space<vmem>> -> memref<1x128x128xf32, #tpu.memory_space<vmem>>
        %dma_start3A_158 = tpu.memref_squeeze %dma_start3A_157 : memref<1x128x128xf32, #tpu.memory_space<vmem>> -> memref<128x128xf32, #tpu.memory_space<vmem>>
        %dma_start3A_159 = arith.constant 0 : i32
        %dma_start3A_160 = arith.constant 0 : i32
        %dma_start3A_161 = tpu.memref_slice %arg2[%add3A_145, %dma_start3A_159, %dma_start3A_160] : memref<1280x128x128xf32, #tpu.memory_space<hbm>> -> memref<1x128x128xf32, #tpu.memory_space<hbm>>
        %dma_start3A_162 = tpu.memref_squeeze %dma_start3A_161 : memref<1x128x128xf32, #tpu.memory_space<hbm>> -> memref<128x128xf32, #tpu.memory_space<hbm>>
        tpu.enqueue_dma source(%dma_start3A_162 : memref<128x128xf32, #tpu.memory_space<hbm>>) target(%dma_start3A_158 : memref<128x128xf32, #tpu.memory_space<vmem>>) target_semaphore(%arg9 : memref<!tpu.dma_semaphore, #tpu.memory_space<semaphore_mem>>)
      } else {
      }
    }
    %scan3A_46 = arith.constant 20 : i32
    %dma_wait3A = arith.constant 1 : i32
    %dma_wait3A_47 = arith.constant 0 : i32
    %dma_wait3A_48 = arith.constant 0 : i32
    %dma_wait3A_49 = arith.constant 0 : i32
    %dma_wait3A_50 = tpu.memref_slice %arg7[%dma_wait3A, %dma_wait3A_48, %dma_wait3A_49] : memref<2x128x128xf32, #tpu.memory_space<vmem>> -> memref<1x128x128xf32, #tpu.memory_space<vmem>>
    %dma_wait3A_51 = tpu.memref_squeeze %dma_wait3A_50 : memref<1x128x128xf32, #tpu.memory_space<vmem>> -> memref<128x128xf32, #tpu.memory_space<vmem>>
    %dma_wait3A_52 = arith.constant 0 : i32
    %dma_wait3A_53 = tpu.memref_slice %arg6[%dma_wait3A_47, %dma_wait3A_52] : memref<40x128xi32, #tpu.memory_space<vmem>> -> memref<1x128xi32, #tpu.memory_space<vmem>>
    %dma_wait3A_54 = tpu.memref_squeeze %dma_wait3A_53 : memref<1x128xi32, #tpu.memory_space<vmem>> -> memref<128xi32, #tpu.memory_space<vmem>>
    %dma_wait3A_55 = arith.constant 0 : i32
    %dma_wait3A_56 = arith.constant 0 : i32
    %dma_wait3A_57 = tpu.memref_slice %arg8[%dma_wait3A_55, %dma_wait3A_56] : memref<10112x128xf32, #tpu.memory_space<vmem_shared>> -> memref<10112x128xf32, #tpu.memory_space<vmem_shared>>
    tpu.wait_indirect_dma semaphore(%arg12 : memref<!tpu.dma_semaphore, #tpu.memory_space<semaphore_mem>>) src(%dma_wait3A_51 : memref<128x128xf32, #tpu.memory_space<vmem>>) dst(%dma_wait3A_57 : memref<10112x128xf32, #tpu.memory_space<vmem_shared>>)
    %barrier3A_58 = arith.constant 0 : index
    tpu.barrier barrier_id(%barrier3A_58)
    "tpu.region"() ({
      %run_scoped3A = tpu.sem_alloc : memref<!tpu.dma_semaphore, #tpu.memory_space<semaphore_mem>>
      %dma_start3A_59 = arith.constant 0 : i32
      %dma_start3A_60 = tpu.memref_slice %arg5[%arg0, %mul3A_4, %dma_start3A_59] : memref<2x10112x128xf32, #tpu.memory_space<hbm>> -> memref<1x632x128xf32, #tpu.memory_space<hbm>>
      %dma_start3A_61 = tpu.memref_squeeze %dma_start3A_60 : memref<1x632x128xf32, #tpu.memory_space<hbm>> -> memref<632x128xf32, #tpu.memory_space<hbm>>
      %dma_start3A_62 = arith.constant 0 : i32
      %dma_start3A_63 = tpu.memref_slice %arg8[%mul3A_4, %dma_start3A_62] : memref<10112x128xf32, #tpu.memory_space<vmem_shared>> -> memref<632x128xf32, #tpu.memory_space<vmem_shared>>
      tpu.enqueue_dma source(%dma_start3A_63 : memref<632x128xf32, #tpu.memory_space<vmem_shared>>) target(%dma_start3A_61 : memref<632x128xf32, #tpu.memory_space<hbm>>) target_semaphore(%run_scoped3A : memref<!tpu.dma_semaphore, #tpu.memory_space<semaphore_mem>>)
      %dma_wait3A_64 = arith.constant 0 : i32
      %dma_wait3A_65 = tpu.memref_slice %arg5[%arg0, %mul3A_4, %dma_wait3A_64] : memref<2x10112x128xf32, #tpu.memory_space<hbm>> -> memref<1x632x128xf32, #tpu.memory_space<hbm>>
      %dma_wait3A_66 = tpu.memref_squeeze %dma_wait3A_65 : memref<1x632x128xf32, #tpu.memory_space<hbm>> -> memref<632x128xf32, #tpu.memory_space<hbm>>
      %dma_wait3A_67 = arith.constant 0 : i32
      %dma_wait3A_68 = tpu.memref_slice %arg8[%mul3A_4, %dma_wait3A_67] : memref<10112x128xf32, #tpu.memory_space<vmem_shared>> -> memref<632x128xf32, #tpu.memory_space<vmem_shared>>
      tpu.wait_dma2 semaphore(%run_scoped3A : memref<!tpu.dma_semaphore, #tpu.memory_space<semaphore_mem>>) src(%dma_wait3A_68 : memref<632x128xf32, #tpu.memory_space<vmem_shared>>) dst(%dma_wait3A_66 : memref<632x128xf32, #tpu.memory_space<hbm>>)
      tpu.yield
    }) : () -> ()
    return
  }
}

module attributes {stable_mosaic.version = 14 : i64} {
  func.func @body(%arg0: i32, %arg1: memref<1024x64xbf16, #tpu.memory_space<vmem>>, %arg2: memref<8x128x128xf32, #tpu.memory_space<vmem>>, %arg3: memref<128x512xbf16, #tpu.memory_space<vmem>>, %arg4: memref<64x512xbf16, #tpu.memory_space<vmem>>, %arg5: memref<8x128x128xf32, #tpu.memory_space<vmem>>) attributes {dimension_semantics = [#tpu.dimension_semantics<arbitrary>], iteration_bounds = array<i64: 160>, scalar_prefetch = 0 : i64, scratch_operands = 0 : i64, tpu.core_type = #tpu.core_type<tc>, window_params = [{transform_indices = @transform_0, window_bounds = array<i64: 1024, 64>}, {transform_indices = @transform_1, window_bounds = array<i64: 8, 128, 128>}, {pipeline_mode = #tpu.pipeline_mode<synchronous>, transform_indices = @transform_2, window_bounds = array<i64: 128, 512>}, {pipeline_mode = #tpu.pipeline_mode<synchronous>, transform_indices = @transform_3, window_bounds = array<i64: 64, 512>}, {transform_indices = @transform_4, window_bounds = array<i64: 8, 128, 128>}]} {
    %get3A = arith.constant 0 : index
    %get3A_0 = arith.constant 0 : index
    %get3A_1 = vector.load %arg1[%get3A, %get3A_0] : memref<1024x64xbf16, #tpu.memory_space<vmem>>, vector<1024x64xbf16>
    %get3A_2 = arith.constant 0 : index
    %get3A_3 = arith.constant 0 : index
    %get3A_4 = vector.load %arg4[%get3A_2, %get3A_3] : memref<64x512xbf16, #tpu.memory_space<vmem>>, vector<64x512xbf16>
    %dot_general3A = arith.constant dense<0.000000e+00> : vector<1024x512xf32>
    %dot_general3A_5 = tpu.matmul %get3A_1, %get3A_4, %dot_general3A {dimension_numbers = #tpu.dot_dimension_numbers<[1], [0], [0], [1], [0, 0, 1, 1], [], []>, transpose_lhs_hint = false} : vector<1024x64xbf16>, vector<64x512xbf16>, vector<1024x512xf32> -> vector<1024x512xf32>
    %get3A_6 = arith.constant 0 : index
    %get3A_7 = arith.constant 0 : index
    %get3A_8 = arith.constant 0 : index
    %get3A_9 = vector.load %arg2[%get3A_6, %get3A_7, %get3A_8] : memref<8x128x128xf32, #tpu.memory_space<vmem>>, vector<8x128x128xf32>
    %reshape3A = vector.shape_cast %get3A_9 : vector<8x128x128xf32> to vector<1024x128xf32>
    %convert_element_type3A = arith.truncf %reshape3A : vector<1024x128xf32> to vector<1024x128xbf16>
    %get3A_10 = arith.constant 0 : index
    %get3A_11 = arith.constant 0 : index
    %get3A_12 = vector.load %arg3[%get3A_10, %get3A_11] : memref<128x512xbf16, #tpu.memory_space<vmem>>, vector<128x512xbf16>
    %dot_general3A_13 = arith.constant dense<0.000000e+00> : vector<1024x512xf32>
    %dot_general3A_14 = tpu.matmul %convert_element_type3A, %get3A_12, %dot_general3A_13 {dimension_numbers = #tpu.dot_dimension_numbers<[1], [0], [0], [1], [0, 0, 1, 1], [], []>, transpose_lhs_hint = false} : vector<1024x128xbf16>, vector<128x512xbf16>, vector<1024x512xf32> -> vector<1024x512xf32>
    %mul3A = arith.mulf %dot_general3A_5, %dot_general3A_14 : vector<1024x512xf32>
    %slice3A = vector.extract_strided_slice %mul3A {offsets = [0, 0], sizes = [1024, 128], strides = [1, 1]} : vector<1024x512xf32> to vector<1024x128xf32>
    %slice3A_15 = vector.extract_strided_slice %mul3A {offsets = [0, 128], sizes = [1024, 128], strides = [1, 1]} : vector<1024x512xf32> to vector<1024x128xf32>
    %add3A = arith.addf %slice3A, %slice3A_15 : vector<1024x128xf32>
    %slice3A_16 = vector.extract_strided_slice %mul3A {offsets = [0, 256], sizes = [1024, 128], strides = [1, 1]} : vector<1024x512xf32> to vector<1024x128xf32>
    %add3A_17 = arith.addf %add3A, %slice3A_16 : vector<1024x128xf32>
    %slice3A_18 = vector.extract_strided_slice %mul3A {offsets = [0, 384], sizes = [1024, 128], strides = [1, 1]} : vector<1024x512xf32> to vector<1024x128xf32>
    %add3A_19 = arith.addf %add3A_17, %slice3A_18 : vector<1024x128xf32>
    %reshape3A_20 = vector.shape_cast %add3A_19 : vector<1024x128xf32> to vector<8x128x128xf32>
    %swap3A = arith.constant 0 : index
    %swap3A_21 = arith.constant 0 : index
    %swap3A_22 = arith.constant 0 : index
    %swap3A_23 = vector.load %arg5[%swap3A, %swap3A_21, %swap3A_22] : memref<8x128x128xf32, #tpu.memory_space<vmem>>, vector<8x128x128xf32>
    tpu.vector_store %arg5[%swap3A, %swap3A_21, %swap3A_22], %reshape3A_20 {strides = array<i32>} : memref<8x128x128xf32, #tpu.memory_space<vmem>>, vector<8x128x128xf32>,
    return
  }
  func.func @transform_0(%arg0: i32) -> (i32, i32) {
    %c0_i32 = arith.constant 0 : i32
    %c0_i32_0 = arith.constant 0 : i32
    return %arg0, %c0_i32 : i32, i32
  }
  func.func @transform_1(%arg0: i32) -> (i32, i32, i32) {
    %c0_i32 = arith.constant 0 : i32
    %c0_i32_0 = arith.constant 0 : i32
    %c0_i32_1 = arith.constant 0 : i32
    return %arg0, %c0_i32, %c0_i32_0 : i32, i32, i32
  }
  func.func @transform_2(%arg0: i32) -> (i32, i32) {
    %c0_i32 = arith.constant 0 : i32
    %c0_i32_0 = arith.constant 0 : i32
    %c0_i32_1 = arith.constant 0 : i32
    return %c0_i32, %c0_i32_0 : i32, i32
  }
  func.func @transform_3(%arg0: i32) -> (i32, i32) {
    %c0_i32 = arith.constant 0 : i32
    %c0_i32_0 = arith.constant 0 : i32
    %c0_i32_1 = arith.constant 0 : i32
    return %c0_i32, %c0_i32_0 : i32, i32
  }
  func.func @transform_4(%arg0: i32) -> (i32, i32, i32) {
    %c0_i32 = arith.constant 0 : i32
    %c0_i32_0 = arith.constant 0 : i32
    %c0_i32_1 = arith.constant 0 : i32
    return %arg0, %c0_i32, %c0_i32_0 : i32, i32, i32
  }
}

module attributes {stable_mosaic.version = 14 : i64} {
  func.func @body(%arg0: i32, %arg1: memref<2x400x128xf32, #tpu.memory_space<vmem>>, %arg2: memref<2x400x128xf32, #tpu.memory_space<vmem>>, %arg3: memref<400x128xf32, #tpu.memory_space<vmem>>, %arg4: memref<128x128xf32, #tpu.memory_space<vmem>>, %arg5: memref<1x128xf32, #tpu.memory_space<vmem>>, %arg6: memref<400x128xf32, #tpu.memory_space<vmem>>) attributes {dimension_semantics = [#tpu.dimension_semantics<arbitrary>], iteration_bounds = array<i64: 25>, scalar_prefetch = 0 : i64, scratch_operands = 0 : i64, tpu.core_type = #tpu.core_type<tc>, window_params = [{transform_indices = @transform_0, window_bounds = array<i64: 2, 400, 128>}, {transform_indices = @transform_1, window_bounds = array<i64: 2, 400, 128>}, {transform_indices = @transform_2, window_bounds = array<i64: 400, 128>}, {pipeline_mode = #tpu.pipeline_mode<synchronous>, transform_indices = @transform_3, window_bounds = array<i64: 128, 128>}, {pipeline_mode = #tpu.pipeline_mode<synchronous>, transform_indices = @transform_4, window_bounds = array<i64: 1, 128>}, {transform_indices = @transform_5, window_bounds = array<i64: 400, 128>}]} {
    %get3A = arith.constant 0 : index
    %get3A_0 = arith.constant 0 : index
    %get3A_1 = arith.constant 0 : index
    %get3A_2 = vector.load %arg1[%get3A, %get3A_0, %get3A_1] : memref<2x400x128xf32, #tpu.memory_space<vmem>>, vector<1x400x128xf32>
    %get3A_3 = vector.shape_cast %get3A_2 : vector<1x400x128xf32> to vector<400x128xf32>
    %get3A_4 = arith.constant 1 : index
    %get3A_5 = arith.constant 0 : index
    %get3A_6 = arith.constant 0 : index
    %get3A_7 = vector.load %arg1[%get3A_4, %get3A_5, %get3A_6] : memref<2x400x128xf32, #tpu.memory_space<vmem>>, vector<1x400x128xf32>
    %get3A_8 = vector.shape_cast %get3A_7 : vector<1x400x128xf32> to vector<400x128xf32>
    %add3A = arith.addf %get3A_3, %get3A_8 : vector<400x128xf32>
    %get3A_9 = arith.constant 0 : index
    %get3A_10 = arith.constant 0 : index
    %get3A_11 = arith.constant 0 : index
    %get3A_12 = vector.load %arg2[%get3A_9, %get3A_10, %get3A_11] : memref<2x400x128xf32, #tpu.memory_space<vmem>>, vector<1x400x128xf32>
    %get3A_13 = vector.shape_cast %get3A_12 : vector<1x400x128xf32> to vector<400x128xf32>
    %add3A_14 = arith.addf %add3A, %get3A_13 : vector<400x128xf32>
    %get3A_15 = arith.constant 1 : index
    %get3A_16 = arith.constant 0 : index
    %get3A_17 = arith.constant 0 : index
    %get3A_18 = vector.load %arg2[%get3A_15, %get3A_16, %get3A_17] : memref<2x400x128xf32, #tpu.memory_space<vmem>>, vector<1x400x128xf32>
    %get3A_19 = vector.shape_cast %get3A_18 : vector<1x400x128xf32> to vector<400x128xf32>
    %add3A_20 = arith.addf %add3A_14, %get3A_19 : vector<400x128xf32>
    %get3A_21 = arith.constant 0 : index
    %get3A_22 = arith.constant 0 : index
    %get3A_23 = vector.load %arg3[%get3A_21, %get3A_22] : memref<400x128xf32, #tpu.memory_space<vmem>>, vector<400x128xf32>
    %get3A_24 = arith.constant 0 : index
    %get3A_25 = arith.constant 0 : index
    %get3A_26 = vector.load %arg4[%get3A_24, %get3A_25] : memref<128x128xf32, #tpu.memory_space<vmem>>, vector<128x128xf32>
    %dot_general3A = arith.constant dense<0.000000e+00> : vector<400x128xf32>
    %dot_general3A_27 = tpu.matmul %get3A_23, %get3A_26, %dot_general3A {dimension_numbers = #tpu.dot_dimension_numbers<[1], [0], [0], [1], [0, 0, 1, 1], [], []>, transpose_lhs_hint = false} : vector<400x128xf32>, vector<128x128xf32>, vector<400x128xf32> -> vector<400x128xf32>
    %add3A_28 = arith.addf %add3A_20, %dot_general3A_27 : vector<400x128xf32>
    %get3A_29 = arith.constant 0 : index
    %get3A_30 = arith.constant 0 : index
    %get3A_31 = vector.load %arg5[%get3A_29, %get3A_30] : memref<1x128xf32, #tpu.memory_space<vmem>>, vector<1x128xf32>
    %add3A_32 = vector.broadcast %get3A_31 : vector<1x128xf32> to vector<400x128xf32>
    %add3A_33 = arith.addf %add3A_28, %add3A_32 : vector<400x128xf32>
    %max3A = arith.constant 0.000000e+00 : f32
    %max3A_34 = vector.broadcast %max3A : f32 to vector<400x128xf32>
    %max3A_35 = arith.maximumf %add3A_33, %max3A_34 : vector<400x128xf32>
    %swap3A = arith.constant 0 : index
    %swap3A_36 = arith.constant 0 : index
    %swap3A_37 = vector.load %arg6[%swap3A, %swap3A_36] : memref<400x128xf32, #tpu.memory_space<vmem>>, vector<400x128xf32>
    tpu.vector_store %arg6[%swap3A, %swap3A_36], %max3A_35 {strides = array<i32>} : memref<400x128xf32, #tpu.memory_space<vmem>>, vector<400x128xf32>,
    return
  }
  func.func @transform_0(%arg0: i32) -> (i32, i32, i32) {
    %c0_i32 = arith.constant 0 : i32
    %c0_i32_0 = arith.constant 0 : i32
    %c0_i32_1 = arith.constant 0 : i32
    return %c0_i32, %arg0, %c0_i32_0 : i32, i32, i32
  }
  func.func @transform_1(%arg0: i32) -> (i32, i32, i32) {
    %c0_i32 = arith.constant 0 : i32
    %c0_i32_0 = arith.constant 0 : i32
    %c0_i32_1 = arith.constant 0 : i32
    return %c0_i32, %arg0, %c0_i32_0 : i32, i32, i32
  }
  func.func @transform_2(%arg0: i32) -> (i32, i32) {
    %c0_i32 = arith.constant 0 : i32
    %c0_i32_0 = arith.constant 0 : i32
    return %arg0, %c0_i32 : i32, i32
  }
  func.func @transform_3(%arg0: i32) -> (i32, i32) {
    %c0_i32 = arith.constant 0 : i32
    %c0_i32_0 = arith.constant 0 : i32
    %c0_i32_1 = arith.constant 0 : i32
    return %c0_i32, %c0_i32_0 : i32, i32
  }
  func.func @transform_4(%arg0: i32) -> (i32, i32) {
    %c0_i32 = arith.constant 0 : i32
    %c0_i32_0 = arith.constant 0 : i32
    %c0_i32_1 = arith.constant 0 : i32
    return %c0_i32, %c0_i32_0 : i32, i32
  }
  func.func @transform_5(%arg0: i32) -> (i32, i32) {
    %c0_i32 = arith.constant 0 : i32
    %c0_i32_0 = arith.constant 0 : i32
    return %arg0, %c0_i32 : i32, i32
  }
}

module attributes {stable_mosaic.version = 14 : i64} {
  func.func @body(%arg0: i32, %arg1: memref<2x400x128xf32, #tpu.memory_space<vmem>>, %arg2: memref<2x400x128xf32, #tpu.memory_space<vmem>>, %arg3: memref<400x128xf32, #tpu.memory_space<vmem>>, %arg4: memref<128x128xf32, #tpu.memory_space<vmem>>, %arg5: memref<1x128xf32, #tpu.memory_space<vmem>>, %arg6: memref<400x1xi32, #tpu.memory_space<vmem>>, %arg7: memref<128x64xf32, #tpu.memory_space<vmem>>, %arg8: memref<64x4xf32, #tpu.memory_space<vmem>>, %arg9: memref<32x512xf32, #tpu.memory_space<vmem>>, %arg10: memref<32x512xf32, #tpu.memory_space<vmem>>, %arg11: memref<32x4xf32, #tpu.memory_space<vmem>>) attributes {dimension_semantics = [#tpu.dimension_semantics<arbitrary>], iteration_bounds = array<i64: 25>, scalar_prefetch = 0 : i64, scratch_operands = 2 : i64, tpu.core_type = #tpu.core_type<tc>, window_params = [{transform_indices = @transform_0, window_bounds = array<i64: 2, 400, 128>}, {transform_indices = @transform_1, window_bounds = array<i64: 2, 400, 128>}, {transform_indices = @transform_2, window_bounds = array<i64: 400, 128>}, {pipeline_mode = #tpu.pipeline_mode<synchronous>, transform_indices = @transform_3, window_bounds = array<i64: 128, 128>}, {pipeline_mode = #tpu.pipeline_mode<synchronous>, transform_indices = @transform_4, window_bounds = array<i64: 1, 128>}, {transform_indices = @transform_5, window_bounds = array<i64: 400, 1>}, {pipeline_mode = #tpu.pipeline_mode<synchronous>, transform_indices = @transform_6, window_bounds = array<i64: 128, 64>}, {pipeline_mode = #tpu.pipeline_mode<synchronous>, transform_indices = @transform_7, window_bounds = array<i64: 64, 4>}, {pipeline_mode = #tpu.pipeline_mode<synchronous>, transform_indices = @transform_8, window_bounds = array<i64: 32, 512>}]} {
    %eq3A = arith.constant 0 : i32
    %eq3A_0 = arith.cmpi eq, %arg0, %eq3A : i32
    %convert_element_type3A = arith.extui %eq3A_0 : i1 to i32
    %cond3A = arith.constant 0 : i32
    %cond3A_1 = arith.cmpi ne, %convert_element_type3A, %cond3A : i32
    scf.if %cond3A_1 {
      %broadcast_in_dim3A = arith.constant 0.000000e+00 : f32
      %broadcast_in_dim3A_114 = vector.broadcast %broadcast_in_dim3A : f32 to vector<32x512xf32>
      %swap3A_115 = arith.constant 0 : index
      %swap3A_116 = arith.constant 0 : index
      %swap3A_117 = vector.load %arg10[%swap3A_115, %swap3A_116] : memref<32x512xf32, #tpu.memory_space<vmem>>, vector<32x512xf32>
      tpu.vector_store %arg10[%swap3A_115, %swap3A_116], %broadcast_in_dim3A_114 {strides = array<i32>} : memref<32x512xf32, #tpu.memory_space<vmem>>, vector<32x512xf32>,
      %broadcast_in_dim3A_118 = arith.constant 0.000000e+00 : f32
      %broadcast_in_dim3A_119 = vector.broadcast %broadcast_in_dim3A_118 : f32 to vector<32x4xf32>
      %swap3A_120 = arith.constant 0 : index
      %swap3A_121 = arith.constant 0 : index
      %swap3A_122 = vector.load %arg11[%swap3A_120, %swap3A_121] : memref<32x4xf32, #tpu.memory_space<vmem>>, vector<32x4xf32>
      tpu.vector_store %arg11[%swap3A_120, %swap3A_121], %broadcast_in_dim3A_119 {strides = array<i32>} : memref<32x4xf32, #tpu.memory_space<vmem>>, vector<32x4xf32>,
    } else {
    }
    %get3A = arith.constant 0 : index
    %get3A_2 = arith.constant 0 : index
    %get3A_3 = arith.constant 0 : index
    %get3A_4 = vector.load %arg1[%get3A, %get3A_2, %get3A_3] : memref<2x400x128xf32, #tpu.memory_space<vmem>>, vector<1x400x128xf32>
    %get3A_5 = vector.shape_cast %get3A_4 : vector<1x400x128xf32> to vector<400x128xf32>
    %get3A_6 = arith.constant 1 : index
    %get3A_7 = arith.constant 0 : index
    %get3A_8 = arith.constant 0 : index
    %get3A_9 = vector.load %arg1[%get3A_6, %get3A_7, %get3A_8] : memref<2x400x128xf32, #tpu.memory_space<vmem>>, vector<1x400x128xf32>
    %get3A_10 = vector.shape_cast %get3A_9 : vector<1x400x128xf32> to vector<400x128xf32>
    %add3A = arith.addf %get3A_5, %get3A_10 : vector<400x128xf32>
    %get3A_11 = arith.constant 0 : index
    %get3A_12 = arith.constant 0 : index
    %get3A_13 = arith.constant 0 : index
    %get3A_14 = vector.load %arg2[%get3A_11, %get3A_12, %get3A_13] : memref<2x400x128xf32, #tpu.memory_space<vmem>>, vector<1x400x128xf32>
    %get3A_15 = vector.shape_cast %get3A_14 : vector<1x400x128xf32> to vector<400x128xf32>
    %add3A_16 = arith.addf %add3A, %get3A_15 : vector<400x128xf32>
    %get3A_17 = arith.constant 1 : index
    %get3A_18 = arith.constant 0 : index
    %get3A_19 = arith.constant 0 : index
    %get3A_20 = vector.load %arg2[%get3A_17, %get3A_18, %get3A_19] : memref<2x400x128xf32, #tpu.memory_space<vmem>>, vector<1x400x128xf32>
    %get3A_21 = vector.shape_cast %get3A_20 : vector<1x400x128xf32> to vector<400x128xf32>
    %add3A_22 = arith.addf %add3A_16, %get3A_21 : vector<400x128xf32>
    %get3A_23 = arith.constant 0 : index
    %get3A_24 = arith.constant 0 : index
    %get3A_25 = vector.load %arg3[%get3A_23, %get3A_24] : memref<400x128xf32, #tpu.memory_space<vmem>>, vector<400x128xf32>
    %get3A_26 = arith.constant 0 : index
    %get3A_27 = arith.constant 0 : index
    %get3A_28 = vector.load %arg4[%get3A_26, %get3A_27] : memref<128x128xf32, #tpu.memory_space<vmem>>, vector<128x128xf32>
    %dot_general3A = arith.constant dense<0.000000e+00> : vector<400x128xf32>
    %dot_general3A_29 = tpu.matmul %get3A_25, %get3A_28, %dot_general3A {dimension_numbers = #tpu.dot_dimension_numbers<[1], [0], [0], [1], [0, 0, 1, 1], [], []>, transpose_lhs_hint = false} : vector<400x128xf32>, vector<128x128xf32>, vector<400x128xf32> -> vector<400x128xf32>
    %add3A_30 = arith.addf %add3A_22, %dot_general3A_29 : vector<400x128xf32>
    %get3A_31 = arith.constant 0 : index
    %get3A_32 = arith.constant 0 : index
    %get3A_33 = vector.load %arg5[%get3A_31, %get3A_32] : memref<1x128xf32, #tpu.memory_space<vmem>>, vector<1x128xf32>
    %add3A_34 = vector.broadcast %get3A_33 : vector<1x128xf32> to vector<400x128xf32>
    %add3A_35 = arith.addf %add3A_30, %add3A_34 : vector<400x128xf32>
    %max3A = arith.constant 0.000000e+00 : f32
    %max3A_36 = vector.broadcast %max3A : f32 to vector<400x128xf32>
    %max3A_37 = arith.maximumf %add3A_35, %max3A_36 : vector<400x128xf32>
    %get3A_38 = arith.constant 0 : index
    %get3A_39 = arith.constant 0 : index
    %get3A_40 = vector.load %arg7[%get3A_38, %get3A_39] : memref<128x64xf32, #tpu.memory_space<vmem>>, vector<128x64xf32>
    %dot_general3A_41 = arith.constant dense<0.000000e+00> : vector<400x64xf32>
    %dot_general3A_42 = tpu.matmul %max3A_37, %get3A_40, %dot_general3A_41 {dimension_numbers = #tpu.dot_dimension_numbers<[1], [0], [0], [1], [0, 0, 1, 1], [], []>, transpose_lhs_hint = false} : vector<400x128xf32>, vector<128x64xf32>, vector<400x64xf32> -> vector<400x64xf32>
    %tanh3A = math.tanh %dot_general3A_42 : vector<400x64xf32>
    %get3A_43 = arith.constant 0 : index
    %get3A_44 = arith.constant 0 : index
    %get3A_45 = vector.load %arg8[%get3A_43, %get3A_44] : memref<64x4xf32, #tpu.memory_space<vmem>>, vector<64x4xf32>
    %dot_general3A_46 = arith.constant dense<0.000000e+00> : vector<400x4xf32>
    %dot_general3A_47 = tpu.matmul %tanh3A, %get3A_45, %dot_general3A_46 {dimension_numbers = #tpu.dot_dimension_numbers<[1], [0], [0], [1], [0, 0, 1, 1], [], []>, transpose_lhs_hint = false} : vector<400x64xf32>, vector<64x4xf32>, vector<400x4xf32> -> vector<400x4xf32>
    %exp3A = math.exp %dot_general3A_47 : vector<400x4xf32>
    %get3A_48 = arith.constant 0 : index
    %get3A_49 = arith.constant 0 : index
    %get3A_50 = vector.load %arg6[%get3A_48, %get3A_49] : memref<400x1xi32, #tpu.memory_space<vmem>>, vector<400x1xi32>
    %iota3A = tpu.iota {dimensions = array<i32: 1>} : vector<400x32xi32>
    %eq3A_51 = vector.broadcast %get3A_50 : vector<400x1xi32> to vector<400x32xi32>
    %eq3A_52 = arith.cmpi eq, %eq3A_51, %iota3A : vector<400x32xi32>
    %convert_element_type3A_53 = arith.extui %eq3A_52 : vector<400x32xi1> to vector<400x32xi32>
    %convert_element_type3A_54 = arith.sitofp %convert_element_type3A_53 : vector<400x32xi32> to vector<400x32xf32>
    %get3A_55 = arith.constant 0 : index
    %get3A_56 = arith.constant 0 : index
    %get3A_57 = vector.load %arg11[%get3A_55, %get3A_56] : memref<32x4xf32, #tpu.memory_space<vmem>>, vector<32x4xf32>
    %dot_general3A_58 = arith.constant dense<0.000000e+00> : vector<32x4xf32>
    %dot_general3A_59 = tpu.matmul %convert_element_type3A_54, %exp3A, %dot_general3A_58 {dimension_numbers = #tpu.dot_dimension_numbers<[0], [0], [1], [1], [0, 1, 1, 1], [], []>, transpose_lhs_hint = false} : vector<400x32xf32>, vector<400x4xf32>, vector<32x4xf32> -> vector<32x4xf32>
    %add3A_60 = arith.addf %get3A_57, %dot_general3A_59 : vector<32x4xf32>
    %swap3A = arith.constant 0 : index
    %swap3A_61 = arith.constant 0 : index
    %swap3A_62 = vector.load %arg11[%swap3A, %swap3A_61] : memref<32x4xf32, #tpu.memory_space<vmem>>, vector<32x4xf32>
    tpu.vector_store %arg11[%swap3A, %swap3A_61], %add3A_60 {strides = array<i32>} : memref<32x4xf32, #tpu.memory_space<vmem>>, vector<32x4xf32>,
    %get3A_63 = arith.constant 0 : index
    %get3A_64 = arith.constant 0 : index
    %get3A_65 = vector.load %arg10[%get3A_63, %get3A_64] : memref<32x512xf32, #tpu.memory_space<vmem>>, vector<32x128xf32>
    %slice3A = vector.extract_strided_slice %exp3A {offsets = [0, 0], sizes = [400, 1], strides = [1, 1]} : vector<400x4xf32> to vector<400x1xf32>
    %mul3A = vector.broadcast %slice3A : vector<400x1xf32> to vector<400x32xf32>
    %mul3A_66 = arith.mulf %convert_element_type3A_54, %mul3A : vector<400x32xf32>
    %dot_general3A_67 = arith.constant dense<0.000000e+00> : vector<32x128xf32>
    %dot_general3A_68 = tpu.matmul %mul3A_66, %max3A_37, %dot_general3A_67 {dimension_numbers = #tpu.dot_dimension_numbers<[0], [0], [1], [1], [0, 1, 1, 1], [], []>, transpose_lhs_hint = false} : vector<400x32xf32>, vector<400x128xf32>, vector<32x128xf32> -> vector<32x128xf32>
    %add3A_69 = arith.addf %get3A_65, %dot_general3A_68 : vector<32x128xf32>
    %swap3A_70 = arith.constant 0 : index
    %swap3A_71 = arith.constant 0 : index
    %swap3A_72 = vector.load %arg10[%swap3A_70, %swap3A_71] : memref<32x512xf32, #tpu.memory_space<vmem>>, vector<32x128xf32>
    tpu.vector_store %arg10[%swap3A_70, %swap3A_71], %add3A_69 {strides = array<i32>} : memref<32x512xf32, #tpu.memory_space<vmem>>, vector<32x128xf32>,
    %get3A_73 = arith.constant 0 : index
    %get3A_74 = arith.constant 128 : index
    %get3A_75 = vector.load %arg10[%get3A_73, %get3A_74] : memref<32x512xf32, #tpu.memory_space<vmem>>, vector<32x128xf32>
    %slice3A_76 = vector.extract_strided_slice %exp3A {offsets = [0, 1], sizes = [400, 1], strides = [1, 1]} : vector<400x4xf32> to vector<400x1xf32>
    %mul3A_77 = vector.broadcast %slice3A_76 : vector<400x1xf32> to vector<400x32xf32>
    %mul3A_78 = arith.mulf %convert_element_type3A_54, %mul3A_77 : vector<400x32xf32>
    %dot_general3A_79 = arith.constant dense<0.000000e+00> : vector<32x128xf32>
    %dot_general3A_80 = tpu.matmul %mul3A_78, %max3A_37, %dot_general3A_79 {dimension_numbers = #tpu.dot_dimension_numbers<[0], [0], [1], [1], [0, 1, 1, 1], [], []>, transpose_lhs_hint = false} : vector<400x32xf32>, vector<400x128xf32>, vector<32x128xf32> -> vector<32x128xf32>
    %add3A_81 = arith.addf %get3A_75, %dot_general3A_80 : vector<32x128xf32>
    %swap3A_82 = arith.constant 0 : index
    %swap3A_83 = arith.constant 128 : index
    %swap3A_84 = vector.load %arg10[%swap3A_82, %swap3A_83] : memref<32x512xf32, #tpu.memory_space<vmem>>, vector<32x128xf32>
    tpu.vector_store %arg10[%swap3A_82, %swap3A_83], %add3A_81 {strides = array<i32>} : memref<32x512xf32, #tpu.memory_space<vmem>>, vector<32x128xf32>,
    %get3A_85 = arith.constant 0 : index
    %get3A_86 = arith.constant 256 : index
    %get3A_87 = vector.load %arg10[%get3A_85, %get3A_86] : memref<32x512xf32, #tpu.memory_space<vmem>>, vector<32x128xf32>
    %slice3A_88 = vector.extract_strided_slice %exp3A {offsets = [0, 2], sizes = [400, 1], strides = [1, 1]} : vector<400x4xf32> to vector<400x1xf32>
    %mul3A_89 = vector.broadcast %slice3A_88 : vector<400x1xf32> to vector<400x32xf32>
    %mul3A_90 = arith.mulf %convert_element_type3A_54, %mul3A_89 : vector<400x32xf32>
    %dot_general3A_91 = arith.constant dense<0.000000e+00> : vector<32x128xf32>
    %dot_general3A_92 = tpu.matmul %mul3A_90, %max3A_37, %dot_general3A_91 {dimension_numbers = #tpu.dot_dimension_numbers<[0], [0], [1], [1], [0, 1, 1, 1], [], []>, transpose_lhs_hint = false} : vector<400x32xf32>, vector<400x128xf32>, vector<32x128xf32> -> vector<32x128xf32>
    %add3A_93 = arith.addf %get3A_87, %dot_general3A_92 : vector<32x128xf32>
    %swap3A_94 = arith.constant 0 : index
    %swap3A_95 = arith.constant 256 : index
    %swap3A_96 = vector.load %arg10[%swap3A_94, %swap3A_95] : memref<32x512xf32, #tpu.memory_space<vmem>>, vector<32x128xf32>
    tpu.vector_store %arg10[%swap3A_94, %swap3A_95], %add3A_93 {strides = array<i32>} : memref<32x512xf32, #tpu.memory_space<vmem>>, vector<32x128xf32>,
    %get3A_97 = arith.constant 0 : index
    %get3A_98 = arith.constant 384 : index
    %get3A_99 = vector.load %arg10[%get3A_97, %get3A_98] : memref<32x512xf32, #tpu.memory_space<vmem>>, vector<32x128xf32>
    %slice3A_100 = vector.extract_strided_slice %exp3A {offsets = [0, 3], sizes = [400, 1], strides = [1, 1]} : vector<400x4xf32> to vector<400x1xf32>
    %mul3A_101 = vector.broadcast %slice3A_100 : vector<400x1xf32> to vector<400x32xf32>
    %mul3A_102 = arith.mulf %convert_element_type3A_54, %mul3A_101 : vector<400x32xf32>
    %dot_general3A_103 = arith.constant dense<0.000000e+00> : vector<32x128xf32>
    %dot_general3A_104 = tpu.matmul %mul3A_102, %max3A_37, %dot_general3A_103 {dimension_numbers = #tpu.dot_dimension_numbers<[0], [0], [1], [1], [0, 1, 1, 1], [], []>, transpose_lhs_hint = false} : vector<400x32xf32>, vector<400x128xf32>, vector<32x128xf32> -> vector<32x128xf32>
    %add3A_105 = arith.addf %get3A_99, %dot_general3A_104 : vector<32x128xf32>
    %swap3A_106 = arith.constant 0 : index
    %swap3A_107 = arith.constant 384 : index
    %swap3A_108 = vector.load %arg10[%swap3A_106, %swap3A_107] : memref<32x512xf32, #tpu.memory_space<vmem>>, vector<32x128xf32>
    tpu.vector_store %arg10[%swap3A_106, %swap3A_107], %add3A_105 {strides = array<i32>} : memref<32x512xf32, #tpu.memory_space<vmem>>, vector<32x128xf32>,
    %eq3A_109 = arith.constant 24 : i32
    %eq3A_110 = arith.cmpi eq, %arg0, %eq3A_109 : i32
    %convert_element_type3A_111 = arith.extui %eq3A_110 : i1 to i32
    %cond3A_112 = arith.constant 0 : i32
    %cond3A_113 = arith.cmpi ne, %convert_element_type3A_111, %cond3A_112 : i32
    scf.if %cond3A_113 {
      %get3A_114 = arith.constant 0 : index
      %get3A_115 = arith.constant 0 : index
      %get3A_116 = vector.load %arg11[%get3A_114, %get3A_115] : memref<32x4xf32, #tpu.memory_space<vmem>>, vector<32x4xf32>
      %add3A_117 = arith.constant 9.99999971E-10 : f32
      %add3A_118 = vector.broadcast %add3A_117 : f32 to vector<32x4xf32>
      %add3A_119 = arith.addf %get3A_116, %add3A_118 : vector<32x4xf32>
      %div3A = arith.constant 1.000000e+00 : f32
      %div3A_120 = vector.broadcast %div3A : f32 to vector<32x4xf32>
      %div3A_121 = arith.divf %div3A_120, %add3A_119 : vector<32x4xf32>
      %slice3A_122 = vector.extract_strided_slice %div3A_121 {offsets = [0, 0], sizes = [32, 1], strides = [1, 1]} : vector<32x4xf32> to vector<32x1xf32>
      %broadcast_in_dim3A = vector.shape_cast %slice3A_122 : vector<32x1xf32> to vector<32x1xf32>
      %broadcast_in_dim3A_123 = vector.broadcast %broadcast_in_dim3A : vector<32x1xf32> to vector<32x128xf32>
      %slice3A_124 = vector.extract_strided_slice %div3A_121 {offsets = [0, 1], sizes = [32, 1], strides = [1, 1]} : vector<32x4xf32> to vector<32x1xf32>
      %broadcast_in_dim3A_125 = vector.shape_cast %slice3A_124 : vector<32x1xf32> to vector<32x1xf32>
      %broadcast_in_dim3A_126 = vector.broadcast %broadcast_in_dim3A_125 : vector<32x1xf32> to vector<32x128xf32>
      %slice3A_127 = vector.extract_strided_slice %div3A_121 {offsets = [0, 2], sizes = [32, 1], strides = [1, 1]} : vector<32x4xf32> to vector<32x1xf32>
      %broadcast_in_dim3A_128 = vector.shape_cast %slice3A_127 : vector<32x1xf32> to vector<32x1xf32>
      %broadcast_in_dim3A_129 = vector.broadcast %broadcast_in_dim3A_128 : vector<32x1xf32> to vector<32x128xf32>
      %slice3A_130 = vector.extract_strided_slice %div3A_121 {offsets = [0, 3], sizes = [32, 1], strides = [1, 1]} : vector<32x4xf32> to vector<32x1xf32>
      %broadcast_in_dim3A_131 = vector.shape_cast %slice3A_130 : vector<32x1xf32> to vector<32x1xf32>
      %broadcast_in_dim3A_132 = vector.broadcast %broadcast_in_dim3A_131 : vector<32x1xf32> to vector<32x128xf32>
      %concatenate3A = tpu.concatenate %broadcast_in_dim3A_123, %broadcast_in_dim3A_126, %broadcast_in_dim3A_129, %broadcast_in_dim3A_132 in 1 : vector<32x128xf32>, vector<32x128xf32>, vector<32x128xf32>, vector<32x128xf32> -> vector<32x512xf32>
      %get3A_133 = arith.constant 0 : index
      %get3A_134 = arith.constant 0 : index
      %get3A_135 = vector.load %arg10[%get3A_133, %get3A_134] : memref<32x512xf32, #tpu.memory_space<vmem>>, vector<32x512xf32>
      %mul3A_136 = arith.mulf %get3A_135, %concatenate3A : vector<32x512xf32>
      %swap3A_137 = arith.constant 0 : index
      %swap3A_138 = arith.constant 0 : index
      %swap3A_139 = vector.load %arg9[%swap3A_137, %swap3A_138] : memref<32x512xf32, #tpu.memory_space<vmem>>, vector<32x512xf32>
      tpu.vector_store %arg9[%swap3A_137, %swap3A_138], %mul3A_136 {strides = array<i32>} : memref<32x512xf32, #tpu.memory_space<vmem>>, vector<32x512xf32>,
    } else {
    }
    return
  }
  func.func @transform_0(%arg0: i32) -> (i32, i32, i32) {
    %c0_i32 = arith.constant 0 : i32
    %c0_i32_0 = arith.constant 0 : i32
    %c0_i32_1 = arith.constant 0 : i32
    return %c0_i32, %arg0, %c0_i32_0 : i32, i32, i32
  }
  func.func @transform_1(%arg0: i32) -> (i32, i32, i32) {
    %c0_i32 = arith.constant 0 : i32
    %c0_i32_0 = arith.constant 0 : i32
    %c0_i32_1 = arith.constant 0 : i32
    return %c0_i32, %arg0, %c0_i32_0 : i32, i32, i32
  }
  func.func @transform_2(%arg0: i32) -> (i32, i32) {
    %c0_i32 = arith.constant 0 : i32
    %c0_i32_0 = arith.constant 0 : i32
    return %arg0, %c0_i32 : i32, i32
  }
  func.func @transform_3(%arg0: i32) -> (i32, i32) {
    %c0_i32 = arith.constant 0 : i32
    %c0_i32_0 = arith.constant 0 : i32
    %c0_i32_1 = arith.constant 0 : i32
    return %c0_i32, %c0_i32_0 : i32, i32
  }
  func.func @transform_4(%arg0: i32) -> (i32, i32) {
    %c0_i32 = arith.constant 0 : i32
    %c0_i32_0 = arith.constant 0 : i32
    %c0_i32_1 = arith.constant 0 : i32
    return %c0_i32, %c0_i32_0 : i32, i32
  }
  func.func @transform_5(%arg0: i32) -> (i32, i32) {
    %c0_i32 = arith.constant 0 : i32
    %c0_i32_0 = arith.constant 0 : i32
    return %arg0, %c0_i32 : i32, i32
  }
  func.func @transform_6(%arg0: i32) -> (i32, i32) {
    %c0_i32 = arith.constant 0 : i32
    %c0_i32_0 = arith.constant 0 : i32
    %c0_i32_1 = arith.constant 0 : i32
    return %c0_i32, %c0_i32_0 : i32, i32
  }
  func.func @transform_7(%arg0: i32) -> (i32, i32) {
    %c0_i32 = arith.constant 0 : i32
    %c0_i32_0 = arith.constant 0 : i32
    %c0_i32_1 = arith.constant 0 : i32
    return %c0_i32, %c0_i32_0 : i32, i32
  }
  func.func @transform_8(%arg0: i32) -> (i32, i32) {
    %c0_i32 = arith.constant 0 : i32
    %c0_i32_0 = arith.constant 0 : i32
    %c0_i32_1 = arith.constant 0 : i32
    return %c0_i32, %c0_i32_0 : i32, i32
  }
}

</mosaic_0001>

<sc_bundles>
// kernel: kernel.16.cloned.1.call-start
scs
__scs_entry_jumppad:
0x0: {  	(pc) =	sbr.rel $0x88, $3  }
0x1: {  	(tag) =	ssettag $0x0;
	lr =	simm.s32 $0x1  }
0x2: {  	[smem:$0x3F93] =	sst lr;
	_ =	strace $0xD0000000  }
0x3: {  	_ = 	snop  }
0x4: {  	_ = 	snop  }
0x5: {  	_ = 	snop  }
0x6: {  	_ = 	snop  }
0x7: {  	_ = 	snop  }
__scs_overlays_trampoline_lowered:
0x8: {  	[smem:$0x3FA2] =	sst s0  }
0x9: {  	[smem:$0x3FA3] =	sst s1  }
0xa: {  	[smem:$0x3FA4] =	sst s2  }
0xb: {  	[smem:$0x3FA5] =	sst s3  }
0xc: {  	[smem:$0x3FA6] =	sst s4  }
0xd: {  	[smem:$0x3FA7] =	sst s5  }
0xe: {  	[smem:$0x3FA8] =	sst s6  }
0xf: {  	[smem:$0x3FA9] =	sst s7  }
0x10: {  	[smem:$0x3FAA] =	sst s8  }
0x11: {  	[smem:$0x3FAB] =	sst s9;
	s0 =	simm.s32 @!p0 $0x0  }
0x12: {  	s1 =	sld [smem:$0x3F91];
	s0 =	simm.s32 @p0 $0x1  }
0x13: {  	[smem:$0x3FAC] =	sst s0;
	s0 =	simm.s32 @!p1 $0x0  }
0x14: {  	s2 =	sld [smem:$0x3F90];
	s0 =	simm.s32 @p1 $0x1  }
0x15: {  	[smem:$0x3FAD] =	sst s0;
	s0 =	simm.s32 @!p2 $0x0  }
0x16: {  	s3 =	sld [smem:$0x3FDB];
	s0 =	simm.s32 @p2 $0x1  }
0x17: {  	s4 =	simm.s32 $0x1BF5;
	[smem:$0x3FAF] =	sst s0  }
0x18: {  	s0 =	sld [smem:$0x3F92];
	_ =	swait.ge [sflag:s4], $0x0  }
0x19: {  	s7 =	sld [smem:$0x3F93]  }
0x1a: {  	s8 =	sadd.s32 $0xFFFFE003, lr  }
0x1b: {  	s9 =	sadd.s32 $0xFFFFFEF7, lr;
	s5 =	simm.s32 $0xFFFFFFFF;
	p2 =	slt.u32 s8, $0xFFFFF086  }
0x1c: {  	p1 =	slt.u32 s9, $0xF7A;
	s5 =	simm.s32 @!p2 $0x0  }
0x1d: {  	s5 =	simm.s32 @p1 $0x1;
	p0 =	seq.s32 s7, s2  }
0x1e: {  	s7 =	smul.u32 @!p0 $0xF7A, s2;
	p2 =	seq.s32 @!p0 s5, $0x0  }
0x1f: {  	s9 =	smul.u32 $0xF7A, s1;
	s8 =	simm.s32 @!p0 $0x1BF5;
	p2 =	por !p2, p0  }
0x20: {  	[sflag:s8] =	ssyncset.s32 @!p0 $0xFFFFF086;
	s6 =	sadd.s32 @!p0 s3, s7;
	s7 =	simm.s32 @!p0 $0x108  }
0x21: {  	s3 =	sadd.s32 s3, s9;
	s6 =	sadd.s32 @!p0 $0x88, s6;
	s7 =	simm.s32 @p2 $0x1082  }
0x22: {  	[simem:s7], [sflag:s8] =	dma.local @!p0 [hbm:s6], $0xF7A  }
0x23: {  	s9 =	sor.u32 $0xD0000000, s2;
	s6 =	simm.s32 $0x108;
	_ =	swait.ge @!p0 [sflag:s8], $0x0  }
0x24: {  	s3 =	sadd.s32 $0x88, s3;
	s6 =	simm.s32 @!p1 $0x1082;
	[sflag:s4] =	ssyncset.s32 $0xFFFFF086  }
0x25: {  	[simem:s6], [sflag:s4] =	dma.local [hbm:s3], $0xF7A  }
0x26: {  	[smem:$0x3F93] =	sst s1;
	(tag) =	ssettag s2;
	_ =	strace s9  }
0x27: {  	s1 =	sld [smem:$0x3FA3]  }
0x28: {  	s2 =	sld [smem:$0x3FA4]  }
0x29: {  	s4 =	sld [smem:$0x3FA6]  }
0x2a: {  	p0 =	seq.s32 s5, $0x0;
	s5 =	sld [smem:$0x3FA7]  }
0x2b: {  	s6 =	sld [smem:$0x3FA8]  }
0x2c: {  	s7 =	sld [smem:$0x3FA9]  }
0x2d: {  	s3 =	simm.s32 $0x108;
	s8 =	sld [smem:$0x3FAA]  }
0x2e: {  	s3 =	simm.s32 @!p0 $0x1082;
	s9 =	sld [smem:$0x3FAB]  }
0x2f: {  	lr =	sadd.s32 s0, s3;
	s0 =	sld [smem:$0x3FA2]  }
0x30: {  	s3 =	sld [smem:$0x3FA5]  }
0x31: {  	[smem:$0x3FAE] =	sst s10  }
0x32: {  	s10 =	sld [smem:$0x3FAC];
	_ =	sdelay $0x3  }
0x33: {  	p0 =	seq.s32 s10, $0x1;
	s10 =	sld [smem:$0x3FAE];
	_ =	sdelay $0x3  }
0x34: {  	[smem:$0x3FAE] =	sst s10  }
0x35: {  	s10 =	sld [smem:$0x3FAD];
	_ =	sdelay $0x3  }
0x36: {  	p1 =	seq.s32 s10, $0x1;
	s10 =	sld [smem:$0x3FAE];
	_ =	sdelay $0x3  }
0x37: {  	[smem:$0x3FAE] =	sst s10  }
0x38: {  	s10 =	sld [smem:$0x3FAF]  }
0x39: {  	_ = 	snop;
	(pc) =	sbr.ind lr, $3  }
0x3a: {  	_ = 	snop  }
0x3b: {  	_ = 	snop  }
0x3c: {  	p2 =	seq.s32 s10, $0x1;
	s10 =	sld [smem:$0x3FAE]  }
0x3d: {  	_ =	shalt  }
0x3e: {  	_ =	shalt  }
0x3f: {  	_ =	shalt  }
0x40: {  	_ =	shalt  }
0x41: {  	_ =	shalt  }
0x42: {  	_ =	shalt  }
0x43: {  	_ =	shalt  }
0x44: {  	_ =	shalt  }
0x45: {  	_ =	shalt  }
0x46: {  	_ =	shalt  }
0x47: {  	_ =	shalt  }
0x48: {  	_ =	shalt  }
0x49: {  	_ =	shalt  }
0x4a: {  	_ =	shalt  }
0x4b: {  	_ =	shalt  }
0x4c: {  	_ =	shalt  }
0x4d: {  	_ =	shalt  }
0x4e: {  	_ =	shalt  }
0x4f: {  	_ =	shalt  }
0x50: {  	_ =	shalt  }
0x51: {  	_ =	shalt  }
0x52: {  	_ =	shalt  }
0x53: {  	_ =	shalt  }
0x54: {  	_ =	shalt  }
0x55: {  	_ =	shalt  }
0x56: {  	_ =	shalt  }
0x57: {  	_ =	shalt  }
0x58: {  	_ =	shalt  }
0x59: {  	_ =	shalt  }
0x5a: {  	_ =	shalt  }
0x5b: {  	_ =	shalt  }
0x5c: {  	_ =	shalt  }
0x5d: {  	_ =	shalt  }
0x5e: {  	_ =	shalt  }
0x5f: {  	_ =	shalt  }
0x60: {  	_ =	shalt  }
0x61: {  	_ =	shalt  }
0x62: {  	_ =	shalt  }
0x63: {  	_ =	shalt  }
0x64: {  	_ =	shalt  }
0x65: {  	_ =	shalt  }
0x66: {  	_ =	shalt  }
0x67: {  	_ =	shalt  }
0x68: {  	_ =	shalt  }
0x69: {  	_ =	shalt  }
0x6a: {  	_ =	shalt  }
0x6b: {  	_ =	shalt  }
0x6c: {  	_ =	shalt  }
0x6d: {  	_ =	shalt  }
0x6e: {  	_ =	shalt  }
0x6f: {  	_ =	shalt  }
0x70: {  	_ =	shalt  }
0x71: {  	_ =	shalt  }
0x72: {  	_ =	shalt  }
0x73: {  	_ =	shalt  }
0x74: {  	_ =	shalt  }
0x75: {  	_ =	shalt  }
0x76: {  	_ =	shalt  }
0x77: {  	_ =	shalt  }
0x78: {  	_ =	shalt  }
0x79: {  	_ =	shalt  }
0x7a: {  	_ =	shalt  }
0x7b: {  	_ =	shalt  }
0x7c: {  	_ =	shalt  }
0x7d: {  	_ =	shalt  }
0x7e: {  	_ =	shalt  }
0x7f: {  	_ =	shalt  }
0x80: {  	_ =	shalt  }
0x81: {  	_ =	shalt  }
0x82: {  	_ =	shalt  }
0x83: {  	_ =	shalt  }
0x84: {  	_ =	shalt  }
0x85: {  	_ =	shalt  }
0x86: {  	_ =	shalt  }
0x87: {  	_ =	shalt  }
.Lfunc_end0:
.L_simem_size_0:
called_computation_lowered:
.L_overlay_start_0:
0x88: {  	s2 =	sld [smem:$0x3FD9]  }
0x89: {  	s3 =	sld [smem:$0x3FFE];
	_ =	sdelay $0x1  }
0x8a: {  	s1 =	srdreg.scid  }
0x8b: {  	s0 =	sand.u32 $0x1, s1  }
0x8c: {  	s17 =	sshll.u32 s0, $0xA;
	s2 =	sadd.s32 s3, s2  }
0x8d: {  	s2 =	sadd.s32 s2, s17  }
0x8e: {  	[smem:$0x3FBA] =	sst s2  }
0x8f: {  	_ = 	snop  }
0x90: {  	s18 =	sld [smem:$0x3FC9];
	(tm) =	ssettm $0x1  }
0x91: {  	s19 =	sld [smem:$0x3FFB];
	_ =	sdelay $0x3  }
0x92: {  	_ =	strace s19  }
0x93: {  	s2 =	sld [smem:$0x3FFC];
	_ =	sdelay $0x3  }
0x94: {  	_ =	strace s2  }
0x95: {  	s2 =	sld [smem:$0x3FFD];
	_ =	sdelay $0x3  }
0x96: {  	_ =	strace s2  }
0x97: {  	_ =	strace $0x8FFFFFFF  }
0x98: {  	s20 =	sld [smem:$0x3FDB];
	_ =	sdelay $0x1  }
0x99: {  	s4 =	simm.s32 $_scs_section_size  }
0x9a: {  	s5 =	simm.s32 $_size__tile_overlayer_lowered;
	s6 =	simm.s32 $_tile_overlayer_lowered  }
0x9b: {  	s7 =	simm.s32 $0x1BFF;
	s21 =	sshll.u32 s6, $0x1;
	s4 =	sadd.s32 s4, s20  }
0x9c: {  	s22 =	simm.s32 $0x0;
	s5 =	sshll.u32 s5, $0x1;
	s6 =	sadd.s32 s21, s4  }
0x9d: {  	[timem:s22], [sflag:s7] =	dma.local [hbm:s6], s5  }
0x9e: {  	_ =	swait.ge [sflag:s7], s5  }
0x9f: {  	s5 =	ssub.s32 $0x0, s5;
	[sflag:s7] =	ssyncset.done $0x0  }
0xa0: {  	[sflag:s7] =	ssyncadd.s32 s5;
	_ =	sdelay $0x1  }
0xa1: {  	s23 =	simm.s32 $0x1B8B  }
0xa2: {  	_ =	swait.ge [sflag:s23], $0x1  }
0xa3: {  	[sflag:s23] =	ssyncset.done $0x0  }
0xa4: {  	[sflag:s23] =	ssyncadd.s32 $0xFFFFFFFF  }
0xa5: {  	s5 =	sld [smem:$0x0]  }
0xa6: {  	s6 =	sand.u32 $0xFFFFFFFE, s1  }
0xa7: {  	p0 =	sne.s32 s1, s6  }
0xa8: {  	s6 =	sshll.u32 @p0 s6, $0xE  }
0xa9: {  	s6 =	sadd.s32 @p0 $0x11B8D, s6;
	s7 =	sshll.u32 @p0 s5, $0x11  }
0xaa: {  	s6 =	sor.u32 @p0 s7, s6  }
0xab: {  	[sflag:s6] =	ssyncadd.remote.s32 @p0 $0x1;
	_ =	sdelay $0x1  }
0xac: {  	s6 =	simm.s32 @p0 $0x1B8D  }
0xad: {  	_ =	swait.eq @p0 [sflag:s6], $0x1  }
0xae: {  	[sflag:s6] =	ssyncadd.s32 @p0 $0xFFFFFFFF  }
0xaf: {  	s7 =	sshll.u32 @!p0 s1, $0xE  }
0xb0: {  	s7 =	sor.u32 @!p0 $0x4000, s7;
	s6 =	simm.s32 @!p0 $0x1B8D  }
0xb1: {  	s5 =	sshll.u32 @!p0 s5, $0x11;
	s7 =	sadd.s32 @!p0 $0x11B8D, s7;
	_ =	swait.eq @!p0 [sflag:s6], $0x1  }
0xb2: {  	s5 =	sor.u32 @!p0 s5, s7;
	[sflag:s6] =	ssyncadd.s32 @!p0 $0xFFFFFFFF  }
0xb3: {  	s25 =	simm.s32 $0x1B8E;
	s24 =	sld [smem:$0x3FFE];
	[sflag:s5] =	ssyncadd.remote.s32 @!p0 $0x1  }
0xb4: {  	s26 =	simm.s32 $execute0_lowered;
	[smem:$0x3FD2] =	sst s25  }
0xb5: {  	s6 =	sshll.u32 s26, $0x1;
	_ =	strace $0x80000049;
	[dreg:$0x1] =	wrdreg $0xFFFFFFFF  }
0xb6: {  	s28 =	simm.s32 $_size_execute0_lowered;
	s4 =	sadd.s32 s4, s6;
	[dreg:$0x0] =	wrdreg $0x0  }
0xb7: {  	s6 =	sshll.u32 s28, $0x1;
	[dreg:$0x2] =	wrdreg s4  }
0xb8: {  	[dreg:$0x3] =	wrdreg s6  }
0xb9: {  	[dreg:$0x4] =	wrdreg $0xC0  }
0xba: {  	_ =	task [dreg:s22], $0x5FFFF  }
0xbb: {  	[dreg:$0x1] =	wrdreg $0xFFFFFFFF  }
0xbc: {  	[dreg:$0x0] =	wrdreg $0x60  }
0xbd: {  	[dreg:$0x2] =	wrdreg s18  }
0xbe: {  	[dreg:$0x3] =	wrdreg s24  }
0xbf: {  	[dreg:$0x4] =	wrdreg $0x9  }
0xc0: {  	_ =	task.clear_ibuf [dreg:s22], $0x5FFFF;
	_ =	strace $0x90000049  }
0xc1: {  	s29 =	simm.s32 $0x9;
	_ =	strace $0x8000004B  }
0xc2: {  	_ =	swait.ge [sflag:s29], $0x1  }
0xc3: {  	[sflag:s29] =	ssyncadd.s32 $0xFFFFFFFF  }
0xc4: {  	_ =	strace $0x9000004B  }
0xc5: {  	_ =	sfence  }
0xc6: {  	s30 =	sld [smem:$0x0];
	_ =	sdelay $0x2  }
0xc7: {  	s31 =	sshll.u32 s1, $0xD;
	s1 =	sshrl.u32 s1, $0x2  }
0xc8: {  	s4 =	sand.u32 $0x4000, s31;
	s1 =	sadd.s32 s1, s30  }
0xc9: {  	s0 =	sor.u32 s4, s0;
	s1 =	sshll.u32 s1, $0x11  }
0xca: {  	s0 =	sor.u32 s1, s0  }
0xcb: {  	s0 =	sadd.s32 $0x8F2B, s0  }
0xcc: {  	[sflag:s0] =	ssyncadd.remote.s32 $0x1  }
0xcd: {  	_ =	sfence.sel $0xFFFF  }
0xce: {  	[dreg:$0x0] =	wrdreg $0xFFFFFFFF;
	(pc) =	sbr.abs _section_cstart, $3  }
0xcf: {  	[dreg:$0x1] =	wrdreg $0xFFFFFFFF  }
0xd0: {  	_ =	task.clear_ibuf [dreg:s22], $0x2FFFF;
	_ =	strace $0x9FFFFFFF  }
0xd1: {  	(tm) =	ssettm $0x7FFFFFFF  }
tec
execute0_lowered:
.L_overlay_start_1:
0x0: {  	(tag) =	ssettag $0x1  }
0x1: {  	s1 =	srdreg.scid;
	s2 =	rddreg [dreg:$0x0]  }
0x2: {  	s0 =	stileid.u32;
	s5 =	rddreg [dreg:$0x1];
	s3 =	simm.s32 $0x0  }
0x3: {  	s10 =	simm.s32 $0x5400;
	s11 =	simm.s32 $0x9400;
	s12 =	simm.s32 $0xD400  }
0x4: {  	s13 =	simm.s32 $0x1;
	s14 =	simm.s32 $0x5;
	s15 =	simm.s32 $0x2  }
0x5: {  	s16 =	simm.s32 $0x6;
	s17 =	simm.s32 $0x3;
	s18 =	simm.s32 $0x7  }
0x6: {  	s19 =	simm.s32 $0x4;
	s20 =	simm.s32 $0x8;
	s4 =	sand.u32 $0x1, s1  }
0x7: {  	s30 =	sshll.u32 s0, $0x1;
	s7 =	smul.u32 $0x28000, s0;
	[smem:$0x7FF] =	sst s3  }
0x8: {  	s1 =	sor.u32 s4, s30;
	s8 =	ssub.s32 $0x2, s4;
	s4 =	smul.u32 $0x14000, s4  }
0x9: {  	s21 =	simm.s32 $0x0;
	s6 =	smul.u32 $0x280, s1;
	s1 =	rddreg [dreg:$0x2]  }
0xa: {  	_ =	strace $0x8000004A;
	s7 =	sadd.s32 s7, s5;
	s9 =	sshrl.u32 s8, $0x1  }
0xb: {  	s31 =	ssub.s32 s8, s9;
	s7 =	sadd.s32 s4, s7;
	s8 =	simm.s32 $0x80  }
0xc: {  	s9 =	simm.s32 $0x1400;
	s5 =	sadd.s32 s6, s5;
	s6 =	sadd.s32 $0x29AA00, s7  }
0xd: {  	s7 =	simm.s32 $0x9;
	s4 =	sadd.s32 $0x14200, s5;
	s5 =	smax.u32 s31, $0x1  }
.LBB2_1:
0xe: {  	[tilespmem:s3], [sflag:$0x9] =	stream.linear.gather [hbm4b:s4+s3], $0x1400, $0x38;
	[tilespmem:$0x11400] =	vst v63  }
0xf: {  	_ =	swait.ge [sflag:s7], $0x1400  }
0x10: {  	[sflag:s7] =	ssyncset.done $0x0  }
0x11: {  	s22 =	simm.s32 $0x0;
	[sflag:s7] =	ssyncadd.s32 $0xFFFFEC00  }
0x12: {  	[tilespmem:s9], [sflag:$0x1] =	stream.indirect.gather [hbm4b:s2+s8], $0x80, s22, s8, $0xb8;
	[tilespmem:$0x11400] =	vst v63  }
0x13: {  	s25 =	simm.s32 $0x80  }
0x14: {  	[tilespmem:s10], [sflag:$0x2] =	stream.indirect.gather [hbm4b:s2+s8], $0x80, s25, s8, $0xb8;
	[tilespmem:$0x11400] =	vst v63  }
0x15: {  	s26 =	simm.s32 $0x100  }
0x16: {  	[tilespmem:s11], [sflag:$0x3] =	stream.indirect.gather [hbm4b:s2+s8], $0x80, s26, s8, $0xb8;
	[tilespmem:$0x11400] =	vst v63  }
0x17: {  	s28 =	simm.s32 $0x180  }
0x18: {  	[tilespmem:s12], [sflag:$0x4] =	stream.indirect.gather [hbm4b:s2+s8], $0x80, s28, s8, $0xb8;
	[tilespmem:$0x11400] =	vst v63  }
0x19: {  	_ =	swait.ge [sflag:s13], $0x4000  }
0x1a: {  	[sflag:s13] =	ssyncset.done $0x0  }
0x1b: {  	s29 =	sadd.s32 $0xFFFFE800, s6;
	[sflag:s13] =	ssyncadd.s32 $0xFFFFC000  }
0x1c: {  	[hbm4b:s29+s3] =	stream.linear.scatter [tilespmem:s9], [sflag:$0x5], $0x4000, $0x38;
	[tilespmem:$0x11400] =	vst v63  }
0x1d: {  	_ =	swait.ge [sflag:s14], $0x4000  }
0x1e: {  	[sflag:s14] =	ssyncset.done $0x0  }
0x1f: {  	[sflag:s14] =	ssyncadd.s32 $0xFFFFC000  }
0x20: {  	_ =	swait.ge [sflag:s15], $0x4000  }
0x21: {  	[sflag:s15] =	ssyncset.done $0x0  }
0x22: {  	s30 =	sadd.s32 $0xFFFFF000, s6;
	[sflag:s15] =	ssyncadd.s32 $0xFFFFC000  }
0x23: {  	[hbm4b:s30+s3] =	stream.linear.scatter [tilespmem:s10], [sflag:$0x6], $0x4000, $0x38;
	[tilespmem:$0x11400] =	vst v63  }
0x24: {  	_ =	swait.ge [sflag:s16], $0x4000  }
0x25: {  	[sflag:s16] =	ssyncset.done $0x0  }
0x26: {  	[sflag:s16] =	ssyncadd.s32 $0xFFFFC000  }
0x27: {  	_ =	swait.ge [sflag:s17], $0x4000  }
0x28: {  	[sflag:s17] =	ssyncset.done $0x0  }
0x29: {  	s31 =	sadd.s32 $0xFFFFF800, s6;
	[sflag:s17] =	ssyncadd.s32 $0xFFFFC000  }
0x2a: {  	[hbm4b:s31+s3] =	stream.linear.scatter [tilespmem:s11], [sflag:$0x7], $0x4000, $0x38;
	[tilespmem:$0x11400] =	vst v63  }
0x2b: {  	_ =	swait.ge [sflag:s18], $0x4000  }
0x2c: {  	[sflag:s18] =	ssyncset.done $0x0  }
0x2d: {  	[sflag:s18] =	ssyncadd.s32 $0xFFFFC000  }
0x2e: {  	_ =	swait.ge [sflag:s19], $0x4000  }
0x2f: {  	[sflag:s19] =	ssyncset.done $0x0  }
0x30: {  	[sflag:s19] =	ssyncadd.s32 $0xFFFFC000  }
0x31: {  	[hbm4b:s6+s3] =	stream.linear.scatter [tilespmem:s12], [sflag:$0x8], $0x4000, $0x38;
	[tilespmem:$0x11400] =	vst v63  }
0x32: {  	s23 =	simm.s32 $0x800;
	_ =	swait.ge [sflag:s20], $0x4000  }
0x33: {  	s22 =	sadd.s32 $0x2000, s6;
	s25 =	simm.s32 $0x1000;
	[sflag:s20] =	ssyncset.done $0x0  }
.LBB2_2:
0x34: {  	s26 =	sshra.s32 s23, $0x2  }
0x35: {  	[sflag:s20] =	ssyncadd.s32 $0xFFFFC000;
	s23 =	smov.u32 s25;
	s24 =	sadd.s32 $0x800, s25  }
0x36: {  	[tilespmem:s9], [sflag:$0x1] =	stream.indirect.gather [hbm4b:s2+s8], $0x80, s26, s8, $0xb8;
	[tilespmem:$0x11400] =	vst v63  }
0x37: {  	p0 =	sne.s32 s25, $0x4800;
	s25 =	sadd.s32 $0x80, s26  }
0x38: {  	[tilespmem:s10], [sflag:$0x2] =	stream.indirect.gather [hbm4b:s2+s8], $0x80, s25, s8, $0xb8;
	[tilespmem:$0x11400] =	vst v63  }
0x39: {  	s25 =	sadd.s32 $0x100, s26  }
0x3a: {  	[tilespmem:s11], [sflag:$0x3] =	stream.indirect.gather [hbm4b:s2+s8], $0x80, s25, s8, $0xb8;
	[tilespmem:$0x11400] =	vst v63  }
0x3b: {  	s25 =	sadd.s32 $0x180, s26  }
0x3c: {  	[tilespmem:s12], [sflag:$0x4] =	stream.indirect.gather [hbm4b:s2+s8], $0x80, s25, s8, $0xb8;
	[tilespmem:$0x11400] =	vst v63  }
0x3d: {  	_ =	swait.ge [sflag:s13], $0x4000  }
0x3e: {  	[sflag:s13] =	ssyncset.done $0x0  }
0x3f: {  	s25 =	sadd.s32 $0xFFFFE800, s22;
	[sflag:s13] =	ssyncadd.s32 $0xFFFFC000  }
0x40: {  	[hbm4b:s25+s3] =	stream.linear.scatter [tilespmem:s9], [sflag:$0x5], $0x4000, $0x38;
	[tilespmem:$0x11400] =	vst v63  }
0x41: {  	_ =	swait.ge [sflag:s14], $0x4000  }
0x42: {  	[sflag:s14] =	ssyncset.done $0x0  }
0x43: {  	[sflag:s14] =	ssyncadd.s32 $0xFFFFC000  }
0x44: {  	_ =	swait.ge [sflag:s15], $0x4000  }
0x45: {  	[sflag:s15] =	ssyncset.done $0x0  }
0x46: {  	s25 =	sadd.s32 $0xFFFFF000, s22;
	[sflag:s15] =	ssyncadd.s32 $0xFFFFC000  }
0x47: {  	[hbm4b:s25+s3] =	stream.linear.scatter [tilespmem:s10], [sflag:$0x6], $0x4000, $0x38;
	[tilespmem:$0x11400] =	vst v63  }
0x48: {  	_ =	swait.ge [sflag:s16], $0x4000  }
0x49: {  	[sflag:s16] =	ssyncset.done $0x0  }
0x4a: {  	[sflag:s16] =	ssyncadd.s32 $0xFFFFC000  }
0x4b: {  	_ =	swait.ge [sflag:s17], $0x4000  }
0x4c: {  	[sflag:s17] =	ssyncset.done $0x0  }
0x4d: {  	s25 =	sadd.s32 $0xFFFFF800, s22;
	[sflag:s17] =	ssyncadd.s32 $0xFFFFC000  }
0x4e: {  	[hbm4b:s25+s3] =	stream.linear.scatter [tilespmem:s11], [sflag:$0x7], $0x4000, $0x38;
	[tilespmem:$0x11400] =	vst v63  }
0x4f: {  	_ =	swait.ge [sflag:s18], $0x4000  }
0x50: {  	[sflag:s18] =	ssyncset.done $0x0  }
0x51: {  	[sflag:s18] =	ssyncadd.s32 $0xFFFFC000  }
0x52: {  	_ =	swait.ge [sflag:s19], $0x4000  }
.Ltmp0:
0x53: {  	[sflag:s19] =	ssyncset.done $0x0;
	(pc) =	sbr.rel @p0 .LBB2_2-.Ltmp0, $4  }
0x54: {  	[sflag:s19] =	ssyncadd.s32 $0xFFFFC000  }
0x55: {  	[hbm4b:s22+s3] =	stream.linear.scatter [tilespmem:s12], [sflag:$0x8], $0x4000, $0x38;
	[tilespmem:$0x11400] =	vst v63  }
0x56: {  	_ =	swait.ge [sflag:s20], $0x4000  }
0x57: {  	s25 =	smov.u32 s24;
	s22 =	sadd.s32 $0x2000, s22;
	[sflag:s20] =	ssyncset.done $0x0  }
0x58: {  	s23 =	sshra.s32 s23, $0x2;
	[sflag:s20] =	ssyncadd.s32 $0xFFFFC000  }
0x59: {  	[tilespmem:s9], [sflag:$0x1] =	stream.indirect.gather [hbm4b:s2+s8], $0x80, s23, s8, $0xb8;
	[tilespmem:$0x11400] =	vst v63  }
0x5a: {  	s24 =	sadd.s32 $0x80, s23  }
0x5b: {  	[tilespmem:s10], [sflag:$0x2] =	stream.indirect.gather [hbm4b:s2+s8], $0x80, s24, s8, $0xb8;
	[tilespmem:$0x11400] =	vst v63  }
0x5c: {  	s28 =	sadd.s32 $0x100, s23  }
0x5d: {  	[tilespmem:s11], [sflag:$0x3] =	stream.indirect.gather [hbm4b:s2+s8], $0x80, s28, s8, $0xb8;
	[tilespmem:$0x11400] =	vst v63  }
0x5e: {  	s23 =	sadd.s32 $0x180, s23  }
0x5f: {  	[tilespmem:s12], [sflag:$0x4] =	stream.indirect.gather [hbm4b:s2+s8], $0x80, s23, s8, $0xb8;
	[tilespmem:$0x11400] =	vst v63  }
0x60: {  	_ =	swait.ge [sflag:s13], $0x4000  }
0x61: {  	[sflag:s13] =	ssyncset.done $0x0  }
0x62: {  	s29 =	sadd.s32 $0xFFFFE800, s22;
	[sflag:s13] =	ssyncadd.s32 $0xFFFFC000  }
0x63: {  	[hbm4b:s29+s3] =	stream.linear.scatter [tilespmem:s9], [sflag:$0x5], $0x4000, $0x38;
	[tilespmem:$0x11400] =	vst v63  }
0x64: {  	_ =	swait.ge [sflag:s14], $0x4000  }
0x65: {  	[sflag:s14] =	ssyncset.done $0x0  }
0x66: {  	[sflag:s14] =	ssyncadd.s32 $0xFFFFC000  }
0x67: {  	_ =	swait.ge [sflag:s15], $0x4000  }
0x68: {  	[sflag:s15] =	ssyncset.done $0x0  }
0x69: {  	s30 =	sadd.s32 $0xFFFFF000, s22;
	[sflag:s15] =	ssyncadd.s32 $0xFFFFC000  }
0x6a: {  	[hbm4b:s30+s3] =	stream.linear.scatter [tilespmem:s10], [sflag:$0x6], $0x4000, $0x38;
	[tilespmem:$0x11400] =	vst v63  }
0x6b: {  	_ =	swait.ge [sflag:s16], $0x4000  }
0x6c: {  	[sflag:s16] =	ssyncset.done $0x0  }
0x6d: {  	[sflag:s16] =	ssyncadd.s32 $0xFFFFC000  }
0x6e: {  	_ =	swait.ge [sflag:s17], $0x4000  }
0x6f: {  	[sflag:s17] =	ssyncset.done $0x0  }
0x70: {  	s31 =	sadd.s32 $0xFFFFF800, s22;
	[sflag:s17] =	ssyncadd.s32 $0xFFFFC000  }
0x71: {  	[hbm4b:s31+s3] =	stream.linear.scatter [tilespmem:s11], [sflag:$0x7], $0x4000, $0x38;
	[tilespmem:$0x11400] =	vst v63  }
0x72: {  	_ =	swait.ge [sflag:s18], $0x4000  }
0x73: {  	[sflag:s18] =	ssyncset.done $0x0  }
0x74: {  	[sflag:s18] =	ssyncadd.s32 $0xFFFFC000  }
0x75: {  	s21 =	sadd.s32 $0x1, s21;
	_ =	swait.ge [sflag:s19], $0x4000  }
0x76: {  	p0 =	sne.s32 s21, s5;
	[sflag:s19] =	ssyncset.done $0x0  }
.Ltmp1:
0x77: {  	[sflag:s19] =	ssyncadd.s32 $0xFFFFC000;
	(pc) =	sbr.rel @p0 .LBB2_1-.Ltmp1, $4  }
0x78: {  	[hbm4b:s22+s3] =	stream.linear.scatter [tilespmem:s12], [sflag:$0x8], $0x4000, $0x38;
	[tilespmem:$0x11400] =	vst v63  }
0x79: {  	_ =	swait.ge [sflag:s20], $0x4000  }
0x7a: {  	[sflag:s20] =	ssyncset.done $0x0  }
0x7b: {  	[sflag:s20] =	ssyncadd.s32 $0xFFFFC000  }
0x7c: {  	_ =	sfence.sel $0x180000  }
0x7d: {  	[bflag:$0x0] =	sbarrier.arrive $0xFFFF  }
0x7e: {  	p0 =	sne.s32 s0, $0x0;
	_ =	strace $0x9000004A  }
0x7f: {  	s0 =	sadd.s32 @!p0 $0x100000, s1;
	[bflag:$0x2] =	sbarrier.arrive $0xFFFF  }
0x80: {  	[sflag:s0] =	ssyncadd.tile.s32 @!p0 $0x1;
	_ =	shalt  }
.Lfunc_end2:
_tile_overlayer_lowered:
.L_overlay_start_2:
0x81: {  	(tag) =	ssettag $0x2  }
0x82: {  	s0 =	rddreg [dreg:$0x0];
	s2 =	stileid.u32  }
0x83: {  	s1 =	rddreg [dreg:$0x1];
	p0 =	sne.s32 s2, $0x0  }
0x84: {  	s3 =	rddreg [dreg:$0x2];
	[bflag:$0x3] =	sbarrier.arrive $0xFFFF;
	s2 =	simm.s32 @!p0 $0x1C09  }
0x85: {  	[timem:s3], [sflag:s2] =	dma.local @!p0 [hbm:s0], s1  }
0x86: {  	s0 =	simm.s32 @!p0 $0x9  }
0x87: {  	_ =	swait.ge @!p0 [sflag:s0], s1  }
0x88: {  	s1 =	ssub.s32 @!p0 $0x0, s1;
	[sflag:s0] =	ssyncset.done @!p0 $0x0  }
0x89: {  	[sflag:s0] =	ssyncadd.s32 @!p0 s1  }
0x8a: {  	[bflag:$0x3] =	sbarrier.arrive $0xFFFF  }
0x8b: {  	_ =	shalt  }

// kernel: kernel.19.cloned.1.call-start
scs
__scs_entry_jumppad:
0x0: {  	(pc) =	sbr.rel $0x88, $3  }
0x1: {  	(tag) =	ssettag $0x0;
	lr =	simm.s32 $0x1  }
0x2: {  	[smem:$0x3F93] =	sst lr;
	_ =	strace $0xD0000000  }
0x3: {  	_ = 	snop  }
0x4: {  	_ = 	snop  }
0x5: {  	_ = 	snop  }
0x6: {  	_ = 	snop  }
0x7: {  	_ = 	snop  }
__scs_overlays_trampoline_lowered:
0x8: {  	[smem:$0x3FA2] =	sst s0  }
0x9: {  	[smem:$0x3FA3] =	sst s1  }
0xa: {  	[smem:$0x3FA4] =	sst s2  }
0xb: {  	[smem:$0x3FA5] =	sst s3  }
0xc: {  	[smem:$0x3FA6] =	sst s4  }
0xd: {  	[smem:$0x3FA7] =	sst s5  }
0xe: {  	[smem:$0x3FA8] =	sst s6  }
0xf: {  	[smem:$0x3FA9] =	sst s7  }
0x10: {  	[smem:$0x3FAA] =	sst s8  }
0x11: {  	[smem:$0x3FAB] =	sst s9;
	s0 =	simm.s32 @!p0 $0x0  }
0x12: {  	s1 =	sld [smem:$0x3F91];
	s0 =	simm.s32 @p0 $0x1  }
0x13: {  	[smem:$0x3FAC] =	sst s0;
	s0 =	simm.s32 @!p1 $0x0  }
0x14: {  	s2 =	sld [smem:$0x3F90];
	s0 =	simm.s32 @p1 $0x1  }
0x15: {  	[smem:$0x3FAD] =	sst s0;
	s0 =	simm.s32 @!p2 $0x0  }
0x16: {  	s3 =	sld [smem:$0x3FDB];
	s0 =	simm.s32 @p2 $0x1  }
0x17: {  	s4 =	simm.s32 $0x1BF5;
	[smem:$0x3FAF] =	sst s0  }
0x18: {  	s0 =	sld [smem:$0x3F92];
	_ =	swait.ge [sflag:s4], $0x0  }
0x19: {  	s7 =	sld [smem:$0x3F93]  }
0x1a: {  	s8 =	sadd.s32 $0xFFFFE003, lr  }
0x1b: {  	s9 =	sadd.s32 $0xFFFFFEF7, lr;
	s5 =	simm.s32 $0xFFFFFFFF;
	p2 =	slt.u32 s8, $0xFFFFF086  }
0x1c: {  	p1 =	slt.u32 s9, $0xF7A;
	s5 =	simm.s32 @!p2 $0x0  }
0x1d: {  	s5 =	simm.s32 @p1 $0x1;
	p0 =	seq.s32 s7, s2  }
0x1e: {  	s7 =	smul.u32 @!p0 $0xF7A, s2;
	p2 =	seq.s32 @!p0 s5, $0x0  }
0x1f: {  	s9 =	smul.u32 $0xF7A, s1;
	s8 =	simm.s32 @!p0 $0x1BF5;
	p2 =	por !p2, p0  }
0x20: {  	[sflag:s8] =	ssyncset.s32 @!p0 $0xFFFFF086;
	s6 =	sadd.s32 @!p0 s3, s7;
	s7 =	simm.s32 @!p0 $0x108  }
0x21: {  	s3 =	sadd.s32 s3, s9;
	s6 =	sadd.s32 @!p0 $0x88, s6;
	s7 =	simm.s32 @p2 $0x1082  }
0x22: {  	[simem:s7], [sflag:s8] =	dma.local @!p0 [hbm:s6], $0xF7A  }
0x23: {  	s9 =	sor.u32 $0xD0000000, s2;
	s6 =	simm.s32 $0x108;
	_ =	swait.ge @!p0 [sflag:s8], $0x0  }
0x24: {  	s3 =	sadd.s32 $0x88, s3;
	s6 =	simm.s32 @!p1 $0x1082;
	[sflag:s4] =	ssyncset.s32 $0xFFFFF086  }
0x25: {  	[simem:s6], [sflag:s4] =	dma.local [hbm:s3], $0xF7A  }
0x26: {  	[smem:$0x3F93] =	sst s1;
	(tag) =	ssettag s2;
	_ =	strace s9  }
0x27: {  	s1 =	sld [smem:$0x3FA3]  }
0x28: {  	s2 =	sld [smem:$0x3FA4]  }
0x29: {  	s4 =	sld [smem:$0x3FA6]  }
0x2a: {  	p0 =	seq.s32 s5, $0x0;
	s5 =	sld [smem:$0x3FA7]  }
0x2b: {  	s6 =	sld [smem:$0x3FA8]  }
0x2c: {  	s7 =	sld [smem:$0x3FA9]  }
0x2d: {  	s3 =	simm.s32 $0x108;
	s8 =	sld [smem:$0x3FAA]  }
0x2e: {  	s3 =	simm.s32 @!p0 $0x1082;
	s9 =	sld [smem:$0x3FAB]  }
0x2f: {  	lr =	sadd.s32 s0, s3;
	s0 =	sld [smem:$0x3FA2]  }
0x30: {  	s3 =	sld [smem:$0x3FA5]  }
0x31: {  	[smem:$0x3FAE] =	sst s10  }
0x32: {  	s10 =	sld [smem:$0x3FAC];
	_ =	sdelay $0x3  }
0x33: {  	p0 =	seq.s32 s10, $0x1;
	s10 =	sld [smem:$0x3FAE];
	_ =	sdelay $0x3  }
0x34: {  	[smem:$0x3FAE] =	sst s10  }
0x35: {  	s10 =	sld [smem:$0x3FAD];
	_ =	sdelay $0x3  }
0x36: {  	p1 =	seq.s32 s10, $0x1;
	s10 =	sld [smem:$0x3FAE];
	_ =	sdelay $0x3  }
0x37: {  	[smem:$0x3FAE] =	sst s10  }
0x38: {  	s10 =	sld [smem:$0x3FAF]  }
0x39: {  	_ = 	snop;
	(pc) =	sbr.ind lr, $3  }
0x3a: {  	_ = 	snop  }
0x3b: {  	_ = 	snop  }
0x3c: {  	p2 =	seq.s32 s10, $0x1;
	s10 =	sld [smem:$0x3FAE]  }
0x3d: {  	_ =	shalt  }
0x3e: {  	_ =	shalt  }
0x3f: {  	_ =	shalt  }
0x40: {  	_ =	shalt  }
0x41: {  	_ =	shalt  }
0x42: {  	_ =	shalt  }
0x43: {  	_ =	shalt  }
0x44: {  	_ =	shalt  }
0x45: {  	_ =	shalt  }
0x46: {  	_ =	shalt  }
0x47: {  	_ =	shalt  }
0x48: {  	_ =	shalt  }
0x49: {  	_ =	shalt  }
0x4a: {  	_ =	shalt  }
0x4b: {  	_ =	shalt  }
0x4c: {  	_ =	shalt  }
0x4d: {  	_ =	shalt  }
0x4e: {  	_ =	shalt  }
0x4f: {  	_ =	shalt  }
0x50: {  	_ =	shalt  }
0x51: {  	_ =	shalt  }
0x52: {  	_ =	shalt  }
0x53: {  	_ =	shalt  }
0x54: {  	_ =	shalt  }
0x55: {  	_ =	shalt  }
0x56: {  	_ =	shalt  }
0x57: {  	_ =	shalt  }
0x58: {  	_ =	shalt  }
0x59: {  	_ =	shalt  }
0x5a: {  	_ =	shalt  }
0x5b: {  	_ =	shalt  }
0x5c: {  	_ =	shalt  }
0x5d: {  	_ =	shalt  }
0x5e: {  	_ =	shalt  }
0x5f: {  	_ =	shalt  }
0x60: {  	_ =	shalt  }
0x61: {  	_ =	shalt  }
0x62: {  	_ =	shalt  }
0x63: {  	_ =	shalt  }
0x64: {  	_ =	shalt  }
0x65: {  	_ =	shalt  }
0x66: {  	_ =	shalt  }
0x67: {  	_ =	shalt  }
0x68: {  	_ =	shalt  }
0x69: {  	_ =	shalt  }
0x6a: {  	_ =	shalt  }
0x6b: {  	_ =	shalt  }
0x6c: {  	_ =	shalt  }
0x6d: {  	_ =	shalt  }
0x6e: {  	_ =	shalt  }
0x6f: {  	_ =	shalt  }
0x70: {  	_ =	shalt  }
0x71: {  	_ =	shalt  }
0x72: {  	_ =	shalt  }
0x73: {  	_ =	shalt  }
0x74: {  	_ =	shalt  }
0x75: {  	_ =	shalt  }
0x76: {  	_ =	shalt  }
0x77: {  	_ =	shalt  }
0x78: {  	_ =	shalt  }
0x79: {  	_ =	shalt  }
0x7a: {  	_ =	shalt  }
0x7b: {  	_ =	shalt  }
0x7c: {  	_ =	shalt  }
0x7d: {  	_ =	shalt  }
0x7e: {  	_ =	shalt  }
0x7f: {  	_ =	shalt  }
0x80: {  	_ =	shalt  }
0x81: {  	_ =	shalt  }
0x82: {  	_ =	shalt  }
0x83: {  	_ =	shalt  }
0x84: {  	_ =	shalt  }
0x85: {  	_ =	shalt  }
0x86: {  	_ =	shalt  }
0x87: {  	_ =	shalt  }
.Lfunc_end0:
.L_simem_size_0:
called_computation.1_lowered:
.L_overlay_start_0:
0x88: {  	s2 =	sld [smem:$0x3FD9]  }
0x89: {  	s3 =	sld [smem:$0x3FFE];
	_ =	sdelay $0x1  }
0x8a: {  	s1 =	srdreg.scid  }
0x8b: {  	s0 =	sand.u32 $0x1, s1  }
0x8c: {  	s17 =	sshll.u32 s0, $0xA;
	s2 =	sadd.s32 s3, s2  }
0x8d: {  	s2 =	sadd.s32 s2, s17  }
0x8e: {  	[smem:$0x3FBA] =	sst s2  }
0x8f: {  	_ = 	snop  }
0x90: {  	(tm) =	ssettm $0x1  }
0x91: {  	s18 =	sld [smem:$0x3FFB];
	_ =	sdelay $0x3  }
0x92: {  	_ =	strace s18  }
0x93: {  	s2 =	sld [smem:$0x3FFC];
	_ =	sdelay $0x3  }
0x94: {  	_ =	strace s2  }
0x95: {  	s2 =	sld [smem:$0x3FFD];
	_ =	sdelay $0x3  }
0x96: {  	_ =	strace s2  }
0x97: {  	_ =	strace $0x8FFFFFFF  }
0x98: {  	s19 =	sld [smem:$0x3FDB];
	_ =	sdelay $0x1  }
0x99: {  	s20 =	simm.s32 $_scs_section_size  }
0x9a: {  	s4 =	simm.s32 $_size__tile_overlayer_lowered;
	s5 =	simm.s32 $_tile_overlayer_lowered  }
0x9b: {  	s6 =	simm.s32 $0x1BFF;
	s21 =	sshll.u32 s5, $0x1;
	s3 =	sadd.s32 s20, s19  }
0x9c: {  	s22 =	simm.s32 $0x0;
	s4 =	sshll.u32 s4, $0x1;
	s5 =	sadd.s32 s21, s3  }
0x9d: {  	[timem:s22], [sflag:s6] =	dma.local [hbm:s5], s4  }
0x9e: {  	_ =	swait.ge [sflag:s6], s4  }
0x9f: {  	s4 =	ssub.s32 $0x0, s4;
	[sflag:s6] =	ssyncset.done $0x0  }
0xa0: {  	[sflag:s6] =	ssyncadd.s32 s4;
	_ =	sdelay $0x1  }
0xa1: {  	s23 =	simm.s32 $0x1B8B  }
0xa2: {  	_ =	swait.ge [sflag:s23], $0x1  }
0xa3: {  	[sflag:s23] =	ssyncset.done $0x0  }
0xa4: {  	[sflag:s23] =	ssyncadd.s32 $0xFFFFFFFF  }
0xa5: {  	s4 =	sld [smem:$0x0]  }
0xa6: {  	s5 =	sand.u32 $0xFFFFFFFE, s1  }
0xa7: {  	p0 =	sne.s32 s1, s5  }
0xa8: {  	s5 =	sshll.u32 @p0 s5, $0xE  }
0xa9: {  	s5 =	sadd.s32 @p0 $0x11B8D, s5;
	s6 =	sshll.u32 @p0 s4, $0x11  }
0xaa: {  	s5 =	sor.u32 @p0 s6, s5  }
0xab: {  	[sflag:s5] =	ssyncadd.remote.s32 @p0 $0x1;
	_ =	sdelay $0x1  }
0xac: {  	s5 =	simm.s32 @p0 $0x1B8D  }
0xad: {  	_ =	swait.eq @p0 [sflag:s5], $0x1  }
0xae: {  	[sflag:s5] =	ssyncadd.s32 @p0 $0xFFFFFFFF  }
0xaf: {  	s6 =	sshll.u32 @!p0 s1, $0xE  }
0xb0: {  	s6 =	sor.u32 @!p0 $0x4000, s6;
	s5 =	simm.s32 @!p0 $0x1B8D  }
0xb1: {  	s4 =	sshll.u32 @!p0 s4, $0x11;
	s6 =	sadd.s32 @!p0 $0x11B8D, s6;
	_ =	swait.eq @!p0 [sflag:s5], $0x1  }
0xb2: {  	s4 =	sor.u32 @!p0 s4, s6;
	[sflag:s5] =	ssyncadd.s32 @!p0 $0xFFFFFFFF  }
0xb3: {  	s25 =	simm.s32 $0x1B8E;
	s24 =	sld [smem:$0x3FFE];
	[sflag:s4] =	ssyncadd.remote.s32 @!p0 $0x1  }
0xb4: {  	s26 =	simm.s32 $execute0_lowered;
	[smem:$0x3FD2] =	sst s25  }
0xb5: {  	s5 =	sshll.u32 s26, $0x1;
	_ =	strace $0x8000004F;
	[dreg:$0x1] =	wrdreg $0xFFFFFFFF  }
0xb6: {  	s28 =	simm.s32 $_size_execute0_lowered;
	s3 =	sadd.s32 s3, s5;
	[dreg:$0x0] =	wrdreg $0x0  }
0xb7: {  	s5 =	sshll.u32 s28, $0x1;
	[dreg:$0x2] =	wrdreg s3  }
0xb8: {  	[dreg:$0x3] =	wrdreg s5  }
0xb9: {  	[dreg:$0x4] =	wrdreg $0xC0  }
0xba: {  	_ =	task [dreg:s22], $0x5FFFF  }
0xbb: {  	[dreg:$0x1] =	wrdreg $0xFFFFFFFF  }
0xbc: {  	[dreg:$0x0] =	wrdreg $0x60  }
0xbd: {  	[dreg:$0x2] =	wrdreg s24  }
0xbe: {  	[dreg:$0x3] =	wrdreg $0x94000  }
0xbf: {  	[dreg:$0x4] =	wrdreg $0x9  }
0xc0: {  	_ =	task.clear_ibuf [dreg:s22], $0x5FFFF;
	_ =	strace $0x9000004F  }
0xc1: {  	s29 =	simm.s32 $0x9;
	_ =	strace $0x80000051  }
0xc2: {  	_ =	swait.ge [sflag:s29], $0x1  }
0xc3: {  	[sflag:s29] =	ssyncadd.s32 $0xFFFFFFFF  }
0xc4: {  	_ =	strace $0x90000051  }
0xc5: {  	_ =	sfence  }
0xc6: {  	s30 =	sld [smem:$0x0];
	_ =	sdelay $0x2  }
0xc7: {  	s31 =	sshll.u32 s1, $0xD;
	s1 =	sshrl.u32 s1, $0x2  }
0xc8: {  	s4 =	sand.u32 $0x4000, s31;
	s1 =	sadd.s32 s1, s30  }
0xc9: {  	s0 =	sor.u32 s4, s0;
	s1 =	sshll.u32 s1, $0x11  }
0xca: {  	s0 =	sor.u32 s1, s0  }
0xcb: {  	s0 =	sadd.s32 $0x8F2B, s0  }
0xcc: {  	[sflag:s0] =	ssyncadd.remote.s32 $0x1  }
0xcd: {  	_ =	sfence.sel $0xFFFF  }
0xce: {  	[dreg:$0x0] =	wrdreg $0xFFFFFFFF;
	(pc) =	sbr.abs _section_cstart, $3  }
0xcf: {  	[dreg:$0x1] =	wrdreg $0xFFFFFFFF  }
0xd0: {  	_ =	task.clear_ibuf [dreg:s22], $0x2FFFF;
	_ =	strace $0x9FFFFFFF  }
0xd1: {  	(tm) =	ssettm $0x7FFFFFFF  }
tec
execute0_lowered:
.L_overlay_start_1:
0x0: {  	(tag) =	ssettag $0x1  }
0x1: {  	s4 =	rddreg [dreg:$0x0]  }
0x2: {  	s2 =	rddreg [dreg:$0x1]  }
0x3: {  	s3 =	srdreg.scid;
	s1 =	stileid.u32  }
0x4: {  	s0 =	rddreg [dreg:$0x2];
	s17 =	simm.s32 $0x5400;
	s18 =	simm.s32 $0x1  }
0x5: {  	s19 =	simm.s32 $0x80;
	s20 =	simm.s32 $0x2;
	s21 =	simm.s32 $0x3  }
0x6: {  	s22 =	simm.s32 $0x4;
	s23 =	simm.s32 $0x0;
	s7 =	smul.u32 $0x13C00, s1  }
0x7: {  	s5 =	sand.u32 $0x1, s3;
	s6 =	sshll.u32 s1, $0x1;
	s11 =	smul.u32 $0x4F000, s1  }
0x8: {  	s3 =	simm.s32 $0x0;
	s12 =	sadd.s32 $0xA19200, s4;
	s28 =	smul.u32 $0x50, s1  }
0x9: {  	s30 =	sshll.u32 s1, $0x6;
	s6 =	sor.u32 s5, s6;
	s10 =	smul.u32 $0x13C000, s5  }
0xa: {  	[smem:$0x7FF] =	sst s3;
	s26 =	ssub.s32 $0x2, s5;
	s31 =	smul.u32 $0x28, s5  }
0xb: {  	s5 =	sor.u32 $0x1C05, s30;
	s8 =	smul.u32 $0x280, s6;
	_ =	strace $0x80000050  }
0xc: {  	s9 =	sshrl.u32 s7, $0x3;
	s13 =	sshrl.u32 s26, $0x1;
	s14 =	smul.u32 $0x14000, s6  }
0xd: {  	s29 =	sshrl.u32 s11, $0x2;
	s9 =	sadd.s32 s9, s4;
	s7 =	sadd.s32 s7, s10  }
0xe: {  	s10 =	ssub.s32 s26, s13;
	s16 =	sadd.s32 s29, s2;
	s11 =	sadd.s32 s31, s28  }
0xf: {  	s8 =	sadd.s32 s8, s4;
	s7 =	sshrl.u32 s7, $0x3;
	s13 =	sshll.u32 s11, $0xB  }
.Ltmp0:
0x10: {  	s10 =	smax.u32 s10, $0x1;
	s15 =	sadd.s32 s7, s4;
	(pc) =	sbr.rel .LBB2_1-.Ltmp0, $4  }
0x11: {  	s4 =	sadd.s32 $0x19200, s9;
	s6 =	sadd.s32 $0xA200, s8;
	s7 =	sadd.s32 s12, s14  }
0x12: {  	s13 =	sadd.s32 s13, s12;
	s14 =	sshrl.u32 s16, $0x3;
	s16 =	simm.s32 $0x1400  }
0x13: {  	s8 =	sadd.s32 $0x800, s7;
	s9 =	sadd.s32 $0x8FA00, s15;
	s11 =	sadd.s32 $0x1000, s7  }
0x14: {  	s12 =	sadd.s32 $0x2000, s13;
	s13 =	sadd.s32 $0x1800, s13;
	s15 =	simm.s32 $0x5  }
.LBB2_4:
0x15: {  	_ =	swait.ge [sflag:s22], $0x4000  }
0x16: {  	s23 =	sadd.s32 $0x1, s23;
	[sflag:s22] =	ssyncset.done $0x0  }
0x17: {  	p0 =	sne.s32 s23, s10;
	[sflag:s22] =	ssyncadd.s32 $0xFFFFC000  }
.Ltmp1:
0x18: {  	[bflag:$0x0] =	sbarrier.arrive $0xFFFF;
	(pc) =	sbr.rel @!p0 .LBB2_5-.Ltmp1, $4  }
0x19: {  	[hbm:s9], [sflag:s5] =	dma.local [spmem:s14], $0x2780  }
0x1a: {  	_ =	swait.ge [sflag:s15], $0x2780  }
0x1b: {  	[sflag:s15] =	ssyncset.done $0x0  }
0x1c: {  	[sflag:s15] =	ssyncadd.s32 $0xFFFFD880  }
.LBB2_1:
0x1d: {  	[spmem:s14], [sflag:s5] =	dma.local [hbm:s4], $0x2780  }
0x1e: {  	_ =	swait.ge [sflag:s15], $0x2780  }
0x1f: {  	[sflag:s15] =	ssyncset.done $0x0  }
0x20: {  	[sflag:s15] =	ssyncadd.s32 $0xFFFFD880  }
0x21: {  	[tilespmem:s3], [sflag:$0x5] =	stream.linear.gather [hbm4b:s6+s3], $0x1400, $0x38;
	[tilespmem:$0x1D000] =	vst v63  }
0x22: {  	_ =	swait.ge [sflag:s15], $0x1400  }
0x23: {  	[sflag:s15] =	ssyncset.done $0x0  }
0x24: {  	[sflag:s15] =	ssyncadd.s32 $0xFFFFEC00  }
0x25: {  	[bflag:$0x0] =	sbarrier.arrive $0xFFFF  }
0x26: {  	[tilespmem:s16], [sflag:$0x1] =	stream.linear.gather [hbm4b:s7+s3], $0x4000, $0x38;
	[tilespmem:$0x1D000] =	vst v63  }
0x27: {  	_ = 	snop  }
0x28: {  	[tilespmem:s17], [sflag:$0x2] =	stream.linear.gather [hbm4b:s8+s3], $0x4000, $0x38;
	[tilespmem:$0x1D000] =	vst v63  }
0x29: {  	_ =	swait.ge [sflag:s18], $0x4000  }
0x2a: {  	[sflag:s18] =	ssyncset.done $0x0  }
0x2b: {  	[sflag:s18] =	ssyncadd.s32 $0xFFFFC000  }
0x2c: {  	[spmem:s2] =	stream.indirect.scatter.add.f32 [tilespmem:s16], [sflag:$0x3], $0x80, s3, s19, $0xb8;
	[tilespmem:$0x1D000] =	vst v63  }
0x2d: {  	_ =	swait.ge [sflag:s20], $0x4000  }
0x2e: {  	[sflag:s20] =	ssyncset.done $0x0  }
0x2f: {  	[sflag:s20] =	ssyncadd.s32 $0xFFFFC000  }
0x30: {  	[spmem:s2] =	stream.indirect.scatter.add.f32 [tilespmem:s17], [sflag:$0x4], $0x80, s19, s19, $0xb8;
	[tilespmem:$0x1D000] =	vst v63  }
0x31: {  	_ =	swait.ge [sflag:s21], $0x4000  }
0x32: {  	[sflag:s21] =	ssyncset.done $0x0  }
0x33: {  	s24 =	simm.s32 $0x180;
	s25 =	simm.s32 $0x0;
	[sflag:s21] =	ssyncadd.s32 $0xFFFFC000  }
0x34: {  	[tilespmem:s16], [sflag:$0x1] =	stream.linear.gather [hbm4b:s11+s3], $0x4000, $0x38;
	[tilespmem:$0x1D000] =	vst v63  }
.LBB2_2:
0x35: {  	_ =	swait.ge [sflag:s18], $0x4000  }
0x36: {  	[sflag:s18] =	ssyncset.done $0x0  }
0x37: {  	s26 =	sadd.s32 $0xFFFFFF80, s24;
	[sflag:s18] =	ssyncadd.s32 $0xFFFFC000  }
0x38: {  	[spmem:s2] =	stream.indirect.scatter.add.f32 [tilespmem:s16], [sflag:$0x3], $0x80, s26, s19, $0xb8;
	[tilespmem:$0x1D000] =	vst v63  }
0x39: {  	_ =	swait.ge [sflag:s22], $0x4000  }
0x3a: {  	[sflag:s22] =	ssyncset.done $0x0  }
0x3b: {  	s31 =	sadd.s32 s25, s13;
	[sflag:s22] =	ssyncadd.s32 $0xFFFFC000  }
0x3c: {  	[tilespmem:s17], [sflag:$0x2] =	stream.linear.gather [hbm4b:s31+s3], $0x4000, $0x38;
	[tilespmem:$0x1D000] =	vst v63  }
0x3d: {  	_ =	swait.ge [sflag:s20], $0x4000  }
0x3e: {  	p0 =	seq.s32 s25, $0x12000;
	[sflag:s20] =	ssyncset.done $0x0  }
.Ltmp2:
0x3f: {  	[sflag:s20] =	ssyncadd.s32 $0xFFFFC000;
	(pc) =	sbr.rel @p0 .LBB2_4-.Ltmp2, $4  }
0x40: {  	[spmem:s2] =	stream.indirect.scatter.add.f32 [tilespmem:s17], [sflag:$0x4], $0x80, s24, s19, $0xb8;
	[tilespmem:$0x1D000] =	vst v63  }
0x41: {  	_ =	swait.ge [sflag:s21], $0x4000  }
0x42: {  	[sflag:s21] =	ssyncset.done $0x0  }
0x43: {  	[sflag:s21] =	ssyncadd.s32 $0xFFFFC000  }
.Ltmp3:
0x44: {  	(pc) =	sbr.rel .LBB2_2-.Ltmp3, $3  }
0x45: {  	_ =	sdelay $0x1  }
0x46: {  	s26 =	sadd.s32 s25, s12;
	s25 =	sadd.s32 $0x1000, s25;
	s24 =	sadd.s32 $0x100, s24  }
0x47: {  	[tilespmem:s16], [sflag:$0x1] =	stream.linear.gather [hbm4b:s26+s3], $0x4000, $0x38;
	[tilespmem:$0x1D000] =	vst v63  }
.LBB2_5:
0x48: {  	_ =	sfence.sel $0x180000  }
0x49: {  	[bflag:$0x0] =	sbarrier.arrive $0xFFFF  }
0x4a: {  	p0 =	sne.s32 s1, $0x0;
	_ =	strace $0x90000050  }
0x4b: {  	s0 =	sadd.s32 @!p0 $0x100000, s0;
	[bflag:$0x2] =	sbarrier.arrive $0xFFFF  }
0x4c: {  	[sflag:s0] =	ssyncadd.tile.s32 @!p0 $0x1;
	_ =	shalt  }
.Lfunc_end2:
_tile_overlayer_lowered:
.L_overlay_start_2:
0x4d: {  	(tag) =	ssettag $0x2  }
0x4e: {  	s0 =	rddreg [dreg:$0x0];
	s2 =	stileid.u32  }
0x4f: {  	s1 =	rddreg [dreg:$0x1];
	p0 =	sne.s32 s2, $0x0  }
0x50: {  	s3 =	rddreg [dreg:$0x2];
	[bflag:$0x3] =	sbarrier.arrive $0xFFFF;
	s2 =	simm.s32 @!p0 $0x1C05  }
0x51: {  	[timem:s3], [sflag:s2] =	dma.local @!p0 [hbm:s0], s1  }
0x52: {  	s0 =	simm.s32 @!p0 $0x5  }
0x53: {  	_ =	swait.ge @!p0 [sflag:s0], s1  }
0x54: {  	s1 =	ssub.s32 @!p0 $0x0, s1;
	[sflag:s0] =	ssyncset.done @!p0 $0x0  }
0x55: {  	[sflag:s0] =	ssyncadd.s32 @!p0 s1  }
0x56: {  	[bflag:$0x3] =	sbarrier.arrive $0xFFFF  }
0x57: {  	_ =	shalt  }

// kernel: kernel.22.cloned.1.call-start
scs
__scs_entry_jumppad:
0x0: {  	(pc) =	sbr.rel $0x88, $3  }
0x1: {  	(tag) =	ssettag $0x0;
	lr =	simm.s32 $0x1  }
0x2: {  	[smem:$0x3F93] =	sst lr;
	_ =	strace $0xD0000000  }
0x3: {  	_ = 	snop  }
0x4: {  	_ = 	snop  }
0x5: {  	_ = 	snop  }
0x6: {  	_ = 	snop  }
0x7: {  	_ = 	snop  }
__scs_overlays_trampoline_lowered:
0x8: {  	[smem:$0x3FA2] =	sst s0  }
0x9: {  	[smem:$0x3FA3] =	sst s1  }
0xa: {  	[smem:$0x3FA4] =	sst s2  }
0xb: {  	[smem:$0x3FA5] =	sst s3  }
0xc: {  	[smem:$0x3FA6] =	sst s4  }
0xd: {  	[smem:$0x3FA7] =	sst s5  }
0xe: {  	[smem:$0x3FA8] =	sst s6  }
0xf: {  	[smem:$0x3FA9] =	sst s7  }
0x10: {  	[smem:$0x3FAA] =	sst s8  }
0x11: {  	[smem:$0x3FAB] =	sst s9;
	s0 =	simm.s32 @!p0 $0x0  }
0x12: {  	s1 =	sld [smem:$0x3F91];
	s0 =	simm.s32 @p0 $0x1  }
0x13: {  	[smem:$0x3FAC] =	sst s0;
	s0 =	simm.s32 @!p1 $0x0  }
0x14: {  	s2 =	sld [smem:$0x3F90];
	s0 =	simm.s32 @p1 $0x1  }
0x15: {  	[smem:$0x3FAD] =	sst s0;
	s0 =	simm.s32 @!p2 $0x0  }
0x16: {  	s3 =	sld [smem:$0x3FDB];
	s0 =	simm.s32 @p2 $0x1  }
0x17: {  	s4 =	simm.s32 $0x1BF5;
	[smem:$0x3FAF] =	sst s0  }
0x18: {  	s0 =	sld [smem:$0x3F92];
	_ =	swait.ge [sflag:s4], $0x0  }
0x19: {  	s7 =	sld [smem:$0x3F93]  }
0x1a: {  	s8 =	sadd.s32 $0xFFFFE003, lr  }
0x1b: {  	s9 =	sadd.s32 $0xFFFFFEF7, lr;
	s5 =	simm.s32 $0xFFFFFFFF;
	p2 =	slt.u32 s8, $0xFFFFF086  }
0x1c: {  	p1 =	slt.u32 s9, $0xF7A;
	s5 =	simm.s32 @!p2 $0x0  }
0x1d: {  	s5 =	simm.s32 @p1 $0x1;
	p0 =	seq.s32 s7, s2  }
0x1e: {  	s7 =	smul.u32 @!p0 $0xF7A, s2;
	p2 =	seq.s32 @!p0 s5, $0x0  }
0x1f: {  	s9 =	smul.u32 $0xF7A, s1;
	s8 =	simm.s32 @!p0 $0x1BF5;
	p2 =	por !p2, p0  }
0x20: {  	[sflag:s8] =	ssyncset.s32 @!p0 $0xFFFFF086;
	s6 =	sadd.s32 @!p0 s3, s7;
	s7 =	simm.s32 @!p0 $0x108  }
0x21: {  	s3 =	sadd.s32 s3, s9;
	s6 =	sadd.s32 @!p0 $0x88, s6;
	s7 =	simm.s32 @p2 $0x1082  }
0x22: {  	[simem:s7], [sflag:s8] =	dma.local @!p0 [hbm:s6], $0xF7A  }
0x23: {  	s9 =	sor.u32 $0xD0000000, s2;
	s6 =	simm.s32 $0x108;
	_ =	swait.ge @!p0 [sflag:s8], $0x0  }
0x24: {  	s3 =	sadd.s32 $0x88, s3;
	s6 =	simm.s32 @!p1 $0x1082;
	[sflag:s4] =	ssyncset.s32 $0xFFFFF086  }
0x25: {  	[simem:s6], [sflag:s4] =	dma.local [hbm:s3], $0xF7A  }
0x26: {  	[smem:$0x3F93] =	sst s1;
	(tag) =	ssettag s2;
	_ =	strace s9  }
0x27: {  	s1 =	sld [smem:$0x3FA3]  }
0x28: {  	s2 =	sld [smem:$0x3FA4]  }
0x29: {  	s4 =	sld [smem:$0x3FA6]  }
0x2a: {  	p0 =	seq.s32 s5, $0x0;
	s5 =	sld [smem:$0x3FA7]  }
0x2b: {  	s6 =	sld [smem:$0x3FA8]  }
0x2c: {  	s7 =	sld [smem:$0x3FA9]  }
0x2d: {  	s3 =	simm.s32 $0x108;
	s8 =	sld [smem:$0x3FAA]  }
0x2e: {  	s3 =	simm.s32 @!p0 $0x1082;
	s9 =	sld [smem:$0x3FAB]  }
0x2f: {  	lr =	sadd.s32 s0, s3;
	s0 =	sld [smem:$0x3FA2]  }
0x30: {  	s3 =	sld [smem:$0x3FA5]  }
0x31: {  	[smem:$0x3FAE] =	sst s10  }
0x32: {  	s10 =	sld [smem:$0x3FAC];
	_ =	sdelay $0x3  }
0x33: {  	p0 =	seq.s32 s10, $0x1;
	s10 =	sld [smem:$0x3FAE];
	_ =	sdelay $0x3  }
0x34: {  	[smem:$0x3FAE] =	sst s10  }
0x35: {  	s10 =	sld [smem:$0x3FAD];
	_ =	sdelay $0x3  }
0x36: {  	p1 =	seq.s32 s10, $0x1;
	s10 =	sld [smem:$0x3FAE];
	_ =	sdelay $0x3  }
0x37: {  	[smem:$0x3FAE] =	sst s10  }
0x38: {  	s10 =	sld [smem:$0x3FAF]  }
0x39: {  	_ = 	snop;
	(pc) =	sbr.ind lr, $3  }
0x3a: {  	_ = 	snop  }
0x3b: {  	_ = 	snop  }
0x3c: {  	p2 =	seq.s32 s10, $0x1;
	s10 =	sld [smem:$0x3FAE]  }
0x3d: {  	_ =	shalt  }
0x3e: {  	_ =	shalt  }
0x3f: {  	_ =	shalt  }
0x40: {  	_ =	shalt  }
0x41: {  	_ =	shalt  }
0x42: {  	_ =	shalt  }
0x43: {  	_ =	shalt  }
0x44: {  	_ =	shalt  }
0x45: {  	_ =	shalt  }
0x46: {  	_ =	shalt  }
0x47: {  	_ =	shalt  }
0x48: {  	_ =	shalt  }
0x49: {  	_ =	shalt  }
0x4a: {  	_ =	shalt  }
0x4b: {  	_ =	shalt  }
0x4c: {  	_ =	shalt  }
0x4d: {  	_ =	shalt  }
0x4e: {  	_ =	shalt  }
0x4f: {  	_ =	shalt  }
0x50: {  	_ =	shalt  }
0x51: {  	_ =	shalt  }
0x52: {  	_ =	shalt  }
0x53: {  	_ =	shalt  }
0x54: {  	_ =	shalt  }
0x55: {  	_ =	shalt  }
0x56: {  	_ =	shalt  }
0x57: {  	_ =	shalt  }
0x58: {  	_ =	shalt  }
0x59: {  	_ =	shalt  }
0x5a: {  	_ =	shalt  }
0x5b: {  	_ =	shalt  }
0x5c: {  	_ =	shalt  }
0x5d: {  	_ =	shalt  }
0x5e: {  	_ =	shalt  }
0x5f: {  	_ =	shalt  }
0x60: {  	_ =	shalt  }
0x61: {  	_ =	shalt  }
0x62: {  	_ =	shalt  }
0x63: {  	_ =	shalt  }
0x64: {  	_ =	shalt  }
0x65: {  	_ =	shalt  }
0x66: {  	_ =	shalt  }
0x67: {  	_ =	shalt  }
0x68: {  	_ =	shalt  }
0x69: {  	_ =	shalt  }
0x6a: {  	_ =	shalt  }
0x6b: {  	_ =	shalt  }
0x6c: {  	_ =	shalt  }
0x6d: {  	_ =	shalt  }
0x6e: {  	_ =	shalt  }
0x6f: {  	_ =	shalt  }
0x70: {  	_ =	shalt  }
0x71: {  	_ =	shalt  }
0x72: {  	_ =	shalt  }
0x73: {  	_ =	shalt  }
0x74: {  	_ =	shalt  }
0x75: {  	_ =	shalt  }
0x76: {  	_ =	shalt  }
0x77: {  	_ =	shalt  }
0x78: {  	_ =	shalt  }
0x79: {  	_ =	shalt  }
0x7a: {  	_ =	shalt  }
0x7b: {  	_ =	shalt  }
0x7c: {  	_ =	shalt  }
0x7d: {  	_ =	shalt  }
0x7e: {  	_ =	shalt  }
0x7f: {  	_ =	shalt  }
0x80: {  	_ =	shalt  }
0x81: {  	_ =	shalt  }
0x82: {  	_ =	shalt  }
0x83: {  	_ =	shalt  }
0x84: {  	_ =	shalt  }
0x85: {  	_ =	shalt  }
0x86: {  	_ =	shalt  }
0x87: {  	_ =	shalt  }
.Lfunc_end0:
.L_simem_size_0:
called_computation.2_lowered:
.L_overlay_start_0:
0x88: {  	s2 =	sld [smem:$0x3FD9]  }
0x89: {  	s3 =	sld [smem:$0x3FFE];
	_ =	sdelay $0x1  }
0x8a: {  	s1 =	srdreg.scid  }
0x8b: {  	s0 =	sand.u32 $0x1, s1  }
0x8c: {  	s17 =	sshll.u32 s0, $0xA;
	s2 =	sadd.s32 s3, s2  }
0x8d: {  	s2 =	sadd.s32 s2, s17  }
0x8e: {  	[smem:$0x3FBA] =	sst s2  }
0x8f: {  	_ = 	snop  }
0x90: {  	s2 =	sld [smem:$0x3FC9];
	(tm) =	ssettm $0x1  }
0x91: {  	s18 =	sld [smem:$0x3FFB];
	_ =	sdelay $0x3  }
0x92: {  	_ =	strace s18  }
0x93: {  	s3 =	sld [smem:$0x3FFC];
	_ =	sdelay $0x3  }
0x94: {  	_ =	strace s3  }
0x95: {  	s3 =	sld [smem:$0x3FFD];
	_ =	sdelay $0x3  }
0x96: {  	_ =	strace s3  }
0x97: {  	_ =	strace $0x8FFFFFFF  }
0x98: {  	s19 =	sld [smem:$0x3FDB];
	_ =	sdelay $0x1  }
0x99: {  	s4 =	simm.s32 $_scs_section_size  }
0x9a: {  	s5 =	simm.s32 $_size__tile_overlayer_lowered;
	s6 =	simm.s32 $_tile_overlayer_lowered  }
0x9b: {  	s22 =	simm.s32 $0x1BFF;
	s21 =	sshll.u32 s6, $0x1;
	s3 =	sadd.s32 s4, s19  }
0x9c: {  	s7 =	simm.s32 $0x0;
	s20 =	sshll.u32 s5, $0x1;
	s5 =	sadd.s32 s21, s3  }
0x9d: {  	[timem:s7], [sflag:s22] =	dma.local [hbm:s5], s20  }
0x9e: {  	_ =	swait.ge [sflag:s22], s20  }
0x9f: {  	s4 =	ssub.s32 $0x0, s20;
	[sflag:s22] =	ssyncset.done $0x0  }
0xa0: {  	[sflag:s22] =	ssyncadd.s32 s4;
	_ =	sdelay $0x1  }
0xa1: {  	s23 =	simm.s32 $0x1B8B  }
0xa2: {  	_ =	swait.ge [sflag:s23], $0x1  }
0xa3: {  	[sflag:s23] =	ssyncset.done $0x0  }
0xa4: {  	s25 =	simm.s32 $0x1B8E;
	s24 =	sld [smem:$0x3FFE];
	[sflag:s23] =	ssyncadd.s32 $0xFFFFFFFF  }
0xa5: {  	s26 =	simm.s32 $execute0_lowered;
	[smem:$0x3FD2] =	sst s25  }
0xa6: {  	s5 =	sshll.u32 s26, $0x1;
	_ =	strace $0x80000046;
	[dreg:$0x1] =	wrdreg $0xFFFFFFFF  }
0xa7: {  	s28 =	simm.s32 $_size_execute0_lowered;
	s3 =	sadd.s32 s3, s5;
	[dreg:$0x0] =	wrdreg $0x0  }
0xa8: {  	s5 =	sshll.u32 s28, $0x1;
	[dreg:$0x2] =	wrdreg s3  }
0xa9: {  	[dreg:$0x3] =	wrdreg s5  }
0xaa: {  	[dreg:$0x4] =	wrdreg $0xC0  }
0xab: {  	_ =	task [dreg:s7], $0x5FFFF  }
0xac: {  	[dreg:$0x1] =	wrdreg $0xFFFFFFFF  }
0xad: {  	[dreg:$0x0] =	wrdreg $0x60  }
0xae: {  	[dreg:$0x2] =	wrdreg s2  }
0xaf: {  	[dreg:$0x3] =	wrdreg s24  }
0xb0: {  	[dreg:$0x4] =	wrdreg $0xA  }
0xb1: {  	_ =	task.clear_ibuf [dreg:s7], $0x5FFFF;
	_ =	strace $0x90000046  }
0xb2: {  	s29 =	simm.s32 $0xA;
	_ =	strace $0x80000048  }
0xb3: {  	_ =	swait.ge [sflag:s29], $0x1  }
0xb4: {  	[sflag:s29] =	ssyncadd.s32 $0xFFFFFFFF  }
0xb5: {  	_ =	strace $0x90000048  }
0xb6: {  	_ =	sfence  }
0xb7: {  	s30 =	sld [smem:$0x0];
	_ =	sdelay $0x2  }
0xb8: {  	s31 =	sshll.u32 s1, $0xD;
	s1 =	sshrl.u32 s1, $0x2  }
0xb9: {  	s3 =	sand.u32 $0x4000, s31;
	s1 =	sadd.s32 s1, s30  }
0xba: {  	s0 =	sor.u32 s3, s0;
	s1 =	sshll.u32 s1, $0x11  }
0xbb: {  	s0 =	sor.u32 s1, s0  }
0xbc: {  	s0 =	sadd.s32 $0x8F2B, s0  }
0xbd: {  	[sflag:s0] =	ssyncadd.remote.s32 $0x1  }
0xbe: {  	_ =	sfence.sel $0xFFFF  }
0xbf: {  	[dreg:$0x0] =	wrdreg $0xFFFFFFFF;
	(pc) =	sbr.abs _section_cstart, $3  }
0xc0: {  	[dreg:$0x1] =	wrdreg $0xFFFFFFFF  }
0xc1: {  	_ =	task.clear_ibuf [dreg:s7], $0x2FFFF;
	_ =	strace $0x9FFFFFFF  }
0xc2: {  	(tm) =	ssettm $0x7FFFFFFF  }
0xc3: {  	_ =	shalt  }
tec
execute0_lowered:
.L_overlay_start_1:
0x0: {  	(tag) =	ssettag $0x1  }
0x1: {  	s1 =	srdreg.scid;
	s2 =	rddreg [dreg:$0x0]  }
0x2: {  	s0 =	stileid.u32;
	s5 =	rddreg [dreg:$0x1];
	s3 =	simm.s32 $0x0  }
0x3: {  	s10 =	simm.s32 $0x5400;
	s11 =	simm.s32 $0x9400;
	s12 =	simm.s32 $0xD400  }
0x4: {  	s13 =	simm.s32 $0x1;
	s14 =	simm.s32 $0x5;
	s15 =	simm.s32 $0x2  }
0x5: {  	s16 =	simm.s32 $0x6;
	s17 =	simm.s32 $0x3;
	s18 =	simm.s32 $0x7  }
0x6: {  	s19 =	simm.s32 $0x4;
	s20 =	simm.s32 $0x8;
	s4 =	sand.u32 $0x1, s1  }
0x7: {  	s30 =	sshll.u32 s0, $0x1;
	s7 =	smul.u32 $0x28000, s0;
	[smem:$0x7FF] =	sst s3  }
0x8: {  	s1 =	sor.u32 s4, s30;
	s8 =	ssub.s32 $0x2, s4;
	s4 =	smul.u32 $0x14000, s4  }
0x9: {  	s21 =	simm.s32 $0x0;
	s6 =	smul.u32 $0x280, s1;
	s1 =	rddreg [dreg:$0x2]  }
0xa: {  	_ =	strace $0x80000047;
	s7 =	sadd.s32 s7, s5;
	s9 =	sshrl.u32 s8, $0x1  }
0xb: {  	s31 =	ssub.s32 s8, s9;
	s7 =	sadd.s32 s4, s7;
	s8 =	simm.s32 $0x80  }
0xc: {  	s9 =	simm.s32 $0x1400;
	s5 =	sadd.s32 s6, s5;
	s6 =	sadd.s32 $0x1AA00, s7  }
0xd: {  	s7 =	simm.s32 $0x9;
	s4 =	sadd.s32 $0xF200, s5;
	s5 =	smax.u32 s31, $0x1  }
.LBB2_1:
0xe: {  	[tilespmem:s3], [sflag:$0x9] =	stream.linear.gather [hbm4b:s4+s3], $0x1400, $0x38;
	[tilespmem:$0x11400] =	vst v63  }
0xf: {  	_ =	swait.ge [sflag:s7], $0x1400  }
0x10: {  	[sflag:s7] =	ssyncset.done $0x0  }
0x11: {  	s22 =	simm.s32 $0x0;
	[sflag:s7] =	ssyncadd.s32 $0xFFFFEC00  }
0x12: {  	[tilespmem:s9], [sflag:$0x1] =	stream.indirect.gather [hbm4b:s2+s8], $0x80, s22, s8, $0xb8;
	[tilespmem:$0x11400] =	vst v63  }
0x13: {  	s25 =	simm.s32 $0x80  }
0x14: {  	[tilespmem:s10], [sflag:$0x2] =	stream.indirect.gather [hbm4b:s2+s8], $0x80, s25, s8, $0xb8;
	[tilespmem:$0x11400] =	vst v63  }
0x15: {  	s26 =	simm.s32 $0x100  }
0x16: {  	[tilespmem:s11], [sflag:$0x3] =	stream.indirect.gather [hbm4b:s2+s8], $0x80, s26, s8, $0xb8;
	[tilespmem:$0x11400] =	vst v63  }
0x17: {  	s28 =	simm.s32 $0x180  }
0x18: {  	[tilespmem:s12], [sflag:$0x4] =	stream.indirect.gather [hbm4b:s2+s8], $0x80, s28, s8, $0xb8;
	[tilespmem:$0x11400] =	vst v63  }
0x19: {  	_ =	swait.ge [sflag:s13], $0x4000  }
0x1a: {  	[sflag:s13] =	ssyncset.done $0x0  }
0x1b: {  	s29 =	sadd.s32 $0xFFFFE800, s6;
	[sflag:s13] =	ssyncadd.s32 $0xFFFFC000  }
0x1c: {  	[hbm4b:s29+s3] =	stream.linear.scatter [tilespmem:s9], [sflag:$0x5], $0x4000, $0x38;
	[tilespmem:$0x11400] =	vst v63  }
0x1d: {  	_ =	swait.ge [sflag:s14], $0x4000  }
0x1e: {  	[sflag:s14] =	ssyncset.done $0x0  }
0x1f: {  	[sflag:s14] =	ssyncadd.s32 $0xFFFFC000  }
0x20: {  	_ =	swait.ge [sflag:s15], $0x4000  }
0x21: {  	[sflag:s15] =	ssyncset.done $0x0  }
0x22: {  	s30 =	sadd.s32 $0xFFFFF000, s6;
	[sflag:s15] =	ssyncadd.s32 $0xFFFFC000  }
0x23: {  	[hbm4b:s30+s3] =	stream.linear.scatter [tilespmem:s10], [sflag:$0x6], $0x4000, $0x38;
	[tilespmem:$0x11400] =	vst v63  }
0x24: {  	_ =	swait.ge [sflag:s16], $0x4000  }
0x25: {  	[sflag:s16] =	ssyncset.done $0x0  }
0x26: {  	[sflag:s16] =	ssyncadd.s32 $0xFFFFC000  }
0x27: {  	_ =	swait.ge [sflag:s17], $0x4000  }
0x28: {  	[sflag:s17] =	ssyncset.done $0x0  }
0x29: {  	s31 =	sadd.s32 $0xFFFFF800, s6;
	[sflag:s17] =	ssyncadd.s32 $0xFFFFC000  }
0x2a: {  	[hbm4b:s31+s3] =	stream.linear.scatter [tilespmem:s11], [sflag:$0x7], $0x4000, $0x38;
	[tilespmem:$0x11400] =	vst v63  }
0x2b: {  	_ =	swait.ge [sflag:s18], $0x4000  }
0x2c: {  	[sflag:s18] =	ssyncset.done $0x0  }
0x2d: {  	[sflag:s18] =	ssyncadd.s32 $0xFFFFC000  }
0x2e: {  	_ =	swait.ge [sflag:s19], $0x4000  }
0x2f: {  	[sflag:s19] =	ssyncset.done $0x0  }
0x30: {  	[sflag:s19] =	ssyncadd.s32 $0xFFFFC000  }
0x31: {  	[hbm4b:s6+s3] =	stream.linear.scatter [tilespmem:s12], [sflag:$0x8], $0x4000, $0x38;
	[tilespmem:$0x11400] =	vst v63  }
0x32: {  	s23 =	simm.s32 $0x800;
	_ =	swait.ge [sflag:s20], $0x4000  }
0x33: {  	s22 =	sadd.s32 $0x2000, s6;
	s25 =	simm.s32 $0x1000;
	[sflag:s20] =	ssyncset.done $0x0  }
.LBB2_2:
0x34: {  	s26 =	sshra.s32 s23, $0x2  }
0x35: {  	[sflag:s20] =	ssyncadd.s32 $0xFFFFC000;
	s23 =	smov.u32 s25;
	s24 =	sadd.s32 $0x800, s25  }
0x36: {  	[tilespmem:s9], [sflag:$0x1] =	stream.indirect.gather [hbm4b:s2+s8], $0x80, s26, s8, $0xb8;
	[tilespmem:$0x11400] =	vst v63  }
0x37: {  	p0 =	sne.s32 s25, $0x4800;
	s25 =	sadd.s32 $0x80, s26  }
0x38: {  	[tilespmem:s10], [sflag:$0x2] =	stream.indirect.gather [hbm4b:s2+s8], $0x80, s25, s8, $0xb8;
	[tilespmem:$0x11400] =	vst v63  }
0x39: {  	s25 =	sadd.s32 $0x100, s26  }
0x3a: {  	[tilespmem:s11], [sflag:$0x3] =	stream.indirect.gather [hbm4b:s2+s8], $0x80, s25, s8, $0xb8;
	[tilespmem:$0x11400] =	vst v63  }
0x3b: {  	s25 =	sadd.s32 $0x180, s26  }
0x3c: {  	[tilespmem:s12], [sflag:$0x4] =	stream.indirect.gather [hbm4b:s2+s8], $0x80, s25, s8, $0xb8;
	[tilespmem:$0x11400] =	vst v63  }
0x3d: {  	_ =	swait.ge [sflag:s13], $0x4000  }
0x3e: {  	[sflag:s13] =	ssyncset.done $0x0  }
0x3f: {  	s25 =	sadd.s32 $0xFFFFE800, s22;
	[sflag:s13] =	ssyncadd.s32 $0xFFFFC000  }
0x40: {  	[hbm4b:s25+s3] =	stream.linear.scatter [tilespmem:s9], [sflag:$0x5], $0x4000, $0x38;
	[tilespmem:$0x11400] =	vst v63  }
0x41: {  	_ =	swait.ge [sflag:s14], $0x4000  }
0x42: {  	[sflag:s14] =	ssyncset.done $0x0  }
0x43: {  	[sflag:s14] =	ssyncadd.s32 $0xFFFFC000  }
0x44: {  	_ =	swait.ge [sflag:s15], $0x4000  }
0x45: {  	[sflag:s15] =	ssyncset.done $0x0  }
0x46: {  	s25 =	sadd.s32 $0xFFFFF000, s22;
	[sflag:s15] =	ssyncadd.s32 $0xFFFFC000  }
0x47: {  	[hbm4b:s25+s3] =	stream.linear.scatter [tilespmem:s10], [sflag:$0x6], $0x4000, $0x38;
	[tilespmem:$0x11400] =	vst v63  }
0x48: {  	_ =	swait.ge [sflag:s16], $0x4000  }
0x49: {  	[sflag:s16] =	ssyncset.done $0x0  }
0x4a: {  	[sflag:s16] =	ssyncadd.s32 $0xFFFFC000  }
0x4b: {  	_ =	swait.ge [sflag:s17], $0x4000  }
0x4c: {  	[sflag:s17] =	ssyncset.done $0x0  }
0x4d: {  	s25 =	sadd.s32 $0xFFFFF800, s22;
	[sflag:s17] =	ssyncadd.s32 $0xFFFFC000  }
0x4e: {  	[hbm4b:s25+s3] =	stream.linear.scatter [tilespmem:s11], [sflag:$0x7], $0x4000, $0x38;
	[tilespmem:$0x11400] =	vst v63  }
0x4f: {  	_ =	swait.ge [sflag:s18], $0x4000  }
0x50: {  	[sflag:s18] =	ssyncset.done $0x0  }
0x51: {  	[sflag:s18] =	ssyncadd.s32 $0xFFFFC000  }
0x52: {  	_ =	swait.ge [sflag:s19], $0x4000  }
.Ltmp0:
0x53: {  	[sflag:s19] =	ssyncset.done $0x0;
	(pc) =	sbr.rel @p0 .LBB2_2-.Ltmp0, $4  }
0x54: {  	[sflag:s19] =	ssyncadd.s32 $0xFFFFC000  }
0x55: {  	[hbm4b:s22+s3] =	stream.linear.scatter [tilespmem:s12], [sflag:$0x8], $0x4000, $0x38;
	[tilespmem:$0x11400] =	vst v63  }
0x56: {  	_ =	swait.ge [sflag:s20], $0x4000  }
0x57: {  	s25 =	smov.u32 s24;
	s22 =	sadd.s32 $0x2000, s22;
	[sflag:s20] =	ssyncset.done $0x0  }
0x58: {  	s23 =	sshra.s32 s23, $0x2;
	[sflag:s20] =	ssyncadd.s32 $0xFFFFC000  }
0x59: {  	[tilespmem:s9], [sflag:$0x1] =	stream.indirect.gather [hbm4b:s2+s8], $0x80, s23, s8, $0xb8;
	[tilespmem:$0x11400] =	vst v63  }
0x5a: {  	s24 =	sadd.s32 $0x80, s23  }
0x5b: {  	[tilespmem:s10], [sflag:$0x2] =	stream.indirect.gather [hbm4b:s2+s8], $0x80, s24, s8, $0xb8;
	[tilespmem:$0x11400] =	vst v63  }
0x5c: {  	s28 =	sadd.s32 $0x100, s23  }
0x5d: {  	[tilespmem:s11], [sflag:$0x3] =	stream.indirect.gather [hbm4b:s2+s8], $0x80, s28, s8, $0xb8;
	[tilespmem:$0x11400] =	vst v63  }
0x5e: {  	s23 =	sadd.s32 $0x180, s23  }
0x5f: {  	[tilespmem:s12], [sflag:$0x4] =	stream.indirect.gather [hbm4b:s2+s8], $0x80, s23, s8, $0xb8;
	[tilespmem:$0x11400] =	vst v63  }
0x60: {  	_ =	swait.ge [sflag:s13], $0x4000  }
0x61: {  	[sflag:s13] =	ssyncset.done $0x0  }
0x62: {  	s29 =	sadd.s32 $0xFFFFE800, s22;
	[sflag:s13] =	ssyncadd.s32 $0xFFFFC000  }
0x63: {  	[hbm4b:s29+s3] =	stream.linear.scatter [tilespmem:s9], [sflag:$0x5], $0x4000, $0x38;
	[tilespmem:$0x11400] =	vst v63  }
0x64: {  	_ =	swait.ge [sflag:s14], $0x4000  }
0x65: {  	[sflag:s14] =	ssyncset.done $0x0  }
0x66: {  	[sflag:s14] =	ssyncadd.s32 $0xFFFFC000  }
0x67: {  	_ =	swait.ge [sflag:s15], $0x4000  }
0x68: {  	[sflag:s15] =	ssyncset.done $0x0  }
0x69: {  	s30 =	sadd.s32 $0xFFFFF000, s22;
	[sflag:s15] =	ssyncadd.s32 $0xFFFFC000  }
0x6a: {  	[hbm4b:s30+s3] =	stream.linear.scatter [tilespmem:s10], [sflag:$0x6], $0x4000, $0x38;
	[tilespmem:$0x11400] =	vst v63  }
0x6b: {  	_ =	swait.ge [sflag:s16], $0x4000  }
0x6c: {  	[sflag:s16] =	ssyncset.done $0x0  }
0x6d: {  	[sflag:s16] =	ssyncadd.s32 $0xFFFFC000  }
0x6e: {  	_ =	swait.ge [sflag:s17], $0x4000  }
0x6f: {  	[sflag:s17] =	ssyncset.done $0x0  }
0x70: {  	s31 =	sadd.s32 $0xFFFFF800, s22;
	[sflag:s17] =	ssyncadd.s32 $0xFFFFC000  }
0x71: {  	[hbm4b:s31+s3] =	stream.linear.scatter [tilespmem:s11], [sflag:$0x7], $0x4000, $0x38;
	[tilespmem:$0x11400] =	vst v63  }
0x72: {  	_ =	swait.ge [sflag:s18], $0x4000  }
0x73: {  	[sflag:s18] =	ssyncset.done $0x0  }
0x74: {  	[sflag:s18] =	ssyncadd.s32 $0xFFFFC000  }
0x75: {  	s21 =	sadd.s32 $0x1, s21;
	_ =	swait.ge [sflag:s19], $0x4000  }
0x76: {  	p0 =	sne.s32 s21, s5;
	[sflag:s19] =	ssyncset.done $0x0  }
.Ltmp1:
0x77: {  	[sflag:s19] =	ssyncadd.s32 $0xFFFFC000;
	(pc) =	sbr.rel @p0 .LBB2_1-.Ltmp1, $4  }
0x78: {  	[hbm4b:s22+s3] =	stream.linear.scatter [tilespmem:s12], [sflag:$0x8], $0x4000, $0x38;
	[tilespmem:$0x11400] =	vst v63  }
0x79: {  	_ =	swait.ge [sflag:s20], $0x4000  }
0x7a: {  	[sflag:s20] =	ssyncset.done $0x0  }
0x7b: {  	[sflag:s20] =	ssyncadd.s32 $0xFFFFC000  }
0x7c: {  	_ =	sfence.sel $0x180000  }
0x7d: {  	[bflag:$0x0] =	sbarrier.arrive $0xFFFF  }
0x7e: {  	p0 =	sne.s32 s0, $0x0;
	_ =	strace $0x90000047  }
0x7f: {  	s0 =	sadd.s32 @!p0 $0x100000, s1;
	[bflag:$0x2] =	sbarrier.arrive $0xFFFF  }
0x80: {  	[sflag:s0] =	ssyncadd.tile.s32 @!p0 $0x1;
	_ =	shalt  }
.Lfunc_end2:
_tile_overlayer_lowered:
.L_overlay_start_2:
0x81: {  	(tag) =	ssettag $0x2  }
0x82: {  	s0 =	rddreg [dreg:$0x0];
	s2 =	stileid.u32  }
0x83: {  	s1 =	rddreg [dreg:$0x1];
	p0 =	sne.s32 s2, $0x0  }
0x84: {  	s3 =	rddreg [dreg:$0x2];
	[bflag:$0x3] =	sbarrier.arrive $0xFFFF;
	s2 =	simm.s32 @!p0 $0x1C09  }
0x85: {  	[timem:s3], [sflag:s2] =	dma.local @!p0 [hbm:s0], s1  }
0x86: {  	s0 =	simm.s32 @!p0 $0x9  }
0x87: {  	_ =	swait.ge @!p0 [sflag:s0], s1  }
0x88: {  	s1 =	ssub.s32 @!p0 $0x0, s1;
	[sflag:s0] =	ssyncset.done @!p0 $0x0  }
0x89: {  	[sflag:s0] =	ssyncadd.s32 @!p0 s1  }
0x8a: {  	[bflag:$0x3] =	sbarrier.arrive $0xFFFF  }
0x8b: {  	_ =	shalt  }

// kernel: kernel.25.cloned.1.call-start
scs
__scs_entry_jumppad:
0x0: {  	(pc) =	sbr.rel $0x88, $3  }
0x1: {  	(tag) =	ssettag $0x0;
	lr =	simm.s32 $0x1  }
0x2: {  	[smem:$0x3F93] =	sst lr;
	_ =	strace $0xD0000000  }
0x3: {  	_ = 	snop  }
0x4: {  	_ = 	snop  }
0x5: {  	_ = 	snop  }
0x6: {  	_ = 	snop  }
0x7: {  	_ = 	snop  }
__scs_overlays_trampoline_lowered:
0x8: {  	[smem:$0x3FA2] =	sst s0  }
0x9: {  	[smem:$0x3FA3] =	sst s1  }
0xa: {  	[smem:$0x3FA4] =	sst s2  }
0xb: {  	[smem:$0x3FA5] =	sst s3  }
0xc: {  	[smem:$0x3FA6] =	sst s4  }
0xd: {  	[smem:$0x3FA7] =	sst s5  }
0xe: {  	[smem:$0x3FA8] =	sst s6  }
0xf: {  	[smem:$0x3FA9] =	sst s7  }
0x10: {  	[smem:$0x3FAA] =	sst s8  }
0x11: {  	[smem:$0x3FAB] =	sst s9;
	s0 =	simm.s32 @!p0 $0x0  }
0x12: {  	s1 =	sld [smem:$0x3F91];
	s0 =	simm.s32 @p0 $0x1  }
0x13: {  	[smem:$0x3FAC] =	sst s0;
	s0 =	simm.s32 @!p1 $0x0  }
0x14: {  	s2 =	sld [smem:$0x3F90];
	s0 =	simm.s32 @p1 $0x1  }
0x15: {  	[smem:$0x3FAD] =	sst s0;
	s0 =	simm.s32 @!p2 $0x0  }
0x16: {  	s3 =	sld [smem:$0x3FDB];
	s0 =	simm.s32 @p2 $0x1  }
0x17: {  	s4 =	simm.s32 $0x1BF5;
	[smem:$0x3FAF] =	sst s0  }
0x18: {  	s0 =	sld [smem:$0x3F92];
	_ =	swait.ge [sflag:s4], $0x0  }
0x19: {  	s7 =	sld [smem:$0x3F93]  }
0x1a: {  	s8 =	sadd.s32 $0xFFFFE003, lr  }
0x1b: {  	s9 =	sadd.s32 $0xFFFFFEF7, lr;
	s5 =	simm.s32 $0xFFFFFFFF;
	p2 =	slt.u32 s8, $0xFFFFF086  }
0x1c: {  	p1 =	slt.u32 s9, $0xF7A;
	s5 =	simm.s32 @!p2 $0x0  }
0x1d: {  	s5 =	simm.s32 @p1 $0x1;
	p0 =	seq.s32 s7, s2  }
0x1e: {  	s7 =	smul.u32 @!p0 $0xF7A, s2;
	p2 =	seq.s32 @!p0 s5, $0x0  }
0x1f: {  	s9 =	smul.u32 $0xF7A, s1;
	s8 =	simm.s32 @!p0 $0x1BF5;
	p2 =	por !p2, p0  }
0x20: {  	[sflag:s8] =	ssyncset.s32 @!p0 $0xFFFFF086;
	s6 =	sadd.s32 @!p0 s3, s7;
	s7 =	simm.s32 @!p0 $0x108  }
0x21: {  	s3 =	sadd.s32 s3, s9;
	s6 =	sadd.s32 @!p0 $0x88, s6;
	s7 =	simm.s32 @p2 $0x1082  }
0x22: {  	[simem:s7], [sflag:s8] =	dma.local @!p0 [hbm:s6], $0xF7A  }
0x23: {  	s9 =	sor.u32 $0xD0000000, s2;
	s6 =	simm.s32 $0x108;
	_ =	swait.ge @!p0 [sflag:s8], $0x0  }
0x24: {  	s3 =	sadd.s32 $0x88, s3;
	s6 =	simm.s32 @!p1 $0x1082;
	[sflag:s4] =	ssyncset.s32 $0xFFFFF086  }
0x25: {  	[simem:s6], [sflag:s4] =	dma.local [hbm:s3], $0xF7A  }
0x26: {  	[smem:$0x3F93] =	sst s1;
	(tag) =	ssettag s2;
	_ =	strace s9  }
0x27: {  	s1 =	sld [smem:$0x3FA3]  }
0x28: {  	s2 =	sld [smem:$0x3FA4]  }
0x29: {  	s4 =	sld [smem:$0x3FA6]  }
0x2a: {  	p0 =	seq.s32 s5, $0x0;
	s5 =	sld [smem:$0x3FA7]  }
0x2b: {  	s6 =	sld [smem:$0x3FA8]  }
0x2c: {  	s7 =	sld [smem:$0x3FA9]  }
0x2d: {  	s3 =	simm.s32 $0x108;
	s8 =	sld [smem:$0x3FAA]  }
0x2e: {  	s3 =	simm.s32 @!p0 $0x1082;
	s9 =	sld [smem:$0x3FAB]  }
0x2f: {  	lr =	sadd.s32 s0, s3;
	s0 =	sld [smem:$0x3FA2]  }
0x30: {  	s3 =	sld [smem:$0x3FA5]  }
0x31: {  	[smem:$0x3FAE] =	sst s10  }
0x32: {  	s10 =	sld [smem:$0x3FAC];
	_ =	sdelay $0x3  }
0x33: {  	p0 =	seq.s32 s10, $0x1;
	s10 =	sld [smem:$0x3FAE];
	_ =	sdelay $0x3  }
0x34: {  	[smem:$0x3FAE] =	sst s10  }
0x35: {  	s10 =	sld [smem:$0x3FAD];
	_ =	sdelay $0x3  }
0x36: {  	p1 =	seq.s32 s10, $0x1;
	s10 =	sld [smem:$0x3FAE];
	_ =	sdelay $0x3  }
0x37: {  	[smem:$0x3FAE] =	sst s10  }
0x38: {  	s10 =	sld [smem:$0x3FAF]  }
0x39: {  	_ = 	snop;
	(pc) =	sbr.ind lr, $3  }
0x3a: {  	_ = 	snop  }
0x3b: {  	_ = 	snop  }
0x3c: {  	p2 =	seq.s32 s10, $0x1;
	s10 =	sld [smem:$0x3FAE]  }
0x3d: {  	_ =	shalt  }
0x3e: {  	_ =	shalt  }
0x3f: {  	_ =	shalt  }
0x40: {  	_ =	shalt  }
0x41: {  	_ =	shalt  }
0x42: {  	_ =	shalt  }
0x43: {  	_ =	shalt  }
0x44: {  	_ =	shalt  }
0x45: {  	_ =	shalt  }
0x46: {  	_ =	shalt  }
0x47: {  	_ =	shalt  }
0x48: {  	_ =	shalt  }
0x49: {  	_ =	shalt  }
0x4a: {  	_ =	shalt  }
0x4b: {  	_ =	shalt  }
0x4c: {  	_ =	shalt  }
0x4d: {  	_ =	shalt  }
0x4e: {  	_ =	shalt  }
0x4f: {  	_ =	shalt  }
0x50: {  	_ =	shalt  }
0x51: {  	_ =	shalt  }
0x52: {  	_ =	shalt  }
0x53: {  	_ =	shalt  }
0x54: {  	_ =	shalt  }
0x55: {  	_ =	shalt  }
0x56: {  	_ =	shalt  }
0x57: {  	_ =	shalt  }
0x58: {  	_ =	shalt  }
0x59: {  	_ =	shalt  }
0x5a: {  	_ =	shalt  }
0x5b: {  	_ =	shalt  }
0x5c: {  	_ =	shalt  }
0x5d: {  	_ =	shalt  }
0x5e: {  	_ =	shalt  }
0x5f: {  	_ =	shalt  }
0x60: {  	_ =	shalt  }
0x61: {  	_ =	shalt  }
0x62: {  	_ =	shalt  }
0x63: {  	_ =	shalt  }
0x64: {  	_ =	shalt  }
0x65: {  	_ =	shalt  }
0x66: {  	_ =	shalt  }
0x67: {  	_ =	shalt  }
0x68: {  	_ =	shalt  }
0x69: {  	_ =	shalt  }
0x6a: {  	_ =	shalt  }
0x6b: {  	_ =	shalt  }
0x6c: {  	_ =	shalt  }
0x6d: {  	_ =	shalt  }
0x6e: {  	_ =	shalt  }
0x6f: {  	_ =	shalt  }
0x70: {  	_ =	shalt  }
0x71: {  	_ =	shalt  }
0x72: {  	_ =	shalt  }
0x73: {  	_ =	shalt  }
0x74: {  	_ =	shalt  }
0x75: {  	_ =	shalt  }
0x76: {  	_ =	shalt  }
0x77: {  	_ =	shalt  }
0x78: {  	_ =	shalt  }
0x79: {  	_ =	shalt  }
0x7a: {  	_ =	shalt  }
0x7b: {  	_ =	shalt  }
0x7c: {  	_ =	shalt  }
0x7d: {  	_ =	shalt  }
0x7e: {  	_ =	shalt  }
0x7f: {  	_ =	shalt  }
0x80: {  	_ =	shalt  }
0x81: {  	_ =	shalt  }
0x82: {  	_ =	shalt  }
0x83: {  	_ =	shalt  }
0x84: {  	_ =	shalt  }
0x85: {  	_ =	shalt  }
0x86: {  	_ =	shalt  }
0x87: {  	_ =	shalt  }
.Lfunc_end0:
.L_simem_size_0:
called_computation.3_lowered:
.L_overlay_start_0:
0x88: {  	s2 =	sld [smem:$0x3FD9]  }
0x89: {  	s3 =	sld [smem:$0x3FFE];
	_ =	sdelay $0x1  }
0x8a: {  	s1 =	srdreg.scid  }
0x8b: {  	s0 =	sand.u32 $0x1, s1  }
0x8c: {  	s17 =	sshll.u32 s0, $0xA;
	s2 =	sadd.s32 s3, s2  }
0x8d: {  	s2 =	sadd.s32 s2, s17  }
0x8e: {  	[smem:$0x3FBA] =	sst s2  }
0x8f: {  	_ = 	snop  }
0x90: {  	(tm) =	ssettm $0x1  }
0x91: {  	s18 =	sld [smem:$0x3FFB];
	_ =	sdelay $0x3  }
0x92: {  	_ =	strace s18  }
0x93: {  	s2 =	sld [smem:$0x3FFC];
	_ =	sdelay $0x3  }
0x94: {  	_ =	strace s2  }
0x95: {  	s2 =	sld [smem:$0x3FFD];
	_ =	sdelay $0x3  }
0x96: {  	_ =	strace s2  }
0x97: {  	_ =	strace $0x8FFFFFFF  }
0x98: {  	s19 =	sld [smem:$0x3FDB];
	_ =	sdelay $0x1  }
0x99: {  	s20 =	simm.s32 $_scs_section_size  }
0x9a: {  	s4 =	simm.s32 $_size__tile_overlayer_lowered;
	s5 =	simm.s32 $_tile_overlayer_lowered  }
0x9b: {  	s6 =	simm.s32 $0x1BFF;
	s21 =	sshll.u32 s5, $0x1;
	s3 =	sadd.s32 s20, s19  }
0x9c: {  	s22 =	simm.s32 $0x0;
	s4 =	sshll.u32 s4, $0x1;
	s5 =	sadd.s32 s21, s3  }
0x9d: {  	[timem:s22], [sflag:s6] =	dma.local [hbm:s5], s4  }
0x9e: {  	_ =	swait.ge [sflag:s6], s4  }
0x9f: {  	s4 =	ssub.s32 $0x0, s4;
	[sflag:s6] =	ssyncset.done $0x0  }
0xa0: {  	[sflag:s6] =	ssyncadd.s32 s4;
	_ =	sdelay $0x1  }
0xa1: {  	s23 =	simm.s32 $0x1B8B  }
0xa2: {  	_ =	swait.ge [sflag:s23], $0x1  }
0xa3: {  	[sflag:s23] =	ssyncset.done $0x0  }
0xa4: {  	[sflag:s23] =	ssyncadd.s32 $0xFFFFFFFF  }
0xa5: {  	s4 =	sld [smem:$0x0]  }
0xa6: {  	s5 =	sand.u32 $0xFFFFFFFE, s1  }
0xa7: {  	p0 =	sne.s32 s1, s5  }
0xa8: {  	s5 =	sshll.u32 @p0 s5, $0xE  }
0xa9: {  	s5 =	sadd.s32 @p0 $0x11B8D, s5;
	s6 =	sshll.u32 @p0 s4, $0x11  }
0xaa: {  	s5 =	sor.u32 @p0 s6, s5  }
0xab: {  	[sflag:s5] =	ssyncadd.remote.s32 @p0 $0x1;
	_ =	sdelay $0x1  }
0xac: {  	s5 =	simm.s32 @p0 $0x1B8D  }
0xad: {  	_ =	swait.eq @p0 [sflag:s5], $0x1  }
0xae: {  	[sflag:s5] =	ssyncadd.s32 @p0 $0xFFFFFFFF  }
0xaf: {  	s6 =	sshll.u32 @!p0 s1, $0xE  }
0xb0: {  	s6 =	sor.u32 @!p0 $0x4000, s6;
	s5 =	simm.s32 @!p0 $0x1B8D  }
0xb1: {  	s4 =	sshll.u32 @!p0 s4, $0x11;
	s6 =	sadd.s32 @!p0 $0x11B8D, s6;
	_ =	swait.eq @!p0 [sflag:s5], $0x1  }
0xb2: {  	s4 =	sor.u32 @!p0 s4, s6;
	[sflag:s5] =	ssyncadd.s32 @!p0 $0xFFFFFFFF  }
0xb3: {  	s25 =	simm.s32 $0x1B8E;
	s24 =	sld [smem:$0x3FFE];
	[sflag:s4] =	ssyncadd.remote.s32 @!p0 $0x1  }
0xb4: {  	s26 =	simm.s32 $execute0_lowered;
	[smem:$0x3FD2] =	sst s25  }
0xb5: {  	s5 =	sshll.u32 s26, $0x1;
	_ =	strace $0x8000004C;
	[dreg:$0x1] =	wrdreg $0xFFFFFFFF  }
0xb6: {  	s28 =	simm.s32 $_size_execute0_lowered;
	s3 =	sadd.s32 s3, s5;
	[dreg:$0x0] =	wrdreg $0x0  }
0xb7: {  	s5 =	sshll.u32 s28, $0x1;
	[dreg:$0x2] =	wrdreg s3  }
0xb8: {  	[dreg:$0x3] =	wrdreg s5  }
0xb9: {  	[dreg:$0x4] =	wrdreg $0xC0  }
0xba: {  	_ =	task [dreg:s22], $0x5FFFF  }
0xbb: {  	[dreg:$0x1] =	wrdreg $0xFFFFFFFF  }
0xbc: {  	[dreg:$0x0] =	wrdreg $0x60  }
0xbd: {  	[dreg:$0x2] =	wrdreg s24  }
0xbe: {  	[dreg:$0x3] =	wrdreg $0x94000  }
0xbf: {  	[dreg:$0x4] =	wrdreg $0xA  }
0xc0: {  	_ =	task.clear_ibuf [dreg:s22], $0x5FFFF;
	_ =	strace $0x9000004C  }
0xc1: {  	s29 =	simm.s32 $0xA;
	_ =	strace $0x8000004E  }
0xc2: {  	_ =	swait.ge [sflag:s29], $0x1  }
0xc3: {  	[sflag:s29] =	ssyncadd.s32 $0xFFFFFFFF  }
0xc4: {  	_ =	strace $0x9000004E  }
0xc5: {  	_ =	sfence  }
0xc6: {  	s30 =	sld [smem:$0x0];
	_ =	sdelay $0x2  }
0xc7: {  	s31 =	sshll.u32 s1, $0xD;
	s1 =	sshrl.u32 s1, $0x2  }
0xc8: {  	s4 =	sand.u32 $0x4000, s31;
	s1 =	sadd.s32 s1, s30  }
0xc9: {  	s0 =	sor.u32 s4, s0;
	s1 =	sshll.u32 s1, $0x11  }
0xca: {  	s0 =	sor.u32 s1, s0  }
0xcb: {  	s0 =	sadd.s32 $0x8F2B, s0  }
0xcc: {  	[sflag:s0] =	ssyncadd.remote.s32 $0x1  }
0xcd: {  	_ =	sfence.sel $0xFFFF  }
0xce: {  	[dreg:$0x0] =	wrdreg $0xFFFFFFFF;
	(pc) =	sbr.abs _section_cstart, $3  }
0xcf: {  	[dreg:$0x1] =	wrdreg $0xFFFFFFFF  }
0xd0: {  	_ =	task.clear_ibuf [dreg:s22], $0x2FFFF;
	_ =	strace $0x9FFFFFFF  }
0xd1: {  	(tm) =	ssettm $0x7FFFFFFF  }
tec
execute0_lowered:
.L_overlay_start_1:
0x0: {  	(tag) =	ssettag $0x1  }
0x1: {  	s4 =	rddreg [dreg:$0x0]  }
0x2: {  	s2 =	rddreg [dreg:$0x1]  }
0x3: {  	s3 =	srdreg.scid;
	s1 =	stileid.u32  }
0x4: {  	s0 =	rddreg [dreg:$0x2];
	s17 =	simm.s32 $0x5400;
	s18 =	simm.s32 $0x1  }
0x5: {  	s19 =	simm.s32 $0x80;
	s20 =	simm.s32 $0x2;
	s21 =	simm.s32 $0x3  }
0x6: {  	s22 =	simm.s32 $0x4;
	s23 =	simm.s32 $0x0;
	s7 =	smul.u32 $0x13C00, s1  }
0x7: {  	s5 =	sand.u32 $0x1, s3;
	s6 =	sshll.u32 s1, $0x1;
	s11 =	smul.u32 $0x4F000, s1  }
0x8: {  	s3 =	simm.s32 $0x0;
	s12 =	sadd.s32 $0x799200, s4;
	s28 =	smul.u32 $0x50, s1  }
0x9: {  	s30 =	sshll.u32 s1, $0x6;
	s6 =	sor.u32 s5, s6;
	s10 =	smul.u32 $0x13C000, s5  }
0xa: {  	[smem:$0x7FF] =	sst s3;
	s26 =	ssub.s32 $0x2, s5;
	s31 =	smul.u32 $0x28, s5  }
0xb: {  	s5 =	sor.u32 $0x1C05, s30;
	s8 =	smul.u32 $0x280, s6;
	_ =	strace $0x8000004D  }
0xc: {  	s9 =	sshrl.u32 s7, $0x3;
	s13 =	sshrl.u32 s26, $0x1;
	s14 =	smul.u32 $0x14000, s6  }
0xd: {  	s29 =	sshrl.u32 s11, $0x2;
	s9 =	sadd.s32 s9, s4;
	s7 =	sadd.s32 s7, s10  }
0xe: {  	s10 =	ssub.s32 s26, s13;
	s16 =	sadd.s32 s29, s2;
	s11 =	sadd.s32 s31, s28  }
0xf: {  	s8 =	sadd.s32 s8, s4;
	s7 =	sshrl.u32 s7, $0x3;
	s13 =	sshll.u32 s11, $0xB  }
.Ltmp0:
0x10: {  	s10 =	smax.u32 s10, $0x1;
	s15 =	sadd.s32 s7, s4;
	(pc) =	sbr.rel .LBB2_1-.Ltmp0, $4  }
0x11: {  	s4 =	sadd.s32 $0x19200, s9;
	s6 =	sadd.s32 $0x5200, s8;
	s7 =	sadd.s32 s12, s14  }
0x12: {  	s13 =	sadd.s32 s13, s12;
	s14 =	sshrl.u32 s16, $0x3;
	s16 =	simm.s32 $0x1400  }
0x13: {  	s8 =	sadd.s32 $0x800, s7;
	s9 =	sadd.s32 $0x40A00, s15;
	s11 =	sadd.s32 $0x1000, s7  }
0x14: {  	s12 =	sadd.s32 $0x2000, s13;
	s13 =	sadd.s32 $0x1800, s13;
	s15 =	simm.s32 $0x5  }
.LBB2_4:
0x15: {  	_ =	swait.ge [sflag:s22], $0x4000  }
0x16: {  	s23 =	sadd.s32 $0x1, s23;
	[sflag:s22] =	ssyncset.done $0x0  }
0x17: {  	p0 =	sne.s32 s23, s10;
	[sflag:s22] =	ssyncadd.s32 $0xFFFFC000  }
.Ltmp1:
0x18: {  	[bflag:$0x0] =	sbarrier.arrive $0xFFFF;
	(pc) =	sbr.rel @!p0 .LBB2_5-.Ltmp1, $4  }
0x19: {  	[hbm:s9], [sflag:s5] =	dma.local [spmem:s14], $0x2780  }
0x1a: {  	_ =	swait.ge [sflag:s15], $0x2780  }
0x1b: {  	[sflag:s15] =	ssyncset.done $0x0  }
0x1c: {  	[sflag:s15] =	ssyncadd.s32 $0xFFFFD880  }
.LBB2_1:
0x1d: {  	[spmem:s14], [sflag:s5] =	dma.local [hbm:s4], $0x2780  }
0x1e: {  	_ =	swait.ge [sflag:s15], $0x2780  }
0x1f: {  	[sflag:s15] =	ssyncset.done $0x0  }
0x20: {  	[sflag:s15] =	ssyncadd.s32 $0xFFFFD880  }
0x21: {  	[tilespmem:s3], [sflag:$0x5] =	stream.linear.gather [hbm4b:s6+s3], $0x1400, $0x38;
	[tilespmem:$0x1D000] =	vst v63  }
0x22: {  	_ =	swait.ge [sflag:s15], $0x1400  }
0x23: {  	[sflag:s15] =	ssyncset.done $0x0  }
0x24: {  	[sflag:s15] =	ssyncadd.s32 $0xFFFFEC00  }
0x25: {  	[bflag:$0x0] =	sbarrier.arrive $0xFFFF  }
0x26: {  	[tilespmem:s16], [sflag:$0x1] =	stream.linear.gather [hbm4b:s7+s3], $0x4000, $0x38;
	[tilespmem:$0x1D000] =	vst v63  }
0x27: {  	_ = 	snop  }
0x28: {  	[tilespmem:s17], [sflag:$0x2] =	stream.linear.gather [hbm4b:s8+s3], $0x4000, $0x38;
	[tilespmem:$0x1D000] =	vst v63  }
0x29: {  	_ =	swait.ge [sflag:s18], $0x4000  }
0x2a: {  	[sflag:s18] =	ssyncset.done $0x0  }
0x2b: {  	[sflag:s18] =	ssyncadd.s32 $0xFFFFC000  }
0x2c: {  	[spmem:s2] =	stream.indirect.scatter.add.f32 [tilespmem:s16], [sflag:$0x3], $0x80, s3, s19, $0xb8;
	[tilespmem:$0x1D000] =	vst v63  }
0x2d: {  	_ =	swait.ge [sflag:s20], $0x4000  }
0x2e: {  	[sflag:s20] =	ssyncset.done $0x0  }
0x2f: {  	[sflag:s20] =	ssyncadd.s32 $0xFFFFC000  }
0x30: {  	[spmem:s2] =	stream.indirect.scatter.add.f32 [tilespmem:s17], [sflag:$0x4], $0x80, s19, s19, $0xb8;
	[tilespmem:$0x1D000] =	vst v63  }
0x31: {  	_ =	swait.ge [sflag:s21], $0x4000  }
0x32: {  	[sflag:s21] =	ssyncset.done $0x0  }
0x33: {  	s24 =	simm.s32 $0x180;
	s25 =	simm.s32 $0x0;
	[sflag:s21] =	ssyncadd.s32 $0xFFFFC000  }
0x34: {  	[tilespmem:s16], [sflag:$0x1] =	stream.linear.gather [hbm4b:s11+s3], $0x4000, $0x38;
	[tilespmem:$0x1D000] =	vst v63  }
.LBB2_2:
0x35: {  	_ =	swait.ge [sflag:s18], $0x4000  }
0x36: {  	[sflag:s18] =	ssyncset.done $0x0  }
0x37: {  	s26 =	sadd.s32 $0xFFFFFF80, s24;
	[sflag:s18] =	ssyncadd.s32 $0xFFFFC000  }
0x38: {  	[spmem:s2] =	stream.indirect.scatter.add.f32 [tilespmem:s16], [sflag:$0x3], $0x80, s26, s19, $0xb8;
	[tilespmem:$0x1D000] =	vst v63  }
0x39: {  	_ =	swait.ge [sflag:s22], $0x4000  }
0x3a: {  	[sflag:s22] =	ssyncset.done $0x0  }
0x3b: {  	s31 =	sadd.s32 s25, s13;
	[sflag:s22] =	ssyncadd.s32 $0xFFFFC000  }
0x3c: {  	[tilespmem:s17], [sflag:$0x2] =	stream.linear.gather [hbm4b:s31+s3], $0x4000, $0x38;
	[tilespmem:$0x1D000] =	vst v63  }
0x3d: {  	_ =	swait.ge [sflag:s20], $0x4000  }
0x3e: {  	p0 =	seq.s32 s25, $0x12000;
	[sflag:s20] =	ssyncset.done $0x0  }
.Ltmp2:
0x3f: {  	[sflag:s20] =	ssyncadd.s32 $0xFFFFC000;
	(pc) =	sbr.rel @p0 .LBB2_4-.Ltmp2, $4  }
0x40: {  	[spmem:s2] =	stream.indirect.scatter.add.f32 [tilespmem:s17], [sflag:$0x4], $0x80, s24, s19, $0xb8;
	[tilespmem:$0x1D000] =	vst v63  }
0x41: {  	_ =	swait.ge [sflag:s21], $0x4000  }
0x42: {  	[sflag:s21] =	ssyncset.done $0x0  }
0x43: {  	[sflag:s21] =	ssyncadd.s32 $0xFFFFC000  }
.Ltmp3:
0x44: {  	(pc) =	sbr.rel .LBB2_2-.Ltmp3, $3  }
0x45: {  	_ =	sdelay $0x1  }
0x46: {  	s26 =	sadd.s32 s25, s12;
	s25 =	sadd.s32 $0x1000, s25;
	s24 =	sadd.s32 $0x100, s24  }
0x47: {  	[tilespmem:s16], [sflag:$0x1] =	stream.linear.gather [hbm4b:s26+s3], $0x4000, $0x38;
	[tilespmem:$0x1D000] =	vst v63  }
.LBB2_5:
0x48: {  	_ =	sfence.sel $0x180000  }
0x49: {  	[bflag:$0x0] =	sbarrier.arrive $0xFFFF  }
0x4a: {  	p0 =	sne.s32 s1, $0x0;
	_ =	strace $0x9000004D  }
0x4b: {  	s0 =	sadd.s32 @!p0 $0x100000, s0;
	[bflag:$0x2] =	sbarrier.arrive $0xFFFF  }
0x4c: {  	[sflag:s0] =	ssyncadd.tile.s32 @!p0 $0x1;
	_ =	shalt  }
.Lfunc_end2:
_tile_overlayer_lowered:
.L_overlay_start_2:
0x4d: {  	(tag) =	ssettag $0x2  }
0x4e: {  	s0 =	rddreg [dreg:$0x0];
	s2 =	stileid.u32  }
0x4f: {  	s1 =	rddreg [dreg:$0x1];
	p0 =	sne.s32 s2, $0x0  }
0x50: {  	s3 =	rddreg [dreg:$0x2];
	[bflag:$0x3] =	sbarrier.arrive $0xFFFF;
	s2 =	simm.s32 @!p0 $0x1C05  }
0x51: {  	[timem:s3], [sflag:s2] =	dma.local @!p0 [hbm:s0], s1  }
0x52: {  	s0 =	simm.s32 @!p0 $0x5  }
0x53: {  	_ =	swait.ge @!p0 [sflag:s0], s1  }
0x54: {  	s1 =	ssub.s32 @!p0 $0x0, s1;
	[sflag:s0] =	ssyncset.done @!p0 $0x0  }
0x55: {  	[sflag:s0] =	ssyncadd.s32 @!p0 s1  }
0x56: {  	[bflag:$0x3] =	sbarrier.arrive $0xFFFF  }
0x57: {  	_ =	shalt  }

// kernel: kernel.28.cloned.1.call-start
scs
__scs_entry_jumppad:
0x0: {  	(pc) =	sbr.rel $0x88, $3  }
0x1: {  	(tag) =	ssettag $0x0;
	lr =	simm.s32 $0x1  }
0x2: {  	[smem:$0x3F93] =	sst lr;
	_ =	strace $0xD0000000  }
0x3: {  	_ = 	snop  }
0x4: {  	_ = 	snop  }
0x5: {  	_ = 	snop  }
0x6: {  	_ = 	snop  }
0x7: {  	_ = 	snop  }
__scs_overlays_trampoline_lowered:
0x8: {  	[smem:$0x3FA2] =	sst s0  }
0x9: {  	[smem:$0x3FA3] =	sst s1  }
0xa: {  	[smem:$0x3FA4] =	sst s2  }
0xb: {  	[smem:$0x3FA5] =	sst s3  }
0xc: {  	[smem:$0x3FA6] =	sst s4  }
0xd: {  	[smem:$0x3FA7] =	sst s5  }
0xe: {  	[smem:$0x3FA8] =	sst s6  }
0xf: {  	[smem:$0x3FA9] =	sst s7  }
0x10: {  	[smem:$0x3FAA] =	sst s8  }
0x11: {  	[smem:$0x3FAB] =	sst s9;
	s0 =	simm.s32 @!p0 $0x0  }
0x12: {  	s1 =	sld [smem:$0x3F91];
	s0 =	simm.s32 @p0 $0x1  }
0x13: {  	[smem:$0x3FAC] =	sst s0;
	s0 =	simm.s32 @!p1 $0x0  }
0x14: {  	s2 =	sld [smem:$0x3F90];
	s0 =	simm.s32 @p1 $0x1  }
0x15: {  	[smem:$0x3FAD] =	sst s0;
	s0 =	simm.s32 @!p2 $0x0  }
0x16: {  	s3 =	sld [smem:$0x3FDB];
	s0 =	simm.s32 @p2 $0x1  }
0x17: {  	s4 =	simm.s32 $0x1BF5;
	[smem:$0x3FAF] =	sst s0  }
0x18: {  	s0 =	sld [smem:$0x3F92];
	_ =	swait.ge [sflag:s4], $0x0  }
0x19: {  	s7 =	sld [smem:$0x3F93]  }
0x1a: {  	s8 =	sadd.s32 $0xFFFFE003, lr  }
0x1b: {  	s9 =	sadd.s32 $0xFFFFFEF7, lr;
	s5 =	simm.s32 $0xFFFFFFFF;
	p2 =	slt.u32 s8, $0xFFFFF086  }
0x1c: {  	p1 =	slt.u32 s9, $0xF7A;
	s5 =	simm.s32 @!p2 $0x0  }
0x1d: {  	s5 =	simm.s32 @p1 $0x1;
	p0 =	seq.s32 s7, s2  }
0x1e: {  	s7 =	smul.u32 @!p0 $0xF7A, s2;
	p2 =	seq.s32 @!p0 s5, $0x0  }
0x1f: {  	s9 =	smul.u32 $0xF7A, s1;
	s8 =	simm.s32 @!p0 $0x1BF5;
	p2 =	por !p2, p0  }
0x20: {  	[sflag:s8] =	ssyncset.s32 @!p0 $0xFFFFF086;
	s6 =	sadd.s32 @!p0 s3, s7;
	s7 =	simm.s32 @!p0 $0x108  }
0x21: {  	s3 =	sadd.s32 s3, s9;
	s6 =	sadd.s32 @!p0 $0x88, s6;
	s7 =	simm.s32 @p2 $0x1082  }
0x22: {  	[simem:s7], [sflag:s8] =	dma.local @!p0 [hbm:s6], $0xF7A  }
0x23: {  	s9 =	sor.u32 $0xD0000000, s2;
	s6 =	simm.s32 $0x108;
	_ =	swait.ge @!p0 [sflag:s8], $0x0  }
0x24: {  	s3 =	sadd.s32 $0x88, s3;
	s6 =	simm.s32 @!p1 $0x1082;
	[sflag:s4] =	ssyncset.s32 $0xFFFFF086  }
0x25: {  	[simem:s6], [sflag:s4] =	dma.local [hbm:s3], $0xF7A  }
0x26: {  	[smem:$0x3F93] =	sst s1;
	(tag) =	ssettag s2;
	_ =	strace s9  }
0x27: {  	s1 =	sld [smem:$0x3FA3]  }
0x28: {  	s2 =	sld [smem:$0x3FA4]  }
0x29: {  	s4 =	sld [smem:$0x3FA6]  }
0x2a: {  	p0 =	seq.s32 s5, $0x0;
	s5 =	sld [smem:$0x3FA7]  }
0x2b: {  	s6 =	sld [smem:$0x3FA8]  }
0x2c: {  	s7 =	sld [smem:$0x3FA9]  }
0x2d: {  	s3 =	simm.s32 $0x108;
	s8 =	sld [smem:$0x3FAA]  }
0x2e: {  	s3 =	simm.s32 @!p0 $0x1082;
	s9 =	sld [smem:$0x3FAB]  }
0x2f: {  	lr =	sadd.s32 s0, s3;
	s0 =	sld [smem:$0x3FA2]  }
0x30: {  	s3 =	sld [smem:$0x3FA5]  }
0x31: {  	[smem:$0x3FAE] =	sst s10  }
0x32: {  	s10 =	sld [smem:$0x3FAC];
	_ =	sdelay $0x3  }
0x33: {  	p0 =	seq.s32 s10, $0x1;
	s10 =	sld [smem:$0x3FAE];
	_ =	sdelay $0x3  }
0x34: {  	[smem:$0x3FAE] =	sst s10  }
0x35: {  	s10 =	sld [smem:$0x3FAD];
	_ =	sdelay $0x3  }
0x36: {  	p1 =	seq.s32 s10, $0x1;
	s10 =	sld [smem:$0x3FAE];
	_ =	sdelay $0x3  }
0x37: {  	[smem:$0x3FAE] =	sst s10  }
0x38: {  	s10 =	sld [smem:$0x3FAF]  }
0x39: {  	_ = 	snop;
	(pc) =	sbr.ind lr, $3  }
0x3a: {  	_ = 	snop  }
0x3b: {  	_ = 	snop  }
0x3c: {  	p2 =	seq.s32 s10, $0x1;
	s10 =	sld [smem:$0x3FAE]  }
0x3d: {  	_ =	shalt  }
0x3e: {  	_ =	shalt  }
0x3f: {  	_ =	shalt  }
0x40: {  	_ =	shalt  }
0x41: {  	_ =	shalt  }
0x42: {  	_ =	shalt  }
0x43: {  	_ =	shalt  }
0x44: {  	_ =	shalt  }
0x45: {  	_ =	shalt  }
0x46: {  	_ =	shalt  }
0x47: {  	_ =	shalt  }
0x48: {  	_ =	shalt  }
0x49: {  	_ =	shalt  }
0x4a: {  	_ =	shalt  }
0x4b: {  	_ =	shalt  }
0x4c: {  	_ =	shalt  }
0x4d: {  	_ =	shalt  }
0x4e: {  	_ =	shalt  }
0x4f: {  	_ =	shalt  }
0x50: {  	_ =	shalt  }
0x51: {  	_ =	shalt  }
0x52: {  	_ =	shalt  }
0x53: {  	_ =	shalt  }
0x54: {  	_ =	shalt  }
0x55: {  	_ =	shalt  }
0x56: {  	_ =	shalt  }
0x57: {  	_ =	shalt  }
0x58: {  	_ =	shalt  }
0x59: {  	_ =	shalt  }
0x5a: {  	_ =	shalt  }
0x5b: {  	_ =	shalt  }
0x5c: {  	_ =	shalt  }
0x5d: {  	_ =	shalt  }
0x5e: {  	_ =	shalt  }
0x5f: {  	_ =	shalt  }
0x60: {  	_ =	shalt  }
0x61: {  	_ =	shalt  }
0x62: {  	_ =	shalt  }
0x63: {  	_ =	shalt  }
0x64: {  	_ =	shalt  }
0x65: {  	_ =	shalt  }
0x66: {  	_ =	shalt  }
0x67: {  	_ =	shalt  }
0x68: {  	_ =	shalt  }
0x69: {  	_ =	shalt  }
0x6a: {  	_ =	shalt  }
0x6b: {  	_ =	shalt  }
0x6c: {  	_ =	shalt  }
0x6d: {  	_ =	shalt  }
0x6e: {  	_ =	shalt  }
0x6f: {  	_ =	shalt  }
0x70: {  	_ =	shalt  }
0x71: {  	_ =	shalt  }
0x72: {  	_ =	shalt  }
0x73: {  	_ =	shalt  }
0x74: {  	_ =	shalt  }
0x75: {  	_ =	shalt  }
0x76: {  	_ =	shalt  }
0x77: {  	_ =	shalt  }
0x78: {  	_ =	shalt  }
0x79: {  	_ =	shalt  }
0x7a: {  	_ =	shalt  }
0x7b: {  	_ =	shalt  }
0x7c: {  	_ =	shalt  }
0x7d: {  	_ =	shalt  }
0x7e: {  	_ =	shalt  }
0x7f: {  	_ =	shalt  }
0x80: {  	_ =	shalt  }
0x81: {  	_ =	shalt  }
0x82: {  	_ =	shalt  }
0x83: {  	_ =	shalt  }
0x84: {  	_ =	shalt  }
0x85: {  	_ =	shalt  }
0x86: {  	_ =	shalt  }
0x87: {  	_ =	shalt  }
.Lfunc_end0:
.L_simem_size_0:
called_computation.4_lowered:
.L_overlay_start_0:
0x88: {  	s2 =	sld [smem:$0x3FD9]  }
0x89: {  	s3 =	sld [smem:$0x3FFE];
	_ =	sdelay $0x1  }
0x8a: {  	s1 =	srdreg.scid  }
0x8b: {  	s0 =	sand.u32 $0x1, s1  }
0x8c: {  	s17 =	sshll.u32 s0, $0xA;
	s2 =	sadd.s32 s3, s2  }
0x8d: {  	s2 =	sadd.s32 s2, s17  }
0x8e: {  	[smem:$0x3FBA] =	sst s2  }
0x8f: {  	_ = 	snop  }
0x90: {  	(tm) =	ssettm $0x1  }
0x91: {  	s18 =	sld [smem:$0x3FFB];
	_ =	sdelay $0x3  }
0x92: {  	_ =	strace s18  }
0x93: {  	s2 =	sld [smem:$0x3FFC];
	_ =	sdelay $0x3  }
0x94: {  	_ =	strace s2  }
0x95: {  	s2 =	sld [smem:$0x3FFD];
	_ =	sdelay $0x3  }
0x96: {  	_ =	strace s2  }
0x97: {  	_ =	strace $0x8FFFFFFF  }
0x98: {  	s19 =	sld [smem:$0x3FDB];
	_ =	sdelay $0x1  }
0x99: {  	s20 =	simm.s32 $_scs_section_size  }
0x9a: {  	s4 =	simm.s32 $_size__tile_overlayer_lowered;
	s5 =	simm.s32 $_tile_overlayer_lowered  }
0x9b: {  	s6 =	simm.s32 $0x1BFF;
	s21 =	sshll.u32 s5, $0x1;
	s3 =	sadd.s32 s20, s19  }
0x9c: {  	s22 =	simm.s32 $0x0;
	s4 =	sshll.u32 s4, $0x1;
	s5 =	sadd.s32 s21, s3  }
0x9d: {  	[timem:s22], [sflag:s6] =	dma.local [hbm:s5], s4  }
0x9e: {  	_ =	swait.ge [sflag:s6], s4  }
0x9f: {  	s4 =	ssub.s32 $0x0, s4;
	[sflag:s6] =	ssyncset.done $0x0  }
0xa0: {  	[sflag:s6] =	ssyncadd.s32 s4;
	_ =	sdelay $0x1  }
0xa1: {  	s23 =	simm.s32 $0x1B8B  }
0xa2: {  	_ =	swait.ge [sflag:s23], $0x1  }
0xa3: {  	[sflag:s23] =	ssyncset.done $0x0  }
0xa4: {  	[sflag:s23] =	ssyncadd.s32 $0xFFFFFFFF  }
0xa5: {  	s4 =	sld [smem:$0x0]  }
0xa6: {  	s5 =	sand.u32 $0xFFFFFFFE, s1  }
0xa7: {  	p0 =	sne.s32 s1, s5  }
0xa8: {  	s5 =	sshll.u32 @p0 s5, $0xE  }
0xa9: {  	s5 =	sadd.s32 @p0 $0x11B8D, s5;
	s6 =	sshll.u32 @p0 s4, $0x11  }
0xaa: {  	s5 =	sor.u32 @p0 s6, s5  }
0xab: {  	[sflag:s5] =	ssyncadd.remote.s32 @p0 $0x1;
	_ =	sdelay $0x1  }
0xac: {  	s5 =	simm.s32 @p0 $0x1B8D  }
0xad: {  	_ =	swait.eq @p0 [sflag:s5], $0x1  }
0xae: {  	[sflag:s5] =	ssyncadd.s32 @p0 $0xFFFFFFFF  }
0xaf: {  	s6 =	sshll.u32 @!p0 s1, $0xE  }
0xb0: {  	s6 =	sor.u32 @!p0 $0x4000, s6;
	s5 =	simm.s32 @!p0 $0x1B8D  }
0xb1: {  	s4 =	sshll.u32 @!p0 s4, $0x11;
	s6 =	sadd.s32 @!p0 $0x11B8D, s6;
	_ =	swait.eq @!p0 [sflag:s5], $0x1  }
0xb2: {  	s4 =	sor.u32 @!p0 s4, s6;
	[sflag:s5] =	ssyncadd.s32 @!p0 $0xFFFFFFFF  }
0xb3: {  	s25 =	simm.s32 $0x1B8E;
	s24 =	sld [smem:$0x3FFE];
	[sflag:s4] =	ssyncadd.remote.s32 @!p0 $0x1  }
0xb4: {  	s26 =	simm.s32 $execute0_lowered;
	[smem:$0x3FD2] =	sst s25  }
0xb5: {  	s5 =	sshll.u32 s26, $0x1;
	_ =	strace $0x80000055;
	[dreg:$0x1] =	wrdreg $0xFFFFFFFF  }
0xb6: {  	s28 =	simm.s32 $_size_execute0_lowered;
	s3 =	sadd.s32 s3, s5;
	[dreg:$0x0] =	wrdreg $0x0  }
0xb7: {  	s5 =	sshll.u32 s28, $0x1;
	[dreg:$0x2] =	wrdreg s3  }
0xb8: {  	[dreg:$0x3] =	wrdreg s5  }
0xb9: {  	[dreg:$0x4] =	wrdreg $0xC0  }
0xba: {  	_ =	task [dreg:s22], $0x5FFFF  }
0xbb: {  	[dreg:$0x1] =	wrdreg $0xFFFFFFFF  }
0xbc: {  	[dreg:$0x0] =	wrdreg $0x60  }
0xbd: {  	[dreg:$0x2] =	wrdreg s24  }
0xbe: {  	[dreg:$0x3] =	wrdreg $0x9  }
0xbf: {  	_ =	task.clear_ibuf [dreg:s22], $0x4FFFF;
	_ =	strace $0x90000055  }
0xc0: {  	s29 =	simm.s32 $0x9;
	_ =	strace $0x80000057  }
0xc1: {  	_ =	swait.ge [sflag:s29], $0x1  }
0xc2: {  	[sflag:s29] =	ssyncadd.s32 $0xFFFFFFFF  }
0xc3: {  	_ =	strace $0x90000057  }
0xc4: {  	_ =	sfence  }
0xc5: {  	s30 =	sld [smem:$0x0];
	_ =	sdelay $0x2  }
0xc6: {  	s31 =	sshll.u32 s1, $0xD;
	s1 =	sshrl.u32 s1, $0x2  }
0xc7: {  	s4 =	sand.u32 $0x4000, s31;
	s1 =	sadd.s32 s1, s30  }
0xc8: {  	s0 =	sor.u32 s4, s0;
	s1 =	sshll.u32 s1, $0x11  }
0xc9: {  	s0 =	sor.u32 s1, s0  }
0xca: {  	s0 =	sadd.s32 $0x8F2B, s0  }
0xcb: {  	[sflag:s0] =	ssyncadd.remote.s32 $0x1  }
0xcc: {  	_ =	sfence.sel $0xFFFF  }
0xcd: {  	[dreg:$0x0] =	wrdreg $0xFFFFFFFF;
	(pc) =	sbr.abs _section_cstart, $3  }
0xce: {  	[dreg:$0x1] =	wrdreg $0xFFFFFFFF  }
0xcf: {  	_ =	task.clear_ibuf [dreg:s22], $0x2FFFF;
	_ =	strace $0x9FFFFFFF  }
0xd0: {  	(tm) =	ssettm $0x7FFFFFFF  }
0xd1: {  	_ =	shalt  }
tec
execute0_lowered:
.L_overlay_start_1:
0x0: {  	(tag) =	ssettag $0x1  }
0x1: {  	s1 =	srdreg.scid;
	s0 =	stileid.u32  }
0x2: {  	s4 =	rddreg [dreg:$0x0];
	s2 =	simm.s32 $0x0;
	s10 =	simm.s32 $0x5400  }
0x3: {  	s11 =	simm.s32 $0x9400;
	s12 =	simm.s32 $0xD400;
	s13 =	simm.s32 $0x1  }
0x4: {  	s14 =	simm.s32 $0x5;
	s15 =	simm.s32 $0x2;
	s16 =	simm.s32 $0x6  }
0x5: {  	s17 =	simm.s32 $0x3;
	s18 =	simm.s32 $0x7;
	s19 =	simm.s32 $0x4  }
0x6: {  	s20 =	simm.s32 $0x8;
	s3 =	sand.u32 $0x1, s1;
	s1 =	rddreg [dreg:$0x1]  }
0x7: {  	s21 =	simm.s32 $0x0;
	s30 =	sshll.u32 s0, $0x1;
	[smem:$0x7FF] =	sst s2  }
0x8: {  	s6 =	smul.u32 $0x28000, s0;
	s5 =	sor.u32 s3, s30;
	_ =	strace $0x80000056  }
0x9: {  	s7 =	ssub.s32 $0x2, s3;
	s8 =	smul.u32 $0x14000, s3;
	s3 =	sadd.s32 $0x40A00, s4  }
0xa: {  	s5 =	smul.u32 $0x280, s5;
	s6 =	sadd.s32 s6, s4;
	s9 =	sshrl.u32 s7, $0x1  }
0xb: {  	s31 =	ssub.s32 s7, s9;
	s6 =	sadd.s32 s8, s6;
	s7 =	simm.s32 $0x9  }
0xc: {  	s8 =	simm.s32 $0x80;
	s9 =	simm.s32 $0x1400;
	s4 =	sadd.s32 s5, s4  }
0xd: {  	s5 =	smax.u32 s31, $0x1;
	s6 =	sadd.s32 $0x79AA00, s6;
	s4 =	sadd.s32 $0x14200, s4  }
.LBB2_1:
0xe: {  	[tilespmem:s2], [sflag:$0x9] =	stream.linear.gather [hbm4b:s4+s2], $0x1400, $0x38;
	[tilespmem:$0x11400] =	vst v63  }
0xf: {  	_ =	swait.ge [sflag:s7], $0x1400  }
0x10: {  	[sflag:s7] =	ssyncset.done $0x0  }
0x11: {  	s22 =	simm.s32 $0x0;
	[sflag:s7] =	ssyncadd.s32 $0xFFFFEC00  }
0x12: {  	[tilespmem:s9], [sflag:$0x1] =	stream.indirect.gather [hbm4b:s3+s8], $0x80, s22, s8, $0xb8;
	[tilespmem:$0x11400] =	vst v63  }
0x13: {  	s25 =	simm.s32 $0x80  }
0x14: {  	[tilespmem:s10], [sflag:$0x2] =	stream.indirect.gather [hbm4b:s3+s8], $0x80, s25, s8, $0xb8;
	[tilespmem:$0x11400] =	vst v63  }
0x15: {  	s26 =	simm.s32 $0x100  }
0x16: {  	[tilespmem:s11], [sflag:$0x3] =	stream.indirect.gather [hbm4b:s3+s8], $0x80, s26, s8, $0xb8;
	[tilespmem:$0x11400] =	vst v63  }
0x17: {  	s28 =	simm.s32 $0x180  }
0x18: {  	[tilespmem:s12], [sflag:$0x4] =	stream.indirect.gather [hbm4b:s3+s8], $0x80, s28, s8, $0xb8;
	[tilespmem:$0x11400] =	vst v63  }
0x19: {  	_ =	swait.ge [sflag:s13], $0x4000  }
0x1a: {  	[sflag:s13] =	ssyncset.done $0x0  }
0x1b: {  	s29 =	sadd.s32 $0xFFFFE800, s6;
	[sflag:s13] =	ssyncadd.s32 $0xFFFFC000  }
0x1c: {  	[hbm4b:s29+s2] =	stream.linear.scatter [tilespmem:s9], [sflag:$0x5], $0x4000, $0x38;
	[tilespmem:$0x11400] =	vst v63  }
0x1d: {  	_ =	swait.ge [sflag:s14], $0x4000  }
0x1e: {  	[sflag:s14] =	ssyncset.done $0x0  }
0x1f: {  	[sflag:s14] =	ssyncadd.s32 $0xFFFFC000  }
0x20: {  	_ =	swait.ge [sflag:s15], $0x4000  }
0x21: {  	[sflag:s15] =	ssyncset.done $0x0  }
0x22: {  	s30 =	sadd.s32 $0xFFFFF000, s6;
	[sflag:s15] =	ssyncadd.s32 $0xFFFFC000  }
0x23: {  	[hbm4b:s30+s2] =	stream.linear.scatter [tilespmem:s10], [sflag:$0x6], $0x4000, $0x38;
	[tilespmem:$0x11400] =	vst v63  }
0x24: {  	_ =	swait.ge [sflag:s16], $0x4000  }
0x25: {  	[sflag:s16] =	ssyncset.done $0x0  }
0x26: {  	[sflag:s16] =	ssyncadd.s32 $0xFFFFC000  }
0x27: {  	_ =	swait.ge [sflag:s17], $0x4000  }
0x28: {  	[sflag:s17] =	ssyncset.done $0x0  }
0x29: {  	s31 =	sadd.s32 $0xFFFFF800, s6;
	[sflag:s17] =	ssyncadd.s32 $0xFFFFC000  }
0x2a: {  	[hbm4b:s31+s2] =	stream.linear.scatter [tilespmem:s11], [sflag:$0x7], $0x4000, $0x38;
	[tilespmem:$0x11400] =	vst v63  }
0x2b: {  	_ =	swait.ge [sflag:s18], $0x4000  }
0x2c: {  	[sflag:s18] =	ssyncset.done $0x0  }
0x2d: {  	[sflag:s18] =	ssyncadd.s32 $0xFFFFC000  }
0x2e: {  	_ =	swait.ge [sflag:s19], $0x4000  }
0x2f: {  	[sflag:s19] =	ssyncset.done $0x0  }
0x30: {  	[sflag:s19] =	ssyncadd.s32 $0xFFFFC000  }
0x31: {  	[hbm4b:s6+s2] =	stream.linear.scatter [tilespmem:s12], [sflag:$0x8], $0x4000, $0x38;
	[tilespmem:$0x11400] =	vst v63  }
0x32: {  	s23 =	simm.s32 $0x800;
	_ =	swait.ge [sflag:s20], $0x4000  }
0x33: {  	s22 =	sadd.s32 $0x2000, s6;
	s25 =	simm.s32 $0x1000;
	[sflag:s20] =	ssyncset.done $0x0  }
.LBB2_2:
0x34: {  	s26 =	sshra.s32 s23, $0x2  }
0x35: {  	[sflag:s20] =	ssyncadd.s32 $0xFFFFC000;
	s23 =	smov.u32 s25;
	s24 =	sadd.s32 $0x800, s25  }
0x36: {  	[tilespmem:s9], [sflag:$0x1] =	stream.indirect.gather [hbm4b:s3+s8], $0x80, s26, s8, $0xb8;
	[tilespmem:$0x11400] =	vst v63  }
0x37: {  	p0 =	sne.s32 s25, $0x4800;
	s25 =	sadd.s32 $0x80, s26  }
0x38: {  	[tilespmem:s10], [sflag:$0x2] =	stream.indirect.gather [hbm4b:s3+s8], $0x80, s25, s8, $0xb8;
	[tilespmem:$0x11400] =	vst v63  }
0x39: {  	s25 =	sadd.s32 $0x100, s26  }
0x3a: {  	[tilespmem:s11], [sflag:$0x3] =	stream.indirect.gather [hbm4b:s3+s8], $0x80, s25, s8, $0xb8;
	[tilespmem:$0x11400] =	vst v63  }
0x3b: {  	s25 =	sadd.s32 $0x180, s26  }
0x3c: {  	[tilespmem:s12], [sflag:$0x4] =	stream.indirect.gather [hbm4b:s3+s8], $0x80, s25, s8, $0xb8;
	[tilespmem:$0x11400] =	vst v63  }
0x3d: {  	_ =	swait.ge [sflag:s13], $0x4000  }
0x3e: {  	[sflag:s13] =	ssyncset.done $0x0  }
0x3f: {  	s25 =	sadd.s32 $0xFFFFE800, s22;
	[sflag:s13] =	ssyncadd.s32 $0xFFFFC000  }
0x40: {  	[hbm4b:s25+s2] =	stream.linear.scatter [tilespmem:s9], [sflag:$0x5], $0x4000, $0x38;
	[tilespmem:$0x11400] =	vst v63  }
0x41: {  	_ =	swait.ge [sflag:s14], $0x4000  }
0x42: {  	[sflag:s14] =	ssyncset.done $0x0  }
0x43: {  	[sflag:s14] =	ssyncadd.s32 $0xFFFFC000  }
0x44: {  	_ =	swait.ge [sflag:s15], $0x4000  }
0x45: {  	[sflag:s15] =	ssyncset.done $0x0  }
0x46: {  	s25 =	sadd.s32 $0xFFFFF000, s22;
	[sflag:s15] =	ssyncadd.s32 $0xFFFFC000  }
0x47: {  	[hbm4b:s25+s2] =	stream.linear.scatter [tilespmem:s10], [sflag:$0x6], $0x4000, $0x38;
	[tilespmem:$0x11400] =	vst v63  }
0x48: {  	_ =	swait.ge [sflag:s16], $0x4000  }
0x49: {  	[sflag:s16] =	ssyncset.done $0x0  }
0x4a: {  	[sflag:s16] =	ssyncadd.s32 $0xFFFFC000  }
0x4b: {  	_ =	swait.ge [sflag:s17], $0x4000  }
0x4c: {  	[sflag:s17] =	ssyncset.done $0x0  }
0x4d: {  	s25 =	sadd.s32 $0xFFFFF800, s22;
	[sflag:s17] =	ssyncadd.s32 $0xFFFFC000  }
0x4e: {  	[hbm4b:s25+s2] =	stream.linear.scatter [tilespmem:s11], [sflag:$0x7], $0x4000, $0x38;
	[tilespmem:$0x11400] =	vst v63  }
0x4f: {  	_ =	swait.ge [sflag:s18], $0x4000  }
0x50: {  	[sflag:s18] =	ssyncset.done $0x0  }
0x51: {  	[sflag:s18] =	ssyncadd.s32 $0xFFFFC000  }
0x52: {  	_ =	swait.ge [sflag:s19], $0x4000  }
.Ltmp0:
0x53: {  	[sflag:s19] =	ssyncset.done $0x0;
	(pc) =	sbr.rel @p0 .LBB2_2-.Ltmp0, $4  }
0x54: {  	[sflag:s19] =	ssyncadd.s32 $0xFFFFC000  }
0x55: {  	[hbm4b:s22+s2] =	stream.linear.scatter [tilespmem:s12], [sflag:$0x8], $0x4000, $0x38;
	[tilespmem:$0x11400] =	vst v63  }
0x56: {  	_ =	swait.ge [sflag:s20], $0x4000  }
0x57: {  	s25 =	smov.u32 s24;
	s22 =	sadd.s32 $0x2000, s22;
	[sflag:s20] =	ssyncset.done $0x0  }
0x58: {  	s23 =	sshra.s32 s23, $0x2;
	[sflag:s20] =	ssyncadd.s32 $0xFFFFC000  }
0x59: {  	[tilespmem:s9], [sflag:$0x1] =	stream.indirect.gather [hbm4b:s3+s8], $0x80, s23, s8, $0xb8;
	[tilespmem:$0x11400] =	vst v63  }
0x5a: {  	s24 =	sadd.s32 $0x80, s23  }
0x5b: {  	[tilespmem:s10], [sflag:$0x2] =	stream.indirect.gather [hbm4b:s3+s8], $0x80, s24, s8, $0xb8;
	[tilespmem:$0x11400] =	vst v63  }
0x5c: {  	s28 =	sadd.s32 $0x100, s23  }
0x5d: {  	[tilespmem:s11], [sflag:$0x3] =	stream.indirect.gather [hbm4b:s3+s8], $0x80, s28, s8, $0xb8;
	[tilespmem:$0x11400] =	vst v63  }
0x5e: {  	s23 =	sadd.s32 $0x180, s23  }
0x5f: {  	[tilespmem:s12], [sflag:$0x4] =	stream.indirect.gather [hbm4b:s3+s8], $0x80, s23, s8, $0xb8;
	[tilespmem:$0x11400] =	vst v63  }
0x60: {  	_ =	swait.ge [sflag:s13], $0x4000  }
0x61: {  	[sflag:s13] =	ssyncset.done $0x0  }
0x62: {  	s29 =	sadd.s32 $0xFFFFE800, s22;
	[sflag:s13] =	ssyncadd.s32 $0xFFFFC000  }
0x63: {  	[hbm4b:s29+s2] =	stream.linear.scatter [tilespmem:s9], [sflag:$0x5], $0x4000, $0x38;
	[tilespmem:$0x11400] =	vst v63  }
0x64: {  	_ =	swait.ge [sflag:s14], $0x4000  }
0x65: {  	[sflag:s14] =	ssyncset.done $0x0  }
0x66: {  	[sflag:s14] =	ssyncadd.s32 $0xFFFFC000  }
0x67: {  	_ =	swait.ge [sflag:s15], $0x4000  }
0x68: {  	[sflag:s15] =	ssyncset.done $0x0  }
0x69: {  	s30 =	sadd.s32 $0xFFFFF000, s22;
	[sflag:s15] =	ssyncadd.s32 $0xFFFFC000  }
0x6a: {  	[hbm4b:s30+s2] =	stream.linear.scatter [tilespmem:s10], [sflag:$0x6], $0x4000, $0x38;
	[tilespmem:$0x11400] =	vst v63  }
0x6b: {  	_ =	swait.ge [sflag:s16], $0x4000  }
0x6c: {  	[sflag:s16] =	ssyncset.done $0x0  }
0x6d: {  	[sflag:s16] =	ssyncadd.s32 $0xFFFFC000  }
0x6e: {  	_ =	swait.ge [sflag:s17], $0x4000  }
0x6f: {  	[sflag:s17] =	ssyncset.done $0x0  }
0x70: {  	s31 =	sadd.s32 $0xFFFFF800, s22;
	[sflag:s17] =	ssyncadd.s32 $0xFFFFC000  }
0x71: {  	[hbm4b:s31+s2] =	stream.linear.scatter [tilespmem:s11], [sflag:$0x7], $0x4000, $0x38;
	[tilespmem:$0x11400] =	vst v63  }
0x72: {  	_ =	swait.ge [sflag:s18], $0x4000  }
0x73: {  	[sflag:s18] =	ssyncset.done $0x0  }
0x74: {  	[sflag:s18] =	ssyncadd.s32 $0xFFFFC000  }
0x75: {  	s21 =	sadd.s32 $0x1, s21;
	_ =	swait.ge [sflag:s19], $0x4000  }
0x76: {  	p0 =	sne.s32 s21, s5;
	[sflag:s19] =	ssyncset.done $0x0  }
.Ltmp1:
0x77: {  	[sflag:s19] =	ssyncadd.s32 $0xFFFFC000;
	(pc) =	sbr.rel @p0 .LBB2_1-.Ltmp1, $4  }
0x78: {  	[hbm4b:s22+s2] =	stream.linear.scatter [tilespmem:s12], [sflag:$0x8], $0x4000, $0x38;
	[tilespmem:$0x11400] =	vst v63  }
0x79: {  	_ =	swait.ge [sflag:s20], $0x4000  }
0x7a: {  	[sflag:s20] =	ssyncset.done $0x0  }
0x7b: {  	[sflag:s20] =	ssyncadd.s32 $0xFFFFC000  }
0x7c: {  	_ =	sfence.sel $0x180000  }
0x7d: {  	[bflag:$0x0] =	sbarrier.arrive $0xFFFF  }
0x7e: {  	p0 =	sne.s32 s0, $0x0;
	_ =	strace $0x90000056  }
0x7f: {  	s0 =	sadd.s32 @!p0 $0x100000, s1;
	[bflag:$0x2] =	sbarrier.arrive $0xFFFF  }
0x80: {  	[sflag:s0] =	ssyncadd.tile.s32 @!p0 $0x1;
	_ =	shalt  }
.Lfunc_end2:
_tile_overlayer_lowered:
.L_overlay_start_2:
0x81: {  	(tag) =	ssettag $0x2  }
0x82: {  	s0 =	rddreg [dreg:$0x0];
	s2 =	stileid.u32  }
0x83: {  	s1 =	rddreg [dreg:$0x1];
	p0 =	sne.s32 s2, $0x0  }
0x84: {  	s3 =	rddreg [dreg:$0x2];
	[bflag:$0x3] =	sbarrier.arrive $0xFFFF;
	s2 =	simm.s32 @!p0 $0x1C09  }
0x85: {  	[timem:s3], [sflag:s2] =	dma.local @!p0 [hbm:s0], s1  }
0x86: {  	s0 =	simm.s32 @!p0 $0x9  }
0x87: {  	_ =	swait.ge @!p0 [sflag:s0], s1  }
0x88: {  	s1 =	ssub.s32 @!p0 $0x0, s1;
	[sflag:s0] =	ssyncset.done @!p0 $0x0  }
0x89: {  	[sflag:s0] =	ssyncadd.s32 @!p0 s1  }
0x8a: {  	[bflag:$0x3] =	sbarrier.arrive $0xFFFF  }
0x8b: {  	_ =	shalt  }

// kernel: kernel.31.cloned.1.call-start
scs
__scs_entry_jumppad:
0x0: {  	(pc) =	sbr.rel $0x88, $3  }
0x1: {  	(tag) =	ssettag $0x0;
	lr =	simm.s32 $0x1  }
0x2: {  	[smem:$0x3F93] =	sst lr;
	_ =	strace $0xD0000000  }
0x3: {  	_ = 	snop  }
0x4: {  	_ = 	snop  }
0x5: {  	_ = 	snop  }
0x6: {  	_ = 	snop  }
0x7: {  	_ = 	snop  }
__scs_overlays_trampoline_lowered:
0x8: {  	[smem:$0x3FA2] =	sst s0  }
0x9: {  	[smem:$0x3FA3] =	sst s1  }
0xa: {  	[smem:$0x3FA4] =	sst s2  }
0xb: {  	[smem:$0x3FA5] =	sst s3  }
0xc: {  	[smem:$0x3FA6] =	sst s4  }
0xd: {  	[smem:$0x3FA7] =	sst s5  }
0xe: {  	[smem:$0x3FA8] =	sst s6  }
0xf: {  	[smem:$0x3FA9] =	sst s7  }
0x10: {  	[smem:$0x3FAA] =	sst s8  }
0x11: {  	[smem:$0x3FAB] =	sst s9;
	s0 =	simm.s32 @!p0 $0x0  }
0x12: {  	s1 =	sld [smem:$0x3F91];
	s0 =	simm.s32 @p0 $0x1  }
0x13: {  	[smem:$0x3FAC] =	sst s0;
	s0 =	simm.s32 @!p1 $0x0  }
0x14: {  	s2 =	sld [smem:$0x3F90];
	s0 =	simm.s32 @p1 $0x1  }
0x15: {  	[smem:$0x3FAD] =	sst s0;
	s0 =	simm.s32 @!p2 $0x0  }
0x16: {  	s3 =	sld [smem:$0x3FDB];
	s0 =	simm.s32 @p2 $0x1  }
0x17: {  	s4 =	simm.s32 $0x1BF5;
	[smem:$0x3FAF] =	sst s0  }
0x18: {  	s0 =	sld [smem:$0x3F92];
	_ =	swait.ge [sflag:s4], $0x0  }
0x19: {  	s7 =	sld [smem:$0x3F93]  }
0x1a: {  	s8 =	sadd.s32 $0xFFFFE003, lr  }
0x1b: {  	s9 =	sadd.s32 $0xFFFFFEF7, lr;
	s5 =	simm.s32 $0xFFFFFFFF;
	p2 =	slt.u32 s8, $0xFFFFF086  }
0x1c: {  	p1 =	slt.u32 s9, $0xF7A;
	s5 =	simm.s32 @!p2 $0x0  }
0x1d: {  	s5 =	simm.s32 @p1 $0x1;
	p0 =	seq.s32 s7, s2  }
0x1e: {  	s7 =	smul.u32 @!p0 $0xF7A, s2;
	p2 =	seq.s32 @!p0 s5, $0x0  }
0x1f: {  	s9 =	smul.u32 $0xF7A, s1;
	s8 =	simm.s32 @!p0 $0x1BF5;
	p2 =	por !p2, p0  }
0x20: {  	[sflag:s8] =	ssyncset.s32 @!p0 $0xFFFFF086;
	s6 =	sadd.s32 @!p0 s3, s7;
	s7 =	simm.s32 @!p0 $0x108  }
0x21: {  	s3 =	sadd.s32 s3, s9;
	s6 =	sadd.s32 @!p0 $0x88, s6;
	s7 =	simm.s32 @p2 $0x1082  }
0x22: {  	[simem:s7], [sflag:s8] =	dma.local @!p0 [hbm:s6], $0xF7A  }
0x23: {  	s9 =	sor.u32 $0xD0000000, s2;
	s6 =	simm.s32 $0x108;
	_ =	swait.ge @!p0 [sflag:s8], $0x0  }
0x24: {  	s3 =	sadd.s32 $0x88, s3;
	s6 =	simm.s32 @!p1 $0x1082;
	[sflag:s4] =	ssyncset.s32 $0xFFFFF086  }
0x25: {  	[simem:s6], [sflag:s4] =	dma.local [hbm:s3], $0xF7A  }
0x26: {  	[smem:$0x3F93] =	sst s1;
	(tag) =	ssettag s2;
	_ =	strace s9  }
0x27: {  	s1 =	sld [smem:$0x3FA3]  }
0x28: {  	s2 =	sld [smem:$0x3FA4]  }
0x29: {  	s4 =	sld [smem:$0x3FA6]  }
0x2a: {  	p0 =	seq.s32 s5, $0x0;
	s5 =	sld [smem:$0x3FA7]  }
0x2b: {  	s6 =	sld [smem:$0x3FA8]  }
0x2c: {  	s7 =	sld [smem:$0x3FA9]  }
0x2d: {  	s3 =	simm.s32 $0x108;
	s8 =	sld [smem:$0x3FAA]  }
0x2e: {  	s3 =	simm.s32 @!p0 $0x1082;
	s9 =	sld [smem:$0x3FAB]  }
0x2f: {  	lr =	sadd.s32 s0, s3;
	s0 =	sld [smem:$0x3FA2]  }
0x30: {  	s3 =	sld [smem:$0x3FA5]  }
0x31: {  	[smem:$0x3FAE] =	sst s10  }
0x32: {  	s10 =	sld [smem:$0x3FAC];
	_ =	sdelay $0x3  }
0x33: {  	p0 =	seq.s32 s10, $0x1;
	s10 =	sld [smem:$0x3FAE];
	_ =	sdelay $0x3  }
0x34: {  	[smem:$0x3FAE] =	sst s10  }
0x35: {  	s10 =	sld [smem:$0x3FAD];
	_ =	sdelay $0x3  }
0x36: {  	p1 =	seq.s32 s10, $0x1;
	s10 =	sld [smem:$0x3FAE];
	_ =	sdelay $0x3  }
0x37: {  	[smem:$0x3FAE] =	sst s10  }
0x38: {  	s10 =	sld [smem:$0x3FAF]  }
0x39: {  	_ = 	snop;
	(pc) =	sbr.ind lr, $3  }
0x3a: {  	_ = 	snop  }
0x3b: {  	_ = 	snop  }
0x3c: {  	p2 =	seq.s32 s10, $0x1;
	s10 =	sld [smem:$0x3FAE]  }
0x3d: {  	_ =	shalt  }
0x3e: {  	_ =	shalt  }
0x3f: {  	_ =	shalt  }
0x40: {  	_ =	shalt  }
0x41: {  	_ =	shalt  }
0x42: {  	_ =	shalt  }
0x43: {  	_ =	shalt  }
0x44: {  	_ =	shalt  }
0x45: {  	_ =	shalt  }
0x46: {  	_ =	shalt  }
0x47: {  	_ =	shalt  }
0x48: {  	_ =	shalt  }
0x49: {  	_ =	shalt  }
0x4a: {  	_ =	shalt  }
0x4b: {  	_ =	shalt  }
0x4c: {  	_ =	shalt  }
0x4d: {  	_ =	shalt  }
0x4e: {  	_ =	shalt  }
0x4f: {  	_ =	shalt  }
0x50: {  	_ =	shalt  }
0x51: {  	_ =	shalt  }
0x52: {  	_ =	shalt  }
0x53: {  	_ =	shalt  }
0x54: {  	_ =	shalt  }
0x55: {  	_ =	shalt  }
0x56: {  	_ =	shalt  }
0x57: {  	_ =	shalt  }
0x58: {  	_ =	shalt  }
0x59: {  	_ =	shalt  }
0x5a: {  	_ =	shalt  }
0x5b: {  	_ =	shalt  }
0x5c: {  	_ =	shalt  }
0x5d: {  	_ =	shalt  }
0x5e: {  	_ =	shalt  }
0x5f: {  	_ =	shalt  }
0x60: {  	_ =	shalt  }
0x61: {  	_ =	shalt  }
0x62: {  	_ =	shalt  }
0x63: {  	_ =	shalt  }
0x64: {  	_ =	shalt  }
0x65: {  	_ =	shalt  }
0x66: {  	_ =	shalt  }
0x67: {  	_ =	shalt  }
0x68: {  	_ =	shalt  }
0x69: {  	_ =	shalt  }
0x6a: {  	_ =	shalt  }
0x6b: {  	_ =	shalt  }
0x6c: {  	_ =	shalt  }
0x6d: {  	_ =	shalt  }
0x6e: {  	_ =	shalt  }
0x6f: {  	_ =	shalt  }
0x70: {  	_ =	shalt  }
0x71: {  	_ =	shalt  }
0x72: {  	_ =	shalt  }
0x73: {  	_ =	shalt  }
0x74: {  	_ =	shalt  }
0x75: {  	_ =	shalt  }
0x76: {  	_ =	shalt  }
0x77: {  	_ =	shalt  }
0x78: {  	_ =	shalt  }
0x79: {  	_ =	shalt  }
0x7a: {  	_ =	shalt  }
0x7b: {  	_ =	shalt  }
0x7c: {  	_ =	shalt  }
0x7d: {  	_ =	shalt  }
0x7e: {  	_ =	shalt  }
0x7f: {  	_ =	shalt  }
0x80: {  	_ =	shalt  }
0x81: {  	_ =	shalt  }
0x82: {  	_ =	shalt  }
0x83: {  	_ =	shalt  }
0x84: {  	_ =	shalt  }
0x85: {  	_ =	shalt  }
0x86: {  	_ =	shalt  }
0x87: {  	_ =	shalt  }
.Lfunc_end0:
.L_simem_size_0:
called_computation.5_lowered:
.L_overlay_start_0:
0x88: {  	s2 =	sld [smem:$0x3FD9]  }
0x89: {  	s3 =	sld [smem:$0x3FFE];
	_ =	sdelay $0x1  }
0x8a: {  	s1 =	srdreg.scid  }
0x8b: {  	s0 =	sand.u32 $0x1, s1  }
0x8c: {  	s17 =	sshll.u32 s0, $0xA;
	s2 =	sadd.s32 s3, s2  }
0x8d: {  	s2 =	sadd.s32 s2, s17  }
0x8e: {  	[smem:$0x3FBA] =	sst s2  }
0x8f: {  	_ = 	snop  }
0x90: {  	(tm) =	ssettm $0x1  }
0x91: {  	s18 =	sld [smem:$0x3FFB];
	_ =	sdelay $0x3  }
0x92: {  	_ =	strace s18  }
0x93: {  	s2 =	sld [smem:$0x3FFC];
	_ =	sdelay $0x3  }
0x94: {  	_ =	strace s2  }
0x95: {  	s2 =	sld [smem:$0x3FFD];
	_ =	sdelay $0x3  }
0x96: {  	_ =	strace s2  }
0x97: {  	_ =	strace $0x8FFFFFFF  }
0x98: {  	s19 =	sld [smem:$0x3FDB];
	_ =	sdelay $0x1  }
0x99: {  	s20 =	simm.s32 $_scs_section_size  }
0x9a: {  	s4 =	simm.s32 $_size__tile_overlayer_lowered;
	s5 =	simm.s32 $_tile_overlayer_lowered  }
0x9b: {  	s6 =	simm.s32 $0x1BFF;
	s21 =	sshll.u32 s5, $0x1;
	s3 =	sadd.s32 s20, s19  }
0x9c: {  	s22 =	simm.s32 $0x0;
	s4 =	sshll.u32 s4, $0x1;
	s5 =	sadd.s32 s21, s3  }
0x9d: {  	[timem:s22], [sflag:s6] =	dma.local [hbm:s5], s4  }
0x9e: {  	_ =	swait.ge [sflag:s6], s4  }
0x9f: {  	s4 =	ssub.s32 $0x0, s4;
	[sflag:s6] =	ssyncset.done $0x0  }
0xa0: {  	[sflag:s6] =	ssyncadd.s32 s4;
	_ =	sdelay $0x1  }
0xa1: {  	s23 =	simm.s32 $0x1B8B  }
0xa2: {  	_ =	swait.ge [sflag:s23], $0x1  }
0xa3: {  	[sflag:s23] =	ssyncset.done $0x0  }
0xa4: {  	[sflag:s23] =	ssyncadd.s32 $0xFFFFFFFF  }
0xa5: {  	s4 =	sld [smem:$0x0]  }
0xa6: {  	s5 =	sand.u32 $0xFFFFFFFE, s1  }
0xa7: {  	p0 =	sne.s32 s1, s5  }
0xa8: {  	s5 =	sshll.u32 @p0 s5, $0xE  }
0xa9: {  	s5 =	sadd.s32 @p0 $0x11B8D, s5;
	s6 =	sshll.u32 @p0 s4, $0x11  }
0xaa: {  	s5 =	sor.u32 @p0 s6, s5  }
0xab: {  	[sflag:s5] =	ssyncadd.remote.s32 @p0 $0x1;
	_ =	sdelay $0x1  }
0xac: {  	s5 =	simm.s32 @p0 $0x1B8D  }
0xad: {  	_ =	swait.eq @p0 [sflag:s5], $0x1  }
0xae: {  	[sflag:s5] =	ssyncadd.s32 @p0 $0xFFFFFFFF  }
0xaf: {  	s6 =	sshll.u32 @!p0 s1, $0xE  }
0xb0: {  	s6 =	sor.u32 @!p0 $0x4000, s6;
	s5 =	simm.s32 @!p0 $0x1B8D  }
0xb1: {  	s4 =	sshll.u32 @!p0 s4, $0x11;
	s6 =	sadd.s32 @!p0 $0x11B8D, s6;
	_ =	swait.eq @!p0 [sflag:s5], $0x1  }
0xb2: {  	s4 =	sor.u32 @!p0 s4, s6;
	[sflag:s5] =	ssyncadd.s32 @!p0 $0xFFFFFFFF  }
0xb3: {  	s25 =	simm.s32 $0x1B8E;
	s24 =	sld [smem:$0x3FFE];
	[sflag:s4] =	ssyncadd.remote.s32 @!p0 $0x1  }
0xb4: {  	s26 =	simm.s32 $execute0_lowered;
	[smem:$0x3FD2] =	sst s25  }
0xb5: {  	s5 =	sshll.u32 s26, $0x1;
	_ =	strace $0x8000005B;
	[dreg:$0x1] =	wrdreg $0xFFFFFFFF  }
0xb6: {  	s28 =	simm.s32 $_size_execute0_lowered;
	s3 =	sadd.s32 s3, s5;
	[dreg:$0x0] =	wrdreg $0x0  }
0xb7: {  	s5 =	sshll.u32 s28, $0x1;
	[dreg:$0x2] =	wrdreg s3  }
0xb8: {  	[dreg:$0x3] =	wrdreg s5  }
0xb9: {  	[dreg:$0x4] =	wrdreg $0xC0  }
0xba: {  	_ =	task [dreg:s22], $0x5FFFF  }
0xbb: {  	[dreg:$0x1] =	wrdreg $0xFFFFFFFF  }
0xbc: {  	[dreg:$0x0] =	wrdreg $0x60  }
0xbd: {  	[dreg:$0x2] =	wrdreg s24  }
0xbe: {  	[dreg:$0x3] =	wrdreg $0x94000  }
0xbf: {  	[dreg:$0x4] =	wrdreg $0x9  }
0xc0: {  	_ =	task.clear_ibuf [dreg:s22], $0x5FFFF;
	_ =	strace $0x9000005B  }
0xc1: {  	s29 =	simm.s32 $0x9;
	_ =	strace $0x8000005D  }
0xc2: {  	_ =	swait.ge [sflag:s29], $0x1  }
0xc3: {  	[sflag:s29] =	ssyncadd.s32 $0xFFFFFFFF  }
0xc4: {  	_ =	strace $0x9000005D  }
0xc5: {  	_ =	sfence  }
0xc6: {  	s30 =	sld [smem:$0x0];
	_ =	sdelay $0x2  }
0xc7: {  	s31 =	sshll.u32 s1, $0xD;
	s1 =	sshrl.u32 s1, $0x2  }
0xc8: {  	s4 =	sand.u32 $0x4000, s31;
	s1 =	sadd.s32 s1, s30  }
0xc9: {  	s0 =	sor.u32 s4, s0;
	s1 =	sshll.u32 s1, $0x11  }
0xca: {  	s0 =	sor.u32 s1, s0  }
0xcb: {  	s0 =	sadd.s32 $0x8F2B, s0  }
0xcc: {  	[sflag:s0] =	ssyncadd.remote.s32 $0x1  }
0xcd: {  	_ =	sfence.sel $0xFFFF  }
0xce: {  	[dreg:$0x0] =	wrdreg $0xFFFFFFFF;
	(pc) =	sbr.abs _section_cstart, $3  }
0xcf: {  	[dreg:$0x1] =	wrdreg $0xFFFFFFFF  }
0xd0: {  	_ =	task.clear_ibuf [dreg:s22], $0x2FFFF;
	_ =	strace $0x9FFFFFFF  }
0xd1: {  	(tm) =	ssettm $0x7FFFFFFF  }
tec
execute0_lowered:
.L_overlay_start_1:
0x0: {  	(tag) =	ssettag $0x1  }
0x1: {  	s4 =	rddreg [dreg:$0x0]  }
0x2: {  	s2 =	rddreg [dreg:$0x1]  }
0x3: {  	s3 =	srdreg.scid;
	s1 =	stileid.u32  }
0x4: {  	s0 =	rddreg [dreg:$0x2];
	s17 =	simm.s32 $0x5400;
	s18 =	simm.s32 $0x1  }
0x5: {  	s19 =	simm.s32 $0x80;
	s20 =	simm.s32 $0x2;
	s21 =	simm.s32 $0x3  }
0x6: {  	s22 =	simm.s32 $0x4;
	s23 =	simm.s32 $0x0;
	s7 =	smul.u32 $0x13C00, s1  }
0x7: {  	s5 =	sand.u32 $0x1, s3;
	s6 =	sshll.u32 s1, $0x1;
	s11 =	smul.u32 $0x4F000, s1  }
0x8: {  	s3 =	simm.s32 $0x0;
	s12 =	sadd.s32 $0xB6C00, s4;
	s28 =	smul.u32 $0x50, s1  }
0x9: {  	s30 =	sshll.u32 s1, $0x6;
	s6 =	sor.u32 s5, s6;
	s10 =	smul.u32 $0x13C000, s5  }
0xa: {  	[smem:$0x7FF] =	sst s3;
	s26 =	ssub.s32 $0x2, s5;
	s31 =	smul.u32 $0x28, s5  }
0xb: {  	s5 =	sor.u32 $0x1C05, s30;
	s8 =	smul.u32 $0x280, s6;
	_ =	strace $0x8000005C  }
0xc: {  	s9 =	sshrl.u32 s7, $0x3;
	s13 =	sshrl.u32 s26, $0x1;
	s14 =	smul.u32 $0x14000, s6  }
0xd: {  	s29 =	sshrl.u32 s11, $0x2;
	s9 =	sadd.s32 s9, s4;
	s7 =	sadd.s32 s7, s10  }
0xe: {  	s10 =	ssub.s32 s26, s13;
	s16 =	sadd.s32 s29, s2;
	s11 =	sadd.s32 s31, s28  }
0xf: {  	s8 =	sadd.s32 s8, s4;
	s7 =	sshrl.u32 s7, $0x3;
	s13 =	sshll.u32 s11, $0xB  }
.Ltmp0:
0x10: {  	s10 =	smax.u32 s10, $0x1;
	s15 =	sadd.s32 s7, s4;
	(pc) =	sbr.rel .LBB2_1-.Ltmp0, $4  }
0x11: {  	s4 =	sadd.s32 $0x19200, s9;
	s6 =	sadd.s32 $0xA200, s8;
	s7 =	sadd.s32 s12, s14  }
0x12: {  	s13 =	sadd.s32 s13, s12;
	s14 =	sshrl.u32 s16, $0x3;
	s16 =	simm.s32 $0x1400  }
0x13: {  	s8 =	sadd.s32 $0x800, s7;
	s9 =	sadd.s32 $0x336C00, s15;
	s11 =	sadd.s32 $0x1000, s7  }
0x14: {  	s12 =	sadd.s32 $0x2000, s13;
	s13 =	sadd.s32 $0x1800, s13;
	s15 =	simm.s32 $0x5  }
.LBB2_4:
0x15: {  	_ =	swait.ge [sflag:s22], $0x4000  }
0x16: {  	s23 =	sadd.s32 $0x1, s23;
	[sflag:s22] =	ssyncset.done $0x0  }
0x17: {  	p0 =	sne.s32 s23, s10;
	[sflag:s22] =	ssyncadd.s32 $0xFFFFC000  }
.Ltmp1:
0x18: {  	[bflag:$0x0] =	sbarrier.arrive $0xFFFF;
	(pc) =	sbr.rel @!p0 .LBB2_5-.Ltmp1, $4  }
0x19: {  	[hbm:s9], [sflag:s5] =	dma.local [spmem:s14], $0x2780  }
0x1a: {  	_ =	swait.ge [sflag:s15], $0x2780  }
0x1b: {  	[sflag:s15] =	ssyncset.done $0x0  }
0x1c: {  	[sflag:s15] =	ssyncadd.s32 $0xFFFFD880  }
.LBB2_1:
0x1d: {  	[spmem:s14], [sflag:s5] =	dma.local [hbm:s4], $0x2780  }
0x1e: {  	_ =	swait.ge [sflag:s15], $0x2780  }
0x1f: {  	[sflag:s15] =	ssyncset.done $0x0  }
0x20: {  	[sflag:s15] =	ssyncadd.s32 $0xFFFFD880  }
0x21: {  	[tilespmem:s3], [sflag:$0x5] =	stream.linear.gather [hbm4b:s6+s3], $0x1400, $0x38;
	[tilespmem:$0x1D000] =	vst v63  }
0x22: {  	_ =	swait.ge [sflag:s15], $0x1400  }
0x23: {  	[sflag:s15] =	ssyncset.done $0x0  }
0x24: {  	[sflag:s15] =	ssyncadd.s32 $0xFFFFEC00  }
0x25: {  	[bflag:$0x0] =	sbarrier.arrive $0xFFFF  }
0x26: {  	[tilespmem:s16], [sflag:$0x1] =	stream.linear.gather [hbm4b:s7+s3], $0x4000, $0x38;
	[tilespmem:$0x1D000] =	vst v63  }
0x27: {  	_ = 	snop  }
0x28: {  	[tilespmem:s17], [sflag:$0x2] =	stream.linear.gather [hbm4b:s8+s3], $0x4000, $0x38;
	[tilespmem:$0x1D000] =	vst v63  }
0x29: {  	_ =	swait.ge [sflag:s18], $0x4000  }
0x2a: {  	[sflag:s18] =	ssyncset.done $0x0  }
0x2b: {  	[sflag:s18] =	ssyncadd.s32 $0xFFFFC000  }
0x2c: {  	[spmem:s2] =	stream.indirect.scatter.add.f32 [tilespmem:s16], [sflag:$0x3], $0x80, s3, s19, $0xb8;
	[tilespmem:$0x1D000] =	vst v63  }
0x2d: {  	_ =	swait.ge [sflag:s20], $0x4000  }
0x2e: {  	[sflag:s20] =	ssyncset.done $0x0  }
0x2f: {  	[sflag:s20] =	ssyncadd.s32 $0xFFFFC000  }
0x30: {  	[spmem:s2] =	stream.indirect.scatter.add.f32 [tilespmem:s17], [sflag:$0x4], $0x80, s19, s19, $0xb8;
	[tilespmem:$0x1D000] =	vst v63  }
0x31: {  	_ =	swait.ge [sflag:s21], $0x4000  }
0x32: {  	[sflag:s21] =	ssyncset.done $0x0  }
0x33: {  	s24 =	simm.s32 $0x180;
	s25 =	simm.s32 $0x0;
	[sflag:s21] =	ssyncadd.s32 $0xFFFFC000  }
0x34: {  	[tilespmem:s16], [sflag:$0x1] =	stream.linear.gather [hbm4b:s11+s3], $0x4000, $0x38;
	[tilespmem:$0x1D000] =	vst v63  }
.LBB2_2:
0x35: {  	_ =	swait.ge [sflag:s18], $0x4000  }
0x36: {  	[sflag:s18] =	ssyncset.done $0x0  }
0x37: {  	s26 =	sadd.s32 $0xFFFFFF80, s24;
	[sflag:s18] =	ssyncadd.s32 $0xFFFFC000  }
0x38: {  	[spmem:s2] =	stream.indirect.scatter.add.f32 [tilespmem:s16], [sflag:$0x3], $0x80, s26, s19, $0xb8;
	[tilespmem:$0x1D000] =	vst v63  }
0x39: {  	_ =	swait.ge [sflag:s22], $0x4000  }
0x3a: {  	[sflag:s22] =	ssyncset.done $0x0  }
0x3b: {  	s31 =	sadd.s32 s25, s13;
	[sflag:s22] =	ssyncadd.s32 $0xFFFFC000  }
0x3c: {  	[tilespmem:s17], [sflag:$0x2] =	stream.linear.gather [hbm4b:s31+s3], $0x4000, $0x38;
	[tilespmem:$0x1D000] =	vst v63  }
0x3d: {  	_ =	swait.ge [sflag:s20], $0x4000  }
0x3e: {  	p0 =	seq.s32 s25, $0x12000;
	[sflag:s20] =	ssyncset.done $0x0  }
.Ltmp2:
0x3f: {  	[sflag:s20] =	ssyncadd.s32 $0xFFFFC000;
	(pc) =	sbr.rel @p0 .LBB2_4-.Ltmp2, $4  }
0x40: {  	[spmem:s2] =	stream.indirect.scatter.add.f32 [tilespmem:s17], [sflag:$0x4], $0x80, s24, s19, $0xb8;
	[tilespmem:$0x1D000] =	vst v63  }
0x41: {  	_ =	swait.ge [sflag:s21], $0x4000  }
0x42: {  	[sflag:s21] =	ssyncset.done $0x0  }
0x43: {  	[sflag:s21] =	ssyncadd.s32 $0xFFFFC000  }
.Ltmp3:
0x44: {  	(pc) =	sbr.rel .LBB2_2-.Ltmp3, $3  }
0x45: {  	_ =	sdelay $0x1  }
0x46: {  	s26 =	sadd.s32 s25, s12;
	s25 =	sadd.s32 $0x1000, s25;
	s24 =	sadd.s32 $0x100, s24  }
0x47: {  	[tilespmem:s16], [sflag:$0x1] =	stream.linear.gather [hbm4b:s26+s3], $0x4000, $0x38;
	[tilespmem:$0x1D000] =	vst v63  }
.LBB2_5:
0x48: {  	_ =	sfence.sel $0x180000  }
0x49: {  	[bflag:$0x0] =	sbarrier.arrive $0xFFFF  }
0x4a: {  	p0 =	sne.s32 s1, $0x0;
	_ =	strace $0x9000005C  }
0x4b: {  	s0 =	sadd.s32 @!p0 $0x100000, s0;
	[bflag:$0x2] =	sbarrier.arrive $0xFFFF  }
0x4c: {  	[sflag:s0] =	ssyncadd.tile.s32 @!p0 $0x1;
	_ =	shalt  }
.Lfunc_end2:
_tile_overlayer_lowered:
.L_overlay_start_2:
0x4d: {  	(tag) =	ssettag $0x2  }
0x4e: {  	s0 =	rddreg [dreg:$0x0];
	s2 =	stileid.u32  }
0x4f: {  	s1 =	rddreg [dreg:$0x1];
	p0 =	sne.s32 s2, $0x0  }
0x50: {  	s3 =	rddreg [dreg:$0x2];
	[bflag:$0x3] =	sbarrier.arrive $0xFFFF;
	s2 =	simm.s32 @!p0 $0x1C05  }
0x51: {  	[timem:s3], [sflag:s2] =	dma.local @!p0 [hbm:s0], s1  }
0x52: {  	s0 =	simm.s32 @!p0 $0x5  }
0x53: {  	_ =	swait.ge @!p0 [sflag:s0], s1  }
0x54: {  	s1 =	ssub.s32 @!p0 $0x0, s1;
	[sflag:s0] =	ssyncset.done @!p0 $0x0  }
0x55: {  	[sflag:s0] =	ssyncadd.s32 @!p0 s1  }
0x56: {  	[bflag:$0x3] =	sbarrier.arrive $0xFFFF  }
0x57: {  	_ =	shalt  }

// kernel: kernel.34.cloned.1.call-start
scs
__scs_entry_jumppad:
0x0: {  	(pc) =	sbr.rel $0x88, $3  }
0x1: {  	(tag) =	ssettag $0x0;
	lr =	simm.s32 $0x1  }
0x2: {  	[smem:$0x3F93] =	sst lr;
	_ =	strace $0xD0000000  }
0x3: {  	_ = 	snop  }
0x4: {  	_ = 	snop  }
0x5: {  	_ = 	snop  }
0x6: {  	_ = 	snop  }
0x7: {  	_ = 	snop  }
__scs_overlays_trampoline_lowered:
0x8: {  	[smem:$0x3FA2] =	sst s0  }
0x9: {  	[smem:$0x3FA3] =	sst s1  }
0xa: {  	[smem:$0x3FA4] =	sst s2  }
0xb: {  	[smem:$0x3FA5] =	sst s3  }
0xc: {  	[smem:$0x3FA6] =	sst s4  }
0xd: {  	[smem:$0x3FA7] =	sst s5  }
0xe: {  	[smem:$0x3FA8] =	sst s6  }
0xf: {  	[smem:$0x3FA9] =	sst s7  }
0x10: {  	[smem:$0x3FAA] =	sst s8  }
0x11: {  	[smem:$0x3FAB] =	sst s9;
	s0 =	simm.s32 @!p0 $0x0  }
0x12: {  	s1 =	sld [smem:$0x3F91];
	s0 =	simm.s32 @p0 $0x1  }
0x13: {  	[smem:$0x3FAC] =	sst s0;
	s0 =	simm.s32 @!p1 $0x0  }
0x14: {  	s2 =	sld [smem:$0x3F90];
	s0 =	simm.s32 @p1 $0x1  }
0x15: {  	[smem:$0x3FAD] =	sst s0;
	s0 =	simm.s32 @!p2 $0x0  }
0x16: {  	s3 =	sld [smem:$0x3FDB];
	s0 =	simm.s32 @p2 $0x1  }
0x17: {  	s4 =	simm.s32 $0x1BF5;
	[smem:$0x3FAF] =	sst s0  }
0x18: {  	s0 =	sld [smem:$0x3F92];
	_ =	swait.ge [sflag:s4], $0x0  }
0x19: {  	s7 =	sld [smem:$0x3F93]  }
0x1a: {  	s8 =	sadd.s32 $0xFFFFE003, lr  }
0x1b: {  	s9 =	sadd.s32 $0xFFFFFEF7, lr;
	s5 =	simm.s32 $0xFFFFFFFF;
	p2 =	slt.u32 s8, $0xFFFFF086  }
0x1c: {  	p1 =	slt.u32 s9, $0xF7A;
	s5 =	simm.s32 @!p2 $0x0  }
0x1d: {  	s5 =	simm.s32 @p1 $0x1;
	p0 =	seq.s32 s7, s2  }
0x1e: {  	s7 =	smul.u32 @!p0 $0xF7A, s2;
	p2 =	seq.s32 @!p0 s5, $0x0  }
0x1f: {  	s9 =	smul.u32 $0xF7A, s1;
	s8 =	simm.s32 @!p0 $0x1BF5;
	p2 =	por !p2, p0  }
0x20: {  	[sflag:s8] =	ssyncset.s32 @!p0 $0xFFFFF086;
	s6 =	sadd.s32 @!p0 s3, s7;
	s7 =	simm.s32 @!p0 $0x108  }
0x21: {  	s3 =	sadd.s32 s3, s9;
	s6 =	sadd.s32 @!p0 $0x88, s6;
	s7 =	simm.s32 @p2 $0x1082  }
0x22: {  	[simem:s7], [sflag:s8] =	dma.local @!p0 [hbm:s6], $0xF7A  }
0x23: {  	s9 =	sor.u32 $0xD0000000, s2;
	s6 =	simm.s32 $0x108;
	_ =	swait.ge @!p0 [sflag:s8], $0x0  }
0x24: {  	s3 =	sadd.s32 $0x88, s3;
	s6 =	simm.s32 @!p1 $0x1082;
	[sflag:s4] =	ssyncset.s32 $0xFFFFF086  }
0x25: {  	[simem:s6], [sflag:s4] =	dma.local [hbm:s3], $0xF7A  }
0x26: {  	[smem:$0x3F93] =	sst s1;
	(tag) =	ssettag s2;
	_ =	strace s9  }
0x27: {  	s1 =	sld [smem:$0x3FA3]  }
0x28: {  	s2 =	sld [smem:$0x3FA4]  }
0x29: {  	s4 =	sld [smem:$0x3FA6]  }
0x2a: {  	p0 =	seq.s32 s5, $0x0;
	s5 =	sld [smem:$0x3FA7]  }
0x2b: {  	s6 =	sld [smem:$0x3FA8]  }
0x2c: {  	s7 =	sld [smem:$0x3FA9]  }
0x2d: {  	s3 =	simm.s32 $0x108;
	s8 =	sld [smem:$0x3FAA]  }
0x2e: {  	s3 =	simm.s32 @!p0 $0x1082;
	s9 =	sld [smem:$0x3FAB]  }
0x2f: {  	lr =	sadd.s32 s0, s3;
	s0 =	sld [smem:$0x3FA2]  }
0x30: {  	s3 =	sld [smem:$0x3FA5]  }
0x31: {  	[smem:$0x3FAE] =	sst s10  }
0x32: {  	s10 =	sld [smem:$0x3FAC];
	_ =	sdelay $0x3  }
0x33: {  	p0 =	seq.s32 s10, $0x1;
	s10 =	sld [smem:$0x3FAE];
	_ =	sdelay $0x3  }
0x34: {  	[smem:$0x3FAE] =	sst s10  }
0x35: {  	s10 =	sld [smem:$0x3FAD];
	_ =	sdelay $0x3  }
0x36: {  	p1 =	seq.s32 s10, $0x1;
	s10 =	sld [smem:$0x3FAE];
	_ =	sdelay $0x3  }
0x37: {  	[smem:$0x3FAE] =	sst s10  }
0x38: {  	s10 =	sld [smem:$0x3FAF]  }
0x39: {  	_ = 	snop;
	(pc) =	sbr.ind lr, $3  }
0x3a: {  	_ = 	snop  }
0x3b: {  	_ = 	snop  }
0x3c: {  	p2 =	seq.s32 s10, $0x1;
	s10 =	sld [smem:$0x3FAE]  }
0x3d: {  	_ =	shalt  }
0x3e: {  	_ =	shalt  }
0x3f: {  	_ =	shalt  }
0x40: {  	_ =	shalt  }
0x41: {  	_ =	shalt  }
0x42: {  	_ =	shalt  }
0x43: {  	_ =	shalt  }
0x44: {  	_ =	shalt  }
0x45: {  	_ =	shalt  }
0x46: {  	_ =	shalt  }
0x47: {  	_ =	shalt  }
0x48: {  	_ =	shalt  }
0x49: {  	_ =	shalt  }
0x4a: {  	_ =	shalt  }
0x4b: {  	_ =	shalt  }
0x4c: {  	_ =	shalt  }
0x4d: {  	_ =	shalt  }
0x4e: {  	_ =	shalt  }
0x4f: {  	_ =	shalt  }
0x50: {  	_ =	shalt  }
0x51: {  	_ =	shalt  }
0x52: {  	_ =	shalt  }
0x53: {  	_ =	shalt  }
0x54: {  	_ =	shalt  }
0x55: {  	_ =	shalt  }
0x56: {  	_ =	shalt  }
0x57: {  	_ =	shalt  }
0x58: {  	_ =	shalt  }
0x59: {  	_ =	shalt  }
0x5a: {  	_ =	shalt  }
0x5b: {  	_ =	shalt  }
0x5c: {  	_ =	shalt  }
0x5d: {  	_ =	shalt  }
0x5e: {  	_ =	shalt  }
0x5f: {  	_ =	shalt  }
0x60: {  	_ =	shalt  }
0x61: {  	_ =	shalt  }
0x62: {  	_ =	shalt  }
0x63: {  	_ =	shalt  }
0x64: {  	_ =	shalt  }
0x65: {  	_ =	shalt  }
0x66: {  	_ =	shalt  }
0x67: {  	_ =	shalt  }
0x68: {  	_ =	shalt  }
0x69: {  	_ =	shalt  }
0x6a: {  	_ =	shalt  }
0x6b: {  	_ =	shalt  }
0x6c: {  	_ =	shalt  }
0x6d: {  	_ =	shalt  }
0x6e: {  	_ =	shalt  }
0x6f: {  	_ =	shalt  }
0x70: {  	_ =	shalt  }
0x71: {  	_ =	shalt  }
0x72: {  	_ =	shalt  }
0x73: {  	_ =	shalt  }
0x74: {  	_ =	shalt  }
0x75: {  	_ =	shalt  }
0x76: {  	_ =	shalt  }
0x77: {  	_ =	shalt  }
0x78: {  	_ =	shalt  }
0x79: {  	_ =	shalt  }
0x7a: {  	_ =	shalt  }
0x7b: {  	_ =	shalt  }
0x7c: {  	_ =	shalt  }
0x7d: {  	_ =	shalt  }
0x7e: {  	_ =	shalt  }
0x7f: {  	_ =	shalt  }
0x80: {  	_ =	shalt  }
0x81: {  	_ =	shalt  }
0x82: {  	_ =	shalt  }
0x83: {  	_ =	shalt  }
0x84: {  	_ =	shalt  }
0x85: {  	_ =	shalt  }
0x86: {  	_ =	shalt  }
0x87: {  	_ =	shalt  }
.Lfunc_end0:
.L_simem_size_0:
called_computation.6_lowered:
.L_overlay_start_0:
0x88: {  	s2 =	sld [smem:$0x3FD9]  }
0x89: {  	s3 =	sld [smem:$0x3FFE];
	_ =	sdelay $0x1  }
0x8a: {  	s1 =	srdreg.scid  }
0x8b: {  	s0 =	sand.u32 $0x1, s1  }
0x8c: {  	s16 =	sshll.u32 s0, $0xA;
	s2 =	sadd.s32 s3, s2  }
0x8d: {  	s2 =	sadd.s32 s2, s16  }
0x8e: {  	[smem:$0x3FBA] =	sst s2  }
0x8f: {  	_ = 	snop  }
0x90: {  	(tm) =	ssettm $0x1  }
0x91: {  	s17 =	sld [smem:$0x3FFB];
	_ =	sdelay $0x3  }
0x92: {  	_ =	strace s17  }
0x93: {  	s2 =	sld [smem:$0x3FFC];
	_ =	sdelay $0x3  }
0x94: {  	_ =	strace s2  }
0x95: {  	s2 =	sld [smem:$0x3FFD];
	_ =	sdelay $0x3  }
0x96: {  	_ =	strace s2  }
0x97: {  	_ =	strace $0x8FFFFFFF  }
0x98: {  	s18 =	sld [smem:$0x3FDB];
	_ =	sdelay $0x1  }
0x99: {  	s19 =	simm.s32 $_scs_section_size  }
0x9a: {  	s4 =	simm.s32 $_size__tile_overlayer_lowered;
	s5 =	simm.s32 $_tile_overlayer_lowered  }
0x9b: {  	s22 =	simm.s32 $0x1BFF;
	s21 =	sshll.u32 s5, $0x1;
	s2 =	sadd.s32 s19, s18  }
0x9c: {  	s6 =	simm.s32 $0x0;
	s20 =	sshll.u32 s4, $0x1;
	s4 =	sadd.s32 s21, s2  }
0x9d: {  	[timem:s6], [sflag:s22] =	dma.local [hbm:s4], s20  }
0x9e: {  	_ =	swait.ge [sflag:s22], s20  }
0x9f: {  	s3 =	ssub.s32 $0x0, s20;
	[sflag:s22] =	ssyncset.done $0x0  }
0xa0: {  	[sflag:s22] =	ssyncadd.s32 s3;
	_ =	sdelay $0x1  }
0xa1: {  	s23 =	simm.s32 $0x1B8B  }
0xa2: {  	_ =	swait.ge [sflag:s23], $0x1  }
0xa3: {  	[sflag:s23] =	ssyncset.done $0x0  }
0xa4: {  	s25 =	simm.s32 $0x1B8E;
	s24 =	sld [smem:$0x3FFE];
	[sflag:s23] =	ssyncadd.s32 $0xFFFFFFFF  }
0xa5: {  	s26 =	simm.s32 $execute0_lowered;
	[smem:$0x3FD2] =	sst s25  }
0xa6: {  	s4 =	sshll.u32 s26, $0x1;
	_ =	strace $0x80000052;
	[dreg:$0x1] =	wrdreg $0xFFFFFFFF  }
0xa7: {  	s28 =	simm.s32 $_size_execute0_lowered;
	s2 =	sadd.s32 s2, s4;
	[dreg:$0x0] =	wrdreg $0x0  }
0xa8: {  	s4 =	sshll.u32 s28, $0x1;
	[dreg:$0x2] =	wrdreg s2  }
0xa9: {  	[dreg:$0x3] =	wrdreg s4  }
0xaa: {  	[dreg:$0x4] =	wrdreg $0xC0  }
0xab: {  	_ =	task [dreg:s6], $0x5FFFF  }
0xac: {  	[dreg:$0x1] =	wrdreg $0xFFFFFFFF  }
0xad: {  	[dreg:$0x0] =	wrdreg $0x60  }
0xae: {  	[dreg:$0x2] =	wrdreg s24  }
0xaf: {  	[dreg:$0x3] =	wrdreg $0xA  }
0xb0: {  	_ =	task.clear_ibuf [dreg:s6], $0x4FFFF;
	_ =	strace $0x90000052  }
0xb1: {  	s29 =	simm.s32 $0xA;
	_ =	strace $0x80000054  }
0xb2: {  	_ =	swait.ge [sflag:s29], $0x1  }
0xb3: {  	[sflag:s29] =	ssyncadd.s32 $0xFFFFFFFF  }
0xb4: {  	_ =	strace $0x90000054  }
0xb5: {  	_ =	sfence  }
0xb6: {  	s30 =	sld [smem:$0x0];
	_ =	sdelay $0x2  }
0xb7: {  	s31 =	sshll.u32 s1, $0xD;
	s1 =	sshrl.u32 s1, $0x2  }
0xb8: {  	s3 =	sand.u32 $0x4000, s31;
	s1 =	sadd.s32 s1, s30  }
0xb9: {  	s0 =	sor.u32 s3, s0;
	s1 =	sshll.u32 s1, $0x11  }
0xba: {  	s0 =	sor.u32 s1, s0  }
0xbb: {  	s0 =	sadd.s32 $0x8F2B, s0  }
0xbc: {  	[sflag:s0] =	ssyncadd.remote.s32 $0x1  }
0xbd: {  	_ =	sfence.sel $0xFFFF  }
0xbe: {  	[dreg:$0x0] =	wrdreg $0xFFFFFFFF;
	(pc) =	sbr.abs _section_cstart, $3  }
0xbf: {  	[dreg:$0x1] =	wrdreg $0xFFFFFFFF  }
0xc0: {  	_ =	task.clear_ibuf [dreg:s6], $0x2FFFF;
	_ =	strace $0x9FFFFFFF  }
0xc1: {  	(tm) =	ssettm $0x7FFFFFFF  }
tec
execute0_lowered:
.L_overlay_start_1:
0x0: {  	(tag) =	ssettag $0x1  }
0x1: {  	s1 =	srdreg.scid;
	s0 =	stileid.u32  }
0x2: {  	s4 =	rddreg [dreg:$0x0];
	s2 =	simm.s32 $0x0;
	s10 =	simm.s32 $0x5400  }
0x3: {  	s11 =	simm.s32 $0x9400;
	s12 =	simm.s32 $0xD400;
	s13 =	simm.s32 $0x1  }
0x4: {  	s14 =	simm.s32 $0x5;
	s15 =	simm.s32 $0x2;
	s16 =	simm.s32 $0x6  }
0x5: {  	s17 =	simm.s32 $0x3;
	s18 =	simm.s32 $0x7;
	s19 =	simm.s32 $0x4  }
0x6: {  	s20 =	simm.s32 $0x8;
	s3 =	sand.u32 $0x1, s1;
	s1 =	rddreg [dreg:$0x1]  }
0x7: {  	s21 =	simm.s32 $0x0;
	s30 =	sshll.u32 s0, $0x1;
	[smem:$0x7FF] =	sst s2  }
0x8: {  	s6 =	smul.u32 $0x28000, s0;
	s5 =	sor.u32 s3, s30;
	_ =	strace $0x80000053  }
0x9: {  	s7 =	ssub.s32 $0x2, s3;
	s8 =	smul.u32 $0x14000, s3;
	s3 =	sadd.s32 $0x40A00, s4  }
0xa: {  	s5 =	smul.u32 $0x280, s5;
	s6 =	sadd.s32 s6, s4;
	s9 =	sshrl.u32 s7, $0x1  }
0xb: {  	s31 =	ssub.s32 s7, s9;
	s6 =	sadd.s32 s8, s6;
	s7 =	simm.s32 $0x9  }
0xc: {  	s8 =	simm.s32 $0x80;
	s9 =	simm.s32 $0x1400;
	s4 =	sadd.s32 s5, s4  }
0xd: {  	s5 =	smax.u32 s31, $0x1;
	s6 =	sadd.s32 $0x69400, s6;
	s4 =	sadd.s32 $0xF200, s4  }
.LBB2_1:
0xe: {  	[tilespmem:s2], [sflag:$0x9] =	stream.linear.gather [hbm4b:s4+s2], $0x1400, $0x38;
	[tilespmem:$0x11400] =	vst v63  }
0xf: {  	_ =	swait.ge [sflag:s7], $0x1400  }
0x10: {  	[sflag:s7] =	ssyncset.done $0x0  }
0x11: {  	s22 =	simm.s32 $0x0;
	[sflag:s7] =	ssyncadd.s32 $0xFFFFEC00  }
0x12: {  	[tilespmem:s9], [sflag:$0x1] =	stream.indirect.gather [hbm4b:s3+s8], $0x80, s22, s8, $0xb8;
	[tilespmem:$0x11400] =	vst v63  }
0x13: {  	s25 =	simm.s32 $0x80  }
0x14: {  	[tilespmem:s10], [sflag:$0x2] =	stream.indirect.gather [hbm4b:s3+s8], $0x80, s25, s8, $0xb8;
	[tilespmem:$0x11400] =	vst v63  }
0x15: {  	s26 =	simm.s32 $0x100  }
0x16: {  	[tilespmem:s11], [sflag:$0x3] =	stream.indirect.gather [hbm4b:s3+s8], $0x80, s26, s8, $0xb8;
	[tilespmem:$0x11400] =	vst v63  }
0x17: {  	s28 =	simm.s32 $0x180  }
0x18: {  	[tilespmem:s12], [sflag:$0x4] =	stream.indirect.gather [hbm4b:s3+s8], $0x80, s28, s8, $0xb8;
	[tilespmem:$0x11400] =	vst v63  }
0x19: {  	_ =	swait.ge [sflag:s13], $0x4000  }
0x1a: {  	[sflag:s13] =	ssyncset.done $0x0  }
0x1b: {  	s29 =	sadd.s32 $0xFFFFE800, s6;
	[sflag:s13] =	ssyncadd.s32 $0xFFFFC000  }
0x1c: {  	[hbm4b:s29+s2] =	stream.linear.scatter [tilespmem:s9], [sflag:$0x5], $0x4000, $0x38;
	[tilespmem:$0x11400] =	vst v63  }
0x1d: {  	_ =	swait.ge [sflag:s14], $0x4000  }
0x1e: {  	[sflag:s14] =	ssyncset.done $0x0  }
0x1f: {  	[sflag:s14] =	ssyncadd.s32 $0xFFFFC000  }
0x20: {  	_ =	swait.ge [sflag:s15], $0x4000  }
0x21: {  	[sflag:s15] =	ssyncset.done $0x0  }
0x22: {  	s30 =	sadd.s32 $0xFFFFF000, s6;
	[sflag:s15] =	ssyncadd.s32 $0xFFFFC000  }
0x23: {  	[hbm4b:s30+s2] =	stream.linear.scatter [tilespmem:s10], [sflag:$0x6], $0x4000, $0x38;
	[tilespmem:$0x11400] =	vst v63  }
0x24: {  	_ =	swait.ge [sflag:s16], $0x4000  }
0x25: {  	[sflag:s16] =	ssyncset.done $0x0  }
0x26: {  	[sflag:s16] =	ssyncadd.s32 $0xFFFFC000  }
0x27: {  	_ =	swait.ge [sflag:s17], $0x4000  }
0x28: {  	[sflag:s17] =	ssyncset.done $0x0  }
0x29: {  	s31 =	sadd.s32 $0xFFFFF800, s6;
	[sflag:s17] =	ssyncadd.s32 $0xFFFFC000  }
0x2a: {  	[hbm4b:s31+s2] =	stream.linear.scatter [tilespmem:s11], [sflag:$0x7], $0x4000, $0x38;
	[tilespmem:$0x11400] =	vst v63  }
0x2b: {  	_ =	swait.ge [sflag:s18], $0x4000  }
0x2c: {  	[sflag:s18] =	ssyncset.done $0x0  }
0x2d: {  	[sflag:s18] =	ssyncadd.s32 $0xFFFFC000  }
0x2e: {  	_ =	swait.ge [sflag:s19], $0x4000  }
0x2f: {  	[sflag:s19] =	ssyncset.done $0x0  }
0x30: {  	[sflag:s19] =	ssyncadd.s32 $0xFFFFC000  }
0x31: {  	[hbm4b:s6+s2] =	stream.linear.scatter [tilespmem:s12], [sflag:$0x8], $0x4000, $0x38;
	[tilespmem:$0x11400] =	vst v63  }
0x32: {  	s23 =	simm.s32 $0x800;
	_ =	swait.ge [sflag:s20], $0x4000  }
0x33: {  	s22 =	sadd.s32 $0x2000, s6;
	s25 =	simm.s32 $0x1000;
	[sflag:s20] =	ssyncset.done $0x0  }
.LBB2_2:
0x34: {  	s26 =	sshra.s32 s23, $0x2  }
0x35: {  	[sflag:s20] =	ssyncadd.s32 $0xFFFFC000;
	s23 =	smov.u32 s25;
	s24 =	sadd.s32 $0x800, s25  }
0x36: {  	[tilespmem:s9], [sflag:$0x1] =	stream.indirect.gather [hbm4b:s3+s8], $0x80, s26, s8, $0xb8;
	[tilespmem:$0x11400] =	vst v63  }
0x37: {  	p0 =	sne.s32 s25, $0x4800;
	s25 =	sadd.s32 $0x80, s26  }
0x38: {  	[tilespmem:s10], [sflag:$0x2] =	stream.indirect.gather [hbm4b:s3+s8], $0x80, s25, s8, $0xb8;
	[tilespmem:$0x11400] =	vst v63  }
0x39: {  	s25 =	sadd.s32 $0x100, s26  }
0x3a: {  	[tilespmem:s11], [sflag:$0x3] =	stream.indirect.gather [hbm4b:s3+s8], $0x80, s25, s8, $0xb8;
	[tilespmem:$0x11400] =	vst v63  }
0x3b: {  	s25 =	sadd.s32 $0x180, s26  }
0x3c: {  	[tilespmem:s12], [sflag:$0x4] =	stream.indirect.gather [hbm4b:s3+s8], $0x80, s25, s8, $0xb8;
	[tilespmem:$0x11400] =	vst v63  }
0x3d: {  	_ =	swait.ge [sflag:s13], $0x4000  }
0x3e: {  	[sflag:s13] =	ssyncset.done $0x0  }
0x3f: {  	s25 =	sadd.s32 $0xFFFFE800, s22;
	[sflag:s13] =	ssyncadd.s32 $0xFFFFC000  }
0x40: {  	[hbm4b:s25+s2] =	stream.linear.scatter [tilespmem:s9], [sflag:$0x5], $0x4000, $0x38;
	[tilespmem:$0x11400] =	vst v63  }
0x41: {  	_ =	swait.ge [sflag:s14], $0x4000  }
0x42: {  	[sflag:s14] =	ssyncset.done $0x0  }
0x43: {  	[sflag:s14] =	ssyncadd.s32 $0xFFFFC000  }
0x44: {  	_ =	swait.ge [sflag:s15], $0x4000  }
0x45: {  	[sflag:s15] =	ssyncset.done $0x0  }
0x46: {  	s25 =	sadd.s32 $0xFFFFF000, s22;
	[sflag:s15] =	ssyncadd.s32 $0xFFFFC000  }
0x47: {  	[hbm4b:s25+s2] =	stream.linear.scatter [tilespmem:s10], [sflag:$0x6], $0x4000, $0x38;
	[tilespmem:$0x11400] =	vst v63  }
0x48: {  	_ =	swait.ge [sflag:s16], $0x4000  }
0x49: {  	[sflag:s16] =	ssyncset.done $0x0  }
0x4a: {  	[sflag:s16] =	ssyncadd.s32 $0xFFFFC000  }
0x4b: {  	_ =	swait.ge [sflag:s17], $0x4000  }
0x4c: {  	[sflag:s17] =	ssyncset.done $0x0  }
0x4d: {  	s25 =	sadd.s32 $0xFFFFF800, s22;
	[sflag:s17] =	ssyncadd.s32 $0xFFFFC000  }
0x4e: {  	[hbm4b:s25+s2] =	stream.linear.scatter [tilespmem:s11], [sflag:$0x7], $0x4000, $0x38;
	[tilespmem:$0x11400] =	vst v63  }
0x4f: {  	_ =	swait.ge [sflag:s18], $0x4000  }
0x50: {  	[sflag:s18] =	ssyncset.done $0x0  }
0x51: {  	[sflag:s18] =	ssyncadd.s32 $0xFFFFC000  }
0x52: {  	_ =	swait.ge [sflag:s19], $0x4000  }
.Ltmp0:
0x53: {  	[sflag:s19] =	ssyncset.done $0x0;
	(pc) =	sbr.rel @p0 .LBB2_2-.Ltmp0, $4  }
0x54: {  	[sflag:s19] =	ssyncadd.s32 $0xFFFFC000  }
0x55: {  	[hbm4b:s22+s2] =	stream.linear.scatter [tilespmem:s12], [sflag:$0x8], $0x4000, $0x38;
	[tilespmem:$0x11400] =	vst v63  }
0x56: {  	_ =	swait.ge [sflag:s20], $0x4000  }
0x57: {  	s25 =	smov.u32 s24;
	s22 =	sadd.s32 $0x2000, s22;
	[sflag:s20] =	ssyncset.done $0x0  }
0x58: {  	s23 =	sshra.s32 s23, $0x2;
	[sflag:s20] =	ssyncadd.s32 $0xFFFFC000  }
0x59: {  	[tilespmem:s9], [sflag:$0x1] =	stream.indirect.gather [hbm4b:s3+s8], $0x80, s23, s8, $0xb8;
	[tilespmem:$0x11400] =	vst v63  }
0x5a: {  	s24 =	sadd.s32 $0x80, s23  }
0x5b: {  	[tilespmem:s10], [sflag:$0x2] =	stream.indirect.gather [hbm4b:s3+s8], $0x80, s24, s8, $0xb8;
	[tilespmem:$0x11400] =	vst v63  }
0x5c: {  	s28 =	sadd.s32 $0x100, s23  }
0x5d: {  	[tilespmem:s11], [sflag:$0x3] =	stream.indirect.gather [hbm4b:s3+s8], $0x80, s28, s8, $0xb8;
	[tilespmem:$0x11400] =	vst v63  }
0x5e: {  	s23 =	sadd.s32 $0x180, s23  }
0x5f: {  	[tilespmem:s12], [sflag:$0x4] =	stream.indirect.gather [hbm4b:s3+s8], $0x80, s23, s8, $0xb8;
	[tilespmem:$0x11400] =	vst v63  }
0x60: {  	_ =	swait.ge [sflag:s13], $0x4000  }
0x61: {  	[sflag:s13] =	ssyncset.done $0x0  }
0x62: {  	s29 =	sadd.s32 $0xFFFFE800, s22;
	[sflag:s13] =	ssyncadd.s32 $0xFFFFC000  }
0x63: {  	[hbm4b:s29+s2] =	stream.linear.scatter [tilespmem:s9], [sflag:$0x5], $0x4000, $0x38;
	[tilespmem:$0x11400] =	vst v63  }
0x64: {  	_ =	swait.ge [sflag:s14], $0x4000  }
0x65: {  	[sflag:s14] =	ssyncset.done $0x0  }
0x66: {  	[sflag:s14] =	ssyncadd.s32 $0xFFFFC000  }
0x67: {  	_ =	swait.ge [sflag:s15], $0x4000  }
0x68: {  	[sflag:s15] =	ssyncset.done $0x0  }
0x69: {  	s30 =	sadd.s32 $0xFFFFF000, s22;
	[sflag:s15] =	ssyncadd.s32 $0xFFFFC000  }
0x6a: {  	[hbm4b:s30+s2] =	stream.linear.scatter [tilespmem:s10], [sflag:$0x6], $0x4000, $0x38;
	[tilespmem:$0x11400] =	vst v63  }
0x6b: {  	_ =	swait.ge [sflag:s16], $0x4000  }
0x6c: {  	[sflag:s16] =	ssyncset.done $0x0  }
0x6d: {  	[sflag:s16] =	ssyncadd.s32 $0xFFFFC000  }
0x6e: {  	_ =	swait.ge [sflag:s17], $0x4000  }
0x6f: {  	[sflag:s17] =	ssyncset.done $0x0  }
0x70: {  	s31 =	sadd.s32 $0xFFFFF800, s22;
	[sflag:s17] =	ssyncadd.s32 $0xFFFFC000  }
0x71: {  	[hbm4b:s31+s2] =	stream.linear.scatter [tilespmem:s11], [sflag:$0x7], $0x4000, $0x38;
	[tilespmem:$0x11400] =	vst v63  }
0x72: {  	_ =	swait.ge [sflag:s18], $0x4000  }
0x73: {  	[sflag:s18] =	ssyncset.done $0x0  }
0x74: {  	[sflag:s18] =	ssyncadd.s32 $0xFFFFC000  }
0x75: {  	s21 =	sadd.s32 $0x1, s21;
	_ =	swait.ge [sflag:s19], $0x4000  }
0x76: {  	p0 =	sne.s32 s21, s5;
	[sflag:s19] =	ssyncset.done $0x0  }
.Ltmp1:
0x77: {  	[sflag:s19] =	ssyncadd.s32 $0xFFFFC000;
	(pc) =	sbr.rel @p0 .LBB2_1-.Ltmp1, $4  }
0x78: {  	[hbm4b:s22+s2] =	stream.linear.scatter [tilespmem:s12], [sflag:$0x8], $0x4000, $0x38;
	[tilespmem:$0x11400] =	vst v63  }
0x79: {  	_ =	swait.ge [sflag:s20], $0x4000  }
0x7a: {  	[sflag:s20] =	ssyncset.done $0x0  }
0x7b: {  	[sflag:s20] =	ssyncadd.s32 $0xFFFFC000  }
0x7c: {  	_ =	sfence.sel $0x180000  }
0x7d: {  	[bflag:$0x0] =	sbarrier.arrive $0xFFFF  }
0x7e: {  	p0 =	sne.s32 s0, $0x0;
	_ =	strace $0x90000053  }
0x7f: {  	s0 =	sadd.s32 @!p0 $0x100000, s1;
	[bflag:$0x2] =	sbarrier.arrive $0xFFFF  }
0x80: {  	[sflag:s0] =	ssyncadd.tile.s32 @!p0 $0x1;
	_ =	shalt  }
.Lfunc_end2:
_tile_overlayer_lowered:
.L_overlay_start_2:
0x81: {  	(tag) =	ssettag $0x2  }
0x82: {  	s0 =	rddreg [dreg:$0x0];
	s2 =	stileid.u32  }
0x83: {  	s1 =	rddreg [dreg:$0x1];
	p0 =	sne.s32 s2, $0x0  }
0x84: {  	s3 =	rddreg [dreg:$0x2];
	[bflag:$0x3] =	sbarrier.arrive $0xFFFF;
	s2 =	simm.s32 @!p0 $0x1C09  }
0x85: {  	[timem:s3], [sflag:s2] =	dma.local @!p0 [hbm:s0], s1  }
0x86: {  	s0 =	simm.s32 @!p0 $0x9  }
0x87: {  	_ =	swait.ge @!p0 [sflag:s0], s1  }
0x88: {  	s1 =	ssub.s32 @!p0 $0x0, s1;
	[sflag:s0] =	ssyncset.done @!p0 $0x0  }
0x89: {  	[sflag:s0] =	ssyncadd.s32 @!p0 s1  }
0x8a: {  	[bflag:$0x3] =	sbarrier.arrive $0xFFFF  }
0x8b: {  	_ =	shalt  }

// kernel: kernel.37.cloned.1.call-start
scs
__scs_entry_jumppad:
0x0: {  	(pc) =	sbr.rel $0x88, $3  }
0x1: {  	(tag) =	ssettag $0x0;
	lr =	simm.s32 $0x1  }
0x2: {  	[smem:$0x3F93] =	sst lr;
	_ =	strace $0xD0000000  }
0x3: {  	_ = 	snop  }
0x4: {  	_ = 	snop  }
0x5: {  	_ = 	snop  }
0x6: {  	_ = 	snop  }
0x7: {  	_ = 	snop  }
__scs_overlays_trampoline_lowered:
0x8: {  	[smem:$0x3FA2] =	sst s0  }
0x9: {  	[smem:$0x3FA3] =	sst s1  }
0xa: {  	[smem:$0x3FA4] =	sst s2  }
0xb: {  	[smem:$0x3FA5] =	sst s3  }
0xc: {  	[smem:$0x3FA6] =	sst s4  }
0xd: {  	[smem:$0x3FA7] =	sst s5  }
0xe: {  	[smem:$0x3FA8] =	sst s6  }
0xf: {  	[smem:$0x3FA9] =	sst s7  }
0x10: {  	[smem:$0x3FAA] =	sst s8  }
0x11: {  	[smem:$0x3FAB] =	sst s9;
	s0 =	simm.s32 @!p0 $0x0  }
0x12: {  	s1 =	sld [smem:$0x3F91];
	s0 =	simm.s32 @p0 $0x1  }
0x13: {  	[smem:$0x3FAC] =	sst s0;
	s0 =	simm.s32 @!p1 $0x0  }
0x14: {  	s2 =	sld [smem:$0x3F90];
	s0 =	simm.s32 @p1 $0x1  }
0x15: {  	[smem:$0x3FAD] =	sst s0;
	s0 =	simm.s32 @!p2 $0x0  }
0x16: {  	s3 =	sld [smem:$0x3FDB];
	s0 =	simm.s32 @p2 $0x1  }
0x17: {  	s4 =	simm.s32 $0x1BF5;
	[smem:$0x3FAF] =	sst s0  }
0x18: {  	s0 =	sld [smem:$0x3F92];
	_ =	swait.ge [sflag:s4], $0x0  }
0x19: {  	s7 =	sld [smem:$0x3F93]  }
0x1a: {  	s8 =	sadd.s32 $0xFFFFE003, lr  }
0x1b: {  	s9 =	sadd.s32 $0xFFFFFEF7, lr;
	s5 =	simm.s32 $0xFFFFFFFF;
	p2 =	slt.u32 s8, $0xFFFFF086  }
0x1c: {  	p1 =	slt.u32 s9, $0xF7A;
	s5 =	simm.s32 @!p2 $0x0  }
0x1d: {  	s5 =	simm.s32 @p1 $0x1;
	p0 =	seq.s32 s7, s2  }
0x1e: {  	s7 =	smul.u32 @!p0 $0xF7A, s2;
	p2 =	seq.s32 @!p0 s5, $0x0  }
0x1f: {  	s9 =	smul.u32 $0xF7A, s1;
	s8 =	simm.s32 @!p0 $0x1BF5;
	p2 =	por !p2, p0  }
0x20: {  	[sflag:s8] =	ssyncset.s32 @!p0 $0xFFFFF086;
	s6 =	sadd.s32 @!p0 s3, s7;
	s7 =	simm.s32 @!p0 $0x108  }
0x21: {  	s3 =	sadd.s32 s3, s9;
	s6 =	sadd.s32 @!p0 $0x88, s6;
	s7 =	simm.s32 @p2 $0x1082  }
0x22: {  	[simem:s7], [sflag:s8] =	dma.local @!p0 [hbm:s6], $0xF7A  }
0x23: {  	s9 =	sor.u32 $0xD0000000, s2;
	s6 =	simm.s32 $0x108;
	_ =	swait.ge @!p0 [sflag:s8], $0x0  }
0x24: {  	s3 =	sadd.s32 $0x88, s3;
	s6 =	simm.s32 @!p1 $0x1082;
	[sflag:s4] =	ssyncset.s32 $0xFFFFF086  }
0x25: {  	[simem:s6], [sflag:s4] =	dma.local [hbm:s3], $0xF7A  }
0x26: {  	[smem:$0x3F93] =	sst s1;
	(tag) =	ssettag s2;
	_ =	strace s9  }
0x27: {  	s1 =	sld [smem:$0x3FA3]  }
0x28: {  	s2 =	sld [smem:$0x3FA4]  }
0x29: {  	s4 =	sld [smem:$0x3FA6]  }
0x2a: {  	p0 =	seq.s32 s5, $0x0;
	s5 =	sld [smem:$0x3FA7]  }
0x2b: {  	s6 =	sld [smem:$0x3FA8]  }
0x2c: {  	s7 =	sld [smem:$0x3FA9]  }
0x2d: {  	s3 =	simm.s32 $0x108;
	s8 =	sld [smem:$0x3FAA]  }
0x2e: {  	s3 =	simm.s32 @!p0 $0x1082;
	s9 =	sld [smem:$0x3FAB]  }
0x2f: {  	lr =	sadd.s32 s0, s3;
	s0 =	sld [smem:$0x3FA2]  }
0x30: {  	s3 =	sld [smem:$0x3FA5]  }
0x31: {  	[smem:$0x3FAE] =	sst s10  }
0x32: {  	s10 =	sld [smem:$0x3FAC];
	_ =	sdelay $0x3  }
0x33: {  	p0 =	seq.s32 s10, $0x1;
	s10 =	sld [smem:$0x3FAE];
	_ =	sdelay $0x3  }
0x34: {  	[smem:$0x3FAE] =	sst s10  }
0x35: {  	s10 =	sld [smem:$0x3FAD];
	_ =	sdelay $0x3  }
0x36: {  	p1 =	seq.s32 s10, $0x1;
	s10 =	sld [smem:$0x3FAE];
	_ =	sdelay $0x3  }
0x37: {  	[smem:$0x3FAE] =	sst s10  }
0x38: {  	s10 =	sld [smem:$0x3FAF]  }
0x39: {  	_ = 	snop;
	(pc) =	sbr.ind lr, $3  }
0x3a: {  	_ = 	snop  }
0x3b: {  	_ = 	snop  }
0x3c: {  	p2 =	seq.s32 s10, $0x1;
	s10 =	sld [smem:$0x3FAE]  }
0x3d: {  	_ =	shalt  }
0x3e: {  	_ =	shalt  }
0x3f: {  	_ =	shalt  }
0x40: {  	_ =	shalt  }
0x41: {  	_ =	shalt  }
0x42: {  	_ =	shalt  }
0x43: {  	_ =	shalt  }
0x44: {  	_ =	shalt  }
0x45: {  	_ =	shalt  }
0x46: {  	_ =	shalt  }
0x47: {  	_ =	shalt  }
0x48: {  	_ =	shalt  }
0x49: {  	_ =	shalt  }
0x4a: {  	_ =	shalt  }
0x4b: {  	_ =	shalt  }
0x4c: {  	_ =	shalt  }
0x4d: {  	_ =	shalt  }
0x4e: {  	_ =	shalt  }
0x4f: {  	_ =	shalt  }
0x50: {  	_ =	shalt  }
0x51: {  	_ =	shalt  }
0x52: {  	_ =	shalt  }
0x53: {  	_ =	shalt  }
0x54: {  	_ =	shalt  }
0x55: {  	_ =	shalt  }
0x56: {  	_ =	shalt  }
0x57: {  	_ =	shalt  }
0x58: {  	_ =	shalt  }
0x59: {  	_ =	shalt  }
0x5a: {  	_ =	shalt  }
0x5b: {  	_ =	shalt  }
0x5c: {  	_ =	shalt  }
0x5d: {  	_ =	shalt  }
0x5e: {  	_ =	shalt  }
0x5f: {  	_ =	shalt  }
0x60: {  	_ =	shalt  }
0x61: {  	_ =	shalt  }
0x62: {  	_ =	shalt  }
0x63: {  	_ =	shalt  }
0x64: {  	_ =	shalt  }
0x65: {  	_ =	shalt  }
0x66: {  	_ =	shalt  }
0x67: {  	_ =	shalt  }
0x68: {  	_ =	shalt  }
0x69: {  	_ =	shalt  }
0x6a: {  	_ =	shalt  }
0x6b: {  	_ =	shalt  }
0x6c: {  	_ =	shalt  }
0x6d: {  	_ =	shalt  }
0x6e: {  	_ =	shalt  }
0x6f: {  	_ =	shalt  }
0x70: {  	_ =	shalt  }
0x71: {  	_ =	shalt  }
0x72: {  	_ =	shalt  }
0x73: {  	_ =	shalt  }
0x74: {  	_ =	shalt  }
0x75: {  	_ =	shalt  }
0x76: {  	_ =	shalt  }
0x77: {  	_ =	shalt  }
0x78: {  	_ =	shalt  }
0x79: {  	_ =	shalt  }
0x7a: {  	_ =	shalt  }
0x7b: {  	_ =	shalt  }
0x7c: {  	_ =	shalt  }
0x7d: {  	_ =	shalt  }
0x7e: {  	_ =	shalt  }
0x7f: {  	_ =	shalt  }
0x80: {  	_ =	shalt  }
0x81: {  	_ =	shalt  }
0x82: {  	_ =	shalt  }
0x83: {  	_ =	shalt  }
0x84: {  	_ =	shalt  }
0x85: {  	_ =	shalt  }
0x86: {  	_ =	shalt  }
0x87: {  	_ =	shalt  }
.Lfunc_end0:
.L_simem_size_0:
called_computation.7_lowered:
.L_overlay_start_0:
0x88: {  	s2 =	sld [smem:$0x3FD9]  }
0x89: {  	s3 =	sld [smem:$0x3FFE];
	_ =	sdelay $0x1  }
0x8a: {  	s1 =	srdreg.scid  }
0x8b: {  	s0 =	sand.u32 $0x1, s1  }
0x8c: {  	s17 =	sshll.u32 s0, $0xA;
	s2 =	sadd.s32 s3, s2  }
0x8d: {  	s2 =	sadd.s32 s2, s17  }
0x8e: {  	[smem:$0x3FBA] =	sst s2  }
0x8f: {  	_ = 	snop  }
0x90: {  	(tm) =	ssettm $0x1  }
0x91: {  	s18 =	sld [smem:$0x3FFB];
	_ =	sdelay $0x3  }
0x92: {  	_ =	strace s18  }
0x93: {  	s2 =	sld [smem:$0x3FFC];
	_ =	sdelay $0x3  }
0x94: {  	_ =	strace s2  }
0x95: {  	s2 =	sld [smem:$0x3FFD];
	_ =	sdelay $0x3  }
0x96: {  	_ =	strace s2  }
0x97: {  	_ =	strace $0x8FFFFFFF  }
0x98: {  	s19 =	sld [smem:$0x3FDB];
	_ =	sdelay $0x1  }
0x99: {  	s20 =	simm.s32 $_scs_section_size  }
0x9a: {  	s4 =	simm.s32 $_size__tile_overlayer_lowered;
	s5 =	simm.s32 $_tile_overlayer_lowered  }
0x9b: {  	s6 =	simm.s32 $0x1BFF;
	s21 =	sshll.u32 s5, $0x1;
	s3 =	sadd.s32 s20, s19  }
0x9c: {  	s22 =	simm.s32 $0x0;
	s4 =	sshll.u32 s4, $0x1;
	s5 =	sadd.s32 s21, s3  }
0x9d: {  	[timem:s22], [sflag:s6] =	dma.local [hbm:s5], s4  }
0x9e: {  	_ =	swait.ge [sflag:s6], s4  }
0x9f: {  	s4 =	ssub.s32 $0x0, s4;
	[sflag:s6] =	ssyncset.done $0x0  }
0xa0: {  	[sflag:s6] =	ssyncadd.s32 s4;
	_ =	sdelay $0x1  }
0xa1: {  	s23 =	simm.s32 $0x1B8B  }
0xa2: {  	_ =	swait.ge [sflag:s23], $0x1  }
0xa3: {  	[sflag:s23] =	ssyncset.done $0x0  }
0xa4: {  	[sflag:s23] =	ssyncadd.s32 $0xFFFFFFFF  }
0xa5: {  	s4 =	sld [smem:$0x0]  }
0xa6: {  	s5 =	sand.u32 $0xFFFFFFFE, s1  }
0xa7: {  	p0 =	sne.s32 s1, s5  }
0xa8: {  	s5 =	sshll.u32 @p0 s5, $0xE  }
0xa9: {  	s5 =	sadd.s32 @p0 $0x11B8D, s5;
	s6 =	sshll.u32 @p0 s4, $0x11  }
0xaa: {  	s5 =	sor.u32 @p0 s6, s5  }
0xab: {  	[sflag:s5] =	ssyncadd.remote.s32 @p0 $0x1;
	_ =	sdelay $0x1  }
0xac: {  	s5 =	simm.s32 @p0 $0x1B8D  }
0xad: {  	_ =	swait.eq @p0 [sflag:s5], $0x1  }
0xae: {  	[sflag:s5] =	ssyncadd.s32 @p0 $0xFFFFFFFF  }
0xaf: {  	s6 =	sshll.u32 @!p0 s1, $0xE  }
0xb0: {  	s6 =	sor.u32 @!p0 $0x4000, s6;
	s5 =	simm.s32 @!p0 $0x1B8D  }
0xb1: {  	s4 =	sshll.u32 @!p0 s4, $0x11;
	s6 =	sadd.s32 @!p0 $0x11B8D, s6;
	_ =	swait.eq @!p0 [sflag:s5], $0x1  }
0xb2: {  	s4 =	sor.u32 @!p0 s4, s6;
	[sflag:s5] =	ssyncadd.s32 @!p0 $0xFFFFFFFF  }
0xb3: {  	s25 =	simm.s32 $0x1B8E;
	s24 =	sld [smem:$0x3FFE];
	[sflag:s4] =	ssyncadd.remote.s32 @!p0 $0x1  }
0xb4: {  	s26 =	simm.s32 $execute0_lowered;
	[smem:$0x3FD2] =	sst s25  }
0xb5: {  	s5 =	sshll.u32 s26, $0x1;
	_ =	strace $0x80000058;
	[dreg:$0x1] =	wrdreg $0xFFFFFFFF  }
0xb6: {  	s28 =	simm.s32 $_size_execute0_lowered;
	s3 =	sadd.s32 s3, s5;
	[dreg:$0x0] =	wrdreg $0x0  }
0xb7: {  	s5 =	sshll.u32 s28, $0x1;
	[dreg:$0x2] =	wrdreg s3  }
0xb8: {  	[dreg:$0x3] =	wrdreg s5  }
0xb9: {  	[dreg:$0x4] =	wrdreg $0xC0  }
0xba: {  	_ =	task [dreg:s22], $0x5FFFF  }
0xbb: {  	[dreg:$0x1] =	wrdreg $0xFFFFFFFF  }
0xbc: {  	[dreg:$0x0] =	wrdreg $0x60  }
0xbd: {  	[dreg:$0x2] =	wrdreg s24  }
0xbe: {  	[dreg:$0x3] =	wrdreg $0x94000  }
0xbf: {  	[dreg:$0x4] =	wrdreg $0xA  }
0xc0: {  	_ =	task.clear_ibuf [dreg:s22], $0x5FFFF;
	_ =	strace $0x90000058  }
0xc1: {  	s29 =	simm.s32 $0xA;
	_ =	strace $0x8000005A  }
0xc2: {  	_ =	swait.ge [sflag:s29], $0x1  }
0xc3: {  	[sflag:s29] =	ssyncadd.s32 $0xFFFFFFFF  }
0xc4: {  	_ =	strace $0x9000005A  }
0xc5: {  	_ =	sfence  }
0xc6: {  	s30 =	sld [smem:$0x0];
	_ =	sdelay $0x2  }
0xc7: {  	s31 =	sshll.u32 s1, $0xD;
	s1 =	sshrl.u32 s1, $0x2  }
0xc8: {  	s4 =	sand.u32 $0x4000, s31;
	s1 =	sadd.s32 s1, s30  }
0xc9: {  	s0 =	sor.u32 s4, s0;
	s1 =	sshll.u32 s1, $0x11  }
0xca: {  	s0 =	sor.u32 s1, s0  }
0xcb: {  	s0 =	sadd.s32 $0x8F2B, s0  }
0xcc: {  	[sflag:s0] =	ssyncadd.remote.s32 $0x1  }
0xcd: {  	_ =	sfence.sel $0xFFFF  }
0xce: {  	[dreg:$0x0] =	wrdreg $0xFFFFFFFF;
	(pc) =	sbr.abs _section_cstart, $3  }
0xcf: {  	[dreg:$0x1] =	wrdreg $0xFFFFFFFF  }
0xd0: {  	_ =	task.clear_ibuf [dreg:s22], $0x2FFFF;
	_ =	strace $0x9FFFFFFF  }
0xd1: {  	(tm) =	ssettm $0x7FFFFFFF  }
tec
execute0_lowered:
.L_overlay_start_1:
0x0: {  	(tag) =	ssettag $0x1  }
0x1: {  	s4 =	rddreg [dreg:$0x0]  }
0x2: {  	s2 =	rddreg [dreg:$0x1]  }
0x3: {  	s3 =	srdreg.scid;
	s1 =	stileid.u32  }
0x4: {  	s0 =	rddreg [dreg:$0x2];
	s17 =	simm.s32 $0x5400;
	s18 =	simm.s32 $0x1  }
0x5: {  	s19 =	simm.s32 $0x80;
	s20 =	simm.s32 $0x2;
	s21 =	simm.s32 $0x3  }
0x6: {  	s22 =	simm.s32 $0x4;
	s23 =	simm.s32 $0x0;
	s7 =	smul.u32 $0x13C00, s1  }
0x7: {  	s5 =	sand.u32 $0x1, s3;
	s6 =	sshll.u32 s1, $0x1;
	s11 =	smul.u32 $0x4F000, s1  }
0x8: {  	s3 =	simm.s32 $0x0;
	s12 =	sadd.s32 $0xA19200, s4;
	s28 =	smul.u32 $0x50, s1  }
0x9: {  	s30 =	sshll.u32 s1, $0x6;
	s6 =	sor.u32 s5, s6;
	s10 =	smul.u32 $0x13C000, s5  }
0xa: {  	[smem:$0x7FF] =	sst s3;
	s26 =	ssub.s32 $0x2, s5;
	s31 =	smul.u32 $0x28, s5  }
0xb: {  	s5 =	sor.u32 $0x1C05, s30;
	s8 =	smul.u32 $0x280, s6;
	_ =	strace $0x80000059  }
0xc: {  	s9 =	sshrl.u32 s7, $0x3;
	s13 =	sshrl.u32 s26, $0x1;
	s14 =	smul.u32 $0x14000, s6  }
0xd: {  	s29 =	sshrl.u32 s11, $0x2;
	s9 =	sadd.s32 s9, s4;
	s7 =	sadd.s32 s7, s10  }
0xe: {  	s10 =	ssub.s32 s26, s13;
	s16 =	sadd.s32 s29, s2;
	s11 =	sadd.s32 s31, s28  }
0xf: {  	s8 =	sadd.s32 s8, s4;
	s7 =	sshrl.u32 s7, $0x3;
	s13 =	sshll.u32 s11, $0xB  }
.Ltmp0:
0x10: {  	s10 =	smax.u32 s10, $0x1;
	s15 =	sadd.s32 s7, s4;
	(pc) =	sbr.rel .LBB2_1-.Ltmp0, $4  }
0x11: {  	s4 =	sadd.s32 $0x19200, s9;
	s6 =	sadd.s32 $0x5200, s8;
	s7 =	sadd.s32 s12, s14  }
0x12: {  	s13 =	sadd.s32 s13, s12;
	s14 =	sshrl.u32 s16, $0x3;
	s16 =	simm.s32 $0x1400  }
0x13: {  	s8 =	sadd.s32 $0x800, s7;
	s9 =	sadd.s32 $0x67C00, s15;
	s11 =	sadd.s32 $0x1000, s7  }
0x14: {  	s12 =	sadd.s32 $0x2000, s13;
	s13 =	sadd.s32 $0x1800, s13;
	s15 =	simm.s32 $0x5  }
.LBB2_4:
0x15: {  	_ =	swait.ge [sflag:s22], $0x4000  }
0x16: {  	s23 =	sadd.s32 $0x1, s23;
	[sflag:s22] =	ssyncset.done $0x0  }
0x17: {  	p0 =	sne.s32 s23, s10;
	[sflag:s22] =	ssyncadd.s32 $0xFFFFC000  }
.Ltmp1:
0x18: {  	[bflag:$0x0] =	sbarrier.arrive $0xFFFF;
	(pc) =	sbr.rel @!p0 .LBB2_5-.Ltmp1, $4  }
0x19: {  	[hbm:s9], [sflag:s5] =	dma.local [spmem:s14], $0x2780  }
0x1a: {  	_ =	swait.ge [sflag:s15], $0x2780  }
0x1b: {  	[sflag:s15] =	ssyncset.done $0x0  }
0x1c: {  	[sflag:s15] =	ssyncadd.s32 $0xFFFFD880  }
.LBB2_1:
0x1d: {  	[spmem:s14], [sflag:s5] =	dma.local [hbm:s4], $0x2780  }
0x1e: {  	_ =	swait.ge [sflag:s15], $0x2780  }
0x1f: {  	[sflag:s15] =	ssyncset.done $0x0  }
0x20: {  	[sflag:s15] =	ssyncadd.s32 $0xFFFFD880  }
0x21: {  	[tilespmem:s3], [sflag:$0x5] =	stream.linear.gather [hbm4b:s6+s3], $0x1400, $0x38;
	[tilespmem:$0x1D000] =	vst v63  }
0x22: {  	_ =	swait.ge [sflag:s15], $0x1400  }
0x23: {  	[sflag:s15] =	ssyncset.done $0x0  }
0x24: {  	[sflag:s15] =	ssyncadd.s32 $0xFFFFEC00  }
0x25: {  	[bflag:$0x0] =	sbarrier.arrive $0xFFFF  }
0x26: {  	[tilespmem:s16], [sflag:$0x1] =	stream.linear.gather [hbm4b:s7+s3], $0x4000, $0x38;
	[tilespmem:$0x1D000] =	vst v63  }
0x27: {  	_ = 	snop  }
0x28: {  	[tilespmem:s17], [sflag:$0x2] =	stream.linear.gather [hbm4b:s8+s3], $0x4000, $0x38;
	[tilespmem:$0x1D000] =	vst v63  }
0x29: {  	_ =	swait.ge [sflag:s18], $0x4000  }
0x2a: {  	[sflag:s18] =	ssyncset.done $0x0  }
0x2b: {  	[sflag:s18] =	ssyncadd.s32 $0xFFFFC000  }
0x2c: {  	[spmem:s2] =	stream.indirect.scatter.add.f32 [tilespmem:s16], [sflag:$0x3], $0x80, s3, s19, $0xb8;
	[tilespmem:$0x1D000] =	vst v63  }
0x2d: {  	_ =	swait.ge [sflag:s20], $0x4000  }
0x2e: {  	[sflag:s20] =	ssyncset.done $0x0  }
0x2f: {  	[sflag:s20] =	ssyncadd.s32 $0xFFFFC000  }
0x30: {  	[spmem:s2] =	stream.indirect.scatter.add.f32 [tilespmem:s17], [sflag:$0x4], $0x80, s19, s19, $0xb8;
	[tilespmem:$0x1D000] =	vst v63  }
0x31: {  	_ =	swait.ge [sflag:s21], $0x4000  }
0x32: {  	[sflag:s21] =	ssyncset.done $0x0  }
0x33: {  	s24 =	simm.s32 $0x180;
	s25 =	simm.s32 $0x0;
	[sflag:s21] =	ssyncadd.s32 $0xFFFFC000  }
0x34: {  	[tilespmem:s16], [sflag:$0x1] =	stream.linear.gather [hbm4b:s11+s3], $0x4000, $0x38;
	[tilespmem:$0x1D000] =	vst v63  }
.LBB2_2:
0x35: {  	_ =	swait.ge [sflag:s18], $0x4000  }
0x36: {  	[sflag:s18] =	ssyncset.done $0x0  }
0x37: {  	s26 =	sadd.s32 $0xFFFFFF80, s24;
	[sflag:s18] =	ssyncadd.s32 $0xFFFFC000  }
0x38: {  	[spmem:s2] =	stream.indirect.scatter.add.f32 [tilespmem:s16], [sflag:$0x3], $0x80, s26, s19, $0xb8;
	[tilespmem:$0x1D000] =	vst v63  }
0x39: {  	_ =	swait.ge [sflag:s22], $0x4000  }
0x3a: {  	[sflag:s22] =	ssyncset.done $0x0  }
0x3b: {  	s31 =	sadd.s32 s25, s13;
	[sflag:s22] =	ssyncadd.s32 $0xFFFFC000  }
0x3c: {  	[tilespmem:s17], [sflag:$0x2] =	stream.linear.gather [hbm4b:s31+s3], $0x4000, $0x38;
	[tilespmem:$0x1D000] =	vst v63  }
0x3d: {  	_ =	swait.ge [sflag:s20], $0x4000  }
0x3e: {  	p0 =	seq.s32 s25, $0x12000;
	[sflag:s20] =	ssyncset.done $0x0  }
.Ltmp2:
0x3f: {  	[sflag:s20] =	ssyncadd.s32 $0xFFFFC000;
	(pc) =	sbr.rel @p0 .LBB2_4-.Ltmp2, $4  }
0x40: {  	[spmem:s2] =	stream.indirect.scatter.add.f32 [tilespmem:s17], [sflag:$0x4], $0x80, s24, s19, $0xb8;
	[tilespmem:$0x1D000] =	vst v63  }
0x41: {  	_ =	swait.ge [sflag:s21], $0x4000  }
0x42: {  	[sflag:s21] =	ssyncset.done $0x0  }
0x43: {  	[sflag:s21] =	ssyncadd.s32 $0xFFFFC000  }
.Ltmp3:
0x44: {  	(pc) =	sbr.rel .LBB2_2-.Ltmp3, $3  }
0x45: {  	_ =	sdelay $0x1  }
0x46: {  	s26 =	sadd.s32 s25, s12;
	s25 =	sadd.s32 $0x1000, s25;
	s24 =	sadd.s32 $0x100, s24  }
0x47: {  	[tilespmem:s16], [sflag:$0x1] =	stream.linear.gather [hbm4b:s26+s3], $0x4000, $0x38;
	[tilespmem:$0x1D000] =	vst v63  }
.LBB2_5:
0x48: {  	_ =	sfence.sel $0x180000  }
0x49: {  	[bflag:$0x0] =	sbarrier.arrive $0xFFFF  }
0x4a: {  	p0 =	sne.s32 s1, $0x0;
	_ =	strace $0x90000059  }
0x4b: {  	s0 =	sadd.s32 @!p0 $0x100000, s0;
	[bflag:$0x2] =	sbarrier.arrive $0xFFFF  }
0x4c: {  	[sflag:s0] =	ssyncadd.tile.s32 @!p0 $0x1;
	_ =	shalt  }
.Lfunc_end2:
_tile_overlayer_lowered:
.L_overlay_start_2:
0x4d: {  	(tag) =	ssettag $0x2  }
0x4e: {  	s0 =	rddreg [dreg:$0x0];
	s2 =	stileid.u32  }
0x4f: {  	s1 =	rddreg [dreg:$0x1];
	p0 =	sne.s32 s2, $0x0  }
0x50: {  	s3 =	rddreg [dreg:$0x2];
	[bflag:$0x3] =	sbarrier.arrive $0xFFFF;
	s2 =	simm.s32 @!p0 $0x1C05  }
0x51: {  	[timem:s3], [sflag:s2] =	dma.local @!p0 [hbm:s0], s1  }
0x52: {  	s0 =	simm.s32 @!p0 $0x5  }
0x53: {  	_ =	swait.ge @!p0 [sflag:s0], s1  }
0x54: {  	s1 =	ssub.s32 @!p0 $0x0, s1;
	[sflag:s0] =	ssyncset.done @!p0 $0x0  }
0x55: {  	[sflag:s0] =	ssyncadd.s32 @!p0 s1  }
0x56: {  	[bflag:$0x3] =	sbarrier.arrive $0xFFFF  }
0x57: {  	_ =	shalt  }

</sc_bundles>
